<compile_context>
chip_gen: v7x
topology: tpu7x:2x2x1
jax: 0.10.2.dev20260603
libtpu: 0.0.44.dev20260713+nightly
codegen_flags: <defaults>
</compile_context>

<pallas_src>
import jax
import jax.numpy as jnp
from jax import lax
from jax.experimental import pallas as pl
from jax.experimental.pallas import tpu as pltpu
from jax.experimental.pallas import tpu_sc as plsc

_N = 10000
_NP = 10240
_D = 128
_H = 16
_C = 40
_NW = 32
_E = 320000
_ROWS = _E // 128
_CPW = 78
_TAIL = _ROWS - _CPW * _NW
_RPT = _NP // 16
_BR = 2048
_NB = 6
_NG = _CPW // _NB


def _deg_body(eidx_hbm, out_hbm, colbuf, hist):
    c = lax.axis_index("c")
    s = lax.axis_index("s")
    w = s * 2 + c
    pltpu.sync_copy(eidx_hbm.at[1, pl.ds(w * _CPW, _CPW)],
                    colbuf.at[pl.ds(0, _CPW)])

    @pl.when(w < _TAIL)
    def _():
        pltpu.sync_copy(eidx_hbm.at[1, pl.ds(_CPW * _NW + w, 1)],
                        colbuf.at[pl.ds(_CPW, 1)])

    def zero(i, _):
        hist[pl.ds(i * 16, 16)] = jnp.zeros((16,), jnp.float32)
        return 0

    lax.fori_loop(0, _NP // 16, zero, 0, unroll=4)
    ones = jnp.ones((16,), jnp.float32)

    for l in range(8):
        def body(j, _):
            plsc.addupdate_scatter(hist, [colbuf[j, pl.ds(l * 16, 16)]], ones)
            return 0

        lax.fori_loop(0, _CPW, body, 0, unroll=6)

    @pl.when(w < _TAIL)
    def _():
        for l in range(8):
            plsc.addupdate_scatter(hist, [colbuf[_CPW, pl.ds(l * 16, 16)]],
                                   ones)

    pltpu.sync_copy(hist, out_hbm.at[w])


_deg = pl.kernel(
    _deg_body,
    out_type=jax.ShapeDtypeStruct((_NW, _NP), jnp.float32),
    mesh=plsc.VectorSubcoreMesh(core_axis_name="c", subcore_axis_name="s"),
    compiler_params=pltpu.CompilerParams(needs_layout_passes=False,
                                         use_tc_tiling_on_sc=False),
    scratch_types=[
        pltpu.VMEM((_CPW + 1, 128), jnp.int32),
        pltpu.VMEM((_NP,), jnp.float32),
    ],
)


def _agg_body(ys_hbm, eidx_hbm, out_hbm, colbuf, rowbuf, gbuf, zbuf,
              acc, tbl, *sems):
    gsems = sems[:_NB]
    ssems = sems[_NB:]
    c = lax.axis_index("c")
    s = lax.axis_index("s")
    w = s * 2 + c

    def zfill(i, _):
        zbuf[i, :] = jnp.zeros((16,), jnp.float32)
        return 0

    lax.fori_loop(0, _RPT, zfill, 0, unroll=4)
    pltpu.sync_copy(zbuf, acc.at[pl.ds(s * _RPT, _RPT)])
    pltpu.sync_copy(ys_hbm.at[pl.ds(s * _RPT, _RPT)],
                    tbl.at[pl.ds(s * _RPT, _RPT)])
    pltpu.sync_copy(eidx_hbm.at[1, pl.ds(w * _CPW, _CPW)],
                    colbuf.at[pl.ds(0, _CPW)])
    pltpu.sync_copy(eidx_hbm.at[0, pl.ds(w * _CPW, _CPW)],
                    rowbuf.at[pl.ds(0, _CPW)])

    @pl.when(w < _TAIL)
    def _():
        pltpu.sync_copy(eidx_hbm.at[1, pl.ds(_CPW * _NW + w, 1)],
                        colbuf.at[pl.ds(_CPW, 1)])
        pltpu.sync_copy(eidx_hbm.at[0, pl.ds(_CPW * _NW + w, 1)],
                        rowbuf.at[pl.ds(_CPW, 1)])

    plsc.subcore_barrier()

    def wait_chunk(sem, buf):
        pltpu.make_async_copy(ys_hbm.at[pl.ds(0, 128)], buf, sem).wait()

    for b in range(_NB):
        pltpu.async_copy(tbl.at[colbuf.at[b]], gbuf.at[b], gsems[b])

    def body(g, _):
        base = g * _NB
        for b in range(_NB):
            wait_chunk(gsems[b], gbuf.at[b])
            pltpu.async_copy(gbuf.at[b], acc.at[rowbuf.at[base + b]],
                             ssems[b], add=True)
        for b in range(_NB):
            wait_chunk(ssems[b], gbuf.at[b])
            pltpu.async_copy(tbl.at[colbuf.at[base + _NB + b]],
                             gbuf.at[b], gsems[b])
        return 0

    lax.fori_loop(0, _NG - 1, body, 0)
    base = (_NG - 1) * _NB
    for b in range(_NB):
        wait_chunk(gsems[b], gbuf.at[b])
        pltpu.async_copy(gbuf.at[b], acc.at[rowbuf.at[base + b]],
                         ssems[b], add=True)
    for b in range(_NB):
        wait_chunk(ssems[b], gbuf.at[b])

    @pl.when(w < _TAIL)
    def _():
        pltpu.sync_copy(tbl.at[colbuf.at[_CPW]], gbuf.at[0])
        pltpu.sync_copy(gbuf.at[0], acc.at[rowbuf.at[_CPW]], add=True)

    plsc.subcore_barrier()
    pltpu.sync_copy(acc.at[pl.ds(s * _RPT, _RPT)],
                    out_hbm.at[c, pl.ds(s * _RPT, _RPT)])


_agg = pl.kernel(
    _agg_body,
    out_type=jax.ShapeDtypeStruct((2, _NP, _H), jnp.float32),
    mesh=plsc.VectorSubcoreMesh(core_axis_name="c", subcore_axis_name="s"),
    compiler_params=pltpu.CompilerParams(needs_layout_passes=False,
                                         use_tc_tiling_on_sc=False),
    scratch_types=[
        pltpu.VMEM((_CPW + 1, 128), jnp.int32),
        pltpu.VMEM((_CPW + 1, 128), jnp.int32),
        pltpu.VMEM((_NB, 128, _H), jnp.float32),
        pltpu.VMEM((_RPT, _H), jnp.float32),
        pltpu.VMEM_SHARED((_NP, _H), jnp.float32),
        pltpu.VMEM_SHARED((_NP, _H), jnp.float32),
    ] + [pltpu.SemaphoreType.DMA] * (2 * _NB),
)


def _mm1_body(x_ref, w_ref, hist_ref, ys_ref, dinv_ref):
    deg = jnp.sum(hist_ref[...], axis=0) + 1.0
    dinv = lax.rsqrt(deg)[:, None]
    xw = jnp.dot(x_ref[...], w_ref[...], preferred_element_type=jnp.float32)
    ys_ref[...] = xw * dinv
    dinv_ref[...] = jnp.broadcast_to(dinv, (_BR, _H))


_mm1 = pl.pallas_call(
    _mm1_body,
    grid=(_NP // _BR,),
    in_specs=[
        pl.BlockSpec((_BR, _D), lambda i: (i, 0)),
        pl.BlockSpec((_D, _H), lambda i: (0, 0)),
        pl.BlockSpec((_NW, _BR), lambda i: (0, i)),
    ],
    out_specs=[
        pl.BlockSpec((_BR, _H), lambda i: (i, 0)),
        pl.BlockSpec((_BR, _H), lambda i: (i, 0)),
    ],
    out_shape=[
        jax.ShapeDtypeStruct((_NP, _H), jnp.float32),
        jax.ShapeDtypeStruct((_NP, _H), jnp.float32),
    ],
)


def _relu_body(p_ref, ys_ref, dinv_ref, b_ref, out_ref):
    agg = p_ref[0] + p_ref[1] + ys_ref[...]
    h = jnp.maximum(dinv_ref[...] * agg + b_ref[...], 0.0)
    out_ref[...] = dinv_ref[...] * h


_relu = pl.pallas_call(
    _relu_body,
    grid=(_NP // _BR,),
    in_specs=[
        pl.BlockSpec((2, _BR, _H), lambda i: (0, i, 0)),
        pl.BlockSpec((_BR, _H), lambda i: (i, 0)),
        pl.BlockSpec((_BR, _H), lambda i: (i, 0)),
        pl.BlockSpec((1, _H), lambda i: (0, 0)),
    ],
    out_specs=pl.BlockSpec((_BR, _H), lambda i: (i, 0)),
    out_shape=jax.ShapeDtypeStruct((_NP, _H), jnp.float32),
)


def _out_body(p_ref, ys_ref, dinv_ref, w_ref, b_ref, o_ref):
    z = dinv_ref[...] * (p_ref[0] + p_ref[1] + ys_ref[...])
    logits = jnp.dot(z, w_ref[...],
                     preferred_element_type=jnp.float32) + b_ref[...]
    m = jnp.max(logits, axis=1, keepdims=True)
    e = jnp.exp(logits - m)
    o_ref[...] = (logits - m) - jnp.log(jnp.sum(e, axis=1, keepdims=True))


_outk = pl.pallas_call(
    _out_body,
    grid=(_NP // _BR,),
    in_specs=[
        pl.BlockSpec((2, _BR, _H), lambda i: (0, i, 0)),
        pl.BlockSpec((_BR, _H), lambda i: (i, 0)),
        pl.BlockSpec((_BR, _H), lambda i: (i, 0)),
        pl.BlockSpec((_H, _C), lambda i: (0, 0)),
        pl.BlockSpec((1, _C), lambda i: (0, 0)),
    ],
    out_specs=pl.BlockSpec((_BR, _C), lambda i: (i, 0)),
    out_shape=jax.ShapeDtypeStruct((_NP, _C), jnp.float32),
)


def kernel(x, edge_index, edge_attr, W1, b1, W2, b2):
    eidx = edge_index.astype(jnp.int32).reshape(2, _ROWS, 128)

    hist = _deg(eidx)
    ys1, dinvb = _mm1(x, W1, hist)
    part1 = _agg(ys1, eidx)
    ys2 = _relu(part1, ys1, dinvb, b1.reshape(1, _H))
    part2 = _agg(ys2, eidx)
    return _outk(part2, ys2, dinvb, W2, b2.reshape(1, _C))[:_N]

# --- scband reference (transcript-rebuilt; emitter-appended) ---
"""Pipeline reference for scband-net-2602750181879 (READ-ONLY COPY).

The authoritative reference and input builder live on the scoring server;
editing this copy changes nothing except your own understanding.
"""

import jax, jax.numpy as jnp
import numpy as np

N = 10000
E = 320000
D = 128
H = 16
C = 40


def setup_inputs(seed: int = 0) -> dict:
    key = jax.random.key(seed)
    ks = jax.random.split(key, 6)
    x = jax.random.normal(ks[0], (N, D), dtype=jnp.float32)
    edge_index = jax.random.randint(ks[1], (2, E), 0, N)
    edge_attr = jnp.ones((E,), dtype=jnp.float32)
    W1 = jax.random.normal(ks[2], (D, H), dtype=jnp.float32) * (1.0 / np.sqrt(D))
    b1 = jnp.zeros((H,), dtype=jnp.float32)
    W2 = jax.random.normal(ks[3], (H, C), dtype=jnp.float32) * (1.0 / np.sqrt(H))
    b2 = jnp.zeros((C,), dtype=jnp.float32)
    return {"x": x, "edge_index": edge_index, "edge_attr": edge_attr,
            "W1": W1, "b1": b1, "W2": W2, "b2": b2}


def _gcn_conv(x, row, col, w, W, b):
    # GCNConv with normalize=True: add self-loops (weight 1), symmetric normalization
    n = x.shape[0]
    loop = jnp.arange(n)
    row_f = jnp.concatenate([row, loop])
    col_f = jnp.concatenate([col, loop])
    w_f = jnp.concatenate([w, jnp.ones((n,), dtype=w.dtype)])
    deg = jax.ops.segment_sum(w_f, col_f, num_segments=n)
    dinv = jnp.where(deg > 0, jax.lax.rsqrt(deg), 0.0)
    norm = dinv[row_f] * w_f * dinv[col_f]
    msg = norm[:, None] * jnp.take(x, col_f, axis=0)
    agg = jax.ops.segment_sum(msg, row_f, num_segments=n)
    return agg @ W + b


def reference(x, edge_index, edge_attr, W1, b1, W2, b2):
    # adj1 - id recovers the original weighted adjacency; GCNConv re-adds self-loops
    row = edge_index[0]
    col = edge_index[1]
    h = jax.nn.relu(_gcn_conv(x, row, col, edge_attr, W1, b1))
    # dropout is identity in eval / deterministic reference
    out = _gcn_conv(h, row, col, edge_attr, W2, b2)
    return jax.nn.log_softmax(out, axis=1)

if __name__ == "__main__":
    import jax
    _d = setup_inputs()
    print(jax.jit(kernel)(*tuple(_d.values())))

</pallas_src>

<mosaic_0001>
#map = affine_map<(d0, d1) -> (0, 0)>
#map1 = affine_map<(d0, d1) -> (0, 0, 0)>
module attributes {stable_mosaic.version = 14 : i64} {
  func.func @_agg_body(%arg0: i32, %arg1: i32, %arg2: memref<10240x16xf32, #tpu.memory_space<hbm>>, %arg3: memref<2x2500x128xi32, #tpu.memory_space<hbm>>, %arg4: memref<2x10240x16xf32, #tpu.memory_space<hbm>>, %arg5: memref<79x128xi32, #tpu.memory_space<vmem>>, %arg6: memref<79x128xi32, #tpu.memory_space<vmem>>, %arg7: memref<6x128x16xf32, #tpu.memory_space<vmem>>, %arg8: memref<640x16xf32, #tpu.memory_space<vmem>>, %arg9: memref<10240x16xf32, #tpu.memory_space<vmem_shared>>, %arg10: memref<10240x16xf32, #tpu.memory_space<vmem_shared>>, %arg11: memref<!tpu.dma_semaphore, #tpu.memory_space<semaphore_mem>>, %arg12: memref<!tpu.dma_semaphore, #tpu.memory_space<semaphore_mem>>, %arg13: memref<!tpu.dma_semaphore, #tpu.memory_space<semaphore_mem>>, %arg14: memref<!tpu.dma_semaphore, #tpu.memory_space<semaphore_mem>>, %arg15: memref<!tpu.dma_semaphore, #tpu.memory_space<semaphore_mem>>, %arg16: memref<!tpu.dma_semaphore, #tpu.memory_space<semaphore_mem>>, %arg17: memref<!tpu.dma_semaphore, #tpu.memory_space<semaphore_mem>>, %arg18: memref<!tpu.dma_semaphore, #tpu.memory_space<semaphore_mem>>, %arg19: memref<!tpu.dma_semaphore, #tpu.memory_space<semaphore_mem>>, %arg20: memref<!tpu.dma_semaphore, #tpu.memory_space<semaphore_mem>>, %arg21: memref<!tpu.dma_semaphore, #tpu.memory_space<semaphore_mem>>, %arg22: memref<!tpu.dma_semaphore, #tpu.memory_space<semaphore_mem>>) attributes {dimension_semantics = [#tpu.dimension_semantics<core_parallel>, #tpu.dimension_semantics<subcore_parallel>], iteration_bounds = array<i64: 2, 16>, scalar_prefetch = 0 : i64, scratch_operands = 18 : i64, tpu.core_type = #tpu.core_type<sc_vector_subcore>, window_params = [{transform_indices = #map}, {transform_indices = #map1}, {transform_indices = #map1}]} {
    %mul3A = arith.constant 2 : i32
    %mul3A_0 = arith.muli %arg1, %mul3A : i32
    %add3A = arith.addi %mul3A_0, %arg0 : i32
    %scan3A = arith.constant 0 : i32
    %scan3A_1 = arith.constant 0 : i32
    %scan3A_2 = arith.constant 640 : i32
    %scan3A_3 = arith.addi %scan3A_1, %scan3A_2 : i32
    %scan3A_4 = arith.constant 4 : i32
    %scan3A_5 = scf.for %scan3A_359 = %scan3A_1 to %scan3A_3 step %scan3A_4 iter_args(%scan3A_360 = %scan3A) -> (i32)  : i32 {
      %broadcast_in_dim3A = arith.constant 0.000000e+00 : f32
      %broadcast_in_dim3A_361 = vector.broadcast %broadcast_in_dim3A : f32 to vector<16xf32>
      %swap3A = arith.index_cast %scan3A_359 : i32 to index
      %swap3A_362 = arith.constant 0 : index
      %swap3A_363 = tpu.vector_load %arg8[%swap3A, %swap3A_362] {strides = array<i32>} : memref<640x16xf32, #tpu.memory_space<vmem>>, vector<16xf32>,
      tpu.vector_store %arg8[%swap3A, %swap3A_362], %broadcast_in_dim3A_361 {strides = array<i32>} : memref<640x16xf32, #tpu.memory_space<vmem>>, vector<16xf32>,
      %scan3A_364 = arith.constant 0 : i32
      %scan3A_365 = arith.constant 1 : i32
      %scan3A_366 = arith.addi %scan3A_359, %scan3A_365 : i32
      %broadcast_in_dim3A_367 = arith.constant 0.000000e+00 : f32
      %broadcast_in_dim3A_368 = vector.broadcast %broadcast_in_dim3A_367 : f32 to vector<16xf32>
      %swap3A_369 = arith.index_cast %scan3A_366 : i32 to index
      %swap3A_370 = arith.constant 0 : index
      %swap3A_371 = tpu.vector_load %arg8[%swap3A_369, %swap3A_370] {strides = array<i32>} : memref<640x16xf32, #tpu.memory_space<vmem>>, vector<16xf32>,
      tpu.vector_store %arg8[%swap3A_369, %swap3A_370], %broadcast_in_dim3A_368 {strides = array<i32>} : memref<640x16xf32, #tpu.memory_space<vmem>>, vector<16xf32>,
      %scan3A_372 = arith.constant 0 : i32
      %scan3A_373 = arith.constant 2 : i32
      %scan3A_374 = arith.addi %scan3A_359, %scan3A_373 : i32
      %broadcast_in_dim3A_375 = arith.constant 0.000000e+00 : f32
      %broadcast_in_dim3A_376 = vector.broadcast %broadcast_in_dim3A_375 : f32 to vector<16xf32>
      %swap3A_377 = arith.index_cast %scan3A_374 : i32 to index
      %swap3A_378 = arith.constant 0 : index
      %swap3A_379 = tpu.vector_load %arg8[%swap3A_377, %swap3A_378] {strides = array<i32>} : memref<640x16xf32, #tpu.memory_space<vmem>>, vector<16xf32>,
      tpu.vector_store %arg8[%swap3A_377, %swap3A_378], %broadcast_in_dim3A_376 {strides = array<i32>} : memref<640x16xf32, #tpu.memory_space<vmem>>, vector<16xf32>,
      %scan3A_380 = arith.constant 0 : i32
      %scan3A_381 = arith.constant 3 : i32
      %scan3A_382 = arith.addi %scan3A_359, %scan3A_381 : i32
      %broadcast_in_dim3A_383 = arith.constant 0.000000e+00 : f32
      %broadcast_in_dim3A_384 = vector.broadcast %broadcast_in_dim3A_383 : f32 to vector<16xf32>
      %swap3A_385 = arith.index_cast %scan3A_382 : i32 to index
      %swap3A_386 = arith.constant 0 : index
      %swap3A_387 = tpu.vector_load %arg8[%swap3A_385, %swap3A_386] {strides = array<i32>} : memref<640x16xf32, #tpu.memory_space<vmem>>, vector<16xf32>,
      tpu.vector_store %arg8[%swap3A_385, %swap3A_386], %broadcast_in_dim3A_384 {strides = array<i32>} : memref<640x16xf32, #tpu.memory_space<vmem>>, vector<16xf32>,
      %scan3A_388 = arith.constant 0 : i32
      scf.yield %scan3A_388 : i32
    }
    %scan3A_6 = arith.constant 640 : i32
    %mul3A_7 = arith.constant 640 : i32
    %mul3A_8 = arith.muli %arg1, %mul3A_7 : i32
    "tpu.region"() ({
      %run_scoped3A_359 = tpu.sem_alloc : memref<!tpu.dma_semaphore, #tpu.memory_space<semaphore_mem>>
      %dma_start3A_360 = arith.constant 0 : i32
      %dma_start3A_361 = tpu.memref_slice %arg9[%mul3A_8, %dma_start3A_360] : memref<10240x16xf32, #tpu.memory_space<vmem_shared>> -> memref<640x16xf32, #tpu.memory_space<vmem_shared>>
      %dma_start3A_362 = arith.constant 0 : i32
      %dma_start3A_363 = tpu.memref_slice %arg9[%mul3A_8, %dma_start3A_362] : memref<10240x16xf32, #tpu.memory_space<vmem_shared>> -> memref<640x16xf32, #tpu.memory_space<vmem_shared>>
      tpu.enqueue_dma source(%arg8 : memref<640x16xf32, #tpu.memory_space<vmem>>) target(%dma_start3A_363 : memref<640x16xf32, #tpu.memory_space<vmem_shared>>) target_semaphore(%run_scoped3A_359 : memref<!tpu.dma_semaphore, #tpu.memory_space<semaphore_mem>>)
      %dma_wait3A_364 = arith.constant 0 : i32
      %dma_wait3A_365 = tpu.memref_slice %arg9[%mul3A_8, %dma_wait3A_364] : memref<10240x16xf32, #tpu.memory_space<vmem_shared>> -> memref<640x16xf32, #tpu.memory_space<vmem_shared>>
      %dma_wait3A_366 = arith.constant 0 : i32
      %dma_wait3A_367 = tpu.memref_slice %arg9[%mul3A_8, %dma_wait3A_366] : memref<10240x16xf32, #tpu.memory_space<vmem_shared>> -> memref<640x16xf32, #tpu.memory_space<vmem_shared>>
      tpu.wait_dma2 semaphore(%run_scoped3A_359 : memref<!tpu.dma_semaphore, #tpu.memory_space<semaphore_mem>>) src(%arg8 : memref<640x16xf32, #tpu.memory_space<vmem>>) dst(%dma_wait3A_367 : memref<640x16xf32, #tpu.memory_space<vmem_shared>>)
      tpu.yield
    }) : () -> ()
    %mul3A_9 = arith.constant 640 : i32
    %mul3A_10 = arith.muli %arg1, %mul3A_9 : i32
    %mul3A_11 = arith.constant 640 : i32
    %mul3A_12 = arith.muli %arg1, %mul3A_11 : i32
    "tpu.region"() ({
      %run_scoped3A_359 = tpu.sem_alloc : memref<!tpu.dma_semaphore, #tpu.memory_space<semaphore_mem>>
      %dma_start3A_360 = arith.constant 0 : i32
      %dma_start3A_361 = tpu.memref_slice %arg10[%mul3A_12, %dma_start3A_360] : memref<10240x16xf32, #tpu.memory_space<vmem_shared>> -> memref<640x16xf32, #tpu.memory_space<vmem_shared>>
      %dma_start3A_362 = arith.constant 0 : i32
      %dma_start3A_363 = tpu.memref_slice %arg2[%mul3A_10, %dma_start3A_362] : memref<10240x16xf32, #tpu.memory_space<hbm>> -> memref<640x16xf32, #tpu.memory_space<hbm>>
      tpu.enqueue_dma source(%dma_start3A_363 : memref<640x16xf32, #tpu.memory_space<hbm>>) target(%dma_start3A_361 : memref<640x16xf32, #tpu.memory_space<vmem_shared>>) target_semaphore(%run_scoped3A_359 : memref<!tpu.dma_semaphore, #tpu.memory_space<semaphore_mem>>)
      %dma_wait3A_364 = arith.constant 0 : i32
      %dma_wait3A_365 = tpu.memref_slice %arg10[%mul3A_12, %dma_wait3A_364] : memref<10240x16xf32, #tpu.memory_space<vmem_shared>> -> memref<640x16xf32, #tpu.memory_space<vmem_shared>>
      %dma_wait3A_366 = arith.constant 0 : i32
      %dma_wait3A_367 = tpu.memref_slice %arg2[%mul3A_10, %dma_wait3A_366] : memref<10240x16xf32, #tpu.memory_space<hbm>> -> memref<640x16xf32, #tpu.memory_space<hbm>>
      tpu.wait_dma2 semaphore(%run_scoped3A_359 : memref<!tpu.dma_semaphore, #tpu.memory_space<semaphore_mem>>) src(%dma_wait3A_367 : memref<640x16xf32, #tpu.memory_space<hbm>>) dst(%dma_wait3A_365 : memref<640x16xf32, #tpu.memory_space<vmem_shared>>)
      tpu.yield
    }) : () -> ()
    %mul3A_13 = arith.constant 78 : i32
    %mul3A_14 = arith.muli %add3A, %mul3A_13 : i32
    %run_scoped3A = arith.constant 1 : i32
    "tpu.region"() ({
      %run_scoped3A_359 = tpu.sem_alloc : memref<!tpu.dma_semaphore, #tpu.memory_space<semaphore_mem>>
      %dma_start3A_360 = arith.constant 0 : i32
      %dma_start3A_361 = arith.constant 0 : i32
      %dma_start3A_362 = tpu.memref_slice %arg5[%dma_start3A_360, %dma_start3A_361] : memref<79x128xi32, #tpu.memory_space<vmem>> -> memref<78x128xi32, #tpu.memory_space<vmem>>
      %dma_start3A_363 = arith.constant 0 : i32
      %dma_start3A_364 = tpu.memref_slice %arg3[%run_scoped3A, %mul3A_14, %dma_start3A_363] : memref<2x2500x128xi32, #tpu.memory_space<hbm>> -> memref<1x78x128xi32, #tpu.memory_space<hbm>>
      %dma_start3A_365 = tpu.memref_squeeze %dma_start3A_364 : memref<1x78x128xi32, #tpu.memory_space<hbm>> -> memref<78x128xi32, #tpu.memory_space<hbm>>
      %dma_start3A_366 = arith.constant 0 : i32
      %dma_start3A_367 = arith.constant 0 : i32
      %dma_start3A_368 = tpu.memref_slice %arg5[%dma_start3A_366, %dma_start3A_367] : memref<79x128xi32, #tpu.memory_space<vmem>> -> memref<78x128xi32, #tpu.memory_space<vmem>>
      %dma_start3A_369 = arith.constant 0 : i32
      %dma_start3A_370 = tpu.memref_slice %arg3[%run_scoped3A, %mul3A_14, %dma_start3A_369] : memref<2x2500x128xi32, #tpu.memory_space<hbm>> -> memref<1x78x128xi32, #tpu.memory_space<hbm>>
      %dma_start3A_371 = tpu.memref_squeeze %dma_start3A_370 : memref<1x78x128xi32, #tpu.memory_space<hbm>> -> memref<78x128xi32, #tpu.memory_space<hbm>>
      tpu.enqueue_dma source(%dma_start3A_371 : memref<78x128xi32, #tpu.memory_space<hbm>>) target(%dma_start3A_368 : memref<78x128xi32, #tpu.memory_space<vmem>>) target_semaphore(%run_scoped3A_359 : memref<!tpu.dma_semaphore, #tpu.memory_space<semaphore_mem>>)
      %dma_wait3A_372 = arith.constant 0 : i32
      %dma_wait3A_373 = arith.constant 0 : i32
      %dma_wait3A_374 = tpu.memref_slice %arg5[%dma_wait3A_372, %dma_wait3A_373] : memref<79x128xi32, #tpu.memory_space<vmem>> -> memref<78x128xi32, #tpu.memory_space<vmem>>
      %dma_wait3A_375 = arith.constant 0 : i32
      %dma_wait3A_376 = tpu.memref_slice %arg3[%run_scoped3A, %mul3A_14, %dma_wait3A_375] : memref<2x2500x128xi32, #tpu.memory_space<hbm>> -> memref<1x78x128xi32, #tpu.memory_space<hbm>>
      %dma_wait3A_377 = tpu.memref_squeeze %dma_wait3A_376 : memref<1x78x128xi32, #tpu.memory_space<hbm>> -> memref<78x128xi32, #tpu.memory_space<hbm>>
      %dma_wait3A_378 = arith.constant 0 : i32
      %dma_wait3A_379 = arith.constant 0 : i32
      %dma_wait3A_380 = tpu.memref_slice %arg5[%dma_wait3A_378, %dma_wait3A_379] : memref<79x128xi32, #tpu.memory_space<vmem>> -> memref<78x128xi32, #tpu.memory_space<vmem>>
      %dma_wait3A_381 = arith.constant 0 : i32
      %dma_wait3A_382 = tpu.memref_slice %arg3[%run_scoped3A, %mul3A_14, %dma_wait3A_381] : memref<2x2500x128xi32, #tpu.memory_space<hbm>> -> memref<1x78x128xi32, #tpu.memory_space<hbm>>
      %dma_wait3A_383 = tpu.memref_squeeze %dma_wait3A_382 : memref<1x78x128xi32, #tpu.memory_space<hbm>> -> memref<78x128xi32, #tpu.memory_space<hbm>>
      tpu.wait_dma2 semaphore(%run_scoped3A_359 : memref<!tpu.dma_semaphore, #tpu.memory_space<semaphore_mem>>) src(%dma_wait3A_383 : memref<78x128xi32, #tpu.memory_space<hbm>>) dst(%dma_wait3A_380 : memref<78x128xi32, #tpu.memory_space<vmem>>)
      tpu.yield
    }) : () -> ()
    %mul3A_15 = arith.constant 78 : i32
    %mul3A_16 = arith.muli %add3A, %mul3A_15 : i32
    %run_scoped3A_17 = arith.constant 0 : i32
    "tpu.region"() ({
      %run_scoped3A_359 = tpu.sem_alloc : memref<!tpu.dma_semaphore, #tpu.memory_space<semaphore_mem>>
      %dma_start3A_360 = arith.constant 0 : i32
      %dma_start3A_361 = arith.constant 0 : i32
      %dma_start3A_362 = tpu.memref_slice %arg6[%dma_start3A_360, %dma_start3A_361] : memref<79x128xi32, #tpu.memory_space<vmem>> -> memref<78x128xi32, #tpu.memory_space<vmem>>
      %dma_start3A_363 = arith.constant 0 : i32
      %dma_start3A_364 = tpu.memref_slice %arg3[%run_scoped3A_17, %mul3A_16, %dma_start3A_363] : memref<2x2500x128xi32, #tpu.memory_space<hbm>> -> memref<1x78x128xi32, #tpu.memory_space<hbm>>
      %dma_start3A_365 = tpu.memref_squeeze %dma_start3A_364 : memref<1x78x128xi32, #tpu.memory_space<hbm>> -> memref<78x128xi32, #tpu.memory_space<hbm>>
      %dma_start3A_366 = arith.constant 0 : i32
      %dma_start3A_367 = arith.constant 0 : i32
      %dma_start3A_368 = tpu.memref_slice %arg6[%dma_start3A_366, %dma_start3A_367] : memref<79x128xi32, #tpu.memory_space<vmem>> -> memref<78x128xi32, #tpu.memory_space<vmem>>
      %dma_start3A_369 = arith.constant 0 : i32
      %dma_start3A_370 = tpu.memref_slice %arg3[%run_scoped3A_17, %mul3A_16, %dma_start3A_369] : memref<2x2500x128xi32, #tpu.memory_space<hbm>> -> memref<1x78x128xi32, #tpu.memory_space<hbm>>
      %dma_start3A_371 = tpu.memref_squeeze %dma_start3A_370 : memref<1x78x128xi32, #tpu.memory_space<hbm>> -> memref<78x128xi32, #tpu.memory_space<hbm>>
      tpu.enqueue_dma source(%dma_start3A_371 : memref<78x128xi32, #tpu.memory_space<hbm>>) target(%dma_start3A_368 : memref<78x128xi32, #tpu.memory_space<vmem>>) target_semaphore(%run_scoped3A_359 : memref<!tpu.dma_semaphore, #tpu.memory_space<semaphore_mem>>)
      %dma_wait3A_372 = arith.constant 0 : i32
      %dma_wait3A_373 = arith.constant 0 : i32
      %dma_wait3A_374 = tpu.memref_slice %arg6[%dma_wait3A_372, %dma_wait3A_373] : memref<79x128xi32, #tpu.memory_space<vmem>> -> memref<78x128xi32, #tpu.memory_space<vmem>>
      %dma_wait3A_375 = arith.constant 0 : i32
      %dma_wait3A_376 = tpu.memref_slice %arg3[%run_scoped3A_17, %mul3A_16, %dma_wait3A_375] : memref<2x2500x128xi32, #tpu.memory_space<hbm>> -> memref<1x78x128xi32, #tpu.memory_space<hbm>>
      %dma_wait3A_377 = tpu.memref_squeeze %dma_wait3A_376 : memref<1x78x128xi32, #tpu.memory_space<hbm>> -> memref<78x128xi32, #tpu.memory_space<hbm>>
      %dma_wait3A_378 = arith.constant 0 : i32
      %dma_wait3A_379 = arith.constant 0 : i32
      %dma_wait3A_380 = tpu.memref_slice %arg6[%dma_wait3A_378, %dma_wait3A_379] : memref<79x128xi32, #tpu.memory_space<vmem>> -> memref<78x128xi32, #tpu.memory_space<vmem>>
      %dma_wait3A_381 = arith.constant 0 : i32
      %dma_wait3A_382 = tpu.memref_slice %arg3[%run_scoped3A_17, %mul3A_16, %dma_wait3A_381] : memref<2x2500x128xi32, #tpu.memory_space<hbm>> -> memref<1x78x128xi32, #tpu.memory_space<hbm>>
      %dma_wait3A_383 = tpu.memref_squeeze %dma_wait3A_382 : memref<1x78x128xi32, #tpu.memory_space<hbm>> -> memref<78x128xi32, #tpu.memory_space<hbm>>
      tpu.wait_dma2 semaphore(%run_scoped3A_359 : memref<!tpu.dma_semaphore, #tpu.memory_space<semaphore_mem>>) src(%dma_wait3A_383 : memref<78x128xi32, #tpu.memory_space<hbm>>) dst(%dma_wait3A_380 : memref<78x128xi32, #tpu.memory_space<vmem>>)
      tpu.yield
    }) : () -> ()
    %lt3A = arith.constant 4 : i32
    %lt3A_18 = arith.cmpi slt, %add3A, %lt3A : i32
    %convert_element_type3A = arith.extui %lt3A_18 : i1 to i32
    %cond3A = arith.constant 0 : i32
    %cond3A_19 = arith.cmpi ne, %convert_element_type3A, %cond3A : i32
    scf.if %cond3A_19 {
      %add3A_359 = arith.constant 2496 : i32
      %add3A_360 = arith.addi %add3A_359, %add3A : i32
      %run_scoped3A_361 = arith.constant 1 : i32
      "tpu.region"() ({
        %run_scoped3A_365 = tpu.sem_alloc : memref<!tpu.dma_semaphore, #tpu.memory_space<semaphore_mem>>
        %dma_start3A_366 = arith.constant 78 : i32
        %dma_start3A_367 = arith.constant 0 : i32
        %dma_start3A_368 = tpu.memref_slice %arg5[%dma_start3A_366, %dma_start3A_367] : memref<79x128xi32, #tpu.memory_space<vmem>> -> memref<1x128xi32, #tpu.memory_space<vmem>>
        %dma_start3A_369 = arith.constant 0 : i32
        %dma_start3A_370 = tpu.memref_slice %arg3[%run_scoped3A_361, %add3A_360, %dma_start3A_369] : memref<2x2500x128xi32, #tpu.memory_space<hbm>> -> memref<1x1x128xi32, #tpu.memory_space<hbm>>
        %dma_start3A_371 = tpu.memref_squeeze %dma_start3A_370 : memref<1x1x128xi32, #tpu.memory_space<hbm>> -> memref<1x128xi32, #tpu.memory_space<hbm>>
        %dma_start3A_372 = arith.constant 78 : i32
        %dma_start3A_373 = arith.constant 0 : i32
        %dma_start3A_374 = tpu.memref_slice %arg5[%dma_start3A_372, %dma_start3A_373] : memref<79x128xi32, #tpu.memory_space<vmem>> -> memref<1x128xi32, #tpu.memory_space<vmem>>
        %dma_start3A_375 = arith.constant 0 : i32
        %dma_start3A_376 = tpu.memref_slice %arg3[%run_scoped3A_361, %add3A_360, %dma_start3A_375] : memref<2x2500x128xi32, #tpu.memory_space<hbm>> -> memref<1x1x128xi32, #tpu.memory_space<hbm>>
        %dma_start3A_377 = tpu.memref_squeeze %dma_start3A_376 : memref<1x1x128xi32, #tpu.memory_space<hbm>> -> memref<1x128xi32, #tpu.memory_space<hbm>>
        tpu.enqueue_dma source(%dma_start3A_377 : memref<1x128xi32, #tpu.memory_space<hbm>>) target(%dma_start3A_374 : memref<1x128xi32, #tpu.memory_space<vmem>>) target_semaphore(%run_scoped3A_365 : memref<!tpu.dma_semaphore, #tpu.memory_space<semaphore_mem>>)
        %dma_wait3A_378 = arith.constant 78 : i32
        %dma_wait3A_379 = arith.constant 0 : i32
        %dma_wait3A_380 = tpu.memref_slice %arg5[%dma_wait3A_378, %dma_wait3A_379] : memref<79x128xi32, #tpu.memory_space<vmem>> -> memref<1x128xi32, #tpu.memory_space<vmem>>
        %dma_wait3A_381 = arith.constant 0 : i32
        %dma_wait3A_382 = tpu.memref_slice %arg3[%run_scoped3A_361, %add3A_360, %dma_wait3A_381] : memref<2x2500x128xi32, #tpu.memory_space<hbm>> -> memref<1x1x128xi32, #tpu.memory_space<hbm>>
        %dma_wait3A_383 = tpu.memref_squeeze %dma_wait3A_382 : memref<1x1x128xi32, #tpu.memory_space<hbm>> -> memref<1x128xi32, #tpu.memory_space<hbm>>
        %dma_wait3A_384 = arith.constant 78 : i32
        %dma_wait3A_385 = arith.constant 0 : i32
        %dma_wait3A_386 = tpu.memref_slice %arg5[%dma_wait3A_384, %dma_wait3A_385] : memref<79x128xi32, #tpu.memory_space<vmem>> -> memref<1x128xi32, #tpu.memory_space<vmem>>
        %dma_wait3A_387 = arith.constant 0 : i32
        %dma_wait3A_388 = tpu.memref_slice %arg3[%run_scoped3A_361, %add3A_360, %dma_wait3A_387] : memref<2x2500x128xi32, #tpu.memory_space<hbm>> -> memref<1x1x128xi32, #tpu.memory_space<hbm>>
        %dma_wait3A_389 = tpu.memref_squeeze %dma_wait3A_388 : memref<1x1x128xi32, #tpu.memory_space<hbm>> -> memref<1x128xi32, #tpu.memory_space<hbm>>
        tpu.wait_dma2 semaphore(%run_scoped3A_365 : memref<!tpu.dma_semaphore, #tpu.memory_space<semaphore_mem>>) src(%dma_wait3A_389 : memref<1x128xi32, #tpu.memory_space<hbm>>) dst(%dma_wait3A_386 : memref<1x128xi32, #tpu.memory_space<vmem>>)
        tpu.yield
      }) : () -> ()
      %add3A_362 = arith.constant 2496 : i32
      %add3A_363 = arith.addi %add3A_362, %add3A : i32
      %run_scoped3A_364 = arith.constant 0 : i32
      "tpu.region"() ({
        %run_scoped3A_365 = tpu.sem_alloc : memref<!tpu.dma_semaphore, #tpu.memory_space<semaphore_mem>>
        %dma_start3A_366 = arith.constant 78 : i32
        %dma_start3A_367 = arith.constant 0 : i32
        %dma_start3A_368 = tpu.memref_slice %arg6[%dma_start3A_366, %dma_start3A_367] : memref<79x128xi32, #tpu.memory_space<vmem>> -> memref<1x128xi32, #tpu.memory_space<vmem>>
        %dma_start3A_369 = arith.constant 0 : i32
        %dma_start3A_370 = tpu.memref_slice %arg3[%run_scoped3A_364, %add3A_363, %dma_start3A_369] : memref<2x2500x128xi32, #tpu.memory_space<hbm>> -> memref<1x1x128xi32, #tpu.memory_space<hbm>>
        %dma_start3A_371 = tpu.memref_squeeze %dma_start3A_370 : memref<1x1x128xi32, #tpu.memory_space<hbm>> -> memref<1x128xi32, #tpu.memory_space<hbm>>
        %dma_start3A_372 = arith.constant 78 : i32
        %dma_start3A_373 = arith.constant 0 : i32
        %dma_start3A_374 = tpu.memref_slice %arg6[%dma_start3A_372, %dma_start3A_373] : memref<79x128xi32, #tpu.memory_space<vmem>> -> memref<1x128xi32, #tpu.memory_space<vmem>>
        %dma_start3A_375 = arith.constant 0 : i32
        %dma_start3A_376 = tpu.memref_slice %arg3[%run_scoped3A_364, %add3A_363, %dma_start3A_375] : memref<2x2500x128xi32, #tpu.memory_space<hbm>> -> memref<1x1x128xi32, #tpu.memory_space<hbm>>
        %dma_start3A_377 = tpu.memref_squeeze %dma_start3A_376 : memref<1x1x128xi32, #tpu.memory_space<hbm>> -> memref<1x128xi32, #tpu.memory_space<hbm>>
        tpu.enqueue_dma source(%dma_start3A_377 : memref<1x128xi32, #tpu.memory_space<hbm>>) target(%dma_start3A_374 : memref<1x128xi32, #tpu.memory_space<vmem>>) target_semaphore(%run_scoped3A_365 : memref<!tpu.dma_semaphore, #tpu.memory_space<semaphore_mem>>)
        %dma_wait3A_378 = arith.constant 78 : i32
        %dma_wait3A_379 = arith.constant 0 : i32
        %dma_wait3A_380 = tpu.memref_slice %arg6[%dma_wait3A_378, %dma_wait3A_379] : memref<79x128xi32, #tpu.memory_space<vmem>> -> memref<1x128xi32, #tpu.memory_space<vmem>>
        %dma_wait3A_381 = arith.constant 0 : i32
        %dma_wait3A_382 = tpu.memref_slice %arg3[%run_scoped3A_364, %add3A_363, %dma_wait3A_381] : memref<2x2500x128xi32, #tpu.memory_space<hbm>> -> memref<1x1x128xi32, #tpu.memory_space<hbm>>
        %dma_wait3A_383 = tpu.memref_squeeze %dma_wait3A_382 : memref<1x1x128xi32, #tpu.memory_space<hbm>> -> memref<1x128xi32, #tpu.memory_space<hbm>>
        %dma_wait3A_384 = arith.constant 78 : i32
        %dma_wait3A_385 = arith.constant 0 : i32
        %dma_wait3A_386 = tpu.memref_slice %arg6[%dma_wait3A_384, %dma_wait3A_385] : memref<79x128xi32, #tpu.memory_space<vmem>> -> memref<1x128xi32, #tpu.memory_space<vmem>>
        %dma_wait3A_387 = arith.constant 0 : i32
        %dma_wait3A_388 = tpu.memref_slice %arg3[%run_scoped3A_364, %add3A_363, %dma_wait3A_387] : memref<2x2500x128xi32, #tpu.memory_space<hbm>> -> memref<1x1x128xi32, #tpu.memory_space<hbm>>
        %dma_wait3A_389 = tpu.memref_squeeze %dma_wait3A_388 : memref<1x1x128xi32, #tpu.memory_space<hbm>> -> memref<1x128xi32, #tpu.memory_space<hbm>>
        tpu.wait_dma2 semaphore(%run_scoped3A_365 : memref<!tpu.dma_semaphore, #tpu.memory_space<semaphore_mem>>) src(%dma_wait3A_389 : memref<1x128xi32, #tpu.memory_space<hbm>>) dst(%dma_wait3A_386 : memref<1x128xi32, #tpu.memory_space<vmem>>)
        tpu.yield
      }) : () -> ()
    } else {
    }
    %barrier3A = arith.constant 0 : index
    tpu.barrier barrier_id(%barrier3A)
    %dma_start3A = arith.constant 0 : i32
    %dma_start3A_20 = arith.constant 0 : i32
    %dma_start3A_21 = arith.constant 0 : i32
    %dma_start3A_22 = arith.constant 0 : i32
    %dma_start3A_23 = tpu.memref_slice %arg7[%dma_start3A_20, %dma_start3A_21, %dma_start3A_22] : memref<6x128x16xf32, #tpu.memory_space<vmem>> -> memref<1x128x16xf32, #tpu.memory_space<vmem>>
    %dma_start3A_24 = tpu.memref_squeeze %dma_start3A_23 : memref<1x128x16xf32, #tpu.memory_space<vmem>> -> memref<128x16xf32, #tpu.memory_space<vmem>>
    %dma_start3A_25 = arith.constant 0 : i32
    %dma_start3A_26 = tpu.memref_slice %arg5[%dma_start3A, %dma_start3A_25] : memref<79x128xi32, #tpu.memory_space<vmem>> -> memref<1x128xi32, #tpu.memory_space<vmem>>
    %dma_start3A_27 = tpu.memref_squeeze %dma_start3A_26 : memref<1x128xi32, #tpu.memory_space<vmem>> -> memref<128xi32, #tpu.memory_space<vmem>>
    %dma_start3A_28 = arith.constant 0 : i32
    %dma_start3A_29 = arith.constant 0 : i32
    %dma_start3A_30 = tpu.memref_slice %arg10[%dma_start3A_28, %dma_start3A_29] : memref<10240x16xf32, #tpu.memory_space<vmem_shared>> -> memref<10240x16xf32, #tpu.memory_space<vmem_shared>>
    tpu.enqueue_indirect_dma source(%dma_start3A_30 : memref<10240x16xf32, #tpu.memory_space<vmem_shared>>) target(%dma_start3A_24 : memref<128x16xf32, #tpu.memory_space<vmem>>) offsets(%dma_start3A_27 : memref<128xi32, #tpu.memory_space<vmem>>) semaphore(%arg11 : memref<!tpu.dma_semaphore, #tpu.memory_space<semaphore_mem>>)
    %dma_start3A_31 = arith.constant 1 : i32
    %dma_start3A_32 = arith.constant 1 : i32
    %dma_start3A_33 = arith.constant 0 : i32
    %dma_start3A_34 = arith.constant 0 : i32
    %dma_start3A_35 = tpu.memref_slice %arg7[%dma_start3A_32, %dma_start3A_33, %dma_start3A_34] : memref<6x128x16xf32, #tpu.memory_space<vmem>> -> memref<1x128x16xf32, #tpu.memory_space<vmem>>
    %dma_start3A_36 = tpu.memref_squeeze %dma_start3A_35 : memref<1x128x16xf32, #tpu.memory_space<vmem>> -> memref<128x16xf32, #tpu.memory_space<vmem>>
    %dma_start3A_37 = arith.constant 0 : i32
    %dma_start3A_38 = tpu.memref_slice %arg5[%dma_start3A_31, %dma_start3A_37] : memref<79x128xi32, #tpu.memory_space<vmem>> -> memref<1x128xi32, #tpu.memory_space<vmem>>
    %dma_start3A_39 = tpu.memref_squeeze %dma_start3A_38 : memref<1x128xi32, #tpu.memory_space<vmem>> -> memref<128xi32, #tpu.memory_space<vmem>>
    %dma_start3A_40 = arith.constant 0 : i32
    %dma_start3A_41 = arith.constant 0 : i32
    %dma_start3A_42 = tpu.memref_slice %arg10[%dma_start3A_40, %dma_start3A_41] : memref<10240x16xf32, #tpu.memory_space<vmem_shared>> -> memref<10240x16xf32, #tpu.memory_space<vmem_shared>>
    tpu.enqueue_indirect_dma source(%dma_start3A_42 : memref<10240x16xf32, #tpu.memory_space<vmem_shared>>) target(%dma_start3A_36 : memref<128x16xf32, #tpu.memory_space<vmem>>) offsets(%dma_start3A_39 : memref<128xi32, #tpu.memory_space<vmem>>) semaphore(%arg12 : memref<!tpu.dma_semaphore, #tpu.memory_space<semaphore_mem>>)
    %dma_start3A_43 = arith.constant 2 : i32
    %dma_start3A_44 = arith.constant 2 : i32
    %dma_start3A_45 = arith.constant 0 : i32
    %dma_start3A_46 = arith.constant 0 : i32
    %dma_start3A_47 = tpu.memref_slice %arg7[%dma_start3A_44, %dma_start3A_45, %dma_start3A_46] : memref<6x128x16xf32, #tpu.memory_space<vmem>> -> memref<1x128x16xf32, #tpu.memory_space<vmem>>
    %dma_start3A_48 = tpu.memref_squeeze %dma_start3A_47 : memref<1x128x16xf32, #tpu.memory_space<vmem>> -> memref<128x16xf32, #tpu.memory_space<vmem>>
    %dma_start3A_49 = arith.constant 0 : i32
    %dma_start3A_50 = tpu.memref_slice %arg5[%dma_start3A_43, %dma_start3A_49] : memref<79x128xi32, #tpu.memory_space<vmem>> -> memref<1x128xi32, #tpu.memory_space<vmem>>
    %dma_start3A_51 = tpu.memref_squeeze %dma_start3A_50 : memref<1x128xi32, #tpu.memory_space<vmem>> -> memref<128xi32, #tpu.memory_space<vmem>>
    %dma_start3A_52 = arith.constant 0 : i32
    %dma_start3A_53 = arith.constant 0 : i32
    %dma_start3A_54 = tpu.memref_slice %arg10[%dma_start3A_52, %dma_start3A_53] : memref<10240x16xf32, #tpu.memory_space<vmem_shared>> -> memref<10240x16xf32, #tpu.memory_space<vmem_shared>>
    tpu.enqueue_indirect_dma source(%dma_start3A_54 : memref<10240x16xf32, #tpu.memory_space<vmem_shared>>) target(%dma_start3A_48 : memref<128x16xf32, #tpu.memory_space<vmem>>) offsets(%dma_start3A_51 : memref<128xi32, #tpu.memory_space<vmem>>) semaphore(%arg13 : memref<!tpu.dma_semaphore, #tpu.memory_space<semaphore_mem>>)
    %dma_start3A_55 = arith.constant 3 : i32
    %dma_start3A_56 = arith.constant 3 : i32
    %dma_start3A_57 = arith.constant 0 : i32
    %dma_start3A_58 = arith.constant 0 : i32
    %dma_start3A_59 = tpu.memref_slice %arg7[%dma_start3A_56, %dma_start3A_57, %dma_start3A_58] : memref<6x128x16xf32, #tpu.memory_space<vmem>> -> memref<1x128x16xf32, #tpu.memory_space<vmem>>
    %dma_start3A_60 = tpu.memref_squeeze %dma_start3A_59 : memref<1x128x16xf32, #tpu.memory_space<vmem>> -> memref<128x16xf32, #tpu.memory_space<vmem>>
    %dma_start3A_61 = arith.constant 0 : i32
    %dma_start3A_62 = tpu.memref_slice %arg5[%dma_start3A_55, %dma_start3A_61] : memref<79x128xi32, #tpu.memory_space<vmem>> -> memref<1x128xi32, #tpu.memory_space<vmem>>
    %dma_start3A_63 = tpu.memref_squeeze %dma_start3A_62 : memref<1x128xi32, #tpu.memory_space<vmem>> -> memref<128xi32, #tpu.memory_space<vmem>>
    %dma_start3A_64 = arith.constant 0 : i32
    %dma_start3A_65 = arith.constant 0 : i32
    %dma_start3A_66 = tpu.memref_slice %arg10[%dma_start3A_64, %dma_start3A_65] : memref<10240x16xf32, #tpu.memory_space<vmem_shared>> -> memref<10240x16xf32, #tpu.memory_space<vmem_shared>>
    tpu.enqueue_indirect_dma source(%dma_start3A_66 : memref<10240x16xf32, #tpu.memory_space<vmem_shared>>) target(%dma_start3A_60 : memref<128x16xf32, #tpu.memory_space<vmem>>) offsets(%dma_start3A_63 : memref<128xi32, #tpu.memory_space<vmem>>) semaphore(%arg14 : memref<!tpu.dma_semaphore, #tpu.memory_space<semaphore_mem>>)
    %dma_start3A_67 = arith.constant 4 : i32
    %dma_start3A_68 = arith.constant 4 : i32
    %dma_start3A_69 = arith.constant 0 : i32
    %dma_start3A_70 = arith.constant 0 : i32
    %dma_start3A_71 = tpu.memref_slice %arg7[%dma_start3A_68, %dma_start3A_69, %dma_start3A_70] : memref<6x128x16xf32, #tpu.memory_space<vmem>> -> memref<1x128x16xf32, #tpu.memory_space<vmem>>
    %dma_start3A_72 = tpu.memref_squeeze %dma_start3A_71 : memref<1x128x16xf32, #tpu.memory_space<vmem>> -> memref<128x16xf32, #tpu.memory_space<vmem>>
    %dma_start3A_73 = arith.constant 0 : i32
    %dma_start3A_74 = tpu.memref_slice %arg5[%dma_start3A_67, %dma_start3A_73] : memref<79x128xi32, #tpu.memory_space<vmem>> -> memref<1x128xi32, #tpu.memory_space<vmem>>
    %dma_start3A_75 = tpu.memref_squeeze %dma_start3A_74 : memref<1x128xi32, #tpu.memory_space<vmem>> -> memref<128xi32, #tpu.memory_space<vmem>>
    %dma_start3A_76 = arith.constant 0 : i32
    %dma_start3A_77 = arith.constant 0 : i32
    %dma_start3A_78 = tpu.memref_slice %arg10[%dma_start3A_76, %dma_start3A_77] : memref<10240x16xf32, #tpu.memory_space<vmem_shared>> -> memref<10240x16xf32, #tpu.memory_space<vmem_shared>>
    tpu.enqueue_indirect_dma source(%dma_start3A_78 : memref<10240x16xf32, #tpu.memory_space<vmem_shared>>) target(%dma_start3A_72 : memref<128x16xf32, #tpu.memory_space<vmem>>) offsets(%dma_start3A_75 : memref<128xi32, #tpu.memory_space<vmem>>) semaphore(%arg15 : memref<!tpu.dma_semaphore, #tpu.memory_space<semaphore_mem>>)
    %dma_start3A_79 = arith.constant 5 : i32
    %dma_start3A_80 = arith.constant 5 : i32
    %dma_start3A_81 = arith.constant 0 : i32
    %dma_start3A_82 = arith.constant 0 : i32
    %dma_start3A_83 = tpu.memref_slice %arg7[%dma_start3A_80, %dma_start3A_81, %dma_start3A_82] : memref<6x128x16xf32, #tpu.memory_space<vmem>> -> memref<1x128x16xf32, #tpu.memory_space<vmem>>
    %dma_start3A_84 = tpu.memref_squeeze %dma_start3A_83 : memref<1x128x16xf32, #tpu.memory_space<vmem>> -> memref<128x16xf32, #tpu.memory_space<vmem>>
    %dma_start3A_85 = arith.constant 0 : i32
    %dma_start3A_86 = tpu.memref_slice %arg5[%dma_start3A_79, %dma_start3A_85] : memref<79x128xi32, #tpu.memory_space<vmem>> -> memref<1x128xi32, #tpu.memory_space<vmem>>
    %dma_start3A_87 = tpu.memref_squeeze %dma_start3A_86 : memref<1x128xi32, #tpu.memory_space<vmem>> -> memref<128xi32, #tpu.memory_space<vmem>>
    %dma_start3A_88 = arith.constant 0 : i32
    %dma_start3A_89 = arith.constant 0 : i32
    %dma_start3A_90 = tpu.memref_slice %arg10[%dma_start3A_88, %dma_start3A_89] : memref<10240x16xf32, #tpu.memory_space<vmem_shared>> -> memref<10240x16xf32, #tpu.memory_space<vmem_shared>>
    tpu.enqueue_indirect_dma source(%dma_start3A_90 : memref<10240x16xf32, #tpu.memory_space<vmem_shared>>) target(%dma_start3A_84 : memref<128x16xf32, #tpu.memory_space<vmem>>) offsets(%dma_start3A_87 : memref<128xi32, #tpu.memory_space<vmem>>) semaphore(%arg16 : memref<!tpu.dma_semaphore, #tpu.memory_space<semaphore_mem>>)
    %scan3A_91 = arith.constant 0 : i32
    %scan3A_92 = arith.constant 0 : i32
    %scan3A_93 = arith.constant 12 : i32
    %scan3A_94 = arith.addi %scan3A_92, %scan3A_93 : i32
    %scan3A_95 = arith.constant 1 : i32
    %scan3A_96 = scf.for %scan3A_359 = %scan3A_92 to %scan3A_94 step %scan3A_95 iter_args(%scan3A_360 = %scan3A_91) -> (i32)  : i32 {
      %mul3A_361 = arith.constant 6 : i32
      %mul3A_362 = arith.muli %scan3A_359, %mul3A_361 : i32
      %dma_wait3A_363 = arith.constant 0 : i32
      %dma_wait3A_364 = arith.constant 0 : i32
      %dma_wait3A_365 = arith.constant 0 : i32
      %dma_wait3A_366 = tpu.memref_slice %arg7[%dma_wait3A_363, %dma_wait3A_364, %dma_wait3A_365] : memref<6x128x16xf32, #tpu.memory_space<vmem>> -> memref<1x128x16xf32, #tpu.memory_space<vmem>>
      %dma_wait3A_367 = tpu.memref_squeeze %dma_wait3A_366 : memref<1x128x16xf32, #tpu.memory_space<vmem>> -> memref<128x16xf32, #tpu.memory_space<vmem>>
      %dma_wait3A_368 = arith.constant 0 : i32
      %dma_wait3A_369 = arith.constant 0 : i32
      %dma_wait3A_370 = tpu.memref_slice %arg2[%dma_wait3A_368, %dma_wait3A_369] : memref<10240x16xf32, #tpu.memory_space<hbm>> -> memref<128x16xf32, #tpu.memory_space<hbm>>
      %dma_wait3A_371 = arith.constant 0 : i32
      %dma_wait3A_372 = arith.constant 0 : i32
      %dma_wait3A_373 = tpu.memref_slice %arg7[%dma_wait3A_363, %dma_wait3A_371, %dma_wait3A_372] : memref<6x128x16xf32, #tpu.memory_space<vmem>> -> memref<1x128x16xf32, #tpu.memory_space<vmem>>
      %dma_wait3A_374 = tpu.memref_squeeze %dma_wait3A_373 : memref<1x128x16xf32, #tpu.memory_space<vmem>> -> memref<128x16xf32, #tpu.memory_space<vmem>>
      %dma_wait3A_375 = arith.constant 0 : i32
      %dma_wait3A_376 = arith.constant 0 : i32
      %dma_wait3A_377 = tpu.memref_slice %arg2[%dma_wait3A_375, %dma_wait3A_376] : memref<10240x16xf32, #tpu.memory_space<hbm>> -> memref<128x16xf32, #tpu.memory_space<hbm>>
      tpu.wait_dma2 semaphore(%arg11 : memref<!tpu.dma_semaphore, #tpu.memory_space<semaphore_mem>>) src(%dma_wait3A_377 : memref<128x16xf32, #tpu.memory_space<hbm>>) dst(%dma_wait3A_374 : memref<128x16xf32, #tpu.memory_space<vmem>>)
      %add3A_378 = arith.constant 0 : i32
      %add3A_379 = arith.addi %mul3A_362, %add3A_378 : i32
      %dma_start3A_380 = arith.constant 0 : i32
      %dma_start3A_381 = arith.constant 0 : i32
      %dma_start3A_382 = arith.constant 0 : i32
      %dma_start3A_383 = tpu.memref_slice %arg7[%dma_start3A_380, %dma_start3A_381, %dma_start3A_382] : memref<6x128x16xf32, #tpu.memory_space<vmem>> -> memref<1x128x16xf32, #tpu.memory_space<vmem>>
      %dma_start3A_384 = tpu.memref_squeeze %dma_start3A_383 : memref<1x128x16xf32, #tpu.memory_space<vmem>> -> memref<128x16xf32, #tpu.memory_space<vmem>>
      %dma_start3A_385 = arith.constant 0 : i32
      %dma_start3A_386 = tpu.memref_slice %arg6[%add3A_379, %dma_start3A_385] : memref<79x128xi32, #tpu.memory_space<vmem>> -> memref<1x128xi32, #tpu.memory_space<vmem>>
      %dma_start3A_387 = tpu.memref_squeeze %dma_start3A_386 : memref<1x128xi32, #tpu.memory_space<vmem>> -> memref<128xi32, #tpu.memory_space<vmem>>
      %dma_start3A_388 = arith.constant 0 : i32
      %dma_start3A_389 = arith.constant 0 : i32
      %dma_start3A_390 = tpu.memref_slice %arg9[%dma_start3A_388, %dma_start3A_389] : memref<10240x16xf32, #tpu.memory_space<vmem_shared>> -> memref<10240x16xf32, #tpu.memory_space<vmem_shared>>
      tpu.enqueue_indirect_dma source(%dma_start3A_384 : memref<128x16xf32, #tpu.memory_space<vmem>>) target(%dma_start3A_390 : memref<10240x16xf32, #tpu.memory_space<vmem_shared>>) offsets(%dma_start3A_387 : memref<128xi32, #tpu.memory_space<vmem>>) semaphore(%arg17 : memref<!tpu.dma_semaphore, #tpu.memory_space<semaphore_mem>>) {add = true}
      %dma_wait3A_391 = arith.constant 1 : i32
      %dma_wait3A_392 = arith.constant 0 : i32
      %dma_wait3A_393 = arith.constant 0 : i32
      %dma_wait3A_394 = tpu.memref_slice %arg7[%dma_wait3A_391, %dma_wait3A_392, %dma_wait3A_393] : memref<6x128x16xf32, #tpu.memory_space<vmem>> -> memref<1x128x16xf32, #tpu.memory_space<vmem>>
      %dma_wait3A_395 = tpu.memref_squeeze %dma_wait3A_394 : memref<1x128x16xf32, #tpu.memory_space<vmem>> -> memref<128x16xf32, #tpu.memory_space<vmem>>
      %dma_wait3A_396 = arith.constant 0 : i32
      %dma_wait3A_397 = arith.constant 0 : i32
      %dma_wait3A_398 = tpu.memref_slice %arg2[%dma_wait3A_396, %dma_wait3A_397] : memref<10240x16xf32, #tpu.memory_space<hbm>> -> memref<128x16xf32, #tpu.memory_space<hbm>>
      %dma_wait3A_399 = arith.constant 0 : i32
      %dma_wait3A_400 = arith.constant 0 : i32
      %dma_wait3A_401 = tpu.memref_slice %arg7[%dma_wait3A_391, %dma_wait3A_399, %dma_wait3A_400] : memref<6x128x16xf32, #tpu.memory_space<vmem>> -> memref<1x128x16xf32, #tpu.memory_space<vmem>>
      %dma_wait3A_402 = tpu.memref_squeeze %dma_wait3A_401 : memref<1x128x16xf32, #tpu.memory_space<vmem>> -> memref<128x16xf32, #tpu.memory_space<vmem>>
      %dma_wait3A_403 = arith.constant 0 : i32
      %dma_wait3A_404 = arith.constant 0 : i32
      %dma_wait3A_405 = tpu.memref_slice %arg2[%dma_wait3A_403, %dma_wait3A_404] : memref<10240x16xf32, #tpu.memory_space<hbm>> -> memref<128x16xf32, #tpu.memory_space<hbm>>
      tpu.wait_dma2 semaphore(%arg12 : memref<!tpu.dma_semaphore, #tpu.memory_space<semaphore_mem>>) src(%dma_wait3A_405 : memref<128x16xf32, #tpu.memory_space<hbm>>) dst(%dma_wait3A_402 : memref<128x16xf32, #tpu.memory_space<vmem>>)
      %add3A_406 = arith.constant 1 : i32
      %add3A_407 = arith.addi %mul3A_362, %add3A_406 : i32
      %dma_start3A_408 = arith.constant 1 : i32
      %dma_start3A_409 = arith.constant 0 : i32
      %dma_start3A_410 = arith.constant 0 : i32
      %dma_start3A_411 = tpu.memref_slice %arg7[%dma_start3A_408, %dma_start3A_409, %dma_start3A_410] : memref<6x128x16xf32, #tpu.memory_space<vmem>> -> memref<1x128x16xf32, #tpu.memory_space<vmem>>
      %dma_start3A_412 = tpu.memref_squeeze %dma_start3A_411 : memref<1x128x16xf32, #tpu.memory_space<vmem>> -> memref<128x16xf32, #tpu.memory_space<vmem>>
      %dma_start3A_413 = arith.constant 0 : i32
      %dma_start3A_414 = tpu.memref_slice %arg6[%add3A_407, %dma_start3A_413] : memref<79x128xi32, #tpu.memory_space<vmem>> -> memref<1x128xi32, #tpu.memory_space<vmem>>
      %dma_start3A_415 = tpu.memref_squeeze %dma_start3A_414 : memref<1x128xi32, #tpu.memory_space<vmem>> -> memref<128xi32, #tpu.memory_space<vmem>>
      %dma_start3A_416 = arith.constant 0 : i32
      %dma_start3A_417 = arith.constant 0 : i32
      %dma_start3A_418 = tpu.memref_slice %arg9[%dma_start3A_416, %dma_start3A_417] : memref<10240x16xf32, #tpu.memory_space<vmem_shared>> -> memref<10240x16xf32, #tpu.memory_space<vmem_shared>>
      tpu.enqueue_indirect_dma source(%dma_start3A_412 : memref<128x16xf32, #tpu.memory_space<vmem>>) target(%dma_start3A_418 : memref<10240x16xf32, #tpu.memory_space<vmem_shared>>) offsets(%dma_start3A_415 : memref<128xi32, #tpu.memory_space<vmem>>) semaphore(%arg18 : memref<!tpu.dma_semaphore, #tpu.memory_space<semaphore_mem>>) {add = true}
      %dma_wait3A_419 = arith.constant 2 : i32
      %dma_wait3A_420 = arith.constant 0 : i32
      %dma_wait3A_421 = arith.constant 0 : i32
      %dma_wait3A_422 = tpu.memref_slice %arg7[%dma_wait3A_419, %dma_wait3A_420, %dma_wait3A_421] : memref<6x128x16xf32, #tpu.memory_space<vmem>> -> memref<1x128x16xf32, #tpu.memory_space<vmem>>
      %dma_wait3A_423 = tpu.memref_squeeze %dma_wait3A_422 : memref<1x128x16xf32, #tpu.memory_space<vmem>> -> memref<128x16xf32, #tpu.memory_space<vmem>>
      %dma_wait3A_424 = arith.constant 0 : i32
      %dma_wait3A_425 = arith.constant 0 : i32
      %dma_wait3A_426 = tpu.memref_slice %arg2[%dma_wait3A_424, %dma_wait3A_425] : memref<10240x16xf32, #tpu.memory_space<hbm>> -> memref<128x16xf32, #tpu.memory_space<hbm>>
      %dma_wait3A_427 = arith.constant 0 : i32
      %dma_wait3A_428 = arith.constant 0 : i32
      %dma_wait3A_429 = tpu.memref_slice %arg7[%dma_wait3A_419, %dma_wait3A_427, %dma_wait3A_428] : memref<6x128x16xf32, #tpu.memory_space<vmem>> -> memref<1x128x16xf32, #tpu.memory_space<vmem>>
      %dma_wait3A_430 = tpu.memref_squeeze %dma_wait3A_429 : memref<1x128x16xf32, #tpu.memory_space<vmem>> -> memref<128x16xf32, #tpu.memory_space<vmem>>
      %dma_wait3A_431 = arith.constant 0 : i32
      %dma_wait3A_432 = arith.constant 0 : i32
      %dma_wait3A_433 = tpu.memref_slice %arg2[%dma_wait3A_431, %dma_wait3A_432] : memref<10240x16xf32, #tpu.memory_space<hbm>> -> memref<128x16xf32, #tpu.memory_space<hbm>>
      tpu.wait_dma2 semaphore(%arg13 : memref<!tpu.dma_semaphore, #tpu.memory_space<semaphore_mem>>) src(%dma_wait3A_433 : memref<128x16xf32, #tpu.memory_space<hbm>>) dst(%dma_wait3A_430 : memref<128x16xf32, #tpu.memory_space<vmem>>)
      %add3A_434 = arith.constant 2 : i32
      %add3A_435 = arith.addi %mul3A_362, %add3A_434 : i32
      %dma_start3A_436 = arith.constant 2 : i32
      %dma_start3A_437 = arith.constant 0 : i32
      %dma_start3A_438 = arith.constant 0 : i32
      %dma_start3A_439 = tpu.memref_slice %arg7[%dma_start3A_436, %dma_start3A_437, %dma_start3A_438] : memref<6x128x16xf32, #tpu.memory_space<vmem>> -> memref<1x128x16xf32, #tpu.memory_space<vmem>>
      %dma_start3A_440 = tpu.memref_squeeze %dma_start3A_439 : memref<1x128x16xf32, #tpu.memory_space<vmem>> -> memref<128x16xf32, #tpu.memory_space<vmem>>
      %dma_start3A_441 = arith.constant 0 : i32
      %dma_start3A_442 = tpu.memref_slice %arg6[%add3A_435, %dma_start3A_441] : memref<79x128xi32, #tpu.memory_space<vmem>> -> memref<1x128xi32, #tpu.memory_space<vmem>>
      %dma_start3A_443 = tpu.memref_squeeze %dma_start3A_442 : memref<1x128xi32, #tpu.memory_space<vmem>> -> memref<128xi32, #tpu.memory_space<vmem>>
      %dma_start3A_444 = arith.constant 0 : i32
      %dma_start3A_445 = arith.constant 0 : i32
      %dma_start3A_446 = tpu.memref_slice %arg9[%dma_start3A_444, %dma_start3A_445] : memref<10240x16xf32, #tpu.memory_space<vmem_shared>> -> memref<10240x16xf32, #tpu.memory_space<vmem_shared>>
      tpu.enqueue_indirect_dma source(%dma_start3A_440 : memref<128x16xf32, #tpu.memory_space<vmem>>) target(%dma_start3A_446 : memref<10240x16xf32, #tpu.memory_space<vmem_shared>>) offsets(%dma_start3A_443 : memref<128xi32, #tpu.memory_space<vmem>>) semaphore(%arg19 : memref<!tpu.dma_semaphore, #tpu.memory_space<semaphore_mem>>) {add = true}
      %dma_wait3A_447 = arith.constant 3 : i32
      %dma_wait3A_448 = arith.constant 0 : i32
      %dma_wait3A_449 = arith.constant 0 : i32
      %dma_wait3A_450 = tpu.memref_slice %arg7[%dma_wait3A_447, %dma_wait3A_448, %dma_wait3A_449] : memref<6x128x16xf32, #tpu.memory_space<vmem>> -> memref<1x128x16xf32, #tpu.memory_space<vmem>>
      %dma_wait3A_451 = tpu.memref_squeeze %dma_wait3A_450 : memref<1x128x16xf32, #tpu.memory_space<vmem>> -> memref<128x16xf32, #tpu.memory_space<vmem>>
      %dma_wait3A_452 = arith.constant 0 : i32
      %dma_wait3A_453 = arith.constant 0 : i32
      %dma_wait3A_454 = tpu.memref_slice %arg2[%dma_wait3A_452, %dma_wait3A_453] : memref<10240x16xf32, #tpu.memory_space<hbm>> -> memref<128x16xf32, #tpu.memory_space<hbm>>
      %dma_wait3A_455 = arith.constant 0 : i32
      %dma_wait3A_456 = arith.constant 0 : i32
      %dma_wait3A_457 = tpu.memref_slice %arg7[%dma_wait3A_447, %dma_wait3A_455, %dma_wait3A_456] : memref<6x128x16xf32, #tpu.memory_space<vmem>> -> memref<1x128x16xf32, #tpu.memory_space<vmem>>
      %dma_wait3A_458 = tpu.memref_squeeze %dma_wait3A_457 : memref<1x128x16xf32, #tpu.memory_space<vmem>> -> memref<128x16xf32, #tpu.memory_space<vmem>>
      %dma_wait3A_459 = arith.constant 0 : i32
      %dma_wait3A_460 = arith.constant 0 : i32
      %dma_wait3A_461 = tpu.memref_slice %arg2[%dma_wait3A_459, %dma_wait3A_460] : memref<10240x16xf32, #tpu.memory_space<hbm>> -> memref<128x16xf32, #tpu.memory_space<hbm>>
      tpu.wait_dma2 semaphore(%arg14 : memref<!tpu.dma_semaphore, #tpu.memory_space<semaphore_mem>>) src(%dma_wait3A_461 : memref<128x16xf32, #tpu.memory_space<hbm>>) dst(%dma_wait3A_458 : memref<128x16xf32, #tpu.memory_space<vmem>>)
      %add3A_462 = arith.constant 3 : i32
      %add3A_463 = arith.addi %mul3A_362, %add3A_462 : i32
      %dma_start3A_464 = arith.constant 3 : i32
      %dma_start3A_465 = arith.constant 0 : i32
      %dma_start3A_466 = arith.constant 0 : i32
      %dma_start3A_467 = tpu.memref_slice %arg7[%dma_start3A_464, %dma_start3A_465, %dma_start3A_466] : memref<6x128x16xf32, #tpu.memory_space<vmem>> -> memref<1x128x16xf32, #tpu.memory_space<vmem>>
      %dma_start3A_468 = tpu.memref_squeeze %dma_start3A_467 : memref<1x128x16xf32, #tpu.memory_space<vmem>> -> memref<128x16xf32, #tpu.memory_space<vmem>>
      %dma_start3A_469 = arith.constant 0 : i32
      %dma_start3A_470 = tpu.memref_slice %arg6[%add3A_463, %dma_start3A_469] : memref<79x128xi32, #tpu.memory_space<vmem>> -> memref<1x128xi32, #tpu.memory_space<vmem>>
      %dma_start3A_471 = tpu.memref_squeeze %dma_start3A_470 : memref<1x128xi32, #tpu.memory_space<vmem>> -> memref<128xi32, #tpu.memory_space<vmem>>
      %dma_start3A_472 = arith.constant 0 : i32
      %dma_start3A_473 = arith.constant 0 : i32
      %dma_start3A_474 = tpu.memref_slice %arg9[%dma_start3A_472, %dma_start3A_473] : memref<10240x16xf32, #tpu.memory_space<vmem_shared>> -> memref<10240x16xf32, #tpu.memory_space<vmem_shared>>
      tpu.enqueue_indirect_dma source(%dma_start3A_468 : memref<128x16xf32, #tpu.memory_space<vmem>>) target(%dma_start3A_474 : memref<10240x16xf32, #tpu.memory_space<vmem_shared>>) offsets(%dma_start3A_471 : memref<128xi32, #tpu.memory_space<vmem>>) semaphore(%arg20 : memref<!tpu.dma_semaphore, #tpu.memory_space<semaphore_mem>>) {add = true}
      %dma_wait3A_475 = arith.constant 4 : i32
      %dma_wait3A_476 = arith.constant 0 : i32
      %dma_wait3A_477 = arith.constant 0 : i32
      %dma_wait3A_478 = tpu.memref_slice %arg7[%dma_wait3A_475, %dma_wait3A_476, %dma_wait3A_477] : memref<6x128x16xf32, #tpu.memory_space<vmem>> -> memref<1x128x16xf32, #tpu.memory_space<vmem>>
      %dma_wait3A_479 = tpu.memref_squeeze %dma_wait3A_478 : memref<1x128x16xf32, #tpu.memory_space<vmem>> -> memref<128x16xf32, #tpu.memory_space<vmem>>
      %dma_wait3A_480 = arith.constant 0 : i32
      %dma_wait3A_481 = arith.constant 0 : i32
      %dma_wait3A_482 = tpu.memref_slice %arg2[%dma_wait3A_480, %dma_wait3A_481] : memref<10240x16xf32, #tpu.memory_space<hbm>> -> memref<128x16xf32, #tpu.memory_space<hbm>>
      %dma_wait3A_483 = arith.constant 0 : i32
      %dma_wait3A_484 = arith.constant 0 : i32
      %dma_wait3A_485 = tpu.memref_slice %arg7[%dma_wait3A_475, %dma_wait3A_483, %dma_wait3A_484] : memref<6x128x16xf32, #tpu.memory_space<vmem>> -> memref<1x128x16xf32, #tpu.memory_space<vmem>>
      %dma_wait3A_486 = tpu.memref_squeeze %dma_wait3A_485 : memref<1x128x16xf32, #tpu.memory_space<vmem>> -> memref<128x16xf32, #tpu.memory_space<vmem>>
      %dma_wait3A_487 = arith.constant 0 : i32
      %dma_wait3A_488 = arith.constant 0 : i32
      %dma_wait3A_489 = tpu.memref_slice %arg2[%dma_wait3A_487, %dma_wait3A_488] : memref<10240x16xf32, #tpu.memory_space<hbm>> -> memref<128x16xf32, #tpu.memory_space<hbm>>
      tpu.wait_dma2 semaphore(%arg15 : memref<!tpu.dma_semaphore, #tpu.memory_space<semaphore_mem>>) src(%dma_wait3A_489 : memref<128x16xf32, #tpu.memory_space<hbm>>) dst(%dma_wait3A_486 : memref<128x16xf32, #tpu.memory_space<vmem>>)
      %add3A_490 = arith.constant 4 : i32
      %add3A_491 = arith.addi %mul3A_362, %add3A_490 : i32
      %dma_start3A_492 = arith.constant 4 : i32
      %dma_start3A_493 = arith.constant 0 : i32
      %dma_start3A_494 = arith.constant 0 : i32
      %dma_start3A_495 = tpu.memref_slice %arg7[%dma_start3A_492, %dma_start3A_493, %dma_start3A_494] : memref<6x128x16xf32, #tpu.memory_space<vmem>> -> memref<1x128x16xf32, #tpu.memory_space<vmem>>
      %dma_start3A_496 = tpu.memref_squeeze %dma_start3A_495 : memref<1x128x16xf32, #tpu.memory_space<vmem>> -> memref<128x16xf32, #tpu.memory_space<vmem>>
      %dma_start3A_497 = arith.constant 0 : i32
      %dma_start3A_498 = tpu.memref_slice %arg6[%add3A_491, %dma_start3A_497] : memref<79x128xi32, #tpu.memory_space<vmem>> -> memref<1x128xi32, #tpu.memory_space<vmem>>
      %dma_start3A_499 = tpu.memref_squeeze %dma_start3A_498 : memref<1x128xi32, #tpu.memory_space<vmem>> -> memref<128xi32, #tpu.memory_space<vmem>>
      %dma_start3A_500 = arith.constant 0 : i32
      %dma_start3A_501 = arith.constant 0 : i32
      %dma_start3A_502 = tpu.memref_slice %arg9[%dma_start3A_500, %dma_start3A_501] : memref<10240x16xf32, #tpu.memory_space<vmem_shared>> -> memref<10240x16xf32, #tpu.memory_space<vmem_shared>>
      tpu.enqueue_indirect_dma source(%dma_start3A_496 : memref<128x16xf32, #tpu.memory_space<vmem>>) target(%dma_start3A_502 : memref<10240x16xf32, #tpu.memory_space<vmem_shared>>) offsets(%dma_start3A_499 : memref<128xi32, #tpu.memory_space<vmem>>) semaphore(%arg21 : memref<!tpu.dma_semaphore, #tpu.memory_space<semaphore_mem>>) {add = true}
      %dma_wait3A_503 = arith.constant 5 : i32
      %dma_wait3A_504 = arith.constant 0 : i32
      %dma_wait3A_505 = arith.constant 0 : i32
      %dma_wait3A_506 = tpu.memref_slice %arg7[%dma_wait3A_503, %dma_wait3A_504, %dma_wait3A_505] : memref<6x128x16xf32, #tpu.memory_space<vmem>> -> memref<1x128x16xf32, #tpu.memory_space<vmem>>
      %dma_wait3A_507 = tpu.memref_squeeze %dma_wait3A_506 : memref<1x128x16xf32, #tpu.memory_space<vmem>> -> memref<128x16xf32, #tpu.memory_space<vmem>>
      %dma_wait3A_508 = arith.constant 0 : i32
      %dma_wait3A_509 = arith.constant 0 : i32
      %dma_wait3A_510 = tpu.memref_slice %arg2[%dma_wait3A_508, %dma_wait3A_509] : memref<10240x16xf32, #tpu.memory_space<hbm>> -> memref<128x16xf32, #tpu.memory_space<hbm>>
      %dma_wait3A_511 = arith.constant 0 : i32
      %dma_wait3A_512 = arith.constant 0 : i32
      %dma_wait3A_513 = tpu.memref_slice %arg7[%dma_wait3A_503, %dma_wait3A_511, %dma_wait3A_512] : memref<6x128x16xf32, #tpu.memory_space<vmem>> -> memref<1x128x16xf32, #tpu.memory_space<vmem>>
      %dma_wait3A_514 = tpu.memref_squeeze %dma_wait3A_513 : memref<1x128x16xf32, #tpu.memory_space<vmem>> -> memref<128x16xf32, #tpu.memory_space<vmem>>
      %dma_wait3A_515 = arith.constant 0 : i32
      %dma_wait3A_516 = arith.constant 0 : i32
      %dma_wait3A_517 = tpu.memref_slice %arg2[%dma_wait3A_515, %dma_wait3A_516] : memref<10240x16xf32, #tpu.memory_space<hbm>> -> memref<128x16xf32, #tpu.memory_space<hbm>>
      tpu.wait_dma2 semaphore(%arg16 : memref<!tpu.dma_semaphore, #tpu.memory_space<semaphore_mem>>) src(%dma_wait3A_517 : memref<128x16xf32, #tpu.memory_space<hbm>>) dst(%dma_wait3A_514 : memref<128x16xf32, #tpu.memory_space<vmem>>)
      %add3A_518 = arith.constant 5 : i32
      %add3A_519 = arith.addi %mul3A_362, %add3A_518 : i32
      %dma_start3A_520 = arith.constant 5 : i32
      %dma_start3A_521 = arith.constant 0 : i32
      %dma_start3A_522 = arith.constant 0 : i32
      %dma_start3A_523 = tpu.memref_slice %arg7[%dma_start3A_520, %dma_start3A_521, %dma_start3A_522] : memref<6x128x16xf32, #tpu.memory_space<vmem>> -> memref<1x128x16xf32, #tpu.memory_space<vmem>>
      %dma_start3A_524 = tpu.memref_squeeze %dma_start3A_523 : memref<1x128x16xf32, #tpu.memory_space<vmem>> -> memref<128x16xf32, #tpu.memory_space<vmem>>
      %dma_start3A_525 = arith.constant 0 : i32
      %dma_start3A_526 = tpu.memref_slice %arg6[%add3A_519, %dma_start3A_525] : memref<79x128xi32, #tpu.memory_space<vmem>> -> memref<1x128xi32, #tpu.memory_space<vmem>>
      %dma_start3A_527 = tpu.memref_squeeze %dma_start3A_526 : memref<1x128xi32, #tpu.memory_space<vmem>> -> memref<128xi32, #tpu.memory_space<vmem>>
      %dma_start3A_528 = arith.constant 0 : i32
      %dma_start3A_529 = arith.constant 0 : i32
      %dma_start3A_530 = tpu.memref_slice %arg9[%dma_start3A_528, %dma_start3A_529] : memref<10240x16xf32, #tpu.memory_space<vmem_shared>> -> memref<10240x16xf32, #tpu.memory_space<vmem_shared>>
      tpu.enqueue_indirect_dma source(%dma_start3A_524 : memref<128x16xf32, #tpu.memory_space<vmem>>) target(%dma_start3A_530 : memref<10240x16xf32, #tpu.memory_space<vmem_shared>>) offsets(%dma_start3A_527 : memref<128xi32, #tpu.memory_space<vmem>>) semaphore(%arg22 : memref<!tpu.dma_semaphore, #tpu.memory_space<semaphore_mem>>) {add = true}
      %dma_wait3A_531 = arith.constant 0 : i32
      %dma_wait3A_532 = arith.constant 0 : i32
      %dma_wait3A_533 = arith.constant 0 : i32
      %dma_wait3A_534 = tpu.memref_slice %arg7[%dma_wait3A_531, %dma_wait3A_532, %dma_wait3A_533] : memref<6x128x16xf32, #tpu.memory_space<vmem>> -> memref<1x128x16xf32, #tpu.memory_space<vmem>>
      %dma_wait3A_535 = tpu.memref_squeeze %dma_wait3A_534 : memref<1x128x16xf32, #tpu.memory_space<vmem>> -> memref<128x16xf32, #tpu.memory_space<vmem>>
      %dma_wait3A_536 = arith.constant 0 : i32
      %dma_wait3A_537 = arith.constant 0 : i32
      %dma_wait3A_538 = tpu.memref_slice %arg2[%dma_wait3A_536, %dma_wait3A_537] : memref<10240x16xf32, #tpu.memory_space<hbm>> -> memref<128x16xf32, #tpu.memory_space<hbm>>
      %dma_wait3A_539 = arith.constant 0 : i32
      %dma_wait3A_540 = arith.constant 0 : i32
      %dma_wait3A_541 = tpu.memref_slice %arg7[%dma_wait3A_531, %dma_wait3A_539, %dma_wait3A_540] : memref<6x128x16xf32, #tpu.memory_space<vmem>> -> memref<1x128x16xf32, #tpu.memory_space<vmem>>
      %dma_wait3A_542 = tpu.memref_squeeze %dma_wait3A_541 : memref<1x128x16xf32, #tpu.memory_space<vmem>> -> memref<128x16xf32, #tpu.memory_space<vmem>>
      %dma_wait3A_543 = arith.constant 0 : i32
      %dma_wait3A_544 = arith.constant 0 : i32
      %dma_wait3A_545 = tpu.memref_slice %arg2[%dma_wait3A_543, %dma_wait3A_544] : memref<10240x16xf32, #tpu.memory_space<hbm>> -> memref<128x16xf32, #tpu.memory_space<hbm>>
      tpu.wait_dma2 semaphore(%arg17 : memref<!tpu.dma_semaphore, #tpu.memory_space<semaphore_mem>>) src(%dma_wait3A_545 : memref<128x16xf32, #tpu.memory_space<hbm>>) dst(%dma_wait3A_542 : memref<128x16xf32, #tpu.memory_space<vmem>>)
      %add3A_546 = arith.constant 6 : i32
      %add3A_547 = arith.addi %mul3A_362, %add3A_546 : i32
      %add3A_548 = arith.constant 0 : i32
      %add3A_549 = arith.addi %add3A_547, %add3A_548 : i32
      %dma_start3A_550 = arith.constant 0 : i32
      %dma_start3A_551 = arith.constant 0 : i32
      %dma_start3A_552 = arith.constant 0 : i32
      %dma_start3A_553 = tpu.memref_slice %arg7[%dma_start3A_550, %dma_start3A_551, %dma_start3A_552] : memref<6x128x16xf32, #tpu.memory_space<vmem>> -> memref<1x128x16xf32, #tpu.memory_space<vmem>>
      %dma_start3A_554 = tpu.memref_squeeze %dma_start3A_553 : memref<1x128x16xf32, #tpu.memory_space<vmem>> -> memref<128x16xf32, #tpu.memory_space<vmem>>
      %dma_start3A_555 = arith.constant 0 : i32
      %dma_start3A_556 = tpu.memref_slice %arg5[%add3A_549, %dma_start3A_555] : memref<79x128xi32, #tpu.memory_space<vmem>> -> memref<1x128xi32, #tpu.memory_space<vmem>>
      %dma_start3A_557 = tpu.memref_squeeze %dma_start3A_556 : memref<1x128xi32, #tpu.memory_space<vmem>> -> memref<128xi32, #tpu.memory_space<vmem>>
      %dma_start3A_558 = arith.constant 0 : i32
      %dma_start3A_559 = arith.constant 0 : i32
      %dma_start3A_560 = tpu.memref_slice %arg10[%dma_start3A_558, %dma_start3A_559] : memref<10240x16xf32, #tpu.memory_space<vmem_shared>> -> memref<10240x16xf32, #tpu.memory_space<vmem_shared>>
      tpu.enqueue_indirect_dma source(%dma_start3A_560 : memref<10240x16xf32, #tpu.memory_space<vmem_shared>>) target(%dma_start3A_554 : memref<128x16xf32, #tpu.memory_space<vmem>>) offsets(%dma_start3A_557 : memref<128xi32, #tpu.memory_space<vmem>>) semaphore(%arg11 : memref<!tpu.dma_semaphore, #tpu.memory_space<semaphore_mem>>)
      %dma_wait3A_561 = arith.constant 1 : i32
      %dma_wait3A_562 = arith.constant 0 : i32
      %dma_wait3A_563 = arith.constant 0 : i32
      %dma_wait3A_564 = tpu.memref_slice %arg7[%dma_wait3A_561, %dma_wait3A_562, %dma_wait3A_563] : memref<6x128x16xf32, #tpu.memory_space<vmem>> -> memref<1x128x16xf32, #tpu.memory_space<vmem>>
      %dma_wait3A_565 = tpu.memref_squeeze %dma_wait3A_564 : memref<1x128x16xf32, #tpu.memory_space<vmem>> -> memref<128x16xf32, #tpu.memory_space<vmem>>
      %dma_wait3A_566 = arith.constant 0 : i32
      %dma_wait3A_567 = arith.constant 0 : i32
      %dma_wait3A_568 = tpu.memref_slice %arg2[%dma_wait3A_566, %dma_wait3A_567] : memref<10240x16xf32, #tpu.memory_space<hbm>> -> memref<128x16xf32, #tpu.memory_space<hbm>>
      %dma_wait3A_569 = arith.constant 0 : i32
      %dma_wait3A_570 = arith.constant 0 : i32
      %dma_wait3A_571 = tpu.memref_slice %arg7[%dma_wait3A_561, %dma_wait3A_569, %dma_wait3A_570] : memref<6x128x16xf32, #tpu.memory_space<vmem>> -> memref<1x128x16xf32, #tpu.memory_space<vmem>>
      %dma_wait3A_572 = tpu.memref_squeeze %dma_wait3A_571 : memref<1x128x16xf32, #tpu.memory_space<vmem>> -> memref<128x16xf32, #tpu.memory_space<vmem>>
      %dma_wait3A_573 = arith.constant 0 : i32
      %dma_wait3A_574 = arith.constant 0 : i32
      %dma_wait3A_575 = tpu.memref_slice %arg2[%dma_wait3A_573, %dma_wait3A_574] : memref<10240x16xf32, #tpu.memory_space<hbm>> -> memref<128x16xf32, #tpu.memory_space<hbm>>
      tpu.wait_dma2 semaphore(%arg18 : memref<!tpu.dma_semaphore, #tpu.memory_space<semaphore_mem>>) src(%dma_wait3A_575 : memref<128x16xf32, #tpu.memory_space<hbm>>) dst(%dma_wait3A_572 : memref<128x16xf32, #tpu.memory_space<vmem>>)
      %add3A_576 = arith.constant 6 : i32
      %add3A_577 = arith.addi %mul3A_362, %add3A_576 : i32
      %add3A_578 = arith.constant 1 : i32
      %add3A_579 = arith.addi %add3A_577, %add3A_578 : i32
      %dma_start3A_580 = arith.constant 1 : i32
      %dma_start3A_581 = arith.constant 0 : i32
      %dma_start3A_582 = arith.constant 0 : i32
      %dma_start3A_583 = tpu.memref_slice %arg7[%dma_start3A_580, %dma_start3A_581, %dma_start3A_582] : memref<6x128x16xf32, #tpu.memory_space<vmem>> -> memref<1x128x16xf32, #tpu.memory_space<vmem>>
      %dma_start3A_584 = tpu.memref_squeeze %dma_start3A_583 : memref<1x128x16xf32, #tpu.memory_space<vmem>> -> memref<128x16xf32, #tpu.memory_space<vmem>>
      %dma_start3A_585 = arith.constant 0 : i32
      %dma_start3A_586 = tpu.memref_slice %arg5[%add3A_579, %dma_start3A_585] : memref<79x128xi32, #tpu.memory_space<vmem>> -> memref<1x128xi32, #tpu.memory_space<vmem>>
      %dma_start3A_587 = tpu.memref_squeeze %dma_start3A_586 : memref<1x128xi32, #tpu.memory_space<vmem>> -> memref<128xi32, #tpu.memory_space<vmem>>
      %dma_start3A_588 = arith.constant 0 : i32
      %dma_start3A_589 = arith.constant 0 : i32
      %dma_start3A_590 = tpu.memref_slice %arg10[%dma_start3A_588, %dma_start3A_589] : memref<10240x16xf32, #tpu.memory_space<vmem_shared>> -> memref<10240x16xf32, #tpu.memory_space<vmem_shared>>
      tpu.enqueue_indirect_dma source(%dma_start3A_590 : memref<10240x16xf32, #tpu.memory_space<vmem_shared>>) target(%dma_start3A_584 : memref<128x16xf32, #tpu.memory_space<vmem>>) offsets(%dma_start3A_587 : memref<128xi32, #tpu.memory_space<vmem>>) semaphore(%arg12 : memref<!tpu.dma_semaphore, #tpu.memory_space<semaphore_mem>>)
      %dma_wait3A_591 = arith.constant 2 : i32
      %dma_wait3A_592 = arith.constant 0 : i32
      %dma_wait3A_593 = arith.constant 0 : i32
      %dma_wait3A_594 = tpu.memref_slice %arg7[%dma_wait3A_591, %dma_wait3A_592, %dma_wait3A_593] : memref<6x128x16xf32, #tpu.memory_space<vmem>> -> memref<1x128x16xf32, #tpu.memory_space<vmem>>
      %dma_wait3A_595 = tpu.memref_squeeze %dma_wait3A_594 : memref<1x128x16xf32, #tpu.memory_space<vmem>> -> memref<128x16xf32, #tpu.memory_space<vmem>>
      %dma_wait3A_596 = arith.constant 0 : i32
      %dma_wait3A_597 = arith.constant 0 : i32
      %dma_wait3A_598 = tpu.memref_slice %arg2[%dma_wait3A_596, %dma_wait3A_597] : memref<10240x16xf32, #tpu.memory_space<hbm>> -> memref<128x16xf32, #tpu.memory_space<hbm>>
      %dma_wait3A_599 = arith.constant 0 : i32
      %dma_wait3A_600 = arith.constant 0 : i32
      %dma_wait3A_601 = tpu.memref_slice %arg7[%dma_wait3A_591, %dma_wait3A_599, %dma_wait3A_600] : memref<6x128x16xf32, #tpu.memory_space<vmem>> -> memref<1x128x16xf32, #tpu.memory_space<vmem>>
      %dma_wait3A_602 = tpu.memref_squeeze %dma_wait3A_601 : memref<1x128x16xf32, #tpu.memory_space<vmem>> -> memref<128x16xf32, #tpu.memory_space<vmem>>
      %dma_wait3A_603 = arith.constant 0 : i32
      %dma_wait3A_604 = arith.constant 0 : i32
      %dma_wait3A_605 = tpu.memref_slice %arg2[%dma_wait3A_603, %dma_wait3A_604] : memref<10240x16xf32, #tpu.memory_space<hbm>> -> memref<128x16xf32, #tpu.memory_space<hbm>>
      tpu.wait_dma2 semaphore(%arg19 : memref<!tpu.dma_semaphore, #tpu.memory_space<semaphore_mem>>) src(%dma_wait3A_605 : memref<128x16xf32, #tpu.memory_space<hbm>>) dst(%dma_wait3A_602 : memref<128x16xf32, #tpu.memory_space<vmem>>)
      %add3A_606 = arith.constant 6 : i32
      %add3A_607 = arith.addi %mul3A_362, %add3A_606 : i32
      %add3A_608 = arith.constant 2 : i32
      %add3A_609 = arith.addi %add3A_607, %add3A_608 : i32
      %dma_start3A_610 = arith.constant 2 : i32
      %dma_start3A_611 = arith.constant 0 : i32
      %dma_start3A_612 = arith.constant 0 : i32
      %dma_start3A_613 = tpu.memref_slice %arg7[%dma_start3A_610, %dma_start3A_611, %dma_start3A_612] : memref<6x128x16xf32, #tpu.memory_space<vmem>> -> memref<1x128x16xf32, #tpu.memory_space<vmem>>
      %dma_start3A_614 = tpu.memref_squeeze %dma_start3A_613 : memref<1x128x16xf32, #tpu.memory_space<vmem>> -> memref<128x16xf32, #tpu.memory_space<vmem>>
      %dma_start3A_615 = arith.constant 0 : i32
      %dma_start3A_616 = tpu.memref_slice %arg5[%add3A_609, %dma_start3A_615] : memref<79x128xi32, #tpu.memory_space<vmem>> -> memref<1x128xi32, #tpu.memory_space<vmem>>
      %dma_start3A_617 = tpu.memref_squeeze %dma_start3A_616 : memref<1x128xi32, #tpu.memory_space<vmem>> -> memref<128xi32, #tpu.memory_space<vmem>>
      %dma_start3A_618 = arith.constant 0 : i32
      %dma_start3A_619 = arith.constant 0 : i32
      %dma_start3A_620 = tpu.memref_slice %arg10[%dma_start3A_618, %dma_start3A_619] : memref<10240x16xf32, #tpu.memory_space<vmem_shared>> -> memref<10240x16xf32, #tpu.memory_space<vmem_shared>>
      tpu.enqueue_indirect_dma source(%dma_start3A_620 : memref<10240x16xf32, #tpu.memory_space<vmem_shared>>) target(%dma_start3A_614 : memref<128x16xf32, #tpu.memory_space<vmem>>) offsets(%dma_start3A_617 : memref<128xi32, #tpu.memory_space<vmem>>) semaphore(%arg13 : memref<!tpu.dma_semaphore, #tpu.memory_space<semaphore_mem>>)
      %dma_wait3A_621 = arith.constant 3 : i32
      %dma_wait3A_622 = arith.constant 0 : i32
      %dma_wait3A_623 = arith.constant 0 : i32
      %dma_wait3A_624 = tpu.memref_slice %arg7[%dma_wait3A_621, %dma_wait3A_622, %dma_wait3A_623] : memref<6x128x16xf32, #tpu.memory_space<vmem>> -> memref<1x128x16xf32, #tpu.memory_space<vmem>>
      %dma_wait3A_625 = tpu.memref_squeeze %dma_wait3A_624 : memref<1x128x16xf32, #tpu.memory_space<vmem>> -> memref<128x16xf32, #tpu.memory_space<vmem>>
      %dma_wait3A_626 = arith.constant 0 : i32
      %dma_wait3A_627 = arith.constant 0 : i32
      %dma_wait3A_628 = tpu.memref_slice %arg2[%dma_wait3A_626, %dma_wait3A_627] : memref<10240x16xf32, #tpu.memory_space<hbm>> -> memref<128x16xf32, #tpu.memory_space<hbm>>
      %dma_wait3A_629 = arith.constant 0 : i32
      %dma_wait3A_630 = arith.constant 0 : i32
      %dma_wait3A_631 = tpu.memref_slice %arg7[%dma_wait3A_621, %dma_wait3A_629, %dma_wait3A_630] : memref<6x128x16xf32, #tpu.memory_space<vmem>> -> memref<1x128x16xf32, #tpu.memory_space<vmem>>
      %dma_wait3A_632 = tpu.memref_squeeze %dma_wait3A_631 : memref<1x128x16xf32, #tpu.memory_space<vmem>> -> memref<128x16xf32, #tpu.memory_space<vmem>>
      %dma_wait3A_633 = arith.constant 0 : i32
      %dma_wait3A_634 = arith.constant 0 : i32
      %dma_wait3A_635 = tpu.memref_slice %arg2[%dma_wait3A_633, %dma_wait3A_634] : memref<10240x16xf32, #tpu.memory_space<hbm>> -> memref<128x16xf32, #tpu.memory_space<hbm>>
      tpu.wait_dma2 semaphore(%arg20 : memref<!tpu.dma_semaphore, #tpu.memory_space<semaphore_mem>>) src(%dma_wait3A_635 : memref<128x16xf32, #tpu.memory_space<hbm>>) dst(%dma_wait3A_632 : memref<128x16xf32, #tpu.memory_space<vmem>>)
      %add3A_636 = arith.constant 6 : i32
      %add3A_637 = arith.addi %mul3A_362, %add3A_636 : i32
      %add3A_638 = arith.constant 3 : i32
      %add3A_639 = arith.addi %add3A_637, %add3A_638 : i32
      %dma_start3A_640 = arith.constant 3 : i32
      %dma_start3A_641 = arith.constant 0 : i32
      %dma_start3A_642 = arith.constant 0 : i32
      %dma_start3A_643 = tpu.memref_slice %arg7[%dma_start3A_640, %dma_start3A_641, %dma_start3A_642] : memref<6x128x16xf32, #tpu.memory_space<vmem>> -> memref<1x128x16xf32, #tpu.memory_space<vmem>>
      %dma_start3A_644 = tpu.memref_squeeze %dma_start3A_643 : memref<1x128x16xf32, #tpu.memory_space<vmem>> -> memref<128x16xf32, #tpu.memory_space<vmem>>
      %dma_start3A_645 = arith.constant 0 : i32
      %dma_start3A_646 = tpu.memref_slice %arg5[%add3A_639, %dma_start3A_645] : memref<79x128xi32, #tpu.memory_space<vmem>> -> memref<1x128xi32, #tpu.memory_space<vmem>>
      %dma_start3A_647 = tpu.memref_squeeze %dma_start3A_646 : memref<1x128xi32, #tpu.memory_space<vmem>> -> memref<128xi32, #tpu.memory_space<vmem>>
      %dma_start3A_648 = arith.constant 0 : i32
      %dma_start3A_649 = arith.constant 0 : i32
      %dma_start3A_650 = tpu.memref_slice %arg10[%dma_start3A_648, %dma_start3A_649] : memref<10240x16xf32, #tpu.memory_space<vmem_shared>> -> memref<10240x16xf32, #tpu.memory_space<vmem_shared>>
      tpu.enqueue_indirect_dma source(%dma_start3A_650 : memref<10240x16xf32, #tpu.memory_space<vmem_shared>>) target(%dma_start3A_644 : memref<128x16xf32, #tpu.memory_space<vmem>>) offsets(%dma_start3A_647 : memref<128xi32, #tpu.memory_space<vmem>>) semaphore(%arg14 : memref<!tpu.dma_semaphore, #tpu.memory_space<semaphore_mem>>)
      %dma_wait3A_651 = arith.constant 4 : i32
      %dma_wait3A_652 = arith.constant 0 : i32
      %dma_wait3A_653 = arith.constant 0 : i32
      %dma_wait3A_654 = tpu.memref_slice %arg7[%dma_wait3A_651, %dma_wait3A_652, %dma_wait3A_653] : memref<6x128x16xf32, #tpu.memory_space<vmem>> -> memref<1x128x16xf32, #tpu.memory_space<vmem>>
      %dma_wait3A_655 = tpu.memref_squeeze %dma_wait3A_654 : memref<1x128x16xf32, #tpu.memory_space<vmem>> -> memref<128x16xf32, #tpu.memory_space<vmem>>
      %dma_wait3A_656 = arith.constant 0 : i32
      %dma_wait3A_657 = arith.constant 0 : i32
      %dma_wait3A_658 = tpu.memref_slice %arg2[%dma_wait3A_656, %dma_wait3A_657] : memref<10240x16xf32, #tpu.memory_space<hbm>> -> memref<128x16xf32, #tpu.memory_space<hbm>>
      %dma_wait3A_659 = arith.constant 0 : i32
      %dma_wait3A_660 = arith.constant 0 : i32
      %dma_wait3A_661 = tpu.memref_slice %arg7[%dma_wait3A_651, %dma_wait3A_659, %dma_wait3A_660] : memref<6x128x16xf32, #tpu.memory_space<vmem>> -> memref<1x128x16xf32, #tpu.memory_space<vmem>>
      %dma_wait3A_662 = tpu.memref_squeeze %dma_wait3A_661 : memref<1x128x16xf32, #tpu.memory_space<vmem>> -> memref<128x16xf32, #tpu.memory_space<vmem>>
      %dma_wait3A_663 = arith.constant 0 : i32
      %dma_wait3A_664 = arith.constant 0 : i32
      %dma_wait3A_665 = tpu.memref_slice %arg2[%dma_wait3A_663, %dma_wait3A_664] : memref<10240x16xf32, #tpu.memory_space<hbm>> -> memref<128x16xf32, #tpu.memory_space<hbm>>
      tpu.wait_dma2 semaphore(%arg21 : memref<!tpu.dma_semaphore, #tpu.memory_space<semaphore_mem>>) src(%dma_wait3A_665 : memref<128x16xf32, #tpu.memory_space<hbm>>) dst(%dma_wait3A_662 : memref<128x16xf32, #tpu.memory_space<vmem>>)
      %add3A_666 = arith.constant 6 : i32
      %add3A_667 = arith.addi %mul3A_362, %add3A_666 : i32
      %add3A_668 = arith.constant 4 : i32
      %add3A_669 = arith.addi %add3A_667, %add3A_668 : i32
      %dma_start3A_670 = arith.constant 4 : i32
      %dma_start3A_671 = arith.constant 0 : i32
      %dma_start3A_672 = arith.constant 0 : i32
      %dma_start3A_673 = tpu.memref_slice %arg7[%dma_start3A_670, %dma_start3A_671, %dma_start3A_672] : memref<6x128x16xf32, #tpu.memory_space<vmem>> -> memref<1x128x16xf32, #tpu.memory_space<vmem>>
      %dma_start3A_674 = tpu.memref_squeeze %dma_start3A_673 : memref<1x128x16xf32, #tpu.memory_space<vmem>> -> memref<128x16xf32, #tpu.memory_space<vmem>>
      %dma_start3A_675 = arith.constant 0 : i32
      %dma_start3A_676 = tpu.memref_slice %arg5[%add3A_669, %dma_start3A_675] : memref<79x128xi32, #tpu.memory_space<vmem>> -> memref<1x128xi32, #tpu.memory_space<vmem>>
      %dma_start3A_677 = tpu.memref_squeeze %dma_start3A_676 : memref<1x128xi32, #tpu.memory_space<vmem>> -> memref<128xi32, #tpu.memory_space<vmem>>
      %dma_start3A_678 = arith.constant 0 : i32
      %dma_start3A_679 = arith.constant 0 : i32
      %dma_start3A_680 = tpu.memref_slice %arg10[%dma_start3A_678, %dma_start3A_679] : memref<10240x16xf32, #tpu.memory_space<vmem_shared>> -> memref<10240x16xf32, #tpu.memory_space<vmem_shared>>
      tpu.enqueue_indirect_dma source(%dma_start3A_680 : memref<10240x16xf32, #tpu.memory_space<vmem_shared>>) target(%dma_start3A_674 : memref<128x16xf32, #tpu.memory_space<vmem>>) offsets(%dma_start3A_677 : memref<128xi32, #tpu.memory_space<vmem>>) semaphore(%arg15 : memref<!tpu.dma_semaphore, #tpu.memory_space<semaphore_mem>>)
      %dma_wait3A_681 = arith.constant 5 : i32
      %dma_wait3A_682 = arith.constant 0 : i32
      %dma_wait3A_683 = arith.constant 0 : i32
      %dma_wait3A_684 = tpu.memref_slice %arg7[%dma_wait3A_681, %dma_wait3A_682, %dma_wait3A_683] : memref<6x128x16xf32, #tpu.memory_space<vmem>> -> memref<1x128x16xf32, #tpu.memory_space<vmem>>
      %dma_wait3A_685 = tpu.memref_squeeze %dma_wait3A_684 : memref<1x128x16xf32, #tpu.memory_space<vmem>> -> memref<128x16xf32, #tpu.memory_space<vmem>>
      %dma_wait3A_686 = arith.constant 0 : i32
      %dma_wait3A_687 = arith.constant 0 : i32
      %dma_wait3A_688 = tpu.memref_slice %arg2[%dma_wait3A_686, %dma_wait3A_687] : memref<10240x16xf32, #tpu.memory_space<hbm>> -> memref<128x16xf32, #tpu.memory_space<hbm>>
      %dma_wait3A_689 = arith.constant 0 : i32
      %dma_wait3A_690 = arith.constant 0 : i32
      %dma_wait3A_691 = tpu.memref_slice %arg7[%dma_wait3A_681, %dma_wait3A_689, %dma_wait3A_690] : memref<6x128x16xf32, #tpu.memory_space<vmem>> -> memref<1x128x16xf32, #tpu.memory_space<vmem>>
      %dma_wait3A_692 = tpu.memref_squeeze %dma_wait3A_691 : memref<1x128x16xf32, #tpu.memory_space<vmem>> -> memref<128x16xf32, #tpu.memory_space<vmem>>
      %dma_wait3A_693 = arith.constant 0 : i32
      %dma_wait3A_694 = arith.constant 0 : i32
      %dma_wait3A_695 = tpu.memref_slice %arg2[%dma_wait3A_693, %dma_wait3A_694] : memref<10240x16xf32, #tpu.memory_space<hbm>> -> memref<128x16xf32, #tpu.memory_space<hbm>>
      tpu.wait_dma2 semaphore(%arg22 : memref<!tpu.dma_semaphore, #tpu.memory_space<semaphore_mem>>) src(%dma_wait3A_695 : memref<128x16xf32, #tpu.memory_space<hbm>>) dst(%dma_wait3A_692 : memref<128x16xf32, #tpu.memory_space<vmem>>)
      %add3A_696 = arith.constant 6 : i32
      %add3A_697 = arith.addi %mul3A_362, %add3A_696 : i32
      %add3A_698 = arith.constant 5 : i32
      %add3A_699 = arith.addi %add3A_697, %add3A_698 : i32
      %dma_start3A_700 = arith.constant 5 : i32
      %dma_start3A_701 = arith.constant 0 : i32
      %dma_start3A_702 = arith.constant 0 : i32
      %dma_start3A_703 = tpu.memref_slice %arg7[%dma_start3A_700, %dma_start3A_701, %dma_start3A_702] : memref<6x128x16xf32, #tpu.memory_space<vmem>> -> memref<1x128x16xf32, #tpu.memory_space<vmem>>
      %dma_start3A_704 = tpu.memref_squeeze %dma_start3A_703 : memref<1x128x16xf32, #tpu.memory_space<vmem>> -> memref<128x16xf32, #tpu.memory_space<vmem>>
      %dma_start3A_705 = arith.constant 0 : i32
      %dma_start3A_706 = tpu.memref_slice %arg5[%add3A_699, %dma_start3A_705] : memref<79x128xi32, #tpu.memory_space<vmem>> -> memref<1x128xi32, #tpu.memory_space<vmem>>
      %dma_start3A_707 = tpu.memref_squeeze %dma_start3A_706 : memref<1x128xi32, #tpu.memory_space<vmem>> -> memref<128xi32, #tpu.memory_space<vmem>>
      %dma_start3A_708 = arith.constant 0 : i32
      %dma_start3A_709 = arith.constant 0 : i32
      %dma_start3A_710 = tpu.memref_slice %arg10[%dma_start3A_708, %dma_start3A_709] : memref<10240x16xf32, #tpu.memory_space<vmem_shared>> -> memref<10240x16xf32, #tpu.memory_space<vmem_shared>>
      tpu.enqueue_indirect_dma source(%dma_start3A_710 : memref<10240x16xf32, #tpu.memory_space<vmem_shared>>) target(%dma_start3A_704 : memref<128x16xf32, #tpu.memory_space<vmem>>) offsets(%dma_start3A_707 : memref<128xi32, #tpu.memory_space<vmem>>) semaphore(%arg16 : memref<!tpu.dma_semaphore, #tpu.memory_space<semaphore_mem>>)
      %scan3A_711 = arith.constant 0 : i32
      scf.yield %scan3A_711 : i32
    }
    %scan3A_97 = arith.constant 12 : i32
    %dma_wait3A = arith.constant 0 : i32
    %dma_wait3A_98 = arith.constant 0 : i32
    %dma_wait3A_99 = arith.constant 0 : i32
    %dma_wait3A_100 = tpu.memref_slice %arg7[%dma_wait3A, %dma_wait3A_98, %dma_wait3A_99] : memref<6x128x16xf32, #tpu.memory_space<vmem>> -> memref<1x128x16xf32, #tpu.memory_space<vmem>>
    %dma_wait3A_101 = tpu.memref_squeeze %dma_wait3A_100 : memref<1x128x16xf32, #tpu.memory_space<vmem>> -> memref<128x16xf32, #tpu.memory_space<vmem>>
    %dma_wait3A_102 = arith.constant 0 : i32
    %dma_wait3A_103 = arith.constant 0 : i32
    %dma_wait3A_104 = tpu.memref_slice %arg2[%dma_wait3A_102, %dma_wait3A_103] : memref<10240x16xf32, #tpu.memory_space<hbm>> -> memref<128x16xf32, #tpu.memory_space<hbm>>
    %dma_wait3A_105 = arith.constant 0 : i32
    %dma_wait3A_106 = arith.constant 0 : i32
    %dma_wait3A_107 = tpu.memref_slice %arg7[%dma_wait3A, %dma_wait3A_105, %dma_wait3A_106] : memref<6x128x16xf32, #tpu.memory_space<vmem>> -> memref<1x128x16xf32, #tpu.memory_space<vmem>>
    %dma_wait3A_108 = tpu.memref_squeeze %dma_wait3A_107 : memref<1x128x16xf32, #tpu.memory_space<vmem>> -> memref<128x16xf32, #tpu.memory_space<vmem>>
    %dma_wait3A_109 = arith.constant 0 : i32
    %dma_wait3A_110 = arith.constant 0 : i32
    %dma_wait3A_111 = tpu.memref_slice %arg2[%dma_wait3A_109, %dma_wait3A_110] : memref<10240x16xf32, #tpu.memory_space<hbm>> -> memref<128x16xf32, #tpu.memory_space<hbm>>
    tpu.wait_dma2 semaphore(%arg11 : memref<!tpu.dma_semaphore, #tpu.memory_space<semaphore_mem>>) src(%dma_wait3A_111 : memref<128x16xf32, #tpu.memory_space<hbm>>) dst(%dma_wait3A_108 : memref<128x16xf32, #tpu.memory_space<vmem>>)
    %dma_start3A_112 = arith.constant 0 : i32
    %dma_start3A_113 = arith.constant 72 : i32
    %dma_start3A_114 = arith.constant 0 : i32
    %dma_start3A_115 = arith.constant 0 : i32
    %dma_start3A_116 = tpu.memref_slice %arg7[%dma_start3A_112, %dma_start3A_114, %dma_start3A_115] : memref<6x128x16xf32, #tpu.memory_space<vmem>> -> memref<1x128x16xf32, #tpu.memory_space<vmem>>
    %dma_start3A_117 = tpu.memref_squeeze %dma_start3A_116 : memref<1x128x16xf32, #tpu.memory_space<vmem>> -> memref<128x16xf32, #tpu.memory_space<vmem>>
    %dma_start3A_118 = arith.constant 0 : i32
    %dma_start3A_119 = tpu.memref_slice %arg6[%dma_start3A_113, %dma_start3A_118] : memref<79x128xi32, #tpu.memory_space<vmem>> -> memref<1x128xi32, #tpu.memory_space<vmem>>
    %dma_start3A_120 = tpu.memref_squeeze %dma_start3A_119 : memref<1x128xi32, #tpu.memory_space<vmem>> -> memref<128xi32, #tpu.memory_space<vmem>>
    %dma_start3A_121 = arith.constant 0 : i32
    %dma_start3A_122 = arith.constant 0 : i32
    %dma_start3A_123 = tpu.memref_slice %arg9[%dma_start3A_121, %dma_start3A_122] : memref<10240x16xf32, #tpu.memory_space<vmem_shared>> -> memref<10240x16xf32, #tpu.memory_space<vmem_shared>>
    tpu.enqueue_indirect_dma source(%dma_start3A_117 : memref<128x16xf32, #tpu.memory_space<vmem>>) target(%dma_start3A_123 : memref<10240x16xf32, #tpu.memory_space<vmem_shared>>) offsets(%dma_start3A_120 : memref<128xi32, #tpu.memory_space<vmem>>) semaphore(%arg17 : memref<!tpu.dma_semaphore, #tpu.memory_space<semaphore_mem>>) {add = true}
    %dma_wait3A_124 = arith.constant 1 : i32
    %dma_wait3A_125 = arith.constant 0 : i32
    %dma_wait3A_126 = arith.constant 0 : i32
    %dma_wait3A_127 = tpu.memref_slice %arg7[%dma_wait3A_124, %dma_wait3A_125, %dma_wait3A_126] : memref<6x128x16xf32, #tpu.memory_space<vmem>> -> memref<1x128x16xf32, #tpu.memory_space<vmem>>
    %dma_wait3A_128 = tpu.memref_squeeze %dma_wait3A_127 : memref<1x128x16xf32, #tpu.memory_space<vmem>> -> memref<128x16xf32, #tpu.memory_space<vmem>>
    %dma_wait3A_129 = arith.constant 0 : i32
    %dma_wait3A_130 = arith.constant 0 : i32
    %dma_wait3A_131 = tpu.memref_slice %arg2[%dma_wait3A_129, %dma_wait3A_130] : memref<10240x16xf32, #tpu.memory_space<hbm>> -> memref<128x16xf32, #tpu.memory_space<hbm>>
    %dma_wait3A_132 = arith.constant 0 : i32
    %dma_wait3A_133 = arith.constant 0 : i32
    %dma_wait3A_134 = tpu.memref_slice %arg7[%dma_wait3A_124, %dma_wait3A_132, %dma_wait3A_133] : memref<6x128x16xf32, #tpu.memory_space<vmem>> -> memref<1x128x16xf32, #tpu.memory_space<vmem>>
    %dma_wait3A_135 = tpu.memref_squeeze %dma_wait3A_134 : memref<1x128x16xf32, #tpu.memory_space<vmem>> -> memref<128x16xf32, #tpu.memory_space<vmem>>
    %dma_wait3A_136 = arith.constant 0 : i32
    %dma_wait3A_137 = arith.constant 0 : i32
    %dma_wait3A_138 = tpu.memref_slice %arg2[%dma_wait3A_136, %dma_wait3A_137] : memref<10240x16xf32, #tpu.memory_space<hbm>> -> memref<128x16xf32, #tpu.memory_space<hbm>>
    tpu.wait_dma2 semaphore(%arg12 : memref<!tpu.dma_semaphore, #tpu.memory_space<semaphore_mem>>) src(%dma_wait3A_138 : memref<128x16xf32, #tpu.memory_space<hbm>>) dst(%dma_wait3A_135 : memref<128x16xf32, #tpu.memory_space<vmem>>)
    %dma_start3A_139 = arith.constant 1 : i32
    %dma_start3A_140 = arith.constant 73 : i32
    %dma_start3A_141 = arith.constant 0 : i32
    %dma_start3A_142 = arith.constant 0 : i32
    %dma_start3A_143 = tpu.memref_slice %arg7[%dma_start3A_139, %dma_start3A_141, %dma_start3A_142] : memref<6x128x16xf32, #tpu.memory_space<vmem>> -> memref<1x128x16xf32, #tpu.memory_space<vmem>>
    %dma_start3A_144 = tpu.memref_squeeze %dma_start3A_143 : memref<1x128x16xf32, #tpu.memory_space<vmem>> -> memref<128x16xf32, #tpu.memory_space<vmem>>
    %dma_start3A_145 = arith.constant 0 : i32
    %dma_start3A_146 = tpu.memref_slice %arg6[%dma_start3A_140, %dma_start3A_145] : memref<79x128xi32, #tpu.memory_space<vmem>> -> memref<1x128xi32, #tpu.memory_space<vmem>>
    %dma_start3A_147 = tpu.memref_squeeze %dma_start3A_146 : memref<1x128xi32, #tpu.memory_space<vmem>> -> memref<128xi32, #tpu.memory_space<vmem>>
    %dma_start3A_148 = arith.constant 0 : i32
    %dma_start3A_149 = arith.constant 0 : i32
    %dma_start3A_150 = tpu.memref_slice %arg9[%dma_start3A_148, %dma_start3A_149] : memref<10240x16xf32, #tpu.memory_space<vmem_shared>> -> memref<10240x16xf32, #tpu.memory_space<vmem_shared>>
    tpu.enqueue_indirect_dma source(%dma_start3A_144 : memref<128x16xf32, #tpu.memory_space<vmem>>) target(%dma_start3A_150 : memref<10240x16xf32, #tpu.memory_space<vmem_shared>>) offsets(%dma_start3A_147 : memref<128xi32, #tpu.memory_space<vmem>>) semaphore(%arg18 : memref<!tpu.dma_semaphore, #tpu.memory_space<semaphore_mem>>) {add = true}
    %dma_wait3A_151 = arith.constant 2 : i32
    %dma_wait3A_152 = arith.constant 0 : i32
    %dma_wait3A_153 = arith.constant 0 : i32
    %dma_wait3A_154 = tpu.memref_slice %arg7[%dma_wait3A_151, %dma_wait3A_152, %dma_wait3A_153] : memref<6x128x16xf32, #tpu.memory_space<vmem>> -> memref<1x128x16xf32, #tpu.memory_space<vmem>>
    %dma_wait3A_155 = tpu.memref_squeeze %dma_wait3A_154 : memref<1x128x16xf32, #tpu.memory_space<vmem>> -> memref<128x16xf32, #tpu.memory_space<vmem>>
    %dma_wait3A_156 = arith.constant 0 : i32
    %dma_wait3A_157 = arith.constant 0 : i32
    %dma_wait3A_158 = tpu.memref_slice %arg2[%dma_wait3A_156, %dma_wait3A_157] : memref<10240x16xf32, #tpu.memory_space<hbm>> -> memref<128x16xf32, #tpu.memory_space<hbm>>
    %dma_wait3A_159 = arith.constant 0 : i32
    %dma_wait3A_160 = arith.constant 0 : i32
    %dma_wait3A_161 = tpu.memref_slice %arg7[%dma_wait3A_151, %dma_wait3A_159, %dma_wait3A_160] : memref<6x128x16xf32, #tpu.memory_space<vmem>> -> memref<1x128x16xf32, #tpu.memory_space<vmem>>
    %dma_wait3A_162 = tpu.memref_squeeze %dma_wait3A_161 : memref<1x128x16xf32, #tpu.memory_space<vmem>> -> memref<128x16xf32, #tpu.memory_space<vmem>>
    %dma_wait3A_163 = arith.constant 0 : i32
    %dma_wait3A_164 = arith.constant 0 : i32
    %dma_wait3A_165 = tpu.memref_slice %arg2[%dma_wait3A_163, %dma_wait3A_164] : memref<10240x16xf32, #tpu.memory_space<hbm>> -> memref<128x16xf32, #tpu.memory_space<hbm>>
    tpu.wait_dma2 semaphore(%arg13 : memref<!tpu.dma_semaphore, #tpu.memory_space<semaphore_mem>>) src(%dma_wait3A_165 : memref<128x16xf32, #tpu.memory_space<hbm>>) dst(%dma_wait3A_162 : memref<128x16xf32, #tpu.memory_space<vmem>>)
    %dma_start3A_166 = arith.constant 2 : i32
    %dma_start3A_167 = arith.constant 74 : i32
    %dma_start3A_168 = arith.constant 0 : i32
    %dma_start3A_169 = arith.constant 0 : i32
    %dma_start3A_170 = tpu.memref_slice %arg7[%dma_start3A_166, %dma_start3A_168, %dma_start3A_169] : memref<6x128x16xf32, #tpu.memory_space<vmem>> -> memref<1x128x16xf32, #tpu.memory_space<vmem>>
    %dma_start3A_171 = tpu.memref_squeeze %dma_start3A_170 : memref<1x128x16xf32, #tpu.memory_space<vmem>> -> memref<128x16xf32, #tpu.memory_space<vmem>>
    %dma_start3A_172 = arith.constant 0 : i32
    %dma_start3A_173 = tpu.memref_slice %arg6[%dma_start3A_167, %dma_start3A_172] : memref<79x128xi32, #tpu.memory_space<vmem>> -> memref<1x128xi32, #tpu.memory_space<vmem>>
    %dma_start3A_174 = tpu.memref_squeeze %dma_start3A_173 : memref<1x128xi32, #tpu.memory_space<vmem>> -> memref<128xi32, #tpu.memory_space<vmem>>
    %dma_start3A_175 = arith.constant 0 : i32
    %dma_start3A_176 = arith.constant 0 : i32
    %dma_start3A_177 = tpu.memref_slice %arg9[%dma_start3A_175, %dma_start3A_176] : memref<10240x16xf32, #tpu.memory_space<vmem_shared>> -> memref<10240x16xf32, #tpu.memory_space<vmem_shared>>
    tpu.enqueue_indirect_dma source(%dma_start3A_171 : memref<128x16xf32, #tpu.memory_space<vmem>>) target(%dma_start3A_177 : memref<10240x16xf32, #tpu.memory_space<vmem_shared>>) offsets(%dma_start3A_174 : memref<128xi32, #tpu.memory_space<vmem>>) semaphore(%arg19 : memref<!tpu.dma_semaphore, #tpu.memory_space<semaphore_mem>>) {add = true}
    %dma_wait3A_178 = arith.constant 3 : i32
    %dma_wait3A_179 = arith.constant 0 : i32
    %dma_wait3A_180 = arith.constant 0 : i32
    %dma_wait3A_181 = tpu.memref_slice %arg7[%dma_wait3A_178, %dma_wait3A_179, %dma_wait3A_180] : memref<6x128x16xf32, #tpu.memory_space<vmem>> -> memref<1x128x16xf32, #tpu.memory_space<vmem>>
    %dma_wait3A_182 = tpu.memref_squeeze %dma_wait3A_181 : memref<1x128x16xf32, #tpu.memory_space<vmem>> -> memref<128x16xf32, #tpu.memory_space<vmem>>
    %dma_wait3A_183 = arith.constant 0 : i32
    %dma_wait3A_184 = arith.constant 0 : i32
    %dma_wait3A_185 = tpu.memref_slice %arg2[%dma_wait3A_183, %dma_wait3A_184] : memref<10240x16xf32, #tpu.memory_space<hbm>> -> memref<128x16xf32, #tpu.memory_space<hbm>>
    %dma_wait3A_186 = arith.constant 0 : i32
    %dma_wait3A_187 = arith.constant 0 : i32
    %dma_wait3A_188 = tpu.memref_slice %arg7[%dma_wait3A_178, %dma_wait3A_186, %dma_wait3A_187] : memref<6x128x16xf32, #tpu.memory_space<vmem>> -> memref<1x128x16xf32, #tpu.memory_space<vmem>>
    %dma_wait3A_189 = tpu.memref_squeeze %dma_wait3A_188 : memref<1x128x16xf32, #tpu.memory_space<vmem>> -> memref<128x16xf32, #tpu.memory_space<vmem>>
    %dma_wait3A_190 = arith.constant 0 : i32
    %dma_wait3A_191 = arith.constant 0 : i32
    %dma_wait3A_192 = tpu.memref_slice %arg2[%dma_wait3A_190, %dma_wait3A_191] : memref<10240x16xf32, #tpu.memory_space<hbm>> -> memref<128x16xf32, #tpu.memory_space<hbm>>
    tpu.wait_dma2 semaphore(%arg14 : memref<!tpu.dma_semaphore, #tpu.memory_space<semaphore_mem>>) src(%dma_wait3A_192 : memref<128x16xf32, #tpu.memory_space<hbm>>) dst(%dma_wait3A_189 : memref<128x16xf32, #tpu.memory_space<vmem>>)
    %dma_start3A_193 = arith.constant 3 : i32
    %dma_start3A_194 = arith.constant 75 : i32
    %dma_start3A_195 = arith.constant 0 : i32
    %dma_start3A_196 = arith.constant 0 : i32
    %dma_start3A_197 = tpu.memref_slice %arg7[%dma_start3A_193, %dma_start3A_195, %dma_start3A_196] : memref<6x128x16xf32, #tpu.memory_space<vmem>> -> memref<1x128x16xf32, #tpu.memory_space<vmem>>
    %dma_start3A_198 = tpu.memref_squeeze %dma_start3A_197 : memref<1x128x16xf32, #tpu.memory_space<vmem>> -> memref<128x16xf32, #tpu.memory_space<vmem>>
    %dma_start3A_199 = arith.constant 0 : i32
    %dma_start3A_200 = tpu.memref_slice %arg6[%dma_start3A_194, %dma_start3A_199] : memref<79x128xi32, #tpu.memory_space<vmem>> -> memref<1x128xi32, #tpu.memory_space<vmem>>
    %dma_start3A_201 = tpu.memref_squeeze %dma_start3A_200 : memref<1x128xi32, #tpu.memory_space<vmem>> -> memref<128xi32, #tpu.memory_space<vmem>>
    %dma_start3A_202 = arith.constant 0 : i32
    %dma_start3A_203 = arith.constant 0 : i32
    %dma_start3A_204 = tpu.memref_slice %arg9[%dma_start3A_202, %dma_start3A_203] : memref<10240x16xf32, #tpu.memory_space<vmem_shared>> -> memref<10240x16xf32, #tpu.memory_space<vmem_shared>>
    tpu.enqueue_indirect_dma source(%dma_start3A_198 : memref<128x16xf32, #tpu.memory_space<vmem>>) target(%dma_start3A_204 : memref<10240x16xf32, #tpu.memory_space<vmem_shared>>) offsets(%dma_start3A_201 : memref<128xi32, #tpu.memory_space<vmem>>) semaphore(%arg20 : memref<!tpu.dma_semaphore, #tpu.memory_space<semaphore_mem>>) {add = true}
    %dma_wait3A_205 = arith.constant 4 : i32
    %dma_wait3A_206 = arith.constant 0 : i32
    %dma_wait3A_207 = arith.constant 0 : i32
    %dma_wait3A_208 = tpu.memref_slice %arg7[%dma_wait3A_205, %dma_wait3A_206, %dma_wait3A_207] : memref<6x128x16xf32, #tpu.memory_space<vmem>> -> memref<1x128x16xf32, #tpu.memory_space<vmem>>
    %dma_wait3A_209 = tpu.memref_squeeze %dma_wait3A_208 : memref<1x128x16xf32, #tpu.memory_space<vmem>> -> memref<128x16xf32, #tpu.memory_space<vmem>>
    %dma_wait3A_210 = arith.constant 0 : i32
    %dma_wait3A_211 = arith.constant 0 : i32
    %dma_wait3A_212 = tpu.memref_slice %arg2[%dma_wait3A_210, %dma_wait3A_211] : memref<10240x16xf32, #tpu.memory_space<hbm>> -> memref<128x16xf32, #tpu.memory_space<hbm>>
    %dma_wait3A_213 = arith.constant 0 : i32
    %dma_wait3A_214 = arith.constant 0 : i32
    %dma_wait3A_215 = tpu.memref_slice %arg7[%dma_wait3A_205, %dma_wait3A_213, %dma_wait3A_214] : memref<6x128x16xf32, #tpu.memory_space<vmem>> -> memref<1x128x16xf32, #tpu.memory_space<vmem>>
    %dma_wait3A_216 = tpu.memref_squeeze %dma_wait3A_215 : memref<1x128x16xf32, #tpu.memory_space<vmem>> -> memref<128x16xf32, #tpu.memory_space<vmem>>
    %dma_wait3A_217 = arith.constant 0 : i32
    %dma_wait3A_218 = arith.constant 0 : i32
    %dma_wait3A_219 = tpu.memref_slice %arg2[%dma_wait3A_217, %dma_wait3A_218] : memref<10240x16xf32, #tpu.memory_space<hbm>> -> memref<128x16xf32, #tpu.memory_space<hbm>>
    tpu.wait_dma2 semaphore(%arg15 : memref<!tpu.dma_semaphore, #tpu.memory_space<semaphore_mem>>) src(%dma_wait3A_219 : memref<128x16xf32, #tpu.memory_space<hbm>>) dst(%dma_wait3A_216 : memref<128x16xf32, #tpu.memory_space<vmem>>)
    %dma_start3A_220 = arith.constant 4 : i32
    %dma_start3A_221 = arith.constant 76 : i32
    %dma_start3A_222 = arith.constant 0 : i32
    %dma_start3A_223 = arith.constant 0 : i32
    %dma_start3A_224 = tpu.memref_slice %arg7[%dma_start3A_220, %dma_start3A_222, %dma_start3A_223] : memref<6x128x16xf32, #tpu.memory_space<vmem>> -> memref<1x128x16xf32, #tpu.memory_space<vmem>>
    %dma_start3A_225 = tpu.memref_squeeze %dma_start3A_224 : memref<1x128x16xf32, #tpu.memory_space<vmem>> -> memref<128x16xf32, #tpu.memory_space<vmem>>
    %dma_start3A_226 = arith.constant 0 : i32
    %dma_start3A_227 = tpu.memref_slice %arg6[%dma_start3A_221, %dma_start3A_226] : memref<79x128xi32, #tpu.memory_space<vmem>> -> memref<1x128xi32, #tpu.memory_space<vmem>>
    %dma_start3A_228 = tpu.memref_squeeze %dma_start3A_227 : memref<1x128xi32, #tpu.memory_space<vmem>> -> memref<128xi32, #tpu.memory_space<vmem>>
    %dma_start3A_229 = arith.constant 0 : i32
    %dma_start3A_230 = arith.constant 0 : i32
    %dma_start3A_231 = tpu.memref_slice %arg9[%dma_start3A_229, %dma_start3A_230] : memref<10240x16xf32, #tpu.memory_space<vmem_shared>> -> memref<10240x16xf32, #tpu.memory_space<vmem_shared>>
    tpu.enqueue_indirect_dma source(%dma_start3A_225 : memref<128x16xf32, #tpu.memory_space<vmem>>) target(%dma_start3A_231 : memref<10240x16xf32, #tpu.memory_space<vmem_shared>>) offsets(%dma_start3A_228 : memref<128xi32, #tpu.memory_space<vmem>>) semaphore(%arg21 : memref<!tpu.dma_semaphore, #tpu.memory_space<semaphore_mem>>) {add = true}
    %dma_wait3A_232 = arith.constant 5 : i32
    %dma_wait3A_233 = arith.constant 0 : i32
    %dma_wait3A_234 = arith.constant 0 : i32
    %dma_wait3A_235 = tpu.memref_slice %arg7[%dma_wait3A_232, %dma_wait3A_233, %dma_wait3A_234] : memref<6x128x16xf32, #tpu.memory_space<vmem>> -> memref<1x128x16xf32, #tpu.memory_space<vmem>>
    %dma_wait3A_236 = tpu.memref_squeeze %dma_wait3A_235 : memref<1x128x16xf32, #tpu.memory_space<vmem>> -> memref<128x16xf32, #tpu.memory_space<vmem>>
    %dma_wait3A_237 = arith.constant 0 : i32
    %dma_wait3A_238 = arith.constant 0 : i32
    %dma_wait3A_239 = tpu.memref_slice %arg2[%dma_wait3A_237, %dma_wait3A_238] : memref<10240x16xf32, #tpu.memory_space<hbm>> -> memref<128x16xf32, #tpu.memory_space<hbm>>
    %dma_wait3A_240 = arith.constant 0 : i32
    %dma_wait3A_241 = arith.constant 0 : i32
    %dma_wait3A_242 = tpu.memref_slice %arg7[%dma_wait3A_232, %dma_wait3A_240, %dma_wait3A_241] : memref<6x128x16xf32, #tpu.memory_space<vmem>> -> memref<1x128x16xf32, #tpu.memory_space<vmem>>
    %dma_wait3A_243 = tpu.memref_squeeze %dma_wait3A_242 : memref<1x128x16xf32, #tpu.memory_space<vmem>> -> memref<128x16xf32, #tpu.memory_space<vmem>>
    %dma_wait3A_244 = arith.constant 0 : i32
    %dma_wait3A_245 = arith.constant 0 : i32
    %dma_wait3A_246 = tpu.memref_slice %arg2[%dma_wait3A_244, %dma_wait3A_245] : memref<10240x16xf32, #tpu.memory_space<hbm>> -> memref<128x16xf32, #tpu.memory_space<hbm>>
    tpu.wait_dma2 semaphore(%arg16 : memref<!tpu.dma_semaphore, #tpu.memory_space<semaphore_mem>>) src(%dma_wait3A_246 : memref<128x16xf32, #tpu.memory_space<hbm>>) dst(%dma_wait3A_243 : memref<128x16xf32, #tpu.memory_space<vmem>>)
    %dma_start3A_247 = arith.constant 5 : i32
    %dma_start3A_248 = arith.constant 77 : i32
    %dma_start3A_249 = arith.constant 0 : i32
    %dma_start3A_250 = arith.constant 0 : i32
    %dma_start3A_251 = tpu.memref_slice %arg7[%dma_start3A_247, %dma_start3A_249, %dma_start3A_250] : memref<6x128x16xf32, #tpu.memory_space<vmem>> -> memref<1x128x16xf32, #tpu.memory_space<vmem>>
    %dma_start3A_252 = tpu.memref_squeeze %dma_start3A_251 : memref<1x128x16xf32, #tpu.memory_space<vmem>> -> memref<128x16xf32, #tpu.memory_space<vmem>>
    %dma_start3A_253 = arith.constant 0 : i32
    %dma_start3A_254 = tpu.memref_slice %arg6[%dma_start3A_248, %dma_start3A_253] : memref<79x128xi32, #tpu.memory_space<vmem>> -> memref<1x128xi32, #tpu.memory_space<vmem>>
    %dma_start3A_255 = tpu.memref_squeeze %dma_start3A_254 : memref<1x128xi32, #tpu.memory_space<vmem>> -> memref<128xi32, #tpu.memory_space<vmem>>
    %dma_start3A_256 = arith.constant 0 : i32
    %dma_start3A_257 = arith.constant 0 : i32
    %dma_start3A_258 = tpu.memref_slice %arg9[%dma_start3A_256, %dma_start3A_257] : memref<10240x16xf32, #tpu.memory_space<vmem_shared>> -> memref<10240x16xf32, #tpu.memory_space<vmem_shared>>
    tpu.enqueue_indirect_dma source(%dma_start3A_252 : memref<128x16xf32, #tpu.memory_space<vmem>>) target(%dma_start3A_258 : memref<10240x16xf32, #tpu.memory_space<vmem_shared>>) offsets(%dma_start3A_255 : memref<128xi32, #tpu.memory_space<vmem>>) semaphore(%arg22 : memref<!tpu.dma_semaphore, #tpu.memory_space<semaphore_mem>>) {add = true}
    %dma_wait3A_259 = arith.constant 0 : i32
    %dma_wait3A_260 = arith.constant 0 : i32
    %dma_wait3A_261 = arith.constant 0 : i32
    %dma_wait3A_262 = tpu.memref_slice %arg7[%dma_wait3A_259, %dma_wait3A_260, %dma_wait3A_261] : memref<6x128x16xf32, #tpu.memory_space<vmem>> -> memref<1x128x16xf32, #tpu.memory_space<vmem>>
    %dma_wait3A_263 = tpu.memref_squeeze %dma_wait3A_262 : memref<1x128x16xf32, #tpu.memory_space<vmem>> -> memref<128x16xf32, #tpu.memory_space<vmem>>
    %dma_wait3A_264 = arith.constant 0 : i32
    %dma_wait3A_265 = arith.constant 0 : i32
    %dma_wait3A_266 = tpu.memref_slice %arg2[%dma_wait3A_264, %dma_wait3A_265] : memref<10240x16xf32, #tpu.memory_space<hbm>> -> memref<128x16xf32, #tpu.memory_space<hbm>>
    %dma_wait3A_267 = arith.constant 0 : i32
    %dma_wait3A_268 = arith.constant 0 : i32
    %dma_wait3A_269 = tpu.memref_slice %arg7[%dma_wait3A_259, %dma_wait3A_267, %dma_wait3A_268] : memref<6x128x16xf32, #tpu.memory_space<vmem>> -> memref<1x128x16xf32, #tpu.memory_space<vmem>>
    %dma_wait3A_270 = tpu.memref_squeeze %dma_wait3A_269 : memref<1x128x16xf32, #tpu.memory_space<vmem>> -> memref<128x16xf32, #tpu.memory_space<vmem>>
    %dma_wait3A_271 = arith.constant 0 : i32
    %dma_wait3A_272 = arith.constant 0 : i32
    %dma_wait3A_273 = tpu.memref_slice %arg2[%dma_wait3A_271, %dma_wait3A_272] : memref<10240x16xf32, #tpu.memory_space<hbm>> -> memref<128x16xf32, #tpu.memory_space<hbm>>
    tpu.wait_dma2 semaphore(%arg17 : memref<!tpu.dma_semaphore, #tpu.memory_space<semaphore_mem>>) src(%dma_wait3A_273 : memref<128x16xf32, #tpu.memory_space<hbm>>) dst(%dma_wait3A_270 : memref<128x16xf32, #tpu.memory_space<vmem>>)
    %dma_wait3A_274 = arith.constant 1 : i32
    %dma_wait3A_275 = arith.constant 0 : i32
    %dma_wait3A_276 = arith.constant 0 : i32
    %dma_wait3A_277 = tpu.memref_slice %arg7[%dma_wait3A_274, %dma_wait3A_275, %dma_wait3A_276] : memref<6x128x16xf32, #tpu.memory_space<vmem>> -> memref<1x128x16xf32, #tpu.memory_space<vmem>>
    %dma_wait3A_278 = tpu.memref_squeeze %dma_wait3A_277 : memref<1x128x16xf32, #tpu.memory_space<vmem>> -> memref<128x16xf32, #tpu.memory_space<vmem>>
    %dma_wait3A_279 = arith.constant 0 : i32
    %dma_wait3A_280 = arith.constant 0 : i32
    %dma_wait3A_281 = tpu.memref_slice %arg2[%dma_wait3A_279, %dma_wait3A_280] : memref<10240x16xf32, #tpu.memory_space<hbm>> -> memref<128x16xf32, #tpu.memory_space<hbm>>
    %dma_wait3A_282 = arith.constant 0 : i32
    %dma_wait3A_283 = arith.constant 0 : i32
    %dma_wait3A_284 = tpu.memref_slice %arg7[%dma_wait3A_274, %dma_wait3A_282, %dma_wait3A_283] : memref<6x128x16xf32, #tpu.memory_space<vmem>> -> memref<1x128x16xf32, #tpu.memory_space<vmem>>
    %dma_wait3A_285 = tpu.memref_squeeze %dma_wait3A_284 : memref<1x128x16xf32, #tpu.memory_space<vmem>> -> memref<128x16xf32, #tpu.memory_space<vmem>>
    %dma_wait3A_286 = arith.constant 0 : i32
    %dma_wait3A_287 = arith.constant 0 : i32
    %dma_wait3A_288 = tpu.memref_slice %arg2[%dma_wait3A_286, %dma_wait3A_287] : memref<10240x16xf32, #tpu.memory_space<hbm>> -> memref<128x16xf32, #tpu.memory_space<hbm>>
    tpu.wait_dma2 semaphore(%arg18 : memref<!tpu.dma_semaphore, #tpu.memory_space<semaphore_mem>>) src(%dma_wait3A_288 : memref<128x16xf32, #tpu.memory_space<hbm>>) dst(%dma_wait3A_285 : memref<128x16xf32, #tpu.memory_space<vmem>>)
    %dma_wait3A_289 = arith.constant 2 : i32
    %dma_wait3A_290 = arith.constant 0 : i32
    %dma_wait3A_291 = arith.constant 0 : i32
    %dma_wait3A_292 = tpu.memref_slice %arg7[%dma_wait3A_289, %dma_wait3A_290, %dma_wait3A_291] : memref<6x128x16xf32, #tpu.memory_space<vmem>> -> memref<1x128x16xf32, #tpu.memory_space<vmem>>
    %dma_wait3A_293 = tpu.memref_squeeze %dma_wait3A_292 : memref<1x128x16xf32, #tpu.memory_space<vmem>> -> memref<128x16xf32, #tpu.memory_space<vmem>>
    %dma_wait3A_294 = arith.constant 0 : i32
    %dma_wait3A_295 = arith.constant 0 : i32
    %dma_wait3A_296 = tpu.memref_slice %arg2[%dma_wait3A_294, %dma_wait3A_295] : memref<10240x16xf32, #tpu.memory_space<hbm>> -> memref<128x16xf32, #tpu.memory_space<hbm>>
    %dma_wait3A_297 = arith.constant 0 : i32
    %dma_wait3A_298 = arith.constant 0 : i32
    %dma_wait3A_299 = tpu.memref_slice %arg7[%dma_wait3A_289, %dma_wait3A_297, %dma_wait3A_298] : memref<6x128x16xf32, #tpu.memory_space<vmem>> -> memref<1x128x16xf32, #tpu.memory_space<vmem>>
    %dma_wait3A_300 = tpu.memref_squeeze %dma_wait3A_299 : memref<1x128x16xf32, #tpu.memory_space<vmem>> -> memref<128x16xf32, #tpu.memory_space<vmem>>
    %dma_wait3A_301 = arith.constant 0 : i32
    %dma_wait3A_302 = arith.constant 0 : i32
    %dma_wait3A_303 = tpu.memref_slice %arg2[%dma_wait3A_301, %dma_wait3A_302] : memref<10240x16xf32, #tpu.memory_space<hbm>> -> memref<128x16xf32, #tpu.memory_space<hbm>>
    tpu.wait_dma2 semaphore(%arg19 : memref<!tpu.dma_semaphore, #tpu.memory_space<semaphore_mem>>) src(%dma_wait3A_303 : memref<128x16xf32, #tpu.memory_space<hbm>>) dst(%dma_wait3A_300 : memref<128x16xf32, #tpu.memory_space<vmem>>)
    %dma_wait3A_304 = arith.constant 3 : i32
    %dma_wait3A_305 = arith.constant 0 : i32
    %dma_wait3A_306 = arith.constant 0 : i32
    %dma_wait3A_307 = tpu.memref_slice %arg7[%dma_wait3A_304, %dma_wait3A_305, %dma_wait3A_306] : memref<6x128x16xf32, #tpu.memory_space<vmem>> -> memref<1x128x16xf32, #tpu.memory_space<vmem>>
    %dma_wait3A_308 = tpu.memref_squeeze %dma_wait3A_307 : memref<1x128x16xf32, #tpu.memory_space<vmem>> -> memref<128x16xf32, #tpu.memory_space<vmem>>
    %dma_wait3A_309 = arith.constant 0 : i32
    %dma_wait3A_310 = arith.constant 0 : i32
    %dma_wait3A_311 = tpu.memref_slice %arg2[%dma_wait3A_309, %dma_wait3A_310] : memref<10240x16xf32, #tpu.memory_space<hbm>> -> memref<128x16xf32, #tpu.memory_space<hbm>>
    %dma_wait3A_312 = arith.constant 0 : i32
    %dma_wait3A_313 = arith.constant 0 : i32
    %dma_wait3A_314 = tpu.memref_slice %arg7[%dma_wait3A_304, %dma_wait3A_312, %dma_wait3A_313] : memref<6x128x16xf32, #tpu.memory_space<vmem>> -> memref<1x128x16xf32, #tpu.memory_space<vmem>>
    %dma_wait3A_315 = tpu.memref_squeeze %dma_wait3A_314 : memref<1x128x16xf32, #tpu.memory_space<vmem>> -> memref<128x16xf32, #tpu.memory_space<vmem>>
    %dma_wait3A_316 = arith.constant 0 : i32
    %dma_wait3A_317 = arith.constant 0 : i32
    %dma_wait3A_318 = tpu.memref_slice %arg2[%dma_wait3A_316, %dma_wait3A_317] : memref<10240x16xf32, #tpu.memory_space<hbm>> -> memref<128x16xf32, #tpu.memory_space<hbm>>
    tpu.wait_dma2 semaphore(%arg20 : memref<!tpu.dma_semaphore, #tpu.memory_space<semaphore_mem>>) src(%dma_wait3A_318 : memref<128x16xf32, #tpu.memory_space<hbm>>) dst(%dma_wait3A_315 : memref<128x16xf32, #tpu.memory_space<vmem>>)
    %dma_wait3A_319 = arith.constant 4 : i32
    %dma_wait3A_320 = arith.constant 0 : i32
    %dma_wait3A_321 = arith.constant 0 : i32
    %dma_wait3A_322 = tpu.memref_slice %arg7[%dma_wait3A_319, %dma_wait3A_320, %dma_wait3A_321] : memref<6x128x16xf32, #tpu.memory_space<vmem>> -> memref<1x128x16xf32, #tpu.memory_space<vmem>>
    %dma_wait3A_323 = tpu.memref_squeeze %dma_wait3A_322 : memref<1x128x16xf32, #tpu.memory_space<vmem>> -> memref<128x16xf32, #tpu.memory_space<vmem>>
    %dma_wait3A_324 = arith.constant 0 : i32
    %dma_wait3A_325 = arith.constant 0 : i32
    %dma_wait3A_326 = tpu.memref_slice %arg2[%dma_wait3A_324, %dma_wait3A_325] : memref<10240x16xf32, #tpu.memory_space<hbm>> -> memref<128x16xf32, #tpu.memory_space<hbm>>
    %dma_wait3A_327 = arith.constant 0 : i32
    %dma_wait3A_328 = arith.constant 0 : i32
    %dma_wait3A_329 = tpu.memref_slice %arg7[%dma_wait3A_319, %dma_wait3A_327, %dma_wait3A_328] : memref<6x128x16xf32, #tpu.memory_space<vmem>> -> memref<1x128x16xf32, #tpu.memory_space<vmem>>
    %dma_wait3A_330 = tpu.memref_squeeze %dma_wait3A_329 : memref<1x128x16xf32, #tpu.memory_space<vmem>> -> memref<128x16xf32, #tpu.memory_space<vmem>>
    %dma_wait3A_331 = arith.constant 0 : i32
    %dma_wait3A_332 = arith.constant 0 : i32
    %dma_wait3A_333 = tpu.memref_slice %arg2[%dma_wait3A_331, %dma_wait3A_332] : memref<10240x16xf32, #tpu.memory_space<hbm>> -> memref<128x16xf32, #tpu.memory_space<hbm>>
    tpu.wait_dma2 semaphore(%arg21 : memref<!tpu.dma_semaphore, #tpu.memory_space<semaphore_mem>>) src(%dma_wait3A_333 : memref<128x16xf32, #tpu.memory_space<hbm>>) dst(%dma_wait3A_330 : memref<128x16xf32, #tpu.memory_space<vmem>>)
    %dma_wait3A_334 = arith.constant 5 : i32
    %dma_wait3A_335 = arith.constant 0 : i32
    %dma_wait3A_336 = arith.constant 0 : i32
    %dma_wait3A_337 = tpu.memref_slice %arg7[%dma_wait3A_334, %dma_wait3A_335, %dma_wait3A_336] : memref<6x128x16xf32, #tpu.memory_space<vmem>> -> memref<1x128x16xf32, #tpu.memory_space<vmem>>
    %dma_wait3A_338 = tpu.memref_squeeze %dma_wait3A_337 : memref<1x128x16xf32, #tpu.memory_space<vmem>> -> memref<128x16xf32, #tpu.memory_space<vmem>>
    %dma_wait3A_339 = arith.constant 0 : i32
    %dma_wait3A_340 = arith.constant 0 : i32
    %dma_wait3A_341 = tpu.memref_slice %arg2[%dma_wait3A_339, %dma_wait3A_340] : memref<10240x16xf32, #tpu.memory_space<hbm>> -> memref<128x16xf32, #tpu.memory_space<hbm>>
    %dma_wait3A_342 = arith.constant 0 : i32
    %dma_wait3A_343 = arith.constant 0 : i32
    %dma_wait3A_344 = tpu.memref_slice %arg7[%dma_wait3A_334, %dma_wait3A_342, %dma_wait3A_343] : memref<6x128x16xf32, #tpu.memory_space<vmem>> -> memref<1x128x16xf32, #tpu.memory_space<vmem>>
    %dma_wait3A_345 = tpu.memref_squeeze %dma_wait3A_344 : memref<1x128x16xf32, #tpu.memory_space<vmem>> -> memref<128x16xf32, #tpu.memory_space<vmem>>
    %dma_wait3A_346 = arith.constant 0 : i32
    %dma_wait3A_347 = arith.constant 0 : i32
    %dma_wait3A_348 = tpu.memref_slice %arg2[%dma_wait3A_346, %dma_wait3A_347] : memref<10240x16xf32, #tpu.memory_space<hbm>> -> memref<128x16xf32, #tpu.memory_space<hbm>>
    tpu.wait_dma2 semaphore(%arg22 : memref<!tpu.dma_semaphore, #tpu.memory_space<semaphore_mem>>) src(%dma_wait3A_348 : memref<128x16xf32, #tpu.memory_space<hbm>>) dst(%dma_wait3A_345 : memref<128x16xf32, #tpu.memory_space<vmem>>)
    %lt3A_349 = arith.constant 4 : i32
    %lt3A_350 = arith.cmpi slt, %add3A, %lt3A_349 : i32
    %convert_element_type3A_351 = arith.extui %lt3A_350 : i1 to i32
    %cond3A_352 = arith.constant 0 : i32
    %cond3A_353 = arith.cmpi ne, %convert_element_type3A_351, %cond3A_352 : i32
    scf.if %cond3A_353 {
      %run_scoped3A_359 = arith.constant 78 : i32
      %run_scoped3A_360 = arith.constant 0 : i32
      "tpu.region"() ({
        %run_scoped3A_363 = tpu.sem_alloc : memref<!tpu.dma_semaphore, #tpu.memory_space<semaphore_mem>>
        %dma_start3A_364 = arith.constant 0 : i32
        %dma_start3A_365 = arith.constant 0 : i32
        %dma_start3A_366 = tpu.memref_slice %arg7[%run_scoped3A_360, %dma_start3A_364, %dma_start3A_365] : memref<6x128x16xf32, #tpu.memory_space<vmem>> -> memref<1x128x16xf32, #tpu.memory_space<vmem>>
        %dma_start3A_367 = tpu.memref_squeeze %dma_start3A_366 : memref<1x128x16xf32, #tpu.memory_space<vmem>> -> memref<128x16xf32, #tpu.memory_space<vmem>>
        %dma_start3A_368 = arith.constant 0 : i32
        %dma_start3A_369 = tpu.memref_slice %arg5[%run_scoped3A_359, %dma_start3A_368] : memref<79x128xi32, #tpu.memory_space<vmem>> -> memref<1x128xi32, #tpu.memory_space<vmem>>
        %dma_start3A_370 = tpu.memref_squeeze %dma_start3A_369 : memref<1x128xi32, #tpu.memory_space<vmem>> -> memref<128xi32, #tpu.memory_space<vmem>>
        %dma_start3A_371 = arith.constant 0 : i32
        %dma_start3A_372 = arith.constant 0 : i32
        %dma_start3A_373 = tpu.memref_slice %arg10[%dma_start3A_371, %dma_start3A_372] : memref<10240x16xf32, #tpu.memory_space<vmem_shared>> -> memref<10240x16xf32, #tpu.memory_space<vmem_shared>>
        tpu.enqueue_indirect_dma source(%dma_start3A_373 : memref<10240x16xf32, #tpu.memory_space<vmem_shared>>) target(%dma_start3A_367 : memref<128x16xf32, #tpu.memory_space<vmem>>) offsets(%dma_start3A_370 : memref<128xi32, #tpu.memory_space<vmem>>) semaphore(%run_scoped3A_363 : memref<!tpu.dma_semaphore, #tpu.memory_space<semaphore_mem>>)
        %dma_wait3A_374 = arith.constant 0 : i32
        %dma_wait3A_375 = arith.constant 0 : i32
        %dma_wait3A_376 = tpu.memref_slice %arg7[%run_scoped3A_360, %dma_wait3A_374, %dma_wait3A_375] : memref<6x128x16xf32, #tpu.memory_space<vmem>> -> memref<1x128x16xf32, #tpu.memory_space<vmem>>
        %dma_wait3A_377 = tpu.memref_squeeze %dma_wait3A_376 : memref<1x128x16xf32, #tpu.memory_space<vmem>> -> memref<128x16xf32, #tpu.memory_space<vmem>>
        %dma_wait3A_378 = arith.constant 0 : i32
        %dma_wait3A_379 = tpu.memref_slice %arg5[%run_scoped3A_359, %dma_wait3A_378] : memref<79x128xi32, #tpu.memory_space<vmem>> -> memref<1x128xi32, #tpu.memory_space<vmem>>
        %dma_wait3A_380 = tpu.memref_squeeze %dma_wait3A_379 : memref<1x128xi32, #tpu.memory_space<vmem>> -> memref<128xi32, #tpu.memory_space<vmem>>
        %dma_wait3A_381 = arith.constant 0 : i32
        %dma_wait3A_382 = arith.constant 0 : i32
        %dma_wait3A_383 = tpu.memref_slice %arg10[%dma_wait3A_381, %dma_wait3A_382] : memref<10240x16xf32, #tpu.memory_space<vmem_shared>> -> memref<10240x16xf32, #tpu.memory_space<vmem_shared>>
        tpu.wait_indirect_dma semaphore(%run_scoped3A_363 : memref<!tpu.dma_semaphore, #tpu.memory_space<semaphore_mem>>) src(%dma_wait3A_383 : memref<10240x16xf32, #tpu.memory_space<vmem_shared>>) dst(%dma_wait3A_377 : memref<128x16xf32, #tpu.memory_space<vmem>>)
        tpu.yield
      }) : () -> ()
      %run_scoped3A_361 = arith.constant 0 : i32
      %run_scoped3A_362 = arith.constant 78 : i32
      "tpu.region"() ({
        %run_scoped3A_363 = tpu.sem_alloc : memref<!tpu.dma_semaphore, #tpu.memory_space<semaphore_mem>>
        %dma_start3A_364 = arith.constant 0 : i32
        %dma_start3A_365 = arith.constant 0 : i32
        %dma_start3A_366 = tpu.memref_slice %arg7[%run_scoped3A_361, %dma_start3A_364, %dma_start3A_365] : memref<6x128x16xf32, #tpu.memory_space<vmem>> -> memref<1x128x16xf32, #tpu.memory_space<vmem>>
        %dma_start3A_367 = tpu.memref_squeeze %dma_start3A_366 : memref<1x128x16xf32, #tpu.memory_space<vmem>> -> memref<128x16xf32, #tpu.memory_space<vmem>>
        %dma_start3A_368 = arith.constant 0 : i32
        %dma_start3A_369 = tpu.memref_slice %arg6[%run_scoped3A_362, %dma_start3A_368] : memref<79x128xi32, #tpu.memory_space<vmem>> -> memref<1x128xi32, #tpu.memory_space<vmem>>
        %dma_start3A_370 = tpu.memref_squeeze %dma_start3A_369 : memref<1x128xi32, #tpu.memory_space<vmem>> -> memref<128xi32, #tpu.memory_space<vmem>>
        %dma_start3A_371 = arith.constant 0 : i32
        %dma_start3A_372 = arith.constant 0 : i32
        %dma_start3A_373 = tpu.memref_slice %arg9[%dma_start3A_371, %dma_start3A_372] : memref<10240x16xf32, #tpu.memory_space<vmem_shared>> -> memref<10240x16xf32, #tpu.memory_space<vmem_shared>>
        tpu.enqueue_indirect_dma source(%dma_start3A_367 : memref<128x16xf32, #tpu.memory_space<vmem>>) target(%dma_start3A_373 : memref<10240x16xf32, #tpu.memory_space<vmem_shared>>) offsets(%dma_start3A_370 : memref<128xi32, #tpu.memory_space<vmem>>) semaphore(%run_scoped3A_363 : memref<!tpu.dma_semaphore, #tpu.memory_space<semaphore_mem>>) {add = true}
        %dma_wait3A_374 = arith.constant 0 : i32
        %dma_wait3A_375 = arith.constant 0 : i32
        %dma_wait3A_376 = tpu.memref_slice %arg7[%run_scoped3A_361, %dma_wait3A_374, %dma_wait3A_375] : memref<6x128x16xf32, #tpu.memory_space<vmem>> -> memref<1x128x16xf32, #tpu.memory_space<vmem>>
        %dma_wait3A_377 = tpu.memref_squeeze %dma_wait3A_376 : memref<1x128x16xf32, #tpu.memory_space<vmem>> -> memref<128x16xf32, #tpu.memory_space<vmem>>
        %dma_wait3A_378 = arith.constant 0 : i32
        %dma_wait3A_379 = tpu.memref_slice %arg6[%run_scoped3A_362, %dma_wait3A_378] : memref<79x128xi32, #tpu.memory_space<vmem>> -> memref<1x128xi32, #tpu.memory_space<vmem>>
        %dma_wait3A_380 = tpu.memref_squeeze %dma_wait3A_379 : memref<1x128xi32, #tpu.memory_space<vmem>> -> memref<128xi32, #tpu.memory_space<vmem>>
        %dma_wait3A_381 = arith.constant 0 : i32
        %dma_wait3A_382 = arith.constant 0 : i32
        %dma_wait3A_383 = tpu.memref_slice %arg9[%dma_wait3A_381, %dma_wait3A_382] : memref<10240x16xf32, #tpu.memory_space<vmem_shared>> -> memref<10240x16xf32, #tpu.memory_space<vmem_shared>>
        tpu.wait_indirect_dma semaphore(%run_scoped3A_363 : memref<!tpu.dma_semaphore, #tpu.memory_space<semaphore_mem>>) src(%dma_wait3A_377 : memref<128x16xf32, #tpu.memory_space<vmem>>) dst(%dma_wait3A_383 : memref<10240x16xf32, #tpu.memory_space<vmem_shared>>)
        tpu.yield
      }) : () -> ()
    } else {
    }
    %barrier3A_354 = arith.constant 0 : index
    tpu.barrier barrier_id(%barrier3A_354)
    %mul3A_355 = arith.constant 640 : i32
    %mul3A_356 = arith.muli %arg1, %mul3A_355 : i32
    %mul3A_357 = arith.constant 640 : i32
    %mul3A_358 = arith.muli %arg1, %mul3A_357 : i32
    "tpu.region"() ({
      %run_scoped3A_359 = tpu.sem_alloc : memref<!tpu.dma_semaphore, #tpu.memory_space<semaphore_mem>>
      %dma_start3A_360 = arith.constant 0 : i32
      %dma_start3A_361 = tpu.memref_slice %arg4[%arg0, %mul3A_358, %dma_start3A_360] : memref<2x10240x16xf32, #tpu.memory_space<hbm>> -> memref<1x640x16xf32, #tpu.memory_space<hbm>>
      %dma_start3A_362 = tpu.memref_squeeze %dma_start3A_361 : memref<1x640x16xf32, #tpu.memory_space<hbm>> -> memref<640x16xf32, #tpu.memory_space<hbm>>
      %dma_start3A_363 = arith.constant 0 : i32
      %dma_start3A_364 = tpu.memref_slice %arg9[%mul3A_356, %dma_start3A_363] : memref<10240x16xf32, #tpu.memory_space<vmem_shared>> -> memref<640x16xf32, #tpu.memory_space<vmem_shared>>
      tpu.enqueue_dma source(%dma_start3A_364 : memref<640x16xf32, #tpu.memory_space<vmem_shared>>) target(%dma_start3A_362 : memref<640x16xf32, #tpu.memory_space<hbm>>) target_semaphore(%run_scoped3A_359 : memref<!tpu.dma_semaphore, #tpu.memory_space<semaphore_mem>>)
      %dma_wait3A_365 = arith.constant 0 : i32
      %dma_wait3A_366 = tpu.memref_slice %arg4[%arg0, %mul3A_358, %dma_wait3A_365] : memref<2x10240x16xf32, #tpu.memory_space<hbm>> -> memref<1x640x16xf32, #tpu.memory_space<hbm>>
      %dma_wait3A_367 = tpu.memref_squeeze %dma_wait3A_366 : memref<1x640x16xf32, #tpu.memory_space<hbm>> -> memref<640x16xf32, #tpu.memory_space<hbm>>
      %dma_wait3A_368 = arith.constant 0 : i32
      %dma_wait3A_369 = tpu.memref_slice %arg9[%mul3A_356, %dma_wait3A_368] : memref<10240x16xf32, #tpu.memory_space<vmem_shared>> -> memref<640x16xf32, #tpu.memory_space<vmem_shared>>
      tpu.wait_dma2 semaphore(%run_scoped3A_359 : memref<!tpu.dma_semaphore, #tpu.memory_space<semaphore_mem>>) src(%dma_wait3A_369 : memref<640x16xf32, #tpu.memory_space<vmem_shared>>) dst(%dma_wait3A_367 : memref<640x16xf32, #tpu.memory_space<hbm>>)
      tpu.yield
    }) : () -> ()
    return
  }
}

#map = affine_map<(d0, d1) -> (0, 0)>
#map1 = affine_map<(d0, d1) -> (0, 0, 0)>
module attributes {stable_mosaic.version = 14 : i64} {
  func.func @_agg_body(%arg0: i32, %arg1: i32, %arg2: memref<10240x16xf32, #tpu.memory_space<hbm>>, %arg3: memref<2x2500x128xi32, #tpu.memory_space<hbm>>, %arg4: memref<2x10240x16xf32, #tpu.memory_space<hbm>>, %arg5: memref<79x128xi32, #tpu.memory_space<vmem>>, %arg6: memref<79x128xi32, #tpu.memory_space<vmem>>, %arg7: memref<6x128x16xf32, #tpu.memory_space<vmem>>, %arg8: memref<640x16xf32, #tpu.memory_space<vmem>>, %arg9: memref<10240x16xf32, #tpu.memory_space<vmem_shared>>, %arg10: memref<10240x16xf32, #tpu.memory_space<vmem_shared>>, %arg11: memref<!tpu.dma_semaphore, #tpu.memory_space<semaphore_mem>>, %arg12: memref<!tpu.dma_semaphore, #tpu.memory_space<semaphore_mem>>, %arg13: memref<!tpu.dma_semaphore, #tpu.memory_space<semaphore_mem>>, %arg14: memref<!tpu.dma_semaphore, #tpu.memory_space<semaphore_mem>>, %arg15: memref<!tpu.dma_semaphore, #tpu.memory_space<semaphore_mem>>, %arg16: memref<!tpu.dma_semaphore, #tpu.memory_space<semaphore_mem>>, %arg17: memref<!tpu.dma_semaphore, #tpu.memory_space<semaphore_mem>>, %arg18: memref<!tpu.dma_semaphore, #tpu.memory_space<semaphore_mem>>, %arg19: memref<!tpu.dma_semaphore, #tpu.memory_space<semaphore_mem>>, %arg20: memref<!tpu.dma_semaphore, #tpu.memory_space<semaphore_mem>>, %arg21: memref<!tpu.dma_semaphore, #tpu.memory_space<semaphore_mem>>, %arg22: memref<!tpu.dma_semaphore, #tpu.memory_space<semaphore_mem>>) attributes {dimension_semantics = [#tpu.dimension_semantics<core_parallel>, #tpu.dimension_semantics<subcore_parallel>], iteration_bounds = array<i64: 2, 16>, scalar_prefetch = 0 : i64, scratch_operands = 18 : i64, tpu.core_type = #tpu.core_type<sc_vector_subcore>, window_params = [{transform_indices = #map}, {transform_indices = #map1}, {transform_indices = #map1}]} {
    %mul3A = arith.constant 2 : i32
    %mul3A_0 = arith.muli %arg1, %mul3A : i32
    %add3A = arith.addi %mul3A_0, %arg0 : i32
    %scan3A = arith.constant 0 : i32
    %scan3A_1 = arith.constant 0 : i32
    %scan3A_2 = arith.constant 640 : i32
    %scan3A_3 = arith.addi %scan3A_1, %scan3A_2 : i32
    %scan3A_4 = arith.constant 4 : i32
    %scan3A_5 = scf.for %scan3A_359 = %scan3A_1 to %scan3A_3 step %scan3A_4 iter_args(%scan3A_360 = %scan3A) -> (i32)  : i32 {
      %broadcast_in_dim3A = arith.constant 0.000000e+00 : f32
      %broadcast_in_dim3A_361 = vector.broadcast %broadcast_in_dim3A : f32 to vector<16xf32>
      %swap3A = arith.index_cast %scan3A_359 : i32 to index
      %swap3A_362 = arith.constant 0 : index
      %swap3A_363 = tpu.vector_load %arg8[%swap3A, %swap3A_362] {strides = array<i32>} : memref<640x16xf32, #tpu.memory_space<vmem>>, vector<16xf32>,
      tpu.vector_store %arg8[%swap3A, %swap3A_362], %broadcast_in_dim3A_361 {strides = array<i32>} : memref<640x16xf32, #tpu.memory_space<vmem>>, vector<16xf32>,
      %scan3A_364 = arith.constant 0 : i32
      %scan3A_365 = arith.constant 1 : i32
      %scan3A_366 = arith.addi %scan3A_359, %scan3A_365 : i32
      %broadcast_in_dim3A_367 = arith.constant 0.000000e+00 : f32
      %broadcast_in_dim3A_368 = vector.broadcast %broadcast_in_dim3A_367 : f32 to vector<16xf32>
      %swap3A_369 = arith.index_cast %scan3A_366 : i32 to index
      %swap3A_370 = arith.constant 0 : index
      %swap3A_371 = tpu.vector_load %arg8[%swap3A_369, %swap3A_370] {strides = array<i32>} : memref<640x16xf32, #tpu.memory_space<vmem>>, vector<16xf32>,
      tpu.vector_store %arg8[%swap3A_369, %swap3A_370], %broadcast_in_dim3A_368 {strides = array<i32>} : memref<640x16xf32, #tpu.memory_space<vmem>>, vector<16xf32>,
      %scan3A_372 = arith.constant 0 : i32
      %scan3A_373 = arith.constant 2 : i32
      %scan3A_374 = arith.addi %scan3A_359, %scan3A_373 : i32
      %broadcast_in_dim3A_375 = arith.constant 0.000000e+00 : f32
      %broadcast_in_dim3A_376 = vector.broadcast %broadcast_in_dim3A_375 : f32 to vector<16xf32>
      %swap3A_377 = arith.index_cast %scan3A_374 : i32 to index
      %swap3A_378 = arith.constant 0 : index
      %swap3A_379 = tpu.vector_load %arg8[%swap3A_377, %swap3A_378] {strides = array<i32>} : memref<640x16xf32, #tpu.memory_space<vmem>>, vector<16xf32>,
      tpu.vector_store %arg8[%swap3A_377, %swap3A_378], %broadcast_in_dim3A_376 {strides = array<i32>} : memref<640x16xf32, #tpu.memory_space<vmem>>, vector<16xf32>,
      %scan3A_380 = arith.constant 0 : i32
      %scan3A_381 = arith.constant 3 : i32
      %scan3A_382 = arith.addi %scan3A_359, %scan3A_381 : i32
      %broadcast_in_dim3A_383 = arith.constant 0.000000e+00 : f32
      %broadcast_in_dim3A_384 = vector.broadcast %broadcast_in_dim3A_383 : f32 to vector<16xf32>
      %swap3A_385 = arith.index_cast %scan3A_382 : i32 to index
      %swap3A_386 = arith.constant 0 : index
      %swap3A_387 = tpu.vector_load %arg8[%swap3A_385, %swap3A_386] {strides = array<i32>} : memref<640x16xf32, #tpu.memory_space<vmem>>, vector<16xf32>,
      tpu.vector_store %arg8[%swap3A_385, %swap3A_386], %broadcast_in_dim3A_384 {strides = array<i32>} : memref<640x16xf32, #tpu.memory_space<vmem>>, vector<16xf32>,
      %scan3A_388 = arith.constant 0 : i32
      scf.yield %scan3A_388 : i32
    }
    %scan3A_6 = arith.constant 640 : i32
    %mul3A_7 = arith.constant 640 : i32
    %mul3A_8 = arith.muli %arg1, %mul3A_7 : i32
    "tpu.region"() ({
      %run_scoped3A_359 = tpu.sem_alloc : memref<!tpu.dma_semaphore, #tpu.memory_space<semaphore_mem>>
      %dma_start3A_360 = arith.constant 0 : i32
      %dma_start3A_361 = tpu.memref_slice %arg9[%mul3A_8, %dma_start3A_360] : memref<10240x16xf32, #tpu.memory_space<vmem_shared>> -> memref<640x16xf32, #tpu.memory_space<vmem_shared>>
      %dma_start3A_362 = arith.constant 0 : i32
      %dma_start3A_363 = tpu.memref_slice %arg9[%mul3A_8, %dma_start3A_362] : memref<10240x16xf32, #tpu.memory_space<vmem_shared>> -> memref<640x16xf32, #tpu.memory_space<vmem_shared>>
      tpu.enqueue_dma source(%arg8 : memref<640x16xf32, #tpu.memory_space<vmem>>) target(%dma_start3A_363 : memref<640x16xf32, #tpu.memory_space<vmem_shared>>) target_semaphore(%run_scoped3A_359 : memref<!tpu.dma_semaphore, #tpu.memory_space<semaphore_mem>>)
      %dma_wait3A_364 = arith.constant 0 : i32
      %dma_wait3A_365 = tpu.memref_slice %arg9[%mul3A_8, %dma_wait3A_364] : memref<10240x16xf32, #tpu.memory_space<vmem_shared>> -> memref<640x16xf32, #tpu.memory_space<vmem_shared>>
      %dma_wait3A_366 = arith.constant 0 : i32
      %dma_wait3A_367 = tpu.memref_slice %arg9[%mul3A_8, %dma_wait3A_366] : memref<10240x16xf32, #tpu.memory_space<vmem_shared>> -> memref<640x16xf32, #tpu.memory_space<vmem_shared>>
      tpu.wait_dma2 semaphore(%run_scoped3A_359 : memref<!tpu.dma_semaphore, #tpu.memory_space<semaphore_mem>>) src(%arg8 : memref<640x16xf32, #tpu.memory_space<vmem>>) dst(%dma_wait3A_367 : memref<640x16xf32, #tpu.memory_space<vmem_shared>>)
      tpu.yield
    }) : () -> ()
    %mul3A_9 = arith.constant 640 : i32
    %mul3A_10 = arith.muli %arg1, %mul3A_9 : i32
    %mul3A_11 = arith.constant 640 : i32
    %mul3A_12 = arith.muli %arg1, %mul3A_11 : i32
    "tpu.region"() ({
      %run_scoped3A_359 = tpu.sem_alloc : memref<!tpu.dma_semaphore, #tpu.memory_space<semaphore_mem>>
      %dma_start3A_360 = arith.constant 0 : i32
      %dma_start3A_361 = tpu.memref_slice %arg10[%mul3A_12, %dma_start3A_360] : memref<10240x16xf32, #tpu.memory_space<vmem_shared>> -> memref<640x16xf32, #tpu.memory_space<vmem_shared>>
      %dma_start3A_362 = arith.constant 0 : i32
      %dma_start3A_363 = tpu.memref_slice %arg2[%mul3A_10, %dma_start3A_362] : memref<10240x16xf32, #tpu.memory_space<hbm>> -> memref<640x16xf32, #tpu.memory_space<hbm>>
      tpu.enqueue_dma source(%dma_start3A_363 : memref<640x16xf32, #tpu.memory_space<hbm>>) target(%dma_start3A_361 : memref<640x16xf32, #tpu.memory_space<vmem_shared>>) target_semaphore(%run_scoped3A_359 : memref<!tpu.dma_semaphore, #tpu.memory_space<semaphore_mem>>)
      %dma_wait3A_364 = arith.constant 0 : i32
      %dma_wait3A_365 = tpu.memref_slice %arg10[%mul3A_12, %dma_wait3A_364] : memref<10240x16xf32, #tpu.memory_space<vmem_shared>> -> memref<640x16xf32, #tpu.memory_space<vmem_shared>>
      %dma_wait3A_366 = arith.constant 0 : i32
      %dma_wait3A_367 = tpu.memref_slice %arg2[%mul3A_10, %dma_wait3A_366] : memref<10240x16xf32, #tpu.memory_space<hbm>> -> memref<640x16xf32, #tpu.memory_space<hbm>>
      tpu.wait_dma2 semaphore(%run_scoped3A_359 : memref<!tpu.dma_semaphore, #tpu.memory_space<semaphore_mem>>) src(%dma_wait3A_367 : memref<640x16xf32, #tpu.memory_space<hbm>>) dst(%dma_wait3A_365 : memref<640x16xf32, #tpu.memory_space<vmem_shared>>)
      tpu.yield
    }) : () -> ()
    %mul3A_13 = arith.constant 78 : i32
    %mul3A_14 = arith.muli %add3A, %mul3A_13 : i32
    %run_scoped3A = arith.constant 1 : i32
    "tpu.region"() ({
      %run_scoped3A_359 = tpu.sem_alloc : memref<!tpu.dma_semaphore, #tpu.memory_space<semaphore_mem>>
      %dma_start3A_360 = arith.constant 0 : i32
      %dma_start3A_361 = arith.constant 0 : i32
      %dma_start3A_362 = tpu.memref_slice %arg5[%dma_start3A_360, %dma_start3A_361] : memref<79x128xi32, #tpu.memory_space<vmem>> -> memref<78x128xi32, #tpu.memory_space<vmem>>
      %dma_start3A_363 = arith.constant 0 : i32
      %dma_start3A_364 = tpu.memref_slice %arg3[%run_scoped3A, %mul3A_14, %dma_start3A_363] : memref<2x2500x128xi32, #tpu.memory_space<hbm>> -> memref<1x78x128xi32, #tpu.memory_space<hbm>>
      %dma_start3A_365 = tpu.memref_squeeze %dma_start3A_364 : memref<1x78x128xi32, #tpu.memory_space<hbm>> -> memref<78x128xi32, #tpu.memory_space<hbm>>
      %dma_start3A_366 = arith.constant 0 : i32
      %dma_start3A_367 = arith.constant 0 : i32
      %dma_start3A_368 = tpu.memref_slice %arg5[%dma_start3A_366, %dma_start3A_367] : memref<79x128xi32, #tpu.memory_space<vmem>> -> memref<78x128xi32, #tpu.memory_space<vmem>>
      %dma_start3A_369 = arith.constant 0 : i32
      %dma_start3A_370 = tpu.memref_slice %arg3[%run_scoped3A, %mul3A_14, %dma_start3A_369] : memref<2x2500x128xi32, #tpu.memory_space<hbm>> -> memref<1x78x128xi32, #tpu.memory_space<hbm>>
      %dma_start3A_371 = tpu.memref_squeeze %dma_start3A_370 : memref<1x78x128xi32, #tpu.memory_space<hbm>> -> memref<78x128xi32, #tpu.memory_space<hbm>>
      tpu.enqueue_dma source(%dma_start3A_371 : memref<78x128xi32, #tpu.memory_space<hbm>>) target(%dma_start3A_368 : memref<78x128xi32, #tpu.memory_space<vmem>>) target_semaphore(%run_scoped3A_359 : memref<!tpu.dma_semaphore, #tpu.memory_space<semaphore_mem>>)
      %dma_wait3A_372 = arith.constant 0 : i32
      %dma_wait3A_373 = arith.constant 0 : i32
      %dma_wait3A_374 = tpu.memref_slice %arg5[%dma_wait3A_372, %dma_wait3A_373] : memref<79x128xi32, #tpu.memory_space<vmem>> -> memref<78x128xi32, #tpu.memory_space<vmem>>
      %dma_wait3A_375 = arith.constant 0 : i32
      %dma_wait3A_376 = tpu.memref_slice %arg3[%run_scoped3A, %mul3A_14, %dma_wait3A_375] : memref<2x2500x128xi32, #tpu.memory_space<hbm>> -> memref<1x78x128xi32, #tpu.memory_space<hbm>>
      %dma_wait3A_377 = tpu.memref_squeeze %dma_wait3A_376 : memref<1x78x128xi32, #tpu.memory_space<hbm>> -> memref<78x128xi32, #tpu.memory_space<hbm>>
      %dma_wait3A_378 = arith.constant 0 : i32
      %dma_wait3A_379 = arith.constant 0 : i32
      %dma_wait3A_380 = tpu.memref_slice %arg5[%dma_wait3A_378, %dma_wait3A_379] : memref<79x128xi32, #tpu.memory_space<vmem>> -> memref<78x128xi32, #tpu.memory_space<vmem>>
      %dma_wait3A_381 = arith.constant 0 : i32
      %dma_wait3A_382 = tpu.memref_slice %arg3[%run_scoped3A, %mul3A_14, %dma_wait3A_381] : memref<2x2500x128xi32, #tpu.memory_space<hbm>> -> memref<1x78x128xi32, #tpu.memory_space<hbm>>
      %dma_wait3A_383 = tpu.memref_squeeze %dma_wait3A_382 : memref<1x78x128xi32, #tpu.memory_space<hbm>> -> memref<78x128xi32, #tpu.memory_space<hbm>>
      tpu.wait_dma2 semaphore(%run_scoped3A_359 : memref<!tpu.dma_semaphore, #tpu.memory_space<semaphore_mem>>) src(%dma_wait3A_383 : memref<78x128xi32, #tpu.memory_space<hbm>>) dst(%dma_wait3A_380 : memref<78x128xi32, #tpu.memory_space<vmem>>)
      tpu.yield
    }) : () -> ()
    %mul3A_15 = arith.constant 78 : i32
    %mul3A_16 = arith.muli %add3A, %mul3A_15 : i32
    %run_scoped3A_17 = arith.constant 0 : i32
    "tpu.region"() ({
      %run_scoped3A_359 = tpu.sem_alloc : memref<!tpu.dma_semaphore, #tpu.memory_space<semaphore_mem>>
      %dma_start3A_360 = arith.constant 0 : i32
      %dma_start3A_361 = arith.constant 0 : i32
      %dma_start3A_362 = tpu.memref_slice %arg6[%dma_start3A_360, %dma_start3A_361] : memref<79x128xi32, #tpu.memory_space<vmem>> -> memref<78x128xi32, #tpu.memory_space<vmem>>
      %dma_start3A_363 = arith.constant 0 : i32
      %dma_start3A_364 = tpu.memref_slice %arg3[%run_scoped3A_17, %mul3A_16, %dma_start3A_363] : memref<2x2500x128xi32, #tpu.memory_space<hbm>> -> memref<1x78x128xi32, #tpu.memory_space<hbm>>
      %dma_start3A_365 = tpu.memref_squeeze %dma_start3A_364 : memref<1x78x128xi32, #tpu.memory_space<hbm>> -> memref<78x128xi32, #tpu.memory_space<hbm>>
      %dma_start3A_366 = arith.constant 0 : i32
      %dma_start3A_367 = arith.constant 0 : i32
      %dma_start3A_368 = tpu.memref_slice %arg6[%dma_start3A_366, %dma_start3A_367] : memref<79x128xi32, #tpu.memory_space<vmem>> -> memref<78x128xi32, #tpu.memory_space<vmem>>
      %dma_start3A_369 = arith.constant 0 : i32
      %dma_start3A_370 = tpu.memref_slice %arg3[%run_scoped3A_17, %mul3A_16, %dma_start3A_369] : memref<2x2500x128xi32, #tpu.memory_space<hbm>> -> memref<1x78x128xi32, #tpu.memory_space<hbm>>
      %dma_start3A_371 = tpu.memref_squeeze %dma_start3A_370 : memref<1x78x128xi32, #tpu.memory_space<hbm>> -> memref<78x128xi32, #tpu.memory_space<hbm>>
      tpu.enqueue_dma source(%dma_start3A_371 : memref<78x128xi32, #tpu.memory_space<hbm>>) target(%dma_start3A_368 : memref<78x128xi32, #tpu.memory_space<vmem>>) target_semaphore(%run_scoped3A_359 : memref<!tpu.dma_semaphore, #tpu.memory_space<semaphore_mem>>)
      %dma_wait3A_372 = arith.constant 0 : i32
      %dma_wait3A_373 = arith.constant 0 : i32
      %dma_wait3A_374 = tpu.memref_slice %arg6[%dma_wait3A_372, %dma_wait3A_373] : memref<79x128xi32, #tpu.memory_space<vmem>> -> memref<78x128xi32, #tpu.memory_space<vmem>>
      %dma_wait3A_375 = arith.constant 0 : i32
      %dma_wait3A_376 = tpu.memref_slice %arg3[%run_scoped3A_17, %mul3A_16, %dma_wait3A_375] : memref<2x2500x128xi32, #tpu.memory_space<hbm>> -> memref<1x78x128xi32, #tpu.memory_space<hbm>>
      %dma_wait3A_377 = tpu.memref_squeeze %dma_wait3A_376 : memref<1x78x128xi32, #tpu.memory_space<hbm>> -> memref<78x128xi32, #tpu.memory_space<hbm>>
      %dma_wait3A_378 = arith.constant 0 : i32
      %dma_wait3A_379 = arith.constant 0 : i32
      %dma_wait3A_380 = tpu.memref_slice %arg6[%dma_wait3A_378, %dma_wait3A_379] : memref<79x128xi32, #tpu.memory_space<vmem>> -> memref<78x128xi32, #tpu.memory_space<vmem>>
      %dma_wait3A_381 = arith.constant 0 : i32
      %dma_wait3A_382 = tpu.memref_slice %arg3[%run_scoped3A_17, %mul3A_16, %dma_wait3A_381] : memref<2x2500x128xi32, #tpu.memory_space<hbm>> -> memref<1x78x128xi32, #tpu.memory_space<hbm>>
      %dma_wait3A_383 = tpu.memref_squeeze %dma_wait3A_382 : memref<1x78x128xi32, #tpu.memory_space<hbm>> -> memref<78x128xi32, #tpu.memory_space<hbm>>
      tpu.wait_dma2 semaphore(%run_scoped3A_359 : memref<!tpu.dma_semaphore, #tpu.memory_space<semaphore_mem>>) src(%dma_wait3A_383 : memref<78x128xi32, #tpu.memory_space<hbm>>) dst(%dma_wait3A_380 : memref<78x128xi32, #tpu.memory_space<vmem>>)
      tpu.yield
    }) : () -> ()
    %lt3A = arith.constant 4 : i32
    %lt3A_18 = arith.cmpi slt, %add3A, %lt3A : i32
    %convert_element_type3A = arith.extui %lt3A_18 : i1 to i32
    %cond3A = arith.constant 0 : i32
    %cond3A_19 = arith.cmpi ne, %convert_element_type3A, %cond3A : i32
    scf.if %cond3A_19 {
      %add3A_359 = arith.constant 2496 : i32
      %add3A_360 = arith.addi %add3A_359, %add3A : i32
      %run_scoped3A_361 = arith.constant 1 : i32
      "tpu.region"() ({
        %run_scoped3A_365 = tpu.sem_alloc : memref<!tpu.dma_semaphore, #tpu.memory_space<semaphore_mem>>
        %dma_start3A_366 = arith.constant 78 : i32
        %dma_start3A_367 = arith.constant 0 : i32
        %dma_start3A_368 = tpu.memref_slice %arg5[%dma_start3A_366, %dma_start3A_367] : memref<79x128xi32, #tpu.memory_space<vmem>> -> memref<1x128xi32, #tpu.memory_space<vmem>>
        %dma_start3A_369 = arith.constant 0 : i32
        %dma_start3A_370 = tpu.memref_slice %arg3[%run_scoped3A_361, %add3A_360, %dma_start3A_369] : memref<2x2500x128xi32, #tpu.memory_space<hbm>> -> memref<1x1x128xi32, #tpu.memory_space<hbm>>
        %dma_start3A_371 = tpu.memref_squeeze %dma_start3A_370 : memref<1x1x128xi32, #tpu.memory_space<hbm>> -> memref<1x128xi32, #tpu.memory_space<hbm>>
        %dma_start3A_372 = arith.constant 78 : i32
        %dma_start3A_373 = arith.constant 0 : i32
        %dma_start3A_374 = tpu.memref_slice %arg5[%dma_start3A_372, %dma_start3A_373] : memref<79x128xi32, #tpu.memory_space<vmem>> -> memref<1x128xi32, #tpu.memory_space<vmem>>
        %dma_start3A_375 = arith.constant 0 : i32
        %dma_start3A_376 = tpu.memref_slice %arg3[%run_scoped3A_361, %add3A_360, %dma_start3A_375] : memref<2x2500x128xi32, #tpu.memory_space<hbm>> -> memref<1x1x128xi32, #tpu.memory_space<hbm>>
        %dma_start3A_377 = tpu.memref_squeeze %dma_start3A_376 : memref<1x1x128xi32, #tpu.memory_space<hbm>> -> memref<1x128xi32, #tpu.memory_space<hbm>>
        tpu.enqueue_dma source(%dma_start3A_377 : memref<1x128xi32, #tpu.memory_space<hbm>>) target(%dma_start3A_374 : memref<1x128xi32, #tpu.memory_space<vmem>>) target_semaphore(%run_scoped3A_365 : memref<!tpu.dma_semaphore, #tpu.memory_space<semaphore_mem>>)
        %dma_wait3A_378 = arith.constant 78 : i32
        %dma_wait3A_379 = arith.constant 0 : i32
        %dma_wait3A_380 = tpu.memref_slice %arg5[%dma_wait3A_378, %dma_wait3A_379] : memref<79x128xi32, #tpu.memory_space<vmem>> -> memref<1x128xi32, #tpu.memory_space<vmem>>
        %dma_wait3A_381 = arith.constant 0 : i32
        %dma_wait3A_382 = tpu.memref_slice %arg3[%run_scoped3A_361, %add3A_360, %dma_wait3A_381] : memref<2x2500x128xi32, #tpu.memory_space<hbm>> -> memref<1x1x128xi32, #tpu.memory_space<hbm>>
        %dma_wait3A_383 = tpu.memref_squeeze %dma_wait3A_382 : memref<1x1x128xi32, #tpu.memory_space<hbm>> -> memref<1x128xi32, #tpu.memory_space<hbm>>
        %dma_wait3A_384 = arith.constant 78 : i32
        %dma_wait3A_385 = arith.constant 0 : i32
        %dma_wait3A_386 = tpu.memref_slice %arg5[%dma_wait3A_384, %dma_wait3A_385] : memref<79x128xi32, #tpu.memory_space<vmem>> -> memref<1x128xi32, #tpu.memory_space<vmem>>
        %dma_wait3A_387 = arith.constant 0 : i32
        %dma_wait3A_388 = tpu.memref_slice %arg3[%run_scoped3A_361, %add3A_360, %dma_wait3A_387] : memref<2x2500x128xi32, #tpu.memory_space<hbm>> -> memref<1x1x128xi32, #tpu.memory_space<hbm>>
        %dma_wait3A_389 = tpu.memref_squeeze %dma_wait3A_388 : memref<1x1x128xi32, #tpu.memory_space<hbm>> -> memref<1x128xi32, #tpu.memory_space<hbm>>
        tpu.wait_dma2 semaphore(%run_scoped3A_365 : memref<!tpu.dma_semaphore, #tpu.memory_space<semaphore_mem>>) src(%dma_wait3A_389 : memref<1x128xi32, #tpu.memory_space<hbm>>) dst(%dma_wait3A_386 : memref<1x128xi32, #tpu.memory_space<vmem>>)
        tpu.yield
      }) : () -> ()
      %add3A_362 = arith.constant 2496 : i32
      %add3A_363 = arith.addi %add3A_362, %add3A : i32
      %run_scoped3A_364 = arith.constant 0 : i32
      "tpu.region"() ({
        %run_scoped3A_365 = tpu.sem_alloc : memref<!tpu.dma_semaphore, #tpu.memory_space<semaphore_mem>>
        %dma_start3A_366 = arith.constant 78 : i32
        %dma_start3A_367 = arith.constant 0 : i32
        %dma_start3A_368 = tpu.memref_slice %arg6[%dma_start3A_366, %dma_start3A_367] : memref<79x128xi32, #tpu.memory_space<vmem>> -> memref<1x128xi32, #tpu.memory_space<vmem>>
        %dma_start3A_369 = arith.constant 0 : i32
        %dma_start3A_370 = tpu.memref_slice %arg3[%run_scoped3A_364, %add3A_363, %dma_start3A_369] : memref<2x2500x128xi32, #tpu.memory_space<hbm>> -> memref<1x1x128xi32, #tpu.memory_space<hbm>>
        %dma_start3A_371 = tpu.memref_squeeze %dma_start3A_370 : memref<1x1x128xi32, #tpu.memory_space<hbm>> -> memref<1x128xi32, #tpu.memory_space<hbm>>
        %dma_start3A_372 = arith.constant 78 : i32
        %dma_start3A_373 = arith.constant 0 : i32
        %dma_start3A_374 = tpu.memref_slice %arg6[%dma_start3A_372, %dma_start3A_373] : memref<79x128xi32, #tpu.memory_space<vmem>> -> memref<1x128xi32, #tpu.memory_space<vmem>>
        %dma_start3A_375 = arith.constant 0 : i32
        %dma_start3A_376 = tpu.memref_slice %arg3[%run_scoped3A_364, %add3A_363, %dma_start3A_375] : memref<2x2500x128xi32, #tpu.memory_space<hbm>> -> memref<1x1x128xi32, #tpu.memory_space<hbm>>
        %dma_start3A_377 = tpu.memref_squeeze %dma_start3A_376 : memref<1x1x128xi32, #tpu.memory_space<hbm>> -> memref<1x128xi32, #tpu.memory_space<hbm>>
        tpu.enqueue_dma source(%dma_start3A_377 : memref<1x128xi32, #tpu.memory_space<hbm>>) target(%dma_start3A_374 : memref<1x128xi32, #tpu.memory_space<vmem>>) target_semaphore(%run_scoped3A_365 : memref<!tpu.dma_semaphore, #tpu.memory_space<semaphore_mem>>)
        %dma_wait3A_378 = arith.constant 78 : i32
        %dma_wait3A_379 = arith.constant 0 : i32
        %dma_wait3A_380 = tpu.memref_slice %arg6[%dma_wait3A_378, %dma_wait3A_379] : memref<79x128xi32, #tpu.memory_space<vmem>> -> memref<1x128xi32, #tpu.memory_space<vmem>>
        %dma_wait3A_381 = arith.constant 0 : i32
        %dma_wait3A_382 = tpu.memref_slice %arg3[%run_scoped3A_364, %add3A_363, %dma_wait3A_381] : memref<2x2500x128xi32, #tpu.memory_space<hbm>> -> memref<1x1x128xi32, #tpu.memory_space<hbm>>
        %dma_wait3A_383 = tpu.memref_squeeze %dma_wait3A_382 : memref<1x1x128xi32, #tpu.memory_space<hbm>> -> memref<1x128xi32, #tpu.memory_space<hbm>>
        %dma_wait3A_384 = arith.constant 78 : i32
        %dma_wait3A_385 = arith.constant 0 : i32
        %dma_wait3A_386 = tpu.memref_slice %arg6[%dma_wait3A_384, %dma_wait3A_385] : memref<79x128xi32, #tpu.memory_space<vmem>> -> memref<1x128xi32, #tpu.memory_space<vmem>>
        %dma_wait3A_387 = arith.constant 0 : i32
        %dma_wait3A_388 = tpu.memref_slice %arg3[%run_scoped3A_364, %add3A_363, %dma_wait3A_387] : memref<2x2500x128xi32, #tpu.memory_space<hbm>> -> memref<1x1x128xi32, #tpu.memory_space<hbm>>
        %dma_wait3A_389 = tpu.memref_squeeze %dma_wait3A_388 : memref<1x1x128xi32, #tpu.memory_space<hbm>> -> memref<1x128xi32, #tpu.memory_space<hbm>>
        tpu.wait_dma2 semaphore(%run_scoped3A_365 : memref<!tpu.dma_semaphore, #tpu.memory_space<semaphore_mem>>) src(%dma_wait3A_389 : memref<1x128xi32, #tpu.memory_space<hbm>>) dst(%dma_wait3A_386 : memref<1x128xi32, #tpu.memory_space<vmem>>)
        tpu.yield
      }) : () -> ()
    } else {
    }
    %barrier3A = arith.constant 0 : index
    tpu.barrier barrier_id(%barrier3A)
    %dma_start3A = arith.constant 0 : i32
    %dma_start3A_20 = arith.constant 0 : i32
    %dma_start3A_21 = arith.constant 0 : i32
    %dma_start3A_22 = arith.constant 0 : i32
    %dma_start3A_23 = tpu.memref_slice %arg7[%dma_start3A_20, %dma_start3A_21, %dma_start3A_22] : memref<6x128x16xf32, #tpu.memory_space<vmem>> -> memref<1x128x16xf32, #tpu.memory_space<vmem>>
    %dma_start3A_24 = tpu.memref_squeeze %dma_start3A_23 : memref<1x128x16xf32, #tpu.memory_space<vmem>> -> memref<128x16xf32, #tpu.memory_space<vmem>>
    %dma_start3A_25 = arith.constant 0 : i32
    %dma_start3A_26 = tpu.memref_slice %arg5[%dma_start3A, %dma_start3A_25] : memref<79x128xi32, #tpu.memory_space<vmem>> -> memref<1x128xi32, #tpu.memory_space<vmem>>
    %dma_start3A_27 = tpu.memref_squeeze %dma_start3A_26 : memref<1x128xi32, #tpu.memory_space<vmem>> -> memref<128xi32, #tpu.memory_space<vmem>>
    %dma_start3A_28 = arith.constant 0 : i32
    %dma_start3A_29 = arith.constant 0 : i32
    %dma_start3A_30 = tpu.memref_slice %arg10[%dma_start3A_28, %dma_start3A_29] : memref<10240x16xf32, #tpu.memory_space<vmem_shared>> -> memref<10240x16xf32, #tpu.memory_space<vmem_shared>>
    tpu.enqueue_indirect_dma source(%dma_start3A_30 : memref<10240x16xf32, #tpu.memory_space<vmem_shared>>) target(%dma_start3A_24 : memref<128x16xf32, #tpu.memory_space<vmem>>) offsets(%dma_start3A_27 : memref<128xi32, #tpu.memory_space<vmem>>) semaphore(%arg11 : memref<!tpu.dma_semaphore, #tpu.memory_space<semaphore_mem>>)
    %dma_start3A_31 = arith.constant 1 : i32
    %dma_start3A_32 = arith.constant 1 : i32
    %dma_start3A_33 = arith.constant 0 : i32
    %dma_start3A_34 = arith.constant 0 : i32
    %dma_start3A_35 = tpu.memref_slice %arg7[%dma_start3A_32, %dma_start3A_33, %dma_start3A_34] : memref<6x128x16xf32, #tpu.memory_space<vmem>> -> memref<1x128x16xf32, #tpu.memory_space<vmem>>
    %dma_start3A_36 = tpu.memref_squeeze %dma_start3A_35 : memref<1x128x16xf32, #tpu.memory_space<vmem>> -> memref<128x16xf32, #tpu.memory_space<vmem>>
    %dma_start3A_37 = arith.constant 0 : i32
    %dma_start3A_38 = tpu.memref_slice %arg5[%dma_start3A_31, %dma_start3A_37] : memref<79x128xi32, #tpu.memory_space<vmem>> -> memref<1x128xi32, #tpu.memory_space<vmem>>
    %dma_start3A_39 = tpu.memref_squeeze %dma_start3A_38 : memref<1x128xi32, #tpu.memory_space<vmem>> -> memref<128xi32, #tpu.memory_space<vmem>>
    %dma_start3A_40 = arith.constant 0 : i32
    %dma_start3A_41 = arith.constant 0 : i32
    %dma_start3A_42 = tpu.memref_slice %arg10[%dma_start3A_40, %dma_start3A_41] : memref<10240x16xf32, #tpu.memory_space<vmem_shared>> -> memref<10240x16xf32, #tpu.memory_space<vmem_shared>>
    tpu.enqueue_indirect_dma source(%dma_start3A_42 : memref<10240x16xf32, #tpu.memory_space<vmem_shared>>) target(%dma_start3A_36 : memref<128x16xf32, #tpu.memory_space<vmem>>) offsets(%dma_start3A_39 : memref<128xi32, #tpu.memory_space<vmem>>) semaphore(%arg12 : memref<!tpu.dma_semaphore, #tpu.memory_space<semaphore_mem>>)
    %dma_start3A_43 = arith.constant 2 : i32
    %dma_start3A_44 = arith.constant 2 : i32
    %dma_start3A_45 = arith.constant 0 : i32
    %dma_start3A_46 = arith.constant 0 : i32
    %dma_start3A_47 = tpu.memref_slice %arg7[%dma_start3A_44, %dma_start3A_45, %dma_start3A_46] : memref<6x128x16xf32, #tpu.memory_space<vmem>> -> memref<1x128x16xf32, #tpu.memory_space<vmem>>
    %dma_start3A_48 = tpu.memref_squeeze %dma_start3A_47 : memref<1x128x16xf32, #tpu.memory_space<vmem>> -> memref<128x16xf32, #tpu.memory_space<vmem>>
    %dma_start3A_49 = arith.constant 0 : i32
    %dma_start3A_50 = tpu.memref_slice %arg5[%dma_start3A_43, %dma_start3A_49] : memref<79x128xi32, #tpu.memory_space<vmem>> -> memref<1x128xi32, #tpu.memory_space<vmem>>
    %dma_start3A_51 = tpu.memref_squeeze %dma_start3A_50 : memref<1x128xi32, #tpu.memory_space<vmem>> -> memref<128xi32, #tpu.memory_space<vmem>>
    %dma_start3A_52 = arith.constant 0 : i32
    %dma_start3A_53 = arith.constant 0 : i32
    %dma_start3A_54 = tpu.memref_slice %arg10[%dma_start3A_52, %dma_start3A_53] : memref<10240x16xf32, #tpu.memory_space<vmem_shared>> -> memref<10240x16xf32, #tpu.memory_space<vmem_shared>>
    tpu.enqueue_indirect_dma source(%dma_start3A_54 : memref<10240x16xf32, #tpu.memory_space<vmem_shared>>) target(%dma_start3A_48 : memref<128x16xf32, #tpu.memory_space<vmem>>) offsets(%dma_start3A_51 : memref<128xi32, #tpu.memory_space<vmem>>) semaphore(%arg13 : memref<!tpu.dma_semaphore, #tpu.memory_space<semaphore_mem>>)
    %dma_start3A_55 = arith.constant 3 : i32
    %dma_start3A_56 = arith.constant 3 : i32
    %dma_start3A_57 = arith.constant 0 : i32
    %dma_start3A_58 = arith.constant 0 : i32
    %dma_start3A_59 = tpu.memref_slice %arg7[%dma_start3A_56, %dma_start3A_57, %dma_start3A_58] : memref<6x128x16xf32, #tpu.memory_space<vmem>> -> memref<1x128x16xf32, #tpu.memory_space<vmem>>
    %dma_start3A_60 = tpu.memref_squeeze %dma_start3A_59 : memref<1x128x16xf32, #tpu.memory_space<vmem>> -> memref<128x16xf32, #tpu.memory_space<vmem>>
    %dma_start3A_61 = arith.constant 0 : i32
    %dma_start3A_62 = tpu.memref_slice %arg5[%dma_start3A_55, %dma_start3A_61] : memref<79x128xi32, #tpu.memory_space<vmem>> -> memref<1x128xi32, #tpu.memory_space<vmem>>
    %dma_start3A_63 = tpu.memref_squeeze %dma_start3A_62 : memref<1x128xi32, #tpu.memory_space<vmem>> -> memref<128xi32, #tpu.memory_space<vmem>>
    %dma_start3A_64 = arith.constant 0 : i32
    %dma_start3A_65 = arith.constant 0 : i32
    %dma_start3A_66 = tpu.memref_slice %arg10[%dma_start3A_64, %dma_start3A_65] : memref<10240x16xf32, #tpu.memory_space<vmem_shared>> -> memref<10240x16xf32, #tpu.memory_space<vmem_shared>>
    tpu.enqueue_indirect_dma source(%dma_start3A_66 : memref<10240x16xf32, #tpu.memory_space<vmem_shared>>) target(%dma_start3A_60 : memref<128x16xf32, #tpu.memory_space<vmem>>) offsets(%dma_start3A_63 : memref<128xi32, #tpu.memory_space<vmem>>) semaphore(%arg14 : memref<!tpu.dma_semaphore, #tpu.memory_space<semaphore_mem>>)
    %dma_start3A_67 = arith.constant 4 : i32
    %dma_start3A_68 = arith.constant 4 : i32
    %dma_start3A_69 = arith.constant 0 : i32
    %dma_start3A_70 = arith.constant 0 : i32
    %dma_start3A_71 = tpu.memref_slice %arg7[%dma_start3A_68, %dma_start3A_69, %dma_start3A_70] : memref<6x128x16xf32, #tpu.memory_space<vmem>> -> memref<1x128x16xf32, #tpu.memory_space<vmem>>
    %dma_start3A_72 = tpu.memref_squeeze %dma_start3A_71 : memref<1x128x16xf32, #tpu.memory_space<vmem>> -> memref<128x16xf32, #tpu.memory_space<vmem>>
    %dma_start3A_73 = arith.constant 0 : i32
    %dma_start3A_74 = tpu.memref_slice %arg5[%dma_start3A_67, %dma_start3A_73] : memref<79x128xi32, #tpu.memory_space<vmem>> -> memref<1x128xi32, #tpu.memory_space<vmem>>
    %dma_start3A_75 = tpu.memref_squeeze %dma_start3A_74 : memref<1x128xi32, #tpu.memory_space<vmem>> -> memref<128xi32, #tpu.memory_space<vmem>>
    %dma_start3A_76 = arith.constant 0 : i32
    %dma_start3A_77 = arith.constant 0 : i32
    %dma_start3A_78 = tpu.memref_slice %arg10[%dma_start3A_76, %dma_start3A_77] : memref<10240x16xf32, #tpu.memory_space<vmem_shared>> -> memref<10240x16xf32, #tpu.memory_space<vmem_shared>>
    tpu.enqueue_indirect_dma source(%dma_start3A_78 : memref<10240x16xf32, #tpu.memory_space<vmem_shared>>) target(%dma_start3A_72 : memref<128x16xf32, #tpu.memory_space<vmem>>) offsets(%dma_start3A_75 : memref<128xi32, #tpu.memory_space<vmem>>) semaphore(%arg15 : memref<!tpu.dma_semaphore, #tpu.memory_space<semaphore_mem>>)
    %dma_start3A_79 = arith.constant 5 : i32
    %dma_start3A_80 = arith.constant 5 : i32
    %dma_start3A_81 = arith.constant 0 : i32
    %dma_start3A_82 = arith.constant 0 : i32
    %dma_start3A_83 = tpu.memref_slice %arg7[%dma_start3A_80, %dma_start3A_81, %dma_start3A_82] : memref<6x128x16xf32, #tpu.memory_space<vmem>> -> memref<1x128x16xf32, #tpu.memory_space<vmem>>
    %dma_start3A_84 = tpu.memref_squeeze %dma_start3A_83 : memref<1x128x16xf32, #tpu.memory_space<vmem>> -> memref<128x16xf32, #tpu.memory_space<vmem>>
    %dma_start3A_85 = arith.constant 0 : i32
    %dma_start3A_86 = tpu.memref_slice %arg5[%dma_start3A_79, %dma_start3A_85] : memref<79x128xi32, #tpu.memory_space<vmem>> -> memref<1x128xi32, #tpu.memory_space<vmem>>
    %dma_start3A_87 = tpu.memref_squeeze %dma_start3A_86 : memref<1x128xi32, #tpu.memory_space<vmem>> -> memref<128xi32, #tpu.memory_space<vmem>>
    %dma_start3A_88 = arith.constant 0 : i32
    %dma_start3A_89 = arith.constant 0 : i32
    %dma_start3A_90 = tpu.memref_slice %arg10[%dma_start3A_88, %dma_start3A_89] : memref<10240x16xf32, #tpu.memory_space<vmem_shared>> -> memref<10240x16xf32, #tpu.memory_space<vmem_shared>>
    tpu.enqueue_indirect_dma source(%dma_start3A_90 : memref<10240x16xf32, #tpu.memory_space<vmem_shared>>) target(%dma_start3A_84 : memref<128x16xf32, #tpu.memory_space<vmem>>) offsets(%dma_start3A_87 : memref<128xi32, #tpu.memory_space<vmem>>) semaphore(%arg16 : memref<!tpu.dma_semaphore, #tpu.memory_space<semaphore_mem>>)
    %scan3A_91 = arith.constant 0 : i32
    %scan3A_92 = arith.constant 0 : i32
    %scan3A_93 = arith.constant 12 : i32
    %scan3A_94 = arith.addi %scan3A_92, %scan3A_93 : i32
    %scan3A_95 = arith.constant 1 : i32
    %scan3A_96 = scf.for %scan3A_359 = %scan3A_92 to %scan3A_94 step %scan3A_95 iter_args(%scan3A_360 = %scan3A_91) -> (i32)  : i32 {
      %mul3A_361 = arith.constant 6 : i32
      %mul3A_362 = arith.muli %scan3A_359, %mul3A_361 : i32
      %dma_wait3A_363 = arith.constant 0 : i32
      %dma_wait3A_364 = arith.constant 0 : i32
      %dma_wait3A_365 = arith.constant 0 : i32
      %dma_wait3A_366 = tpu.memref_slice %arg7[%dma_wait3A_363, %dma_wait3A_364, %dma_wait3A_365] : memref<6x128x16xf32, #tpu.memory_space<vmem>> -> memref<1x128x16xf32, #tpu.memory_space<vmem>>
      %dma_wait3A_367 = tpu.memref_squeeze %dma_wait3A_366 : memref<1x128x16xf32, #tpu.memory_space<vmem>> -> memref<128x16xf32, #tpu.memory_space<vmem>>
      %dma_wait3A_368 = arith.constant 0 : i32
      %dma_wait3A_369 = arith.constant 0 : i32
      %dma_wait3A_370 = tpu.memref_slice %arg2[%dma_wait3A_368, %dma_wait3A_369] : memref<10240x16xf32, #tpu.memory_space<hbm>> -> memref<128x16xf32, #tpu.memory_space<hbm>>
      %dma_wait3A_371 = arith.constant 0 : i32
      %dma_wait3A_372 = arith.constant 0 : i32
      %dma_wait3A_373 = tpu.memref_slice %arg7[%dma_wait3A_363, %dma_wait3A_371, %dma_wait3A_372] : memref<6x128x16xf32, #tpu.memory_space<vmem>> -> memref<1x128x16xf32, #tpu.memory_space<vmem>>
      %dma_wait3A_374 = tpu.memref_squeeze %dma_wait3A_373 : memref<1x128x16xf32, #tpu.memory_space<vmem>> -> memref<128x16xf32, #tpu.memory_space<vmem>>
      %dma_wait3A_375 = arith.constant 0 : i32
      %dma_wait3A_376 = arith.constant 0 : i32
      %dma_wait3A_377 = tpu.memref_slice %arg2[%dma_wait3A_375, %dma_wait3A_376] : memref<10240x16xf32, #tpu.memory_space<hbm>> -> memref<128x16xf32, #tpu.memory_space<hbm>>
      tpu.wait_dma2 semaphore(%arg11 : memref<!tpu.dma_semaphore, #tpu.memory_space<semaphore_mem>>) src(%dma_wait3A_377 : memref<128x16xf32, #tpu.memory_space<hbm>>) dst(%dma_wait3A_374 : memref<128x16xf32, #tpu.memory_space<vmem>>)
      %add3A_378 = arith.constant 0 : i32
      %add3A_379 = arith.addi %mul3A_362, %add3A_378 : i32
      %dma_start3A_380 = arith.constant 0 : i32
      %dma_start3A_381 = arith.constant 0 : i32
      %dma_start3A_382 = arith.constant 0 : i32
      %dma_start3A_383 = tpu.memref_slice %arg7[%dma_start3A_380, %dma_start3A_381, %dma_start3A_382] : memref<6x128x16xf32, #tpu.memory_space<vmem>> -> memref<1x128x16xf32, #tpu.memory_space<vmem>>
      %dma_start3A_384 = tpu.memref_squeeze %dma_start3A_383 : memref<1x128x16xf32, #tpu.memory_space<vmem>> -> memref<128x16xf32, #tpu.memory_space<vmem>>
      %dma_start3A_385 = arith.constant 0 : i32
      %dma_start3A_386 = tpu.memref_slice %arg6[%add3A_379, %dma_start3A_385] : memref<79x128xi32, #tpu.memory_space<vmem>> -> memref<1x128xi32, #tpu.memory_space<vmem>>
      %dma_start3A_387 = tpu.memref_squeeze %dma_start3A_386 : memref<1x128xi32, #tpu.memory_space<vmem>> -> memref<128xi32, #tpu.memory_space<vmem>>
      %dma_start3A_388 = arith.constant 0 : i32
      %dma_start3A_389 = arith.constant 0 : i32
      %dma_start3A_390 = tpu.memref_slice %arg9[%dma_start3A_388, %dma_start3A_389] : memref<10240x16xf32, #tpu.memory_space<vmem_shared>> -> memref<10240x16xf32, #tpu.memory_space<vmem_shared>>
      tpu.enqueue_indirect_dma source(%dma_start3A_384 : memref<128x16xf32, #tpu.memory_space<vmem>>) target(%dma_start3A_390 : memref<10240x16xf32, #tpu.memory_space<vmem_shared>>) offsets(%dma_start3A_387 : memref<128xi32, #tpu.memory_space<vmem>>) semaphore(%arg17 : memref<!tpu.dma_semaphore, #tpu.memory_space<semaphore_mem>>) {add = true}
      %dma_wait3A_391 = arith.constant 1 : i32
      %dma_wait3A_392 = arith.constant 0 : i32
      %dma_wait3A_393 = arith.constant 0 : i32
      %dma_wait3A_394 = tpu.memref_slice %arg7[%dma_wait3A_391, %dma_wait3A_392, %dma_wait3A_393] : memref<6x128x16xf32, #tpu.memory_space<vmem>> -> memref<1x128x16xf32, #tpu.memory_space<vmem>>
      %dma_wait3A_395 = tpu.memref_squeeze %dma_wait3A_394 : memref<1x128x16xf32, #tpu.memory_space<vmem>> -> memref<128x16xf32, #tpu.memory_space<vmem>>
      %dma_wait3A_396 = arith.constant 0 : i32
      %dma_wait3A_397 = arith.constant 0 : i32
      %dma_wait3A_398 = tpu.memref_slice %arg2[%dma_wait3A_396, %dma_wait3A_397] : memref<10240x16xf32, #tpu.memory_space<hbm>> -> memref<128x16xf32, #tpu.memory_space<hbm>>
      %dma_wait3A_399 = arith.constant 0 : i32
      %dma_wait3A_400 = arith.constant 0 : i32
      %dma_wait3A_401 = tpu.memref_slice %arg7[%dma_wait3A_391, %dma_wait3A_399, %dma_wait3A_400] : memref<6x128x16xf32, #tpu.memory_space<vmem>> -> memref<1x128x16xf32, #tpu.memory_space<vmem>>
      %dma_wait3A_402 = tpu.memref_squeeze %dma_wait3A_401 : memref<1x128x16xf32, #tpu.memory_space<vmem>> -> memref<128x16xf32, #tpu.memory_space<vmem>>
      %dma_wait3A_403 = arith.constant 0 : i32
      %dma_wait3A_404 = arith.constant 0 : i32
      %dma_wait3A_405 = tpu.memref_slice %arg2[%dma_wait3A_403, %dma_wait3A_404] : memref<10240x16xf32, #tpu.memory_space<hbm>> -> memref<128x16xf32, #tpu.memory_space<hbm>>
      tpu.wait_dma2 semaphore(%arg12 : memref<!tpu.dma_semaphore, #tpu.memory_space<semaphore_mem>>) src(%dma_wait3A_405 : memref<128x16xf32, #tpu.memory_space<hbm>>) dst(%dma_wait3A_402 : memref<128x16xf32, #tpu.memory_space<vmem>>)
      %add3A_406 = arith.constant 1 : i32
      %add3A_407 = arith.addi %mul3A_362, %add3A_406 : i32
      %dma_start3A_408 = arith.constant 1 : i32
      %dma_start3A_409 = arith.constant 0 : i32
      %dma_start3A_410 = arith.constant 0 : i32
      %dma_start3A_411 = tpu.memref_slice %arg7[%dma_start3A_408, %dma_start3A_409, %dma_start3A_410] : memref<6x128x16xf32, #tpu.memory_space<vmem>> -> memref<1x128x16xf32, #tpu.memory_space<vmem>>
      %dma_start3A_412 = tpu.memref_squeeze %dma_start3A_411 : memref<1x128x16xf32, #tpu.memory_space<vmem>> -> memref<128x16xf32, #tpu.memory_space<vmem>>
      %dma_start3A_413 = arith.constant 0 : i32
      %dma_start3A_414 = tpu.memref_slice %arg6[%add3A_407, %dma_start3A_413] : memref<79x128xi32, #tpu.memory_space<vmem>> -> memref<1x128xi32, #tpu.memory_space<vmem>>
      %dma_start3A_415 = tpu.memref_squeeze %dma_start3A_414 : memref<1x128xi32, #tpu.memory_space<vmem>> -> memref<128xi32, #tpu.memory_space<vmem>>
      %dma_start3A_416 = arith.constant 0 : i32
      %dma_start3A_417 = arith.constant 0 : i32
      %dma_start3A_418 = tpu.memref_slice %arg9[%dma_start3A_416, %dma_start3A_417] : memref<10240x16xf32, #tpu.memory_space<vmem_shared>> -> memref<10240x16xf32, #tpu.memory_space<vmem_shared>>
      tpu.enqueue_indirect_dma source(%dma_start3A_412 : memref<128x16xf32, #tpu.memory_space<vmem>>) target(%dma_start3A_418 : memref<10240x16xf32, #tpu.memory_space<vmem_shared>>) offsets(%dma_start3A_415 : memref<128xi32, #tpu.memory_space<vmem>>) semaphore(%arg18 : memref<!tpu.dma_semaphore, #tpu.memory_space<semaphore_mem>>) {add = true}
      %dma_wait3A_419 = arith.constant 2 : i32
      %dma_wait3A_420 = arith.constant 0 : i32
      %dma_wait3A_421 = arith.constant 0 : i32
      %dma_wait3A_422 = tpu.memref_slice %arg7[%dma_wait3A_419, %dma_wait3A_420, %dma_wait3A_421] : memref<6x128x16xf32, #tpu.memory_space<vmem>> -> memref<1x128x16xf32, #tpu.memory_space<vmem>>
      %dma_wait3A_423 = tpu.memref_squeeze %dma_wait3A_422 : memref<1x128x16xf32, #tpu.memory_space<vmem>> -> memref<128x16xf32, #tpu.memory_space<vmem>>
      %dma_wait3A_424 = arith.constant 0 : i32
      %dma_wait3A_425 = arith.constant 0 : i32
      %dma_wait3A_426 = tpu.memref_slice %arg2[%dma_wait3A_424, %dma_wait3A_425] : memref<10240x16xf32, #tpu.memory_space<hbm>> -> memref<128x16xf32, #tpu.memory_space<hbm>>
      %dma_wait3A_427 = arith.constant 0 : i32
      %dma_wait3A_428 = arith.constant 0 : i32
      %dma_wait3A_429 = tpu.memref_slice %arg7[%dma_wait3A_419, %dma_wait3A_427, %dma_wait3A_428] : memref<6x128x16xf32, #tpu.memory_space<vmem>> -> memref<1x128x16xf32, #tpu.memory_space<vmem>>
      %dma_wait3A_430 = tpu.memref_squeeze %dma_wait3A_429 : memref<1x128x16xf32, #tpu.memory_space<vmem>> -> memref<128x16xf32, #tpu.memory_space<vmem>>
      %dma_wait3A_431 = arith.constant 0 : i32
      %dma_wait3A_432 = arith.constant 0 : i32
      %dma_wait3A_433 = tpu.memref_slice %arg2[%dma_wait3A_431, %dma_wait3A_432] : memref<10240x16xf32, #tpu.memory_space<hbm>> -> memref<128x16xf32, #tpu.memory_space<hbm>>
      tpu.wait_dma2 semaphore(%arg13 : memref<!tpu.dma_semaphore, #tpu.memory_space<semaphore_mem>>) src(%dma_wait3A_433 : memref<128x16xf32, #tpu.memory_space<hbm>>) dst(%dma_wait3A_430 : memref<128x16xf32, #tpu.memory_space<vmem>>)
      %add3A_434 = arith.constant 2 : i32
      %add3A_435 = arith.addi %mul3A_362, %add3A_434 : i32
      %dma_start3A_436 = arith.constant 2 : i32
      %dma_start3A_437 = arith.constant 0 : i32
      %dma_start3A_438 = arith.constant 0 : i32
      %dma_start3A_439 = tpu.memref_slice %arg7[%dma_start3A_436, %dma_start3A_437, %dma_start3A_438] : memref<6x128x16xf32, #tpu.memory_space<vmem>> -> memref<1x128x16xf32, #tpu.memory_space<vmem>>
      %dma_start3A_440 = tpu.memref_squeeze %dma_start3A_439 : memref<1x128x16xf32, #tpu.memory_space<vmem>> -> memref<128x16xf32, #tpu.memory_space<vmem>>
      %dma_start3A_441 = arith.constant 0 : i32
      %dma_start3A_442 = tpu.memref_slice %arg6[%add3A_435, %dma_start3A_441] : memref<79x128xi32, #tpu.memory_space<vmem>> -> memref<1x128xi32, #tpu.memory_space<vmem>>
      %dma_start3A_443 = tpu.memref_squeeze %dma_start3A_442 : memref<1x128xi32, #tpu.memory_space<vmem>> -> memref<128xi32, #tpu.memory_space<vmem>>
      %dma_start3A_444 = arith.constant 0 : i32
      %dma_start3A_445 = arith.constant 0 : i32
      %dma_start3A_446 = tpu.memref_slice %arg9[%dma_start3A_444, %dma_start3A_445] : memref<10240x16xf32, #tpu.memory_space<vmem_shared>> -> memref<10240x16xf32, #tpu.memory_space<vmem_shared>>
      tpu.enqueue_indirect_dma source(%dma_start3A_440 : memref<128x16xf32, #tpu.memory_space<vmem>>) target(%dma_start3A_446 : memref<10240x16xf32, #tpu.memory_space<vmem_shared>>) offsets(%dma_start3A_443 : memref<128xi32, #tpu.memory_space<vmem>>) semaphore(%arg19 : memref<!tpu.dma_semaphore, #tpu.memory_space<semaphore_mem>>) {add = true}
      %dma_wait3A_447 = arith.constant 3 : i32
      %dma_wait3A_448 = arith.constant 0 : i32
      %dma_wait3A_449 = arith.constant 0 : i32
      %dma_wait3A_450 = tpu.memref_slice %arg7[%dma_wait3A_447, %dma_wait3A_448, %dma_wait3A_449] : memref<6x128x16xf32, #tpu.memory_space<vmem>> -> memref<1x128x16xf32, #tpu.memory_space<vmem>>
      %dma_wait3A_451 = tpu.memref_squeeze %dma_wait3A_450 : memref<1x128x16xf32, #tpu.memory_space<vmem>> -> memref<128x16xf32, #tpu.memory_space<vmem>>
      %dma_wait3A_452 = arith.constant 0 : i32
      %dma_wait3A_453 = arith.constant 0 : i32
      %dma_wait3A_454 = tpu.memref_slice %arg2[%dma_wait3A_452, %dma_wait3A_453] : memref<10240x16xf32, #tpu.memory_space<hbm>> -> memref<128x16xf32, #tpu.memory_space<hbm>>
      %dma_wait3A_455 = arith.constant 0 : i32
      %dma_wait3A_456 = arith.constant 0 : i32
      %dma_wait3A_457 = tpu.memref_slice %arg7[%dma_wait3A_447, %dma_wait3A_455, %dma_wait3A_456] : memref<6x128x16xf32, #tpu.memory_space<vmem>> -> memref<1x128x16xf32, #tpu.memory_space<vmem>>
      %dma_wait3A_458 = tpu.memref_squeeze %dma_wait3A_457 : memref<1x128x16xf32, #tpu.memory_space<vmem>> -> memref<128x16xf32, #tpu.memory_space<vmem>>
      %dma_wait3A_459 = arith.constant 0 : i32
      %dma_wait3A_460 = arith.constant 0 : i32
      %dma_wait3A_461 = tpu.memref_slice %arg2[%dma_wait3A_459, %dma_wait3A_460] : memref<10240x16xf32, #tpu.memory_space<hbm>> -> memref<128x16xf32, #tpu.memory_space<hbm>>
      tpu.wait_dma2 semaphore(%arg14 : memref<!tpu.dma_semaphore, #tpu.memory_space<semaphore_mem>>) src(%dma_wait3A_461 : memref<128x16xf32, #tpu.memory_space<hbm>>) dst(%dma_wait3A_458 : memref<128x16xf32, #tpu.memory_space<vmem>>)
      %add3A_462 = arith.constant 3 : i32
      %add3A_463 = arith.addi %mul3A_362, %add3A_462 : i32
      %dma_start3A_464 = arith.constant 3 : i32
      %dma_start3A_465 = arith.constant 0 : i32
      %dma_start3A_466 = arith.constant 0 : i32
      %dma_start3A_467 = tpu.memref_slice %arg7[%dma_start3A_464, %dma_start3A_465, %dma_start3A_466] : memref<6x128x16xf32, #tpu.memory_space<vmem>> -> memref<1x128x16xf32, #tpu.memory_space<vmem>>
      %dma_start3A_468 = tpu.memref_squeeze %dma_start3A_467 : memref<1x128x16xf32, #tpu.memory_space<vmem>> -> memref<128x16xf32, #tpu.memory_space<vmem>>
      %dma_start3A_469 = arith.constant 0 : i32
      %dma_start3A_470 = tpu.memref_slice %arg6[%add3A_463, %dma_start3A_469] : memref<79x128xi32, #tpu.memory_space<vmem>> -> memref<1x128xi32, #tpu.memory_space<vmem>>
      %dma_start3A_471 = tpu.memref_squeeze %dma_start3A_470 : memref<1x128xi32, #tpu.memory_space<vmem>> -> memref<128xi32, #tpu.memory_space<vmem>>
      %dma_start3A_472 = arith.constant 0 : i32
      %dma_start3A_473 = arith.constant 0 : i32
      %dma_start3A_474 = tpu.memref_slice %arg9[%dma_start3A_472, %dma_start3A_473] : memref<10240x16xf32, #tpu.memory_space<vmem_shared>> -> memref<10240x16xf32, #tpu.memory_space<vmem_shared>>
      tpu.enqueue_indirect_dma source(%dma_start3A_468 : memref<128x16xf32, #tpu.memory_space<vmem>>) target(%dma_start3A_474 : memref<10240x16xf32, #tpu.memory_space<vmem_shared>>) offsets(%dma_start3A_471 : memref<128xi32, #tpu.memory_space<vmem>>) semaphore(%arg20 : memref<!tpu.dma_semaphore, #tpu.memory_space<semaphore_mem>>) {add = true}
      %dma_wait3A_475 = arith.constant 4 : i32
      %dma_wait3A_476 = arith.constant 0 : i32
      %dma_wait3A_477 = arith.constant 0 : i32
      %dma_wait3A_478 = tpu.memref_slice %arg7[%dma_wait3A_475, %dma_wait3A_476, %dma_wait3A_477] : memref<6x128x16xf32, #tpu.memory_space<vmem>> -> memref<1x128x16xf32, #tpu.memory_space<vmem>>
      %dma_wait3A_479 = tpu.memref_squeeze %dma_wait3A_478 : memref<1x128x16xf32, #tpu.memory_space<vmem>> -> memref<128x16xf32, #tpu.memory_space<vmem>>
      %dma_wait3A_480 = arith.constant 0 : i32
      %dma_wait3A_481 = arith.constant 0 : i32
      %dma_wait3A_482 = tpu.memref_slice %arg2[%dma_wait3A_480, %dma_wait3A_481] : memref<10240x16xf32, #tpu.memory_space<hbm>> -> memref<128x16xf32, #tpu.memory_space<hbm>>
      %dma_wait3A_483 = arith.constant 0 : i32
      %dma_wait3A_484 = arith.constant 0 : i32
      %dma_wait3A_485 = tpu.memref_slice %arg7[%dma_wait3A_475, %dma_wait3A_483, %dma_wait3A_484] : memref<6x128x16xf32, #tpu.memory_space<vmem>> -> memref<1x128x16xf32, #tpu.memory_space<vmem>>
      %dma_wait3A_486 = tpu.memref_squeeze %dma_wait3A_485 : memref<1x128x16xf32, #tpu.memory_space<vmem>> -> memref<128x16xf32, #tpu.memory_space<vmem>>
      %dma_wait3A_487 = arith.constant 0 : i32
      %dma_wait3A_488 = arith.constant 0 : i32
      %dma_wait3A_489 = tpu.memref_slice %arg2[%dma_wait3A_487, %dma_wait3A_488] : memref<10240x16xf32, #tpu.memory_space<hbm>> -> memref<128x16xf32, #tpu.memory_space<hbm>>
      tpu.wait_dma2 semaphore(%arg15 : memref<!tpu.dma_semaphore, #tpu.memory_space<semaphore_mem>>) src(%dma_wait3A_489 : memref<128x16xf32, #tpu.memory_space<hbm>>) dst(%dma_wait3A_486 : memref<128x16xf32, #tpu.memory_space<vmem>>)
      %add3A_490 = arith.constant 4 : i32
      %add3A_491 = arith.addi %mul3A_362, %add3A_490 : i32
      %dma_start3A_492 = arith.constant 4 : i32
      %dma_start3A_493 = arith.constant 0 : i32
      %dma_start3A_494 = arith.constant 0 : i32
      %dma_start3A_495 = tpu.memref_slice %arg7[%dma_start3A_492, %dma_start3A_493, %dma_start3A_494] : memref<6x128x16xf32, #tpu.memory_space<vmem>> -> memref<1x128x16xf32, #tpu.memory_space<vmem>>
      %dma_start3A_496 = tpu.memref_squeeze %dma_start3A_495 : memref<1x128x16xf32, #tpu.memory_space<vmem>> -> memref<128x16xf32, #tpu.memory_space<vmem>>
      %dma_start3A_497 = arith.constant 0 : i32
      %dma_start3A_498 = tpu.memref_slice %arg6[%add3A_491, %dma_start3A_497] : memref<79x128xi32, #tpu.memory_space<vmem>> -> memref<1x128xi32, #tpu.memory_space<vmem>>
      %dma_start3A_499 = tpu.memref_squeeze %dma_start3A_498 : memref<1x128xi32, #tpu.memory_space<vmem>> -> memref<128xi32, #tpu.memory_space<vmem>>
      %dma_start3A_500 = arith.constant 0 : i32
      %dma_start3A_501 = arith.constant 0 : i32
      %dma_start3A_502 = tpu.memref_slice %arg9[%dma_start3A_500, %dma_start3A_501] : memref<10240x16xf32, #tpu.memory_space<vmem_shared>> -> memref<10240x16xf32, #tpu.memory_space<vmem_shared>>
      tpu.enqueue_indirect_dma source(%dma_start3A_496 : memref<128x16xf32, #tpu.memory_space<vmem>>) target(%dma_start3A_502 : memref<10240x16xf32, #tpu.memory_space<vmem_shared>>) offsets(%dma_start3A_499 : memref<128xi32, #tpu.memory_space<vmem>>) semaphore(%arg21 : memref<!tpu.dma_semaphore, #tpu.memory_space<semaphore_mem>>) {add = true}
      %dma_wait3A_503 = arith.constant 5 : i32
      %dma_wait3A_504 = arith.constant 0 : i32
      %dma_wait3A_505 = arith.constant 0 : i32
      %dma_wait3A_506 = tpu.memref_slice %arg7[%dma_wait3A_503, %dma_wait3A_504, %dma_wait3A_505] : memref<6x128x16xf32, #tpu.memory_space<vmem>> -> memref<1x128x16xf32, #tpu.memory_space<vmem>>
      %dma_wait3A_507 = tpu.memref_squeeze %dma_wait3A_506 : memref<1x128x16xf32, #tpu.memory_space<vmem>> -> memref<128x16xf32, #tpu.memory_space<vmem>>
      %dma_wait3A_508 = arith.constant 0 : i32
      %dma_wait3A_509 = arith.constant 0 : i32
      %dma_wait3A_510 = tpu.memref_slice %arg2[%dma_wait3A_508, %dma_wait3A_509] : memref<10240x16xf32, #tpu.memory_space<hbm>> -> memref<128x16xf32, #tpu.memory_space<hbm>>
      %dma_wait3A_511 = arith.constant 0 : i32
      %dma_wait3A_512 = arith.constant 0 : i32
      %dma_wait3A_513 = tpu.memref_slice %arg7[%dma_wait3A_503, %dma_wait3A_511, %dma_wait3A_512] : memref<6x128x16xf32, #tpu.memory_space<vmem>> -> memref<1x128x16xf32, #tpu.memory_space<vmem>>
      %dma_wait3A_514 = tpu.memref_squeeze %dma_wait3A_513 : memref<1x128x16xf32, #tpu.memory_space<vmem>> -> memref<128x16xf32, #tpu.memory_space<vmem>>
      %dma_wait3A_515 = arith.constant 0 : i32
      %dma_wait3A_516 = arith.constant 0 : i32
      %dma_wait3A_517 = tpu.memref_slice %arg2[%dma_wait3A_515, %dma_wait3A_516] : memref<10240x16xf32, #tpu.memory_space<hbm>> -> memref<128x16xf32, #tpu.memory_space<hbm>>
      tpu.wait_dma2 semaphore(%arg16 : memref<!tpu.dma_semaphore, #tpu.memory_space<semaphore_mem>>) src(%dma_wait3A_517 : memref<128x16xf32, #tpu.memory_space<hbm>>) dst(%dma_wait3A_514 : memref<128x16xf32, #tpu.memory_space<vmem>>)
      %add3A_518 = arith.constant 5 : i32
      %add3A_519 = arith.addi %mul3A_362, %add3A_518 : i32
      %dma_start3A_520 = arith.constant 5 : i32
      %dma_start3A_521 = arith.constant 0 : i32
      %dma_start3A_522 = arith.constant 0 : i32
      %dma_start3A_523 = tpu.memref_slice %arg7[%dma_start3A_520, %dma_start3A_521, %dma_start3A_522] : memref<6x128x16xf32, #tpu.memory_space<vmem>> -> memref<1x128x16xf32, #tpu.memory_space<vmem>>
      %dma_start3A_524 = tpu.memref_squeeze %dma_start3A_523 : memref<1x128x16xf32, #tpu.memory_space<vmem>> -> memref<128x16xf32, #tpu.memory_space<vmem>>
      %dma_start3A_525 = arith.constant 0 : i32
      %dma_start3A_526 = tpu.memref_slice %arg6[%add3A_519, %dma_start3A_525] : memref<79x128xi32, #tpu.memory_space<vmem>> -> memref<1x128xi32, #tpu.memory_space<vmem>>
      %dma_start3A_527 = tpu.memref_squeeze %dma_start3A_526 : memref<1x128xi32, #tpu.memory_space<vmem>> -> memref<128xi32, #tpu.memory_space<vmem>>
      %dma_start3A_528 = arith.constant 0 : i32
      %dma_start3A_529 = arith.constant 0 : i32
      %dma_start3A_530 = tpu.memref_slice %arg9[%dma_start3A_528, %dma_start3A_529] : memref<10240x16xf32, #tpu.memory_space<vmem_shared>> -> memref<10240x16xf32, #tpu.memory_space<vmem_shared>>
      tpu.enqueue_indirect_dma source(%dma_start3A_524 : memref<128x16xf32, #tpu.memory_space<vmem>>) target(%dma_start3A_530 : memref<10240x16xf32, #tpu.memory_space<vmem_shared>>) offsets(%dma_start3A_527 : memref<128xi32, #tpu.memory_space<vmem>>) semaphore(%arg22 : memref<!tpu.dma_semaphore, #tpu.memory_space<semaphore_mem>>) {add = true}
      %dma_wait3A_531 = arith.constant 0 : i32
      %dma_wait3A_532 = arith.constant 0 : i32
      %dma_wait3A_533 = arith.constant 0 : i32
      %dma_wait3A_534 = tpu.memref_slice %arg7[%dma_wait3A_531, %dma_wait3A_532, %dma_wait3A_533] : memref<6x128x16xf32, #tpu.memory_space<vmem>> -> memref<1x128x16xf32, #tpu.memory_space<vmem>>
      %dma_wait3A_535 = tpu.memref_squeeze %dma_wait3A_534 : memref<1x128x16xf32, #tpu.memory_space<vmem>> -> memref<128x16xf32, #tpu.memory_space<vmem>>
      %dma_wait3A_536 = arith.constant 0 : i32
      %dma_wait3A_537 = arith.constant 0 : i32
      %dma_wait3A_538 = tpu.memref_slice %arg2[%dma_wait3A_536, %dma_wait3A_537] : memref<10240x16xf32, #tpu.memory_space<hbm>> -> memref<128x16xf32, #tpu.memory_space<hbm>>
      %dma_wait3A_539 = arith.constant 0 : i32
      %dma_wait3A_540 = arith.constant 0 : i32
      %dma_wait3A_541 = tpu.memref_slice %arg7[%dma_wait3A_531, %dma_wait3A_539, %dma_wait3A_540] : memref<6x128x16xf32, #tpu.memory_space<vmem>> -> memref<1x128x16xf32, #tpu.memory_space<vmem>>
      %dma_wait3A_542 = tpu.memref_squeeze %dma_wait3A_541 : memref<1x128x16xf32, #tpu.memory_space<vmem>> -> memref<128x16xf32, #tpu.memory_space<vmem>>
      %dma_wait3A_543 = arith.constant 0 : i32
      %dma_wait3A_544 = arith.constant 0 : i32
      %dma_wait3A_545 = tpu.memref_slice %arg2[%dma_wait3A_543, %dma_wait3A_544] : memref<10240x16xf32, #tpu.memory_space<hbm>> -> memref<128x16xf32, #tpu.memory_space<hbm>>
      tpu.wait_dma2 semaphore(%arg17 : memref<!tpu.dma_semaphore, #tpu.memory_space<semaphore_mem>>) src(%dma_wait3A_545 : memref<128x16xf32, #tpu.memory_space<hbm>>) dst(%dma_wait3A_542 : memref<128x16xf32, #tpu.memory_space<vmem>>)
      %add3A_546 = arith.constant 6 : i32
      %add3A_547 = arith.addi %mul3A_362, %add3A_546 : i32
      %add3A_548 = arith.constant 0 : i32
      %add3A_549 = arith.addi %add3A_547, %add3A_548 : i32
      %dma_start3A_550 = arith.constant 0 : i32
      %dma_start3A_551 = arith.constant 0 : i32
      %dma_start3A_552 = arith.constant 0 : i32
      %dma_start3A_553 = tpu.memref_slice %arg7[%dma_start3A_550, %dma_start3A_551, %dma_start3A_552] : memref<6x128x16xf32, #tpu.memory_space<vmem>> -> memref<1x128x16xf32, #tpu.memory_space<vmem>>
      %dma_start3A_554 = tpu.memref_squeeze %dma_start3A_553 : memref<1x128x16xf32, #tpu.memory_space<vmem>> -> memref<128x16xf32, #tpu.memory_space<vmem>>
      %dma_start3A_555 = arith.constant 0 : i32
      %dma_start3A_556 = tpu.memref_slice %arg5[%add3A_549, %dma_start3A_555] : memref<79x128xi32, #tpu.memory_space<vmem>> -> memref<1x128xi32, #tpu.memory_space<vmem>>
      %dma_start3A_557 = tpu.memref_squeeze %dma_start3A_556 : memref<1x128xi32, #tpu.memory_space<vmem>> -> memref<128xi32, #tpu.memory_space<vmem>>
      %dma_start3A_558 = arith.constant 0 : i32
      %dma_start3A_559 = arith.constant 0 : i32
      %dma_start3A_560 = tpu.memref_slice %arg10[%dma_start3A_558, %dma_start3A_559] : memref<10240x16xf32, #tpu.memory_space<vmem_shared>> -> memref<10240x16xf32, #tpu.memory_space<vmem_shared>>
      tpu.enqueue_indirect_dma source(%dma_start3A_560 : memref<10240x16xf32, #tpu.memory_space<vmem_shared>>) target(%dma_start3A_554 : memref<128x16xf32, #tpu.memory_space<vmem>>) offsets(%dma_start3A_557 : memref<128xi32, #tpu.memory_space<vmem>>) semaphore(%arg11 : memref<!tpu.dma_semaphore, #tpu.memory_space<semaphore_mem>>)
      %dma_wait3A_561 = arith.constant 1 : i32
      %dma_wait3A_562 = arith.constant 0 : i32
      %dma_wait3A_563 = arith.constant 0 : i32
      %dma_wait3A_564 = tpu.memref_slice %arg7[%dma_wait3A_561, %dma_wait3A_562, %dma_wait3A_563] : memref<6x128x16xf32, #tpu.memory_space<vmem>> -> memref<1x128x16xf32, #tpu.memory_space<vmem>>
      %dma_wait3A_565 = tpu.memref_squeeze %dma_wait3A_564 : memref<1x128x16xf32, #tpu.memory_space<vmem>> -> memref<128x16xf32, #tpu.memory_space<vmem>>
      %dma_wait3A_566 = arith.constant 0 : i32
      %dma_wait3A_567 = arith.constant 0 : i32
      %dma_wait3A_568 = tpu.memref_slice %arg2[%dma_wait3A_566, %dma_wait3A_567] : memref<10240x16xf32, #tpu.memory_space<hbm>> -> memref<128x16xf32, #tpu.memory_space<hbm>>
      %dma_wait3A_569 = arith.constant 0 : i32
      %dma_wait3A_570 = arith.constant 0 : i32
      %dma_wait3A_571 = tpu.memref_slice %arg7[%dma_wait3A_561, %dma_wait3A_569, %dma_wait3A_570] : memref<6x128x16xf32, #tpu.memory_space<vmem>> -> memref<1x128x16xf32, #tpu.memory_space<vmem>>
      %dma_wait3A_572 = tpu.memref_squeeze %dma_wait3A_571 : memref<1x128x16xf32, #tpu.memory_space<vmem>> -> memref<128x16xf32, #tpu.memory_space<vmem>>
      %dma_wait3A_573 = arith.constant 0 : i32
      %dma_wait3A_574 = arith.constant 0 : i32
      %dma_wait3A_575 = tpu.memref_slice %arg2[%dma_wait3A_573, %dma_wait3A_574] : memref<10240x16xf32, #tpu.memory_space<hbm>> -> memref<128x16xf32, #tpu.memory_space<hbm>>
      tpu.wait_dma2 semaphore(%arg18 : memref<!tpu.dma_semaphore, #tpu.memory_space<semaphore_mem>>) src(%dma_wait3A_575 : memref<128x16xf32, #tpu.memory_space<hbm>>) dst(%dma_wait3A_572 : memref<128x16xf32, #tpu.memory_space<vmem>>)
      %add3A_576 = arith.constant 6 : i32
      %add3A_577 = arith.addi %mul3A_362, %add3A_576 : i32
      %add3A_578 = arith.constant 1 : i32
      %add3A_579 = arith.addi %add3A_577, %add3A_578 : i32
      %dma_start3A_580 = arith.constant 1 : i32
      %dma_start3A_581 = arith.constant 0 : i32
      %dma_start3A_582 = arith.constant 0 : i32
      %dma_start3A_583 = tpu.memref_slice %arg7[%dma_start3A_580, %dma_start3A_581, %dma_start3A_582] : memref<6x128x16xf32, #tpu.memory_space<vmem>> -> memref<1x128x16xf32, #tpu.memory_space<vmem>>
      %dma_start3A_584 = tpu.memref_squeeze %dma_start3A_583 : memref<1x128x16xf32, #tpu.memory_space<vmem>> -> memref<128x16xf32, #tpu.memory_space<vmem>>
      %dma_start3A_585 = arith.constant 0 : i32
      %dma_start3A_586 = tpu.memref_slice %arg5[%add3A_579, %dma_start3A_585] : memref<79x128xi32, #tpu.memory_space<vmem>> -> memref<1x128xi32, #tpu.memory_space<vmem>>
      %dma_start3A_587 = tpu.memref_squeeze %dma_start3A_586 : memref<1x128xi32, #tpu.memory_space<vmem>> -> memref<128xi32, #tpu.memory_space<vmem>>
      %dma_start3A_588 = arith.constant 0 : i32
      %dma_start3A_589 = arith.constant 0 : i32
      %dma_start3A_590 = tpu.memref_slice %arg10[%dma_start3A_588, %dma_start3A_589] : memref<10240x16xf32, #tpu.memory_space<vmem_shared>> -> memref<10240x16xf32, #tpu.memory_space<vmem_shared>>
      tpu.enqueue_indirect_dma source(%dma_start3A_590 : memref<10240x16xf32, #tpu.memory_space<vmem_shared>>) target(%dma_start3A_584 : memref<128x16xf32, #tpu.memory_space<vmem>>) offsets(%dma_start3A_587 : memref<128xi32, #tpu.memory_space<vmem>>) semaphore(%arg12 : memref<!tpu.dma_semaphore, #tpu.memory_space<semaphore_mem>>)
      %dma_wait3A_591 = arith.constant 2 : i32
      %dma_wait3A_592 = arith.constant 0 : i32
      %dma_wait3A_593 = arith.constant 0 : i32
      %dma_wait3A_594 = tpu.memref_slice %arg7[%dma_wait3A_591, %dma_wait3A_592, %dma_wait3A_593] : memref<6x128x16xf32, #tpu.memory_space<vmem>> -> memref<1x128x16xf32, #tpu.memory_space<vmem>>
      %dma_wait3A_595 = tpu.memref_squeeze %dma_wait3A_594 : memref<1x128x16xf32, #tpu.memory_space<vmem>> -> memref<128x16xf32, #tpu.memory_space<vmem>>
      %dma_wait3A_596 = arith.constant 0 : i32
      %dma_wait3A_597 = arith.constant 0 : i32
      %dma_wait3A_598 = tpu.memref_slice %arg2[%dma_wait3A_596, %dma_wait3A_597] : memref<10240x16xf32, #tpu.memory_space<hbm>> -> memref<128x16xf32, #tpu.memory_space<hbm>>
      %dma_wait3A_599 = arith.constant 0 : i32
      %dma_wait3A_600 = arith.constant 0 : i32
      %dma_wait3A_601 = tpu.memref_slice %arg7[%dma_wait3A_591, %dma_wait3A_599, %dma_wait3A_600] : memref<6x128x16xf32, #tpu.memory_space<vmem>> -> memref<1x128x16xf32, #tpu.memory_space<vmem>>
      %dma_wait3A_602 = tpu.memref_squeeze %dma_wait3A_601 : memref<1x128x16xf32, #tpu.memory_space<vmem>> -> memref<128x16xf32, #tpu.memory_space<vmem>>
      %dma_wait3A_603 = arith.constant 0 : i32
      %dma_wait3A_604 = arith.constant 0 : i32
      %dma_wait3A_605 = tpu.memref_slice %arg2[%dma_wait3A_603, %dma_wait3A_604] : memref<10240x16xf32, #tpu.memory_space<hbm>> -> memref<128x16xf32, #tpu.memory_space<hbm>>
      tpu.wait_dma2 semaphore(%arg19 : memref<!tpu.dma_semaphore, #tpu.memory_space<semaphore_mem>>) src(%dma_wait3A_605 : memref<128x16xf32, #tpu.memory_space<hbm>>) dst(%dma_wait3A_602 : memref<128x16xf32, #tpu.memory_space<vmem>>)
      %add3A_606 = arith.constant 6 : i32
      %add3A_607 = arith.addi %mul3A_362, %add3A_606 : i32
      %add3A_608 = arith.constant 2 : i32
      %add3A_609 = arith.addi %add3A_607, %add3A_608 : i32
      %dma_start3A_610 = arith.constant 2 : i32
      %dma_start3A_611 = arith.constant 0 : i32
      %dma_start3A_612 = arith.constant 0 : i32
      %dma_start3A_613 = tpu.memref_slice %arg7[%dma_start3A_610, %dma_start3A_611, %dma_start3A_612] : memref<6x128x16xf32, #tpu.memory_space<vmem>> -> memref<1x128x16xf32, #tpu.memory_space<vmem>>
      %dma_start3A_614 = tpu.memref_squeeze %dma_start3A_613 : memref<1x128x16xf32, #tpu.memory_space<vmem>> -> memref<128x16xf32, #tpu.memory_space<vmem>>
      %dma_start3A_615 = arith.constant 0 : i32
      %dma_start3A_616 = tpu.memref_slice %arg5[%add3A_609, %dma_start3A_615] : memref<79x128xi32, #tpu.memory_space<vmem>> -> memref<1x128xi32, #tpu.memory_space<vmem>>
      %dma_start3A_617 = tpu.memref_squeeze %dma_start3A_616 : memref<1x128xi32, #tpu.memory_space<vmem>> -> memref<128xi32, #tpu.memory_space<vmem>>
      %dma_start3A_618 = arith.constant 0 : i32
      %dma_start3A_619 = arith.constant 0 : i32
      %dma_start3A_620 = tpu.memref_slice %arg10[%dma_start3A_618, %dma_start3A_619] : memref<10240x16xf32, #tpu.memory_space<vmem_shared>> -> memref<10240x16xf32, #tpu.memory_space<vmem_shared>>
      tpu.enqueue_indirect_dma source(%dma_start3A_620 : memref<10240x16xf32, #tpu.memory_space<vmem_shared>>) target(%dma_start3A_614 : memref<128x16xf32, #tpu.memory_space<vmem>>) offsets(%dma_start3A_617 : memref<128xi32, #tpu.memory_space<vmem>>) semaphore(%arg13 : memref<!tpu.dma_semaphore, #tpu.memory_space<semaphore_mem>>)
      %dma_wait3A_621 = arith.constant 3 : i32
      %dma_wait3A_622 = arith.constant 0 : i32
      %dma_wait3A_623 = arith.constant 0 : i32
      %dma_wait3A_624 = tpu.memref_slice %arg7[%dma_wait3A_621, %dma_wait3A_622, %dma_wait3A_623] : memref<6x128x16xf32, #tpu.memory_space<vmem>> -> memref<1x128x16xf32, #tpu.memory_space<vmem>>
      %dma_wait3A_625 = tpu.memref_squeeze %dma_wait3A_624 : memref<1x128x16xf32, #tpu.memory_space<vmem>> -> memref<128x16xf32, #tpu.memory_space<vmem>>
      %dma_wait3A_626 = arith.constant 0 : i32
      %dma_wait3A_627 = arith.constant 0 : i32
      %dma_wait3A_628 = tpu.memref_slice %arg2[%dma_wait3A_626, %dma_wait3A_627] : memref<10240x16xf32, #tpu.memory_space<hbm>> -> memref<128x16xf32, #tpu.memory_space<hbm>>
      %dma_wait3A_629 = arith.constant 0 : i32
      %dma_wait3A_630 = arith.constant 0 : i32
      %dma_wait3A_631 = tpu.memref_slice %arg7[%dma_wait3A_621, %dma_wait3A_629, %dma_wait3A_630] : memref<6x128x16xf32, #tpu.memory_space<vmem>> -> memref<1x128x16xf32, #tpu.memory_space<vmem>>
      %dma_wait3A_632 = tpu.memref_squeeze %dma_wait3A_631 : memref<1x128x16xf32, #tpu.memory_space<vmem>> -> memref<128x16xf32, #tpu.memory_space<vmem>>
      %dma_wait3A_633 = arith.constant 0 : i32
      %dma_wait3A_634 = arith.constant 0 : i32
      %dma_wait3A_635 = tpu.memref_slice %arg2[%dma_wait3A_633, %dma_wait3A_634] : memref<10240x16xf32, #tpu.memory_space<hbm>> -> memref<128x16xf32, #tpu.memory_space<hbm>>
      tpu.wait_dma2 semaphore(%arg20 : memref<!tpu.dma_semaphore, #tpu.memory_space<semaphore_mem>>) src(%dma_wait3A_635 : memref<128x16xf32, #tpu.memory_space<hbm>>) dst(%dma_wait3A_632 : memref<128x16xf32, #tpu.memory_space<vmem>>)
      %add3A_636 = arith.constant 6 : i32
      %add3A_637 = arith.addi %mul3A_362, %add3A_636 : i32
      %add3A_638 = arith.constant 3 : i32
      %add3A_639 = arith.addi %add3A_637, %add3A_638 : i32
      %dma_start3A_640 = arith.constant 3 : i32
      %dma_start3A_641 = arith.constant 0 : i32
      %dma_start3A_642 = arith.constant 0 : i32
      %dma_start3A_643 = tpu.memref_slice %arg7[%dma_start3A_640, %dma_start3A_641, %dma_start3A_642] : memref<6x128x16xf32, #tpu.memory_space<vmem>> -> memref<1x128x16xf32, #tpu.memory_space<vmem>>
      %dma_start3A_644 = tpu.memref_squeeze %dma_start3A_643 : memref<1x128x16xf32, #tpu.memory_space<vmem>> -> memref<128x16xf32, #tpu.memory_space<vmem>>
      %dma_start3A_645 = arith.constant 0 : i32
      %dma_start3A_646 = tpu.memref_slice %arg5[%add3A_639, %dma_start3A_645] : memref<79x128xi32, #tpu.memory_space<vmem>> -> memref<1x128xi32, #tpu.memory_space<vmem>>
      %dma_start3A_647 = tpu.memref_squeeze %dma_start3A_646 : memref<1x128xi32, #tpu.memory_space<vmem>> -> memref<128xi32, #tpu.memory_space<vmem>>
      %dma_start3A_648 = arith.constant 0 : i32
      %dma_start3A_649 = arith.constant 0 : i32
      %dma_start3A_650 = tpu.memref_slice %arg10[%dma_start3A_648, %dma_start3A_649] : memref<10240x16xf32, #tpu.memory_space<vmem_shared>> -> memref<10240x16xf32, #tpu.memory_space<vmem_shared>>
      tpu.enqueue_indirect_dma source(%dma_start3A_650 : memref<10240x16xf32, #tpu.memory_space<vmem_shared>>) target(%dma_start3A_644 : memref<128x16xf32, #tpu.memory_space<vmem>>) offsets(%dma_start3A_647 : memref<128xi32, #tpu.memory_space<vmem>>) semaphore(%arg14 : memref<!tpu.dma_semaphore, #tpu.memory_space<semaphore_mem>>)
      %dma_wait3A_651 = arith.constant 4 : i32
      %dma_wait3A_652 = arith.constant 0 : i32
      %dma_wait3A_653 = arith.constant 0 : i32
      %dma_wait3A_654 = tpu.memref_slice %arg7[%dma_wait3A_651, %dma_wait3A_652, %dma_wait3A_653] : memref<6x128x16xf32, #tpu.memory_space<vmem>> -> memref<1x128x16xf32, #tpu.memory_space<vmem>>
      %dma_wait3A_655 = tpu.memref_squeeze %dma_wait3A_654 : memref<1x128x16xf32, #tpu.memory_space<vmem>> -> memref<128x16xf32, #tpu.memory_space<vmem>>
      %dma_wait3A_656 = arith.constant 0 : i32
      %dma_wait3A_657 = arith.constant 0 : i32
      %dma_wait3A_658 = tpu.memref_slice %arg2[%dma_wait3A_656, %dma_wait3A_657] : memref<10240x16xf32, #tpu.memory_space<hbm>> -> memref<128x16xf32, #tpu.memory_space<hbm>>
      %dma_wait3A_659 = arith.constant 0 : i32
      %dma_wait3A_660 = arith.constant 0 : i32
      %dma_wait3A_661 = tpu.memref_slice %arg7[%dma_wait3A_651, %dma_wait3A_659, %dma_wait3A_660] : memref<6x128x16xf32, #tpu.memory_space<vmem>> -> memref<1x128x16xf32, #tpu.memory_space<vmem>>
      %dma_wait3A_662 = tpu.memref_squeeze %dma_wait3A_661 : memref<1x128x16xf32, #tpu.memory_space<vmem>> -> memref<128x16xf32, #tpu.memory_space<vmem>>
      %dma_wait3A_663 = arith.constant 0 : i32
      %dma_wait3A_664 = arith.constant 0 : i32
      %dma_wait3A_665 = tpu.memref_slice %arg2[%dma_wait3A_663, %dma_wait3A_664] : memref<10240x16xf32, #tpu.memory_space<hbm>> -> memref<128x16xf32, #tpu.memory_space<hbm>>
      tpu.wait_dma2 semaphore(%arg21 : memref<!tpu.dma_semaphore, #tpu.memory_space<semaphore_mem>>) src(%dma_wait3A_665 : memref<128x16xf32, #tpu.memory_space<hbm>>) dst(%dma_wait3A_662 : memref<128x16xf32, #tpu.memory_space<vmem>>)
      %add3A_666 = arith.constant 6 : i32
      %add3A_667 = arith.addi %mul3A_362, %add3A_666 : i32
      %add3A_668 = arith.constant 4 : i32
      %add3A_669 = arith.addi %add3A_667, %add3A_668 : i32
      %dma_start3A_670 = arith.constant 4 : i32
      %dma_start3A_671 = arith.constant 0 : i32
      %dma_start3A_672 = arith.constant 0 : i32
      %dma_start3A_673 = tpu.memref_slice %arg7[%dma_start3A_670, %dma_start3A_671, %dma_start3A_672] : memref<6x128x16xf32, #tpu.memory_space<vmem>> -> memref<1x128x16xf32, #tpu.memory_space<vmem>>
      %dma_start3A_674 = tpu.memref_squeeze %dma_start3A_673 : memref<1x128x16xf32, #tpu.memory_space<vmem>> -> memref<128x16xf32, #tpu.memory_space<vmem>>
      %dma_start3A_675 = arith.constant 0 : i32
      %dma_start3A_676 = tpu.memref_slice %arg5[%add3A_669, %dma_start3A_675] : memref<79x128xi32, #tpu.memory_space<vmem>> -> memref<1x128xi32, #tpu.memory_space<vmem>>
      %dma_start3A_677 = tpu.memref_squeeze %dma_start3A_676 : memref<1x128xi32, #tpu.memory_space<vmem>> -> memref<128xi32, #tpu.memory_space<vmem>>
      %dma_start3A_678 = arith.constant 0 : i32
      %dma_start3A_679 = arith.constant 0 : i32
      %dma_start3A_680 = tpu.memref_slice %arg10[%dma_start3A_678, %dma_start3A_679] : memref<10240x16xf32, #tpu.memory_space<vmem_shared>> -> memref<10240x16xf32, #tpu.memory_space<vmem_shared>>
      tpu.enqueue_indirect_dma source(%dma_start3A_680 : memref<10240x16xf32, #tpu.memory_space<vmem_shared>>) target(%dma_start3A_674 : memref<128x16xf32, #tpu.memory_space<vmem>>) offsets(%dma_start3A_677 : memref<128xi32, #tpu.memory_space<vmem>>) semaphore(%arg15 : memref<!tpu.dma_semaphore, #tpu.memory_space<semaphore_mem>>)
      %dma_wait3A_681 = arith.constant 5 : i32
      %dma_wait3A_682 = arith.constant 0 : i32
      %dma_wait3A_683 = arith.constant 0 : i32
      %dma_wait3A_684 = tpu.memref_slice %arg7[%dma_wait3A_681, %dma_wait3A_682, %dma_wait3A_683] : memref<6x128x16xf32, #tpu.memory_space<vmem>> -> memref<1x128x16xf32, #tpu.memory_space<vmem>>
      %dma_wait3A_685 = tpu.memref_squeeze %dma_wait3A_684 : memref<1x128x16xf32, #tpu.memory_space<vmem>> -> memref<128x16xf32, #tpu.memory_space<vmem>>
      %dma_wait3A_686 = arith.constant 0 : i32
      %dma_wait3A_687 = arith.constant 0 : i32
      %dma_wait3A_688 = tpu.memref_slice %arg2[%dma_wait3A_686, %dma_wait3A_687] : memref<10240x16xf32, #tpu.memory_space<hbm>> -> memref<128x16xf32, #tpu.memory_space<hbm>>
      %dma_wait3A_689 = arith.constant 0 : i32
      %dma_wait3A_690 = arith.constant 0 : i32
      %dma_wait3A_691 = tpu.memref_slice %arg7[%dma_wait3A_681, %dma_wait3A_689, %dma_wait3A_690] : memref<6x128x16xf32, #tpu.memory_space<vmem>> -> memref<1x128x16xf32, #tpu.memory_space<vmem>>
      %dma_wait3A_692 = tpu.memref_squeeze %dma_wait3A_691 : memref<1x128x16xf32, #tpu.memory_space<vmem>> -> memref<128x16xf32, #tpu.memory_space<vmem>>
      %dma_wait3A_693 = arith.constant 0 : i32
      %dma_wait3A_694 = arith.constant 0 : i32
      %dma_wait3A_695 = tpu.memref_slice %arg2[%dma_wait3A_693, %dma_wait3A_694] : memref<10240x16xf32, #tpu.memory_space<hbm>> -> memref<128x16xf32, #tpu.memory_space<hbm>>
      tpu.wait_dma2 semaphore(%arg22 : memref<!tpu.dma_semaphore, #tpu.memory_space<semaphore_mem>>) src(%dma_wait3A_695 : memref<128x16xf32, #tpu.memory_space<hbm>>) dst(%dma_wait3A_692 : memref<128x16xf32, #tpu.memory_space<vmem>>)
      %add3A_696 = arith.constant 6 : i32
      %add3A_697 = arith.addi %mul3A_362, %add3A_696 : i32
      %add3A_698 = arith.constant 5 : i32
      %add3A_699 = arith.addi %add3A_697, %add3A_698 : i32
      %dma_start3A_700 = arith.constant 5 : i32
      %dma_start3A_701 = arith.constant 0 : i32
      %dma_start3A_702 = arith.constant 0 : i32
      %dma_start3A_703 = tpu.memref_slice %arg7[%dma_start3A_700, %dma_start3A_701, %dma_start3A_702] : memref<6x128x16xf32, #tpu.memory_space<vmem>> -> memref<1x128x16xf32, #tpu.memory_space<vmem>>
      %dma_start3A_704 = tpu.memref_squeeze %dma_start3A_703 : memref<1x128x16xf32, #tpu.memory_space<vmem>> -> memref<128x16xf32, #tpu.memory_space<vmem>>
      %dma_start3A_705 = arith.constant 0 : i32
      %dma_start3A_706 = tpu.memref_slice %arg5[%add3A_699, %dma_start3A_705] : memref<79x128xi32, #tpu.memory_space<vmem>> -> memref<1x128xi32, #tpu.memory_space<vmem>>
      %dma_start3A_707 = tpu.memref_squeeze %dma_start3A_706 : memref<1x128xi32, #tpu.memory_space<vmem>> -> memref<128xi32, #tpu.memory_space<vmem>>
      %dma_start3A_708 = arith.constant 0 : i32
      %dma_start3A_709 = arith.constant 0 : i32
      %dma_start3A_710 = tpu.memref_slice %arg10[%dma_start3A_708, %dma_start3A_709] : memref<10240x16xf32, #tpu.memory_space<vmem_shared>> -> memref<10240x16xf32, #tpu.memory_space<vmem_shared>>
      tpu.enqueue_indirect_dma source(%dma_start3A_710 : memref<10240x16xf32, #tpu.memory_space<vmem_shared>>) target(%dma_start3A_704 : memref<128x16xf32, #tpu.memory_space<vmem>>) offsets(%dma_start3A_707 : memref<128xi32, #tpu.memory_space<vmem>>) semaphore(%arg16 : memref<!tpu.dma_semaphore, #tpu.memory_space<semaphore_mem>>)
      %scan3A_711 = arith.constant 0 : i32
      scf.yield %scan3A_711 : i32
    }
    %scan3A_97 = arith.constant 12 : i32
    %dma_wait3A = arith.constant 0 : i32
    %dma_wait3A_98 = arith.constant 0 : i32
    %dma_wait3A_99 = arith.constant 0 : i32
    %dma_wait3A_100 = tpu.memref_slice %arg7[%dma_wait3A, %dma_wait3A_98, %dma_wait3A_99] : memref<6x128x16xf32, #tpu.memory_space<vmem>> -> memref<1x128x16xf32, #tpu.memory_space<vmem>>
    %dma_wait3A_101 = tpu.memref_squeeze %dma_wait3A_100 : memref<1x128x16xf32, #tpu.memory_space<vmem>> -> memref<128x16xf32, #tpu.memory_space<vmem>>
    %dma_wait3A_102 = arith.constant 0 : i32
    %dma_wait3A_103 = arith.constant 0 : i32
    %dma_wait3A_104 = tpu.memref_slice %arg2[%dma_wait3A_102, %dma_wait3A_103] : memref<10240x16xf32, #tpu.memory_space<hbm>> -> memref<128x16xf32, #tpu.memory_space<hbm>>
    %dma_wait3A_105 = arith.constant 0 : i32
    %dma_wait3A_106 = arith.constant 0 : i32
    %dma_wait3A_107 = tpu.memref_slice %arg7[%dma_wait3A, %dma_wait3A_105, %dma_wait3A_106] : memref<6x128x16xf32, #tpu.memory_space<vmem>> -> memref<1x128x16xf32, #tpu.memory_space<vmem>>
    %dma_wait3A_108 = tpu.memref_squeeze %dma_wait3A_107 : memref<1x128x16xf32, #tpu.memory_space<vmem>> -> memref<128x16xf32, #tpu.memory_space<vmem>>
    %dma_wait3A_109 = arith.constant 0 : i32
    %dma_wait3A_110 = arith.constant 0 : i32
    %dma_wait3A_111 = tpu.memref_slice %arg2[%dma_wait3A_109, %dma_wait3A_110] : memref<10240x16xf32, #tpu.memory_space<hbm>> -> memref<128x16xf32, #tpu.memory_space<hbm>>
    tpu.wait_dma2 semaphore(%arg11 : memref<!tpu.dma_semaphore, #tpu.memory_space<semaphore_mem>>) src(%dma_wait3A_111 : memref<128x16xf32, #tpu.memory_space<hbm>>) dst(%dma_wait3A_108 : memref<128x16xf32, #tpu.memory_space<vmem>>)
    %dma_start3A_112 = arith.constant 0 : i32
    %dma_start3A_113 = arith.constant 72 : i32
    %dma_start3A_114 = arith.constant 0 : i32
    %dma_start3A_115 = arith.constant 0 : i32
    %dma_start3A_116 = tpu.memref_slice %arg7[%dma_start3A_112, %dma_start3A_114, %dma_start3A_115] : memref<6x128x16xf32, #tpu.memory_space<vmem>> -> memref<1x128x16xf32, #tpu.memory_space<vmem>>
    %dma_start3A_117 = tpu.memref_squeeze %dma_start3A_116 : memref<1x128x16xf32, #tpu.memory_space<vmem>> -> memref<128x16xf32, #tpu.memory_space<vmem>>
    %dma_start3A_118 = arith.constant 0 : i32
    %dma_start3A_119 = tpu.memref_slice %arg6[%dma_start3A_113, %dma_start3A_118] : memref<79x128xi32, #tpu.memory_space<vmem>> -> memref<1x128xi32, #tpu.memory_space<vmem>>
    %dma_start3A_120 = tpu.memref_squeeze %dma_start3A_119 : memref<1x128xi32, #tpu.memory_space<vmem>> -> memref<128xi32, #tpu.memory_space<vmem>>
    %dma_start3A_121 = arith.constant 0 : i32
    %dma_start3A_122 = arith.constant 0 : i32
    %dma_start3A_123 = tpu.memref_slice %arg9[%dma_start3A_121, %dma_start3A_122] : memref<10240x16xf32, #tpu.memory_space<vmem_shared>> -> memref<10240x16xf32, #tpu.memory_space<vmem_shared>>
    tpu.enqueue_indirect_dma source(%dma_start3A_117 : memref<128x16xf32, #tpu.memory_space<vmem>>) target(%dma_start3A_123 : memref<10240x16xf32, #tpu.memory_space<vmem_shared>>) offsets(%dma_start3A_120 : memref<128xi32, #tpu.memory_space<vmem>>) semaphore(%arg17 : memref<!tpu.dma_semaphore, #tpu.memory_space<semaphore_mem>>) {add = true}
    %dma_wait3A_124 = arith.constant 1 : i32
    %dma_wait3A_125 = arith.constant 0 : i32
    %dma_wait3A_126 = arith.constant 0 : i32
    %dma_wait3A_127 = tpu.memref_slice %arg7[%dma_wait3A_124, %dma_wait3A_125, %dma_wait3A_126] : memref<6x128x16xf32, #tpu.memory_space<vmem>> -> memref<1x128x16xf32, #tpu.memory_space<vmem>>
    %dma_wait3A_128 = tpu.memref_squeeze %dma_wait3A_127 : memref<1x128x16xf32, #tpu.memory_space<vmem>> -> memref<128x16xf32, #tpu.memory_space<vmem>>
    %dma_wait3A_129 = arith.constant 0 : i32
    %dma_wait3A_130 = arith.constant 0 : i32
    %dma_wait3A_131 = tpu.memref_slice %arg2[%dma_wait3A_129, %dma_wait3A_130] : memref<10240x16xf32, #tpu.memory_space<hbm>> -> memref<128x16xf32, #tpu.memory_space<hbm>>
    %dma_wait3A_132 = arith.constant 0 : i32
    %dma_wait3A_133 = arith.constant 0 : i32
    %dma_wait3A_134 = tpu.memref_slice %arg7[%dma_wait3A_124, %dma_wait3A_132, %dma_wait3A_133] : memref<6x128x16xf32, #tpu.memory_space<vmem>> -> memref<1x128x16xf32, #tpu.memory_space<vmem>>
    %dma_wait3A_135 = tpu.memref_squeeze %dma_wait3A_134 : memref<1x128x16xf32, #tpu.memory_space<vmem>> -> memref<128x16xf32, #tpu.memory_space<vmem>>
    %dma_wait3A_136 = arith.constant 0 : i32
    %dma_wait3A_137 = arith.constant 0 : i32
    %dma_wait3A_138 = tpu.memref_slice %arg2[%dma_wait3A_136, %dma_wait3A_137] : memref<10240x16xf32, #tpu.memory_space<hbm>> -> memref<128x16xf32, #tpu.memory_space<hbm>>
    tpu.wait_dma2 semaphore(%arg12 : memref<!tpu.dma_semaphore, #tpu.memory_space<semaphore_mem>>) src(%dma_wait3A_138 : memref<128x16xf32, #tpu.memory_space<hbm>>) dst(%dma_wait3A_135 : memref<128x16xf32, #tpu.memory_space<vmem>>)
    %dma_start3A_139 = arith.constant 1 : i32
    %dma_start3A_140 = arith.constant 73 : i32
    %dma_start3A_141 = arith.constant 0 : i32
    %dma_start3A_142 = arith.constant 0 : i32
    %dma_start3A_143 = tpu.memref_slice %arg7[%dma_start3A_139, %dma_start3A_141, %dma_start3A_142] : memref<6x128x16xf32, #tpu.memory_space<vmem>> -> memref<1x128x16xf32, #tpu.memory_space<vmem>>
    %dma_start3A_144 = tpu.memref_squeeze %dma_start3A_143 : memref<1x128x16xf32, #tpu.memory_space<vmem>> -> memref<128x16xf32, #tpu.memory_space<vmem>>
    %dma_start3A_145 = arith.constant 0 : i32
    %dma_start3A_146 = tpu.memref_slice %arg6[%dma_start3A_140, %dma_start3A_145] : memref<79x128xi32, #tpu.memory_space<vmem>> -> memref<1x128xi32, #tpu.memory_space<vmem>>
    %dma_start3A_147 = tpu.memref_squeeze %dma_start3A_146 : memref<1x128xi32, #tpu.memory_space<vmem>> -> memref<128xi32, #tpu.memory_space<vmem>>
    %dma_start3A_148 = arith.constant 0 : i32
    %dma_start3A_149 = arith.constant 0 : i32
    %dma_start3A_150 = tpu.memref_slice %arg9[%dma_start3A_148, %dma_start3A_149] : memref<10240x16xf32, #tpu.memory_space<vmem_shared>> -> memref<10240x16xf32, #tpu.memory_space<vmem_shared>>
    tpu.enqueue_indirect_dma source(%dma_start3A_144 : memref<128x16xf32, #tpu.memory_space<vmem>>) target(%dma_start3A_150 : memref<10240x16xf32, #tpu.memory_space<vmem_shared>>) offsets(%dma_start3A_147 : memref<128xi32, #tpu.memory_space<vmem>>) semaphore(%arg18 : memref<!tpu.dma_semaphore, #tpu.memory_space<semaphore_mem>>) {add = true}
    %dma_wait3A_151 = arith.constant 2 : i32
    %dma_wait3A_152 = arith.constant 0 : i32
    %dma_wait3A_153 = arith.constant 0 : i32
    %dma_wait3A_154 = tpu.memref_slice %arg7[%dma_wait3A_151, %dma_wait3A_152, %dma_wait3A_153] : memref<6x128x16xf32, #tpu.memory_space<vmem>> -> memref<1x128x16xf32, #tpu.memory_space<vmem>>
    %dma_wait3A_155 = tpu.memref_squeeze %dma_wait3A_154 : memref<1x128x16xf32, #tpu.memory_space<vmem>> -> memref<128x16xf32, #tpu.memory_space<vmem>>
    %dma_wait3A_156 = arith.constant 0 : i32
    %dma_wait3A_157 = arith.constant 0 : i32
    %dma_wait3A_158 = tpu.memref_slice %arg2[%dma_wait3A_156, %dma_wait3A_157] : memref<10240x16xf32, #tpu.memory_space<hbm>> -> memref<128x16xf32, #tpu.memory_space<hbm>>
    %dma_wait3A_159 = arith.constant 0 : i32
    %dma_wait3A_160 = arith.constant 0 : i32
    %dma_wait3A_161 = tpu.memref_slice %arg7[%dma_wait3A_151, %dma_wait3A_159, %dma_wait3A_160] : memref<6x128x16xf32, #tpu.memory_space<vmem>> -> memref<1x128x16xf32, #tpu.memory_space<vmem>>
    %dma_wait3A_162 = tpu.memref_squeeze %dma_wait3A_161 : memref<1x128x16xf32, #tpu.memory_space<vmem>> -> memref<128x16xf32, #tpu.memory_space<vmem>>
    %dma_wait3A_163 = arith.constant 0 : i32
    %dma_wait3A_164 = arith.constant 0 : i32
    %dma_wait3A_165 = tpu.memref_slice %arg2[%dma_wait3A_163, %dma_wait3A_164] : memref<10240x16xf32, #tpu.memory_space<hbm>> -> memref<128x16xf32, #tpu.memory_space<hbm>>
    tpu.wait_dma2 semaphore(%arg13 : memref<!tpu.dma_semaphore, #tpu.memory_space<semaphore_mem>>) src(%dma_wait3A_165 : memref<128x16xf32, #tpu.memory_space<hbm>>) dst(%dma_wait3A_162 : memref<128x16xf32, #tpu.memory_space<vmem>>)
    %dma_start3A_166 = arith.constant 2 : i32
    %dma_start3A_167 = arith.constant 74 : i32
    %dma_start3A_168 = arith.constant 0 : i32
    %dma_start3A_169 = arith.constant 0 : i32
    %dma_start3A_170 = tpu.memref_slice %arg7[%dma_start3A_166, %dma_start3A_168, %dma_start3A_169] : memref<6x128x16xf32, #tpu.memory_space<vmem>> -> memref<1x128x16xf32, #tpu.memory_space<vmem>>
    %dma_start3A_171 = tpu.memref_squeeze %dma_start3A_170 : memref<1x128x16xf32, #tpu.memory_space<vmem>> -> memref<128x16xf32, #tpu.memory_space<vmem>>
    %dma_start3A_172 = arith.constant 0 : i32
    %dma_start3A_173 = tpu.memref_slice %arg6[%dma_start3A_167, %dma_start3A_172] : memref<79x128xi32, #tpu.memory_space<vmem>> -> memref<1x128xi32, #tpu.memory_space<vmem>>
    %dma_start3A_174 = tpu.memref_squeeze %dma_start3A_173 : memref<1x128xi32, #tpu.memory_space<vmem>> -> memref<128xi32, #tpu.memory_space<vmem>>
    %dma_start3A_175 = arith.constant 0 : i32
    %dma_start3A_176 = arith.constant 0 : i32
    %dma_start3A_177 = tpu.memref_slice %arg9[%dma_start3A_175, %dma_start3A_176] : memref<10240x16xf32, #tpu.memory_space<vmem_shared>> -> memref<10240x16xf32, #tpu.memory_space<vmem_shared>>
    tpu.enqueue_indirect_dma source(%dma_start3A_171 : memref<128x16xf32, #tpu.memory_space<vmem>>) target(%dma_start3A_177 : memref<10240x16xf32, #tpu.memory_space<vmem_shared>>) offsets(%dma_start3A_174 : memref<128xi32, #tpu.memory_space<vmem>>) semaphore(%arg19 : memref<!tpu.dma_semaphore, #tpu.memory_space<semaphore_mem>>) {add = true}
    %dma_wait3A_178 = arith.constant 3 : i32
    %dma_wait3A_179 = arith.constant 0 : i32
    %dma_wait3A_180 = arith.constant 0 : i32
    %dma_wait3A_181 = tpu.memref_slice %arg7[%dma_wait3A_178, %dma_wait3A_179, %dma_wait3A_180] : memref<6x128x16xf32, #tpu.memory_space<vmem>> -> memref<1x128x16xf32, #tpu.memory_space<vmem>>
    %dma_wait3A_182 = tpu.memref_squeeze %dma_wait3A_181 : memref<1x128x16xf32, #tpu.memory_space<vmem>> -> memref<128x16xf32, #tpu.memory_space<vmem>>
    %dma_wait3A_183 = arith.constant 0 : i32
    %dma_wait3A_184 = arith.constant 0 : i32
    %dma_wait3A_185 = tpu.memref_slice %arg2[%dma_wait3A_183, %dma_wait3A_184] : memref<10240x16xf32, #tpu.memory_space<hbm>> -> memref<128x16xf32, #tpu.memory_space<hbm>>
    %dma_wait3A_186 = arith.constant 0 : i32
    %dma_wait3A_187 = arith.constant 0 : i32
    %dma_wait3A_188 = tpu.memref_slice %arg7[%dma_wait3A_178, %dma_wait3A_186, %dma_wait3A_187] : memref<6x128x16xf32, #tpu.memory_space<vmem>> -> memref<1x128x16xf32, #tpu.memory_space<vmem>>
    %dma_wait3A_189 = tpu.memref_squeeze %dma_wait3A_188 : memref<1x128x16xf32, #tpu.memory_space<vmem>> -> memref<128x16xf32, #tpu.memory_space<vmem>>
    %dma_wait3A_190 = arith.constant 0 : i32
    %dma_wait3A_191 = arith.constant 0 : i32
    %dma_wait3A_192 = tpu.memref_slice %arg2[%dma_wait3A_190, %dma_wait3A_191] : memref<10240x16xf32, #tpu.memory_space<hbm>> -> memref<128x16xf32, #tpu.memory_space<hbm>>
    tpu.wait_dma2 semaphore(%arg14 : memref<!tpu.dma_semaphore, #tpu.memory_space<semaphore_mem>>) src(%dma_wait3A_192 : memref<128x16xf32, #tpu.memory_space<hbm>>) dst(%dma_wait3A_189 : memref<128x16xf32, #tpu.memory_space<vmem>>)
    %dma_start3A_193 = arith.constant 3 : i32
    %dma_start3A_194 = arith.constant 75 : i32
    %dma_start3A_195 = arith.constant 0 : i32
    %dma_start3A_196 = arith.constant 0 : i32
    %dma_start3A_197 = tpu.memref_slice %arg7[%dma_start3A_193, %dma_start3A_195, %dma_start3A_196] : memref<6x128x16xf32, #tpu.memory_space<vmem>> -> memref<1x128x16xf32, #tpu.memory_space<vmem>>
    %dma_start3A_198 = tpu.memref_squeeze %dma_start3A_197 : memref<1x128x16xf32, #tpu.memory_space<vmem>> -> memref<128x16xf32, #tpu.memory_space<vmem>>
    %dma_start3A_199 = arith.constant 0 : i32
    %dma_start3A_200 = tpu.memref_slice %arg6[%dma_start3A_194, %dma_start3A_199] : memref<79x128xi32, #tpu.memory_space<vmem>> -> memref<1x128xi32, #tpu.memory_space<vmem>>
    %dma_start3A_201 = tpu.memref_squeeze %dma_start3A_200 : memref<1x128xi32, #tpu.memory_space<vmem>> -> memref<128xi32, #tpu.memory_space<vmem>>
    %dma_start3A_202 = arith.constant 0 : i32
    %dma_start3A_203 = arith.constant 0 : i32
    %dma_start3A_204 = tpu.memref_slice %arg9[%dma_start3A_202, %dma_start3A_203] : memref<10240x16xf32, #tpu.memory_space<vmem_shared>> -> memref<10240x16xf32, #tpu.memory_space<vmem_shared>>
    tpu.enqueue_indirect_dma source(%dma_start3A_198 : memref<128x16xf32, #tpu.memory_space<vmem>>) target(%dma_start3A_204 : memref<10240x16xf32, #tpu.memory_space<vmem_shared>>) offsets(%dma_start3A_201 : memref<128xi32, #tpu.memory_space<vmem>>) semaphore(%arg20 : memref<!tpu.dma_semaphore, #tpu.memory_space<semaphore_mem>>) {add = true}
    %dma_wait3A_205 = arith.constant 4 : i32
    %dma_wait3A_206 = arith.constant 0 : i32
    %dma_wait3A_207 = arith.constant 0 : i32
    %dma_wait3A_208 = tpu.memref_slice %arg7[%dma_wait3A_205, %dma_wait3A_206, %dma_wait3A_207] : memref<6x128x16xf32, #tpu.memory_space<vmem>> -> memref<1x128x16xf32, #tpu.memory_space<vmem>>
    %dma_wait3A_209 = tpu.memref_squeeze %dma_wait3A_208 : memref<1x128x16xf32, #tpu.memory_space<vmem>> -> memref<128x16xf32, #tpu.memory_space<vmem>>
    %dma_wait3A_210 = arith.constant 0 : i32
    %dma_wait3A_211 = arith.constant 0 : i32
    %dma_wait3A_212 = tpu.memref_slice %arg2[%dma_wait3A_210, %dma_wait3A_211] : memref<10240x16xf32, #tpu.memory_space<hbm>> -> memref<128x16xf32, #tpu.memory_space<hbm>>
    %dma_wait3A_213 = arith.constant 0 : i32
    %dma_wait3A_214 = arith.constant 0 : i32
    %dma_wait3A_215 = tpu.memref_slice %arg7[%dma_wait3A_205, %dma_wait3A_213, %dma_wait3A_214] : memref<6x128x16xf32, #tpu.memory_space<vmem>> -> memref<1x128x16xf32, #tpu.memory_space<vmem>>
    %dma_wait3A_216 = tpu.memref_squeeze %dma_wait3A_215 : memref<1x128x16xf32, #tpu.memory_space<vmem>> -> memref<128x16xf32, #tpu.memory_space<vmem>>
    %dma_wait3A_217 = arith.constant 0 : i32
    %dma_wait3A_218 = arith.constant 0 : i32
    %dma_wait3A_219 = tpu.memref_slice %arg2[%dma_wait3A_217, %dma_wait3A_218] : memref<10240x16xf32, #tpu.memory_space<hbm>> -> memref<128x16xf32, #tpu.memory_space<hbm>>
    tpu.wait_dma2 semaphore(%arg15 : memref<!tpu.dma_semaphore, #tpu.memory_space<semaphore_mem>>) src(%dma_wait3A_219 : memref<128x16xf32, #tpu.memory_space<hbm>>) dst(%dma_wait3A_216 : memref<128x16xf32, #tpu.memory_space<vmem>>)
    %dma_start3A_220 = arith.constant 4 : i32
    %dma_start3A_221 = arith.constant 76 : i32
    %dma_start3A_222 = arith.constant 0 : i32
    %dma_start3A_223 = arith.constant 0 : i32
    %dma_start3A_224 = tpu.memref_slice %arg7[%dma_start3A_220, %dma_start3A_222, %dma_start3A_223] : memref<6x128x16xf32, #tpu.memory_space<vmem>> -> memref<1x128x16xf32, #tpu.memory_space<vmem>>
    %dma_start3A_225 = tpu.memref_squeeze %dma_start3A_224 : memref<1x128x16xf32, #tpu.memory_space<vmem>> -> memref<128x16xf32, #tpu.memory_space<vmem>>
    %dma_start3A_226 = arith.constant 0 : i32
    %dma_start3A_227 = tpu.memref_slice %arg6[%dma_start3A_221, %dma_start3A_226] : memref<79x128xi32, #tpu.memory_space<vmem>> -> memref<1x128xi32, #tpu.memory_space<vmem>>
    %dma_start3A_228 = tpu.memref_squeeze %dma_start3A_227 : memref<1x128xi32, #tpu.memory_space<vmem>> -> memref<128xi32, #tpu.memory_space<vmem>>
    %dma_start3A_229 = arith.constant 0 : i32
    %dma_start3A_230 = arith.constant 0 : i32
    %dma_start3A_231 = tpu.memref_slice %arg9[%dma_start3A_229, %dma_start3A_230] : memref<10240x16xf32, #tpu.memory_space<vmem_shared>> -> memref<10240x16xf32, #tpu.memory_space<vmem_shared>>
    tpu.enqueue_indirect_dma source(%dma_start3A_225 : memref<128x16xf32, #tpu.memory_space<vmem>>) target(%dma_start3A_231 : memref<10240x16xf32, #tpu.memory_space<vmem_shared>>) offsets(%dma_start3A_228 : memref<128xi32, #tpu.memory_space<vmem>>) semaphore(%arg21 : memref<!tpu.dma_semaphore, #tpu.memory_space<semaphore_mem>>) {add = true}
    %dma_wait3A_232 = arith.constant 5 : i32
    %dma_wait3A_233 = arith.constant 0 : i32
    %dma_wait3A_234 = arith.constant 0 : i32
    %dma_wait3A_235 = tpu.memref_slice %arg7[%dma_wait3A_232, %dma_wait3A_233, %dma_wait3A_234] : memref<6x128x16xf32, #tpu.memory_space<vmem>> -> memref<1x128x16xf32, #tpu.memory_space<vmem>>
    %dma_wait3A_236 = tpu.memref_squeeze %dma_wait3A_235 : memref<1x128x16xf32, #tpu.memory_space<vmem>> -> memref<128x16xf32, #tpu.memory_space<vmem>>
    %dma_wait3A_237 = arith.constant 0 : i32
    %dma_wait3A_238 = arith.constant 0 : i32
    %dma_wait3A_239 = tpu.memref_slice %arg2[%dma_wait3A_237, %dma_wait3A_238] : memref<10240x16xf32, #tpu.memory_space<hbm>> -> memref<128x16xf32, #tpu.memory_space<hbm>>
    %dma_wait3A_240 = arith.constant 0 : i32
    %dma_wait3A_241 = arith.constant 0 : i32
    %dma_wait3A_242 = tpu.memref_slice %arg7[%dma_wait3A_232, %dma_wait3A_240, %dma_wait3A_241] : memref<6x128x16xf32, #tpu.memory_space<vmem>> -> memref<1x128x16xf32, #tpu.memory_space<vmem>>
    %dma_wait3A_243 = tpu.memref_squeeze %dma_wait3A_242 : memref<1x128x16xf32, #tpu.memory_space<vmem>> -> memref<128x16xf32, #tpu.memory_space<vmem>>
    %dma_wait3A_244 = arith.constant 0 : i32
    %dma_wait3A_245 = arith.constant 0 : i32
    %dma_wait3A_246 = tpu.memref_slice %arg2[%dma_wait3A_244, %dma_wait3A_245] : memref<10240x16xf32, #tpu.memory_space<hbm>> -> memref<128x16xf32, #tpu.memory_space<hbm>>
    tpu.wait_dma2 semaphore(%arg16 : memref<!tpu.dma_semaphore, #tpu.memory_space<semaphore_mem>>) src(%dma_wait3A_246 : memref<128x16xf32, #tpu.memory_space<hbm>>) dst(%dma_wait3A_243 : memref<128x16xf32, #tpu.memory_space<vmem>>)
    %dma_start3A_247 = arith.constant 5 : i32
    %dma_start3A_248 = arith.constant 77 : i32
    %dma_start3A_249 = arith.constant 0 : i32
    %dma_start3A_250 = arith.constant 0 : i32
    %dma_start3A_251 = tpu.memref_slice %arg7[%dma_start3A_247, %dma_start3A_249, %dma_start3A_250] : memref<6x128x16xf32, #tpu.memory_space<vmem>> -> memref<1x128x16xf32, #tpu.memory_space<vmem>>
    %dma_start3A_252 = tpu.memref_squeeze %dma_start3A_251 : memref<1x128x16xf32, #tpu.memory_space<vmem>> -> memref<128x16xf32, #tpu.memory_space<vmem>>
    %dma_start3A_253 = arith.constant 0 : i32
    %dma_start3A_254 = tpu.memref_slice %arg6[%dma_start3A_248, %dma_start3A_253] : memref<79x128xi32, #tpu.memory_space<vmem>> -> memref<1x128xi32, #tpu.memory_space<vmem>>
    %dma_start3A_255 = tpu.memref_squeeze %dma_start3A_254 : memref<1x128xi32, #tpu.memory_space<vmem>> -> memref<128xi32, #tpu.memory_space<vmem>>
    %dma_start3A_256 = arith.constant 0 : i32
    %dma_start3A_257 = arith.constant 0 : i32
    %dma_start3A_258 = tpu.memref_slice %arg9[%dma_start3A_256, %dma_start3A_257] : memref<10240x16xf32, #tpu.memory_space<vmem_shared>> -> memref<10240x16xf32, #tpu.memory_space<vmem_shared>>
    tpu.enqueue_indirect_dma source(%dma_start3A_252 : memref<128x16xf32, #tpu.memory_space<vmem>>) target(%dma_start3A_258 : memref<10240x16xf32, #tpu.memory_space<vmem_shared>>) offsets(%dma_start3A_255 : memref<128xi32, #tpu.memory_space<vmem>>) semaphore(%arg22 : memref<!tpu.dma_semaphore, #tpu.memory_space<semaphore_mem>>) {add = true}
    %dma_wait3A_259 = arith.constant 0 : i32
    %dma_wait3A_260 = arith.constant 0 : i32
    %dma_wait3A_261 = arith.constant 0 : i32
    %dma_wait3A_262 = tpu.memref_slice %arg7[%dma_wait3A_259, %dma_wait3A_260, %dma_wait3A_261] : memref<6x128x16xf32, #tpu.memory_space<vmem>> -> memref<1x128x16xf32, #tpu.memory_space<vmem>>
    %dma_wait3A_263 = tpu.memref_squeeze %dma_wait3A_262 : memref<1x128x16xf32, #tpu.memory_space<vmem>> -> memref<128x16xf32, #tpu.memory_space<vmem>>
    %dma_wait3A_264 = arith.constant 0 : i32
    %dma_wait3A_265 = arith.constant 0 : i32
    %dma_wait3A_266 = tpu.memref_slice %arg2[%dma_wait3A_264, %dma_wait3A_265] : memref<10240x16xf32, #tpu.memory_space<hbm>> -> memref<128x16xf32, #tpu.memory_space<hbm>>
    %dma_wait3A_267 = arith.constant 0 : i32
    %dma_wait3A_268 = arith.constant 0 : i32
    %dma_wait3A_269 = tpu.memref_slice %arg7[%dma_wait3A_259, %dma_wait3A_267, %dma_wait3A_268] : memref<6x128x16xf32, #tpu.memory_space<vmem>> -> memref<1x128x16xf32, #tpu.memory_space<vmem>>
    %dma_wait3A_270 = tpu.memref_squeeze %dma_wait3A_269 : memref<1x128x16xf32, #tpu.memory_space<vmem>> -> memref<128x16xf32, #tpu.memory_space<vmem>>
    %dma_wait3A_271 = arith.constant 0 : i32
    %dma_wait3A_272 = arith.constant 0 : i32
    %dma_wait3A_273 = tpu.memref_slice %arg2[%dma_wait3A_271, %dma_wait3A_272] : memref<10240x16xf32, #tpu.memory_space<hbm>> -> memref<128x16xf32, #tpu.memory_space<hbm>>
    tpu.wait_dma2 semaphore(%arg17 : memref<!tpu.dma_semaphore, #tpu.memory_space<semaphore_mem>>) src(%dma_wait3A_273 : memref<128x16xf32, #tpu.memory_space<hbm>>) dst(%dma_wait3A_270 : memref<128x16xf32, #tpu.memory_space<vmem>>)
    %dma_wait3A_274 = arith.constant 1 : i32
    %dma_wait3A_275 = arith.constant 0 : i32
    %dma_wait3A_276 = arith.constant 0 : i32
    %dma_wait3A_277 = tpu.memref_slice %arg7[%dma_wait3A_274, %dma_wait3A_275, %dma_wait3A_276] : memref<6x128x16xf32, #tpu.memory_space<vmem>> -> memref<1x128x16xf32, #tpu.memory_space<vmem>>
    %dma_wait3A_278 = tpu.memref_squeeze %dma_wait3A_277 : memref<1x128x16xf32, #tpu.memory_space<vmem>> -> memref<128x16xf32, #tpu.memory_space<vmem>>
    %dma_wait3A_279 = arith.constant 0 : i32
    %dma_wait3A_280 = arith.constant 0 : i32
    %dma_wait3A_281 = tpu.memref_slice %arg2[%dma_wait3A_279, %dma_wait3A_280] : memref<10240x16xf32, #tpu.memory_space<hbm>> -> memref<128x16xf32, #tpu.memory_space<hbm>>
    %dma_wait3A_282 = arith.constant 0 : i32
    %dma_wait3A_283 = arith.constant 0 : i32
    %dma_wait3A_284 = tpu.memref_slice %arg7[%dma_wait3A_274, %dma_wait3A_282, %dma_wait3A_283] : memref<6x128x16xf32, #tpu.memory_space<vmem>> -> memref<1x128x16xf32, #tpu.memory_space<vmem>>
    %dma_wait3A_285 = tpu.memref_squeeze %dma_wait3A_284 : memref<1x128x16xf32, #tpu.memory_space<vmem>> -> memref<128x16xf32, #tpu.memory_space<vmem>>
    %dma_wait3A_286 = arith.constant 0 : i32
    %dma_wait3A_287 = arith.constant 0 : i32
    %dma_wait3A_288 = tpu.memref_slice %arg2[%dma_wait3A_286, %dma_wait3A_287] : memref<10240x16xf32, #tpu.memory_space<hbm>> -> memref<128x16xf32, #tpu.memory_space<hbm>>
    tpu.wait_dma2 semaphore(%arg18 : memref<!tpu.dma_semaphore, #tpu.memory_space<semaphore_mem>>) src(%dma_wait3A_288 : memref<128x16xf32, #tpu.memory_space<hbm>>) dst(%dma_wait3A_285 : memref<128x16xf32, #tpu.memory_space<vmem>>)
    %dma_wait3A_289 = arith.constant 2 : i32
    %dma_wait3A_290 = arith.constant 0 : i32
    %dma_wait3A_291 = arith.constant 0 : i32
    %dma_wait3A_292 = tpu.memref_slice %arg7[%dma_wait3A_289, %dma_wait3A_290, %dma_wait3A_291] : memref<6x128x16xf32, #tpu.memory_space<vmem>> -> memref<1x128x16xf32, #tpu.memory_space<vmem>>
    %dma_wait3A_293 = tpu.memref_squeeze %dma_wait3A_292 : memref<1x128x16xf32, #tpu.memory_space<vmem>> -> memref<128x16xf32, #tpu.memory_space<vmem>>
    %dma_wait3A_294 = arith.constant 0 : i32
    %dma_wait3A_295 = arith.constant 0 : i32
    %dma_wait3A_296 = tpu.memref_slice %arg2[%dma_wait3A_294, %dma_wait3A_295] : memref<10240x16xf32, #tpu.memory_space<hbm>> -> memref<128x16xf32, #tpu.memory_space<hbm>>
    %dma_wait3A_297 = arith.constant 0 : i32
    %dma_wait3A_298 = arith.constant 0 : i32
    %dma_wait3A_299 = tpu.memref_slice %arg7[%dma_wait3A_289, %dma_wait3A_297, %dma_wait3A_298] : memref<6x128x16xf32, #tpu.memory_space<vmem>> -> memref<1x128x16xf32, #tpu.memory_space<vmem>>
    %dma_wait3A_300 = tpu.memref_squeeze %dma_wait3A_299 : memref<1x128x16xf32, #tpu.memory_space<vmem>> -> memref<128x16xf32, #tpu.memory_space<vmem>>
    %dma_wait3A_301 = arith.constant 0 : i32
    %dma_wait3A_302 = arith.constant 0 : i32
    %dma_wait3A_303 = tpu.memref_slice %arg2[%dma_wait3A_301, %dma_wait3A_302] : memref<10240x16xf32, #tpu.memory_space<hbm>> -> memref<128x16xf32, #tpu.memory_space<hbm>>
    tpu.wait_dma2 semaphore(%arg19 : memref<!tpu.dma_semaphore, #tpu.memory_space<semaphore_mem>>) src(%dma_wait3A_303 : memref<128x16xf32, #tpu.memory_space<hbm>>) dst(%dma_wait3A_300 : memref<128x16xf32, #tpu.memory_space<vmem>>)
    %dma_wait3A_304 = arith.constant 3 : i32
    %dma_wait3A_305 = arith.constant 0 : i32
    %dma_wait3A_306 = arith.constant 0 : i32
    %dma_wait3A_307 = tpu.memref_slice %arg7[%dma_wait3A_304, %dma_wait3A_305, %dma_wait3A_306] : memref<6x128x16xf32, #tpu.memory_space<vmem>> -> memref<1x128x16xf32, #tpu.memory_space<vmem>>
    %dma_wait3A_308 = tpu.memref_squeeze %dma_wait3A_307 : memref<1x128x16xf32, #tpu.memory_space<vmem>> -> memref<128x16xf32, #tpu.memory_space<vmem>>
    %dma_wait3A_309 = arith.constant 0 : i32
    %dma_wait3A_310 = arith.constant 0 : i32
    %dma_wait3A_311 = tpu.memref_slice %arg2[%dma_wait3A_309, %dma_wait3A_310] : memref<10240x16xf32, #tpu.memory_space<hbm>> -> memref<128x16xf32, #tpu.memory_space<hbm>>
    %dma_wait3A_312 = arith.constant 0 : i32
    %dma_wait3A_313 = arith.constant 0 : i32
    %dma_wait3A_314 = tpu.memref_slice %arg7[%dma_wait3A_304, %dma_wait3A_312, %dma_wait3A_313] : memref<6x128x16xf32, #tpu.memory_space<vmem>> -> memref<1x128x16xf32, #tpu.memory_space<vmem>>
    %dma_wait3A_315 = tpu.memref_squeeze %dma_wait3A_314 : memref<1x128x16xf32, #tpu.memory_space<vmem>> -> memref<128x16xf32, #tpu.memory_space<vmem>>
    %dma_wait3A_316 = arith.constant 0 : i32
    %dma_wait3A_317 = arith.constant 0 : i32
    %dma_wait3A_318 = tpu.memref_slice %arg2[%dma_wait3A_316, %dma_wait3A_317] : memref<10240x16xf32, #tpu.memory_space<hbm>> -> memref<128x16xf32, #tpu.memory_space<hbm>>
    tpu.wait_dma2 semaphore(%arg20 : memref<!tpu.dma_semaphore, #tpu.memory_space<semaphore_mem>>) src(%dma_wait3A_318 : memref<128x16xf32, #tpu.memory_space<hbm>>) dst(%dma_wait3A_315 : memref<128x16xf32, #tpu.memory_space<vmem>>)
    %dma_wait3A_319 = arith.constant 4 : i32
    %dma_wait3A_320 = arith.constant 0 : i32
    %dma_wait3A_321 = arith.constant 0 : i32
    %dma_wait3A_322 = tpu.memref_slice %arg7[%dma_wait3A_319, %dma_wait3A_320, %dma_wait3A_321] : memref<6x128x16xf32, #tpu.memory_space<vmem>> -> memref<1x128x16xf32, #tpu.memory_space<vmem>>
    %dma_wait3A_323 = tpu.memref_squeeze %dma_wait3A_322 : memref<1x128x16xf32, #tpu.memory_space<vmem>> -> memref<128x16xf32, #tpu.memory_space<vmem>>
    %dma_wait3A_324 = arith.constant 0 : i32
    %dma_wait3A_325 = arith.constant 0 : i32
    %dma_wait3A_326 = tpu.memref_slice %arg2[%dma_wait3A_324, %dma_wait3A_325] : memref<10240x16xf32, #tpu.memory_space<hbm>> -> memref<128x16xf32, #tpu.memory_space<hbm>>
    %dma_wait3A_327 = arith.constant 0 : i32
    %dma_wait3A_328 = arith.constant 0 : i32
    %dma_wait3A_329 = tpu.memref_slice %arg7[%dma_wait3A_319, %dma_wait3A_327, %dma_wait3A_328] : memref<6x128x16xf32, #tpu.memory_space<vmem>> -> memref<1x128x16xf32, #tpu.memory_space<vmem>>
    %dma_wait3A_330 = tpu.memref_squeeze %dma_wait3A_329 : memref<1x128x16xf32, #tpu.memory_space<vmem>> -> memref<128x16xf32, #tpu.memory_space<vmem>>
    %dma_wait3A_331 = arith.constant 0 : i32
    %dma_wait3A_332 = arith.constant 0 : i32
    %dma_wait3A_333 = tpu.memref_slice %arg2[%dma_wait3A_331, %dma_wait3A_332] : memref<10240x16xf32, #tpu.memory_space<hbm>> -> memref<128x16xf32, #tpu.memory_space<hbm>>
    tpu.wait_dma2 semaphore(%arg21 : memref<!tpu.dma_semaphore, #tpu.memory_space<semaphore_mem>>) src(%dma_wait3A_333 : memref<128x16xf32, #tpu.memory_space<hbm>>) dst(%dma_wait3A_330 : memref<128x16xf32, #tpu.memory_space<vmem>>)
    %dma_wait3A_334 = arith.constant 5 : i32
    %dma_wait3A_335 = arith.constant 0 : i32
    %dma_wait3A_336 = arith.constant 0 : i32
    %dma_wait3A_337 = tpu.memref_slice %arg7[%dma_wait3A_334, %dma_wait3A_335, %dma_wait3A_336] : memref<6x128x16xf32, #tpu.memory_space<vmem>> -> memref<1x128x16xf32, #tpu.memory_space<vmem>>
    %dma_wait3A_338 = tpu.memref_squeeze %dma_wait3A_337 : memref<1x128x16xf32, #tpu.memory_space<vmem>> -> memref<128x16xf32, #tpu.memory_space<vmem>>
    %dma_wait3A_339 = arith.constant 0 : i32
    %dma_wait3A_340 = arith.constant 0 : i32
    %dma_wait3A_341 = tpu.memref_slice %arg2[%dma_wait3A_339, %dma_wait3A_340] : memref<10240x16xf32, #tpu.memory_space<hbm>> -> memref<128x16xf32, #tpu.memory_space<hbm>>
    %dma_wait3A_342 = arith.constant 0 : i32
    %dma_wait3A_343 = arith.constant 0 : i32
    %dma_wait3A_344 = tpu.memref_slice %arg7[%dma_wait3A_334, %dma_wait3A_342, %dma_wait3A_343] : memref<6x128x16xf32, #tpu.memory_space<vmem>> -> memref<1x128x16xf32, #tpu.memory_space<vmem>>
    %dma_wait3A_345 = tpu.memref_squeeze %dma_wait3A_344 : memref<1x128x16xf32, #tpu.memory_space<vmem>> -> memref<128x16xf32, #tpu.memory_space<vmem>>
    %dma_wait3A_346 = arith.constant 0 : i32
    %dma_wait3A_347 = arith.constant 0 : i32
    %dma_wait3A_348 = tpu.memref_slice %arg2[%dma_wait3A_346, %dma_wait3A_347] : memref<10240x16xf32, #tpu.memory_space<hbm>> -> memref<128x16xf32, #tpu.memory_space<hbm>>
    tpu.wait_dma2 semaphore(%arg22 : memref<!tpu.dma_semaphore, #tpu.memory_space<semaphore_mem>>) src(%dma_wait3A_348 : memref<128x16xf32, #tpu.memory_space<hbm>>) dst(%dma_wait3A_345 : memref<128x16xf32, #tpu.memory_space<vmem>>)
    %lt3A_349 = arith.constant 4 : i32
    %lt3A_350 = arith.cmpi slt, %add3A, %lt3A_349 : i32
    %convert_element_type3A_351 = arith.extui %lt3A_350 : i1 to i32
    %cond3A_352 = arith.constant 0 : i32
    %cond3A_353 = arith.cmpi ne, %convert_element_type3A_351, %cond3A_352 : i32
    scf.if %cond3A_353 {
      %run_scoped3A_359 = arith.constant 78 : i32
      %run_scoped3A_360 = arith.constant 0 : i32
      "tpu.region"() ({
        %run_scoped3A_363 = tpu.sem_alloc : memref<!tpu.dma_semaphore, #tpu.memory_space<semaphore_mem>>
        %dma_start3A_364 = arith.constant 0 : i32
        %dma_start3A_365 = arith.constant 0 : i32
        %dma_start3A_366 = tpu.memref_slice %arg7[%run_scoped3A_360, %dma_start3A_364, %dma_start3A_365] : memref<6x128x16xf32, #tpu.memory_space<vmem>> -> memref<1x128x16xf32, #tpu.memory_space<vmem>>
        %dma_start3A_367 = tpu.memref_squeeze %dma_start3A_366 : memref<1x128x16xf32, #tpu.memory_space<vmem>> -> memref<128x16xf32, #tpu.memory_space<vmem>>
        %dma_start3A_368 = arith.constant 0 : i32
        %dma_start3A_369 = tpu.memref_slice %arg5[%run_scoped3A_359, %dma_start3A_368] : memref<79x128xi32, #tpu.memory_space<vmem>> -> memref<1x128xi32, #tpu.memory_space<vmem>>
        %dma_start3A_370 = tpu.memref_squeeze %dma_start3A_369 : memref<1x128xi32, #tpu.memory_space<vmem>> -> memref<128xi32, #tpu.memory_space<vmem>>
        %dma_start3A_371 = arith.constant 0 : i32
        %dma_start3A_372 = arith.constant 0 : i32
        %dma_start3A_373 = tpu.memref_slice %arg10[%dma_start3A_371, %dma_start3A_372] : memref<10240x16xf32, #tpu.memory_space<vmem_shared>> -> memref<10240x16xf32, #tpu.memory_space<vmem_shared>>
        tpu.enqueue_indirect_dma source(%dma_start3A_373 : memref<10240x16xf32, #tpu.memory_space<vmem_shared>>) target(%dma_start3A_367 : memref<128x16xf32, #tpu.memory_space<vmem>>) offsets(%dma_start3A_370 : memref<128xi32, #tpu.memory_space<vmem>>) semaphore(%run_scoped3A_363 : memref<!tpu.dma_semaphore, #tpu.memory_space<semaphore_mem>>)
        %dma_wait3A_374 = arith.constant 0 : i32
        %dma_wait3A_375 = arith.constant 0 : i32
        %dma_wait3A_376 = tpu.memref_slice %arg7[%run_scoped3A_360, %dma_wait3A_374, %dma_wait3A_375] : memref<6x128x16xf32, #tpu.memory_space<vmem>> -> memref<1x128x16xf32, #tpu.memory_space<vmem>>
        %dma_wait3A_377 = tpu.memref_squeeze %dma_wait3A_376 : memref<1x128x16xf32, #tpu.memory_space<vmem>> -> memref<128x16xf32, #tpu.memory_space<vmem>>
        %dma_wait3A_378 = arith.constant 0 : i32
        %dma_wait3A_379 = tpu.memref_slice %arg5[%run_scoped3A_359, %dma_wait3A_378] : memref<79x128xi32, #tpu.memory_space<vmem>> -> memref<1x128xi32, #tpu.memory_space<vmem>>
        %dma_wait3A_380 = tpu.memref_squeeze %dma_wait3A_379 : memref<1x128xi32, #tpu.memory_space<vmem>> -> memref<128xi32, #tpu.memory_space<vmem>>
        %dma_wait3A_381 = arith.constant 0 : i32
        %dma_wait3A_382 = arith.constant 0 : i32
        %dma_wait3A_383 = tpu.memref_slice %arg10[%dma_wait3A_381, %dma_wait3A_382] : memref<10240x16xf32, #tpu.memory_space<vmem_shared>> -> memref<10240x16xf32, #tpu.memory_space<vmem_shared>>
        tpu.wait_indirect_dma semaphore(%run_scoped3A_363 : memref<!tpu.dma_semaphore, #tpu.memory_space<semaphore_mem>>) src(%dma_wait3A_383 : memref<10240x16xf32, #tpu.memory_space<vmem_shared>>) dst(%dma_wait3A_377 : memref<128x16xf32, #tpu.memory_space<vmem>>)
        tpu.yield
      }) : () -> ()
      %run_scoped3A_361 = arith.constant 0 : i32
      %run_scoped3A_362 = arith.constant 78 : i32
      "tpu.region"() ({
        %run_scoped3A_363 = tpu.sem_alloc : memref<!tpu.dma_semaphore, #tpu.memory_space<semaphore_mem>>
        %dma_start3A_364 = arith.constant 0 : i32
        %dma_start3A_365 = arith.constant 0 : i32
        %dma_start3A_366 = tpu.memref_slice %arg7[%run_scoped3A_361, %dma_start3A_364, %dma_start3A_365] : memref<6x128x16xf32, #tpu.memory_space<vmem>> -> memref<1x128x16xf32, #tpu.memory_space<vmem>>
        %dma_start3A_367 = tpu.memref_squeeze %dma_start3A_366 : memref<1x128x16xf32, #tpu.memory_space<vmem>> -> memref<128x16xf32, #tpu.memory_space<vmem>>
        %dma_start3A_368 = arith.constant 0 : i32
        %dma_start3A_369 = tpu.memref_slice %arg6[%run_scoped3A_362, %dma_start3A_368] : memref<79x128xi32, #tpu.memory_space<vmem>> -> memref<1x128xi32, #tpu.memory_space<vmem>>
        %dma_start3A_370 = tpu.memref_squeeze %dma_start3A_369 : memref<1x128xi32, #tpu.memory_space<vmem>> -> memref<128xi32, #tpu.memory_space<vmem>>
        %dma_start3A_371 = arith.constant 0 : i32
        %dma_start3A_372 = arith.constant 0 : i32
        %dma_start3A_373 = tpu.memref_slice %arg9[%dma_start3A_371, %dma_start3A_372] : memref<10240x16xf32, #tpu.memory_space<vmem_shared>> -> memref<10240x16xf32, #tpu.memory_space<vmem_shared>>
        tpu.enqueue_indirect_dma source(%dma_start3A_367 : memref<128x16xf32, #tpu.memory_space<vmem>>) target(%dma_start3A_373 : memref<10240x16xf32, #tpu.memory_space<vmem_shared>>) offsets(%dma_start3A_370 : memref<128xi32, #tpu.memory_space<vmem>>) semaphore(%run_scoped3A_363 : memref<!tpu.dma_semaphore, #tpu.memory_space<semaphore_mem>>) {add = true}
        %dma_wait3A_374 = arith.constant 0 : i32
        %dma_wait3A_375 = arith.constant 0 : i32
        %dma_wait3A_376 = tpu.memref_slice %arg7[%run_scoped3A_361, %dma_wait3A_374, %dma_wait3A_375] : memref<6x128x16xf32, #tpu.memory_space<vmem>> -> memref<1x128x16xf32, #tpu.memory_space<vmem>>
        %dma_wait3A_377 = tpu.memref_squeeze %dma_wait3A_376 : memref<1x128x16xf32, #tpu.memory_space<vmem>> -> memref<128x16xf32, #tpu.memory_space<vmem>>
        %dma_wait3A_378 = arith.constant 0 : i32
        %dma_wait3A_379 = tpu.memref_slice %arg6[%run_scoped3A_362, %dma_wait3A_378] : memref<79x128xi32, #tpu.memory_space<vmem>> -> memref<1x128xi32, #tpu.memory_space<vmem>>
        %dma_wait3A_380 = tpu.memref_squeeze %dma_wait3A_379 : memref<1x128xi32, #tpu.memory_space<vmem>> -> memref<128xi32, #tpu.memory_space<vmem>>
        %dma_wait3A_381 = arith.constant 0 : i32
        %dma_wait3A_382 = arith.constant 0 : i32
        %dma_wait3A_383 = tpu.memref_slice %arg9[%dma_wait3A_381, %dma_wait3A_382] : memref<10240x16xf32, #tpu.memory_space<vmem_shared>> -> memref<10240x16xf32, #tpu.memory_space<vmem_shared>>
        tpu.wait_indirect_dma semaphore(%run_scoped3A_363 : memref<!tpu.dma_semaphore, #tpu.memory_space<semaphore_mem>>) src(%dma_wait3A_377 : memref<128x16xf32, #tpu.memory_space<vmem>>) dst(%dma_wait3A_383 : memref<10240x16xf32, #tpu.memory_space<vmem_shared>>)
        tpu.yield
      }) : () -> ()
    } else {
    }
    %barrier3A_354 = arith.constant 0 : index
    tpu.barrier barrier_id(%barrier3A_354)
    %mul3A_355 = arith.constant 640 : i32
    %mul3A_356 = arith.muli %arg1, %mul3A_355 : i32
    %mul3A_357 = arith.constant 640 : i32
    %mul3A_358 = arith.muli %arg1, %mul3A_357 : i32
    "tpu.region"() ({
      %run_scoped3A_359 = tpu.sem_alloc : memref<!tpu.dma_semaphore, #tpu.memory_space<semaphore_mem>>
      %dma_start3A_360 = arith.constant 0 : i32
      %dma_start3A_361 = tpu.memref_slice %arg4[%arg0, %mul3A_358, %dma_start3A_360] : memref<2x10240x16xf32, #tpu.memory_space<hbm>> -> memref<1x640x16xf32, #tpu.memory_space<hbm>>
      %dma_start3A_362 = tpu.memref_squeeze %dma_start3A_361 : memref<1x640x16xf32, #tpu.memory_space<hbm>> -> memref<640x16xf32, #tpu.memory_space<hbm>>
      %dma_start3A_363 = arith.constant 0 : i32
      %dma_start3A_364 = tpu.memref_slice %arg9[%mul3A_356, %dma_start3A_363] : memref<10240x16xf32, #tpu.memory_space<vmem_shared>> -> memref<640x16xf32, #tpu.memory_space<vmem_shared>>
      tpu.enqueue_dma source(%dma_start3A_364 : memref<640x16xf32, #tpu.memory_space<vmem_shared>>) target(%dma_start3A_362 : memref<640x16xf32, #tpu.memory_space<hbm>>) target_semaphore(%run_scoped3A_359 : memref<!tpu.dma_semaphore, #tpu.memory_space<semaphore_mem>>)
      %dma_wait3A_365 = arith.constant 0 : i32
      %dma_wait3A_366 = tpu.memref_slice %arg4[%arg0, %mul3A_358, %dma_wait3A_365] : memref<2x10240x16xf32, #tpu.memory_space<hbm>> -> memref<1x640x16xf32, #tpu.memory_space<hbm>>
      %dma_wait3A_367 = tpu.memref_squeeze %dma_wait3A_366 : memref<1x640x16xf32, #tpu.memory_space<hbm>> -> memref<640x16xf32, #tpu.memory_space<hbm>>
      %dma_wait3A_368 = arith.constant 0 : i32
      %dma_wait3A_369 = tpu.memref_slice %arg9[%mul3A_356, %dma_wait3A_368] : memref<10240x16xf32, #tpu.memory_space<vmem_shared>> -> memref<640x16xf32, #tpu.memory_space<vmem_shared>>
      tpu.wait_dma2 semaphore(%run_scoped3A_359 : memref<!tpu.dma_semaphore, #tpu.memory_space<semaphore_mem>>) src(%dma_wait3A_369 : memref<640x16xf32, #tpu.memory_space<vmem_shared>>) dst(%dma_wait3A_367 : memref<640x16xf32, #tpu.memory_space<hbm>>)
      tpu.yield
    }) : () -> ()
    return
  }
}

#map = affine_map<(d0, d1) -> (0, 0, 0)>
#map1 = affine_map<(d0, d1) -> (0, 0)>
module attributes {stable_mosaic.version = 14 : i64} {
  func.func @_deg_body(%arg0: i32, %arg1: i32, %arg2: memref<2x2500x128xi32, #tpu.memory_space<hbm>>, %arg3: memref<32x10240xf32, #tpu.memory_space<hbm>>, %arg4: memref<79x128xi32, #tpu.memory_space<vmem>>, %arg5: memref<10240xf32, #tpu.memory_space<vmem>>) attributes {dimension_semantics = [#tpu.dimension_semantics<core_parallel>, #tpu.dimension_semantics<subcore_parallel>], iteration_bounds = array<i64: 2, 16>, scalar_prefetch = 0 : i64, scratch_operands = 2 : i64, tpu.core_type = #tpu.core_type<sc_vector_subcore>, window_params = [{transform_indices = #map}, {transform_indices = #map1}]} {
    %mul3A = arith.constant 2 : i32
    %mul3A_0 = arith.muli %arg1, %mul3A : i32
    %add3A = arith.addi %mul3A_0, %arg0 : i32
    %mul3A_1 = arith.constant 78 : i32
    %mul3A_2 = arith.muli %add3A, %mul3A_1 : i32
    %run_scoped3A = arith.constant 1 : i32
    "tpu.region"() ({
      %run_scoped3A_73 = tpu.sem_alloc : memref<!tpu.dma_semaphore, #tpu.memory_space<semaphore_mem>>
      %dma_start3A = arith.constant 0 : i32
      %dma_start3A_74 = arith.constant 0 : i32
      %dma_start3A_75 = tpu.memref_slice %arg4[%dma_start3A, %dma_start3A_74] : memref<79x128xi32, #tpu.memory_space<vmem>> -> memref<78x128xi32, #tpu.memory_space<vmem>>
      %dma_start3A_76 = arith.constant 0 : i32
      %dma_start3A_77 = tpu.memref_slice %arg2[%run_scoped3A, %mul3A_2, %dma_start3A_76] : memref<2x2500x128xi32, #tpu.memory_space<hbm>> -> memref<1x78x128xi32, #tpu.memory_space<hbm>>
      %dma_start3A_78 = tpu.memref_squeeze %dma_start3A_77 : memref<1x78x128xi32, #tpu.memory_space<hbm>> -> memref<78x128xi32, #tpu.memory_space<hbm>>
      %dma_start3A_79 = arith.constant 0 : i32
      %dma_start3A_80 = arith.constant 0 : i32
      %dma_start3A_81 = tpu.memref_slice %arg4[%dma_start3A_79, %dma_start3A_80] : memref<79x128xi32, #tpu.memory_space<vmem>> -> memref<78x128xi32, #tpu.memory_space<vmem>>
      %dma_start3A_82 = arith.constant 0 : i32
      %dma_start3A_83 = tpu.memref_slice %arg2[%run_scoped3A, %mul3A_2, %dma_start3A_82] : memref<2x2500x128xi32, #tpu.memory_space<hbm>> -> memref<1x78x128xi32, #tpu.memory_space<hbm>>
      %dma_start3A_84 = tpu.memref_squeeze %dma_start3A_83 : memref<1x78x128xi32, #tpu.memory_space<hbm>> -> memref<78x128xi32, #tpu.memory_space<hbm>>
      tpu.enqueue_dma source(%dma_start3A_84 : memref<78x128xi32, #tpu.memory_space<hbm>>) target(%dma_start3A_81 : memref<78x128xi32, #tpu.memory_space<vmem>>) target_semaphore(%run_scoped3A_73 : memref<!tpu.dma_semaphore, #tpu.memory_space<semaphore_mem>>)
      %dma_wait3A = arith.constant 0 : i32
      %dma_wait3A_85 = arith.constant 0 : i32
      %dma_wait3A_86 = tpu.memref_slice %arg4[%dma_wait3A, %dma_wait3A_85] : memref<79x128xi32, #tpu.memory_space<vmem>> -> memref<78x128xi32, #tpu.memory_space<vmem>>
      %dma_wait3A_87 = arith.constant 0 : i32
      %dma_wait3A_88 = tpu.memref_slice %arg2[%run_scoped3A, %mul3A_2, %dma_wait3A_87] : memref<2x2500x128xi32, #tpu.memory_space<hbm>> -> memref<1x78x128xi32, #tpu.memory_space<hbm>>
      %dma_wait3A_89 = tpu.memref_squeeze %dma_wait3A_88 : memref<1x78x128xi32, #tpu.memory_space<hbm>> -> memref<78x128xi32, #tpu.memory_space<hbm>>
      %dma_wait3A_90 = arith.constant 0 : i32
      %dma_wait3A_91 = arith.constant 0 : i32
      %dma_wait3A_92 = tpu.memref_slice %arg4[%dma_wait3A_90, %dma_wait3A_91] : memref<79x128xi32, #tpu.memory_space<vmem>> -> memref<78x128xi32, #tpu.memory_space<vmem>>
      %dma_wait3A_93 = arith.constant 0 : i32
      %dma_wait3A_94 = tpu.memref_slice %arg2[%run_scoped3A, %mul3A_2, %dma_wait3A_93] : memref<2x2500x128xi32, #tpu.memory_space<hbm>> -> memref<1x78x128xi32, #tpu.memory_space<hbm>>
      %dma_wait3A_95 = tpu.memref_squeeze %dma_wait3A_94 : memref<1x78x128xi32, #tpu.memory_space<hbm>> -> memref<78x128xi32, #tpu.memory_space<hbm>>
      tpu.wait_dma2 semaphore(%run_scoped3A_73 : memref<!tpu.dma_semaphore, #tpu.memory_space<semaphore_mem>>) src(%dma_wait3A_95 : memref<78x128xi32, #tpu.memory_space<hbm>>) dst(%dma_wait3A_92 : memref<78x128xi32, #tpu.memory_space<vmem>>)
      tpu.yield
    }) : () -> ()
    %lt3A = arith.constant 4 : i32
    %lt3A_3 = arith.cmpi slt, %add3A, %lt3A : i32
    %convert_element_type3A = arith.extui %lt3A_3 : i1 to i32
    %cond3A = arith.constant 0 : i32
    %cond3A_4 = arith.cmpi ne, %convert_element_type3A, %cond3A : i32
    scf.if %cond3A_4 {
      %add3A_73 = arith.constant 2496 : i32
      %add3A_74 = arith.addi %add3A_73, %add3A : i32
      %run_scoped3A_75 = arith.constant 1 : i32
      "tpu.region"() ({
        %run_scoped3A_76 = tpu.sem_alloc : memref<!tpu.dma_semaphore, #tpu.memory_space<semaphore_mem>>
        %dma_start3A = arith.constant 78 : i32
        %dma_start3A_77 = arith.constant 0 : i32
        %dma_start3A_78 = tpu.memref_slice %arg4[%dma_start3A, %dma_start3A_77] : memref<79x128xi32, #tpu.memory_space<vmem>> -> memref<1x128xi32, #tpu.memory_space<vmem>>
        %dma_start3A_79 = arith.constant 0 : i32
        %dma_start3A_80 = tpu.memref_slice %arg2[%run_scoped3A_75, %add3A_74, %dma_start3A_79] : memref<2x2500x128xi32, #tpu.memory_space<hbm>> -> memref<1x1x128xi32, #tpu.memory_space<hbm>>
        %dma_start3A_81 = tpu.memref_squeeze %dma_start3A_80 : memref<1x1x128xi32, #tpu.memory_space<hbm>> -> memref<1x128xi32, #tpu.memory_space<hbm>>
        %dma_start3A_82 = arith.constant 78 : i32
        %dma_start3A_83 = arith.constant 0 : i32
        %dma_start3A_84 = tpu.memref_slice %arg4[%dma_start3A_82, %dma_start3A_83] : memref<79x128xi32, #tpu.memory_space<vmem>> -> memref<1x128xi32, #tpu.memory_space<vmem>>
        %dma_start3A_85 = arith.constant 0 : i32
        %dma_start3A_86 = tpu.memref_slice %arg2[%run_scoped3A_75, %add3A_74, %dma_start3A_85] : memref<2x2500x128xi32, #tpu.memory_space<hbm>> -> memref<1x1x128xi32, #tpu.memory_space<hbm>>
        %dma_start3A_87 = tpu.memref_squeeze %dma_start3A_86 : memref<1x1x128xi32, #tpu.memory_space<hbm>> -> memref<1x128xi32, #tpu.memory_space<hbm>>
        tpu.enqueue_dma source(%dma_start3A_87 : memref<1x128xi32, #tpu.memory_space<hbm>>) target(%dma_start3A_84 : memref<1x128xi32, #tpu.memory_space<vmem>>) target_semaphore(%run_scoped3A_76 : memref<!tpu.dma_semaphore, #tpu.memory_space<semaphore_mem>>)
        %dma_wait3A = arith.constant 78 : i32
        %dma_wait3A_88 = arith.constant 0 : i32
        %dma_wait3A_89 = tpu.memref_slice %arg4[%dma_wait3A, %dma_wait3A_88] : memref<79x128xi32, #tpu.memory_space<vmem>> -> memref<1x128xi32, #tpu.memory_space<vmem>>
        %dma_wait3A_90 = arith.constant 0 : i32
        %dma_wait3A_91 = tpu.memref_slice %arg2[%run_scoped3A_75, %add3A_74, %dma_wait3A_90] : memref<2x2500x128xi32, #tpu.memory_space<hbm>> -> memref<1x1x128xi32, #tpu.memory_space<hbm>>
        %dma_wait3A_92 = tpu.memref_squeeze %dma_wait3A_91 : memref<1x1x128xi32, #tpu.memory_space<hbm>> -> memref<1x128xi32, #tpu.memory_space<hbm>>
        %dma_wait3A_93 = arith.constant 78 : i32
        %dma_wait3A_94 = arith.constant 0 : i32
        %dma_wait3A_95 = tpu.memref_slice %arg4[%dma_wait3A_93, %dma_wait3A_94] : memref<79x128xi32, #tpu.memory_space<vmem>> -> memref<1x128xi32, #tpu.memory_space<vmem>>
        %dma_wait3A_96 = arith.constant 0 : i32
        %dma_wait3A_97 = tpu.memref_slice %arg2[%run_scoped3A_75, %add3A_74, %dma_wait3A_96] : memref<2x2500x128xi32, #tpu.memory_space<hbm>> -> memref<1x1x128xi32, #tpu.memory_space<hbm>>
        %dma_wait3A_98 = tpu.memref_squeeze %dma_wait3A_97 : memref<1x1x128xi32, #tpu.memory_space<hbm>> -> memref<1x128xi32, #tpu.memory_space<hbm>>
        tpu.wait_dma2 semaphore(%run_scoped3A_76 : memref<!tpu.dma_semaphore, #tpu.memory_space<semaphore_mem>>) src(%dma_wait3A_98 : memref<1x128xi32, #tpu.memory_space<hbm>>) dst(%dma_wait3A_95 : memref<1x128xi32, #tpu.memory_space<vmem>>)
        tpu.yield
      }) : () -> ()
    } else {
    }
    %scan3A = arith.constant 0 : i32
    %scan3A_5 = arith.constant 0 : i32
    %scan3A_6 = arith.constant 640 : i32
    %scan3A_7 = arith.addi %scan3A_5, %scan3A_6 : i32
    %scan3A_8 = arith.constant 4 : i32
    %scan3A_9 = scf.for %scan3A_73 = %scan3A_5 to %scan3A_7 step %scan3A_8 iter_args(%scan3A_74 = %scan3A) -> (i32)  : i32 {
      %broadcast_in_dim3A_75 = arith.constant 0.000000e+00 : f32
      %broadcast_in_dim3A_76 = vector.broadcast %broadcast_in_dim3A_75 : f32 to vector<16xf32>
      %mul3A_77 = arith.constant 16 : i32
      %mul3A_78 = arith.muli %scan3A_73, %mul3A_77 : i32
      %swap3A = arith.index_cast %mul3A_78 : i32 to index
      %swap3A_79 = tpu.vector_load %arg5[%swap3A] {strides = array<i32>} : memref<10240xf32, #tpu.memory_space<vmem>>, vector<16xf32>,
      tpu.vector_store %arg5[%swap3A], %broadcast_in_dim3A_76 {strides = array<i32>} : memref<10240xf32, #tpu.memory_space<vmem>>, vector<16xf32>,
      %scan3A_80 = arith.constant 0 : i32
      %scan3A_81 = arith.constant 1 : i32
      %scan3A_82 = arith.addi %scan3A_73, %scan3A_81 : i32
      %broadcast_in_dim3A_83 = arith.constant 0.000000e+00 : f32
      %broadcast_in_dim3A_84 = vector.broadcast %broadcast_in_dim3A_83 : f32 to vector<16xf32>
      %mul3A_85 = arith.constant 16 : i32
      %mul3A_86 = arith.muli %scan3A_82, %mul3A_85 : i32
      %swap3A_87 = arith.index_cast %mul3A_86 : i32 to index
      %swap3A_88 = tpu.vector_load %arg5[%swap3A_87] {strides = array<i32>} : memref<10240xf32, #tpu.memory_space<vmem>>, vector<16xf32>,
      tpu.vector_store %arg5[%swap3A_87], %broadcast_in_dim3A_84 {strides = array<i32>} : memref<10240xf32, #tpu.memory_space<vmem>>, vector<16xf32>,
      %scan3A_89 = arith.constant 0 : i32
      %scan3A_90 = arith.constant 2 : i32
      %scan3A_91 = arith.addi %scan3A_73, %scan3A_90 : i32
      %broadcast_in_dim3A_92 = arith.constant 0.000000e+00 : f32
      %broadcast_in_dim3A_93 = vector.broadcast %broadcast_in_dim3A_92 : f32 to vector<16xf32>
      %mul3A_94 = arith.constant 16 : i32
      %mul3A_95 = arith.muli %scan3A_91, %mul3A_94 : i32
      %swap3A_96 = arith.index_cast %mul3A_95 : i32 to index
      %swap3A_97 = tpu.vector_load %arg5[%swap3A_96] {strides = array<i32>} : memref<10240xf32, #tpu.memory_space<vmem>>, vector<16xf32>,
      tpu.vector_store %arg5[%swap3A_96], %broadcast_in_dim3A_93 {strides = array<i32>} : memref<10240xf32, #tpu.memory_space<vmem>>, vector<16xf32>,
      %scan3A_98 = arith.constant 0 : i32
      %scan3A_99 = arith.constant 3 : i32
      %scan3A_100 = arith.addi %scan3A_73, %scan3A_99 : i32
      %broadcast_in_dim3A_101 = arith.constant 0.000000e+00 : f32
      %broadcast_in_dim3A_102 = vector.broadcast %broadcast_in_dim3A_101 : f32 to vector<16xf32>
      %mul3A_103 = arith.constant 16 : i32
      %mul3A_104 = arith.muli %scan3A_100, %mul3A_103 : i32
      %swap3A_105 = arith.index_cast %mul3A_104 : i32 to index
      %swap3A_106 = tpu.vector_load %arg5[%swap3A_105] {strides = array<i32>} : memref<10240xf32, #tpu.memory_space<vmem>>, vector<16xf32>,
      tpu.vector_store %arg5[%swap3A_105], %broadcast_in_dim3A_102 {strides = array<i32>} : memref<10240xf32, #tpu.memory_space<vmem>>, vector<16xf32>,
      %scan3A_107 = arith.constant 0 : i32
      scf.yield %scan3A_107 : i32
    }
    %scan3A_10 = arith.constant 640 : i32
    %broadcast_in_dim3A = arith.constant 1.000000e+00 : f32
    %broadcast_in_dim3A_11 = vector.broadcast %broadcast_in_dim3A : f32 to vector<16xf32>
    %scan3A_12 = arith.constant 0 : i32
    %scan3A_13 = arith.constant 0 : i32
    %scan3A_14 = arith.constant 78 : i32
    %scan3A_15 = arith.addi %scan3A_13, %scan3A_14 : i32
    %scan3A_16 = arith.constant 6 : i32
    %scan3A_17 = scf.for %scan3A_73 = %scan3A_13 to %scan3A_15 step %scan3A_16 iter_args(%scan3A_74 = %scan3A_12) -> (i32)  : i32 {
      %get3A = arith.index_cast %scan3A_73 : i32 to index
      %get3A_75 = arith.constant 0 : index
      %get3A_76 = tpu.vector_load %arg4[%get3A, %get3A_75] {strides = array<i32>} : memref<79x128xi32, #tpu.memory_space<vmem>>, vector<16xi32>,
      tpu.vector_store_idx %arg5[%get3A_76], %broadcast_in_dim3A_11 {add = true} : memref<10240xf32, #tpu.memory_space<vmem>>[vector<16xi32>], vector<16xf32>,
      %scan3A_77 = arith.constant 0 : i32
      %scan3A_78 = arith.constant 1 : i32
      %scan3A_79 = arith.addi %scan3A_73, %scan3A_78 : i32
      %get3A_80 = arith.index_cast %scan3A_79 : i32 to index
      %get3A_81 = arith.constant 0 : index
      %get3A_82 = tpu.vector_load %arg4[%get3A_80, %get3A_81] {strides = array<i32>} : memref<79x128xi32, #tpu.memory_space<vmem>>, vector<16xi32>,
      tpu.vector_store_idx %arg5[%get3A_82], %broadcast_in_dim3A_11 {add = true} : memref<10240xf32, #tpu.memory_space<vmem>>[vector<16xi32>], vector<16xf32>,
      %scan3A_83 = arith.constant 0 : i32
      %scan3A_84 = arith.constant 2 : i32
      %scan3A_85 = arith.addi %scan3A_73, %scan3A_84 : i32
      %get3A_86 = arith.index_cast %scan3A_85 : i32 to index
      %get3A_87 = arith.constant 0 : index
      %get3A_88 = tpu.vector_load %arg4[%get3A_86, %get3A_87] {strides = array<i32>} : memref<79x128xi32, #tpu.memory_space<vmem>>, vector<16xi32>,
      tpu.vector_store_idx %arg5[%get3A_88], %broadcast_in_dim3A_11 {add = true} : memref<10240xf32, #tpu.memory_space<vmem>>[vector<16xi32>], vector<16xf32>,
      %scan3A_89 = arith.constant 0 : i32
      %scan3A_90 = arith.constant 3 : i32
      %scan3A_91 = arith.addi %scan3A_73, %scan3A_90 : i32
      %get3A_92 = arith.index_cast %scan3A_91 : i32 to index
      %get3A_93 = arith.constant 0 : index
      %get3A_94 = tpu.vector_load %arg4[%get3A_92, %get3A_93] {strides = array<i32>} : memref<79x128xi32, #tpu.memory_space<vmem>>, vector<16xi32>,
      tpu.vector_store_idx %arg5[%get3A_94], %broadcast_in_dim3A_11 {add = true} : memref<10240xf32, #tpu.memory_space<vmem>>[vector<16xi32>], vector<16xf32>,
      %scan3A_95 = arith.constant 0 : i32
      %scan3A_96 = arith.constant 4 : i32
      %scan3A_97 = arith.addi %scan3A_73, %scan3A_96 : i32
      %get3A_98 = arith.index_cast %scan3A_97 : i32 to index
      %get3A_99 = arith.constant 0 : index
      %get3A_100 = tpu.vector_load %arg4[%get3A_98, %get3A_99] {strides = array<i32>} : memref<79x128xi32, #tpu.memory_space<vmem>>, vector<16xi32>,
      tpu.vector_store_idx %arg5[%get3A_100], %broadcast_in_dim3A_11 {add = true} : memref<10240xf32, #tpu.memory_space<vmem>>[vector<16xi32>], vector<16xf32>,
      %scan3A_101 = arith.constant 0 : i32
      %scan3A_102 = arith.constant 5 : i32
      %scan3A_103 = arith.addi %scan3A_73, %scan3A_102 : i32
      %get3A_104 = arith.index_cast %scan3A_103 : i32 to index
      %get3A_105 = arith.constant 0 : index
      %get3A_106 = tpu.vector_load %arg4[%get3A_104, %get3A_105] {strides = array<i32>} : memref<79x128xi32, #tpu.memory_space<vmem>>, vector<16xi32>,
      tpu.vector_store_idx %arg5[%get3A_106], %broadcast_in_dim3A_11 {add = true} : memref<10240xf32, #tpu.memory_space<vmem>>[vector<16xi32>], vector<16xf32>,
      %scan3A_107 = arith.constant 0 : i32
      scf.yield %scan3A_107 : i32
    }
    %scan3A_18 = arith.constant 78 : i32
    %scan3A_19 = arith.constant 0 : i32
    %scan3A_20 = arith.constant 0 : i32
    %scan3A_21 = arith.constant 78 : i32
    %scan3A_22 = arith.addi %scan3A_20, %scan3A_21 : i32
    %scan3A_23 = arith.constant 6 : i32
    %scan3A_24 = scf.for %scan3A_73 = %scan3A_20 to %scan3A_22 step %scan3A_23 iter_args(%scan3A_74 = %scan3A_19) -> (i32)  : i32 {
      %get3A = arith.index_cast %scan3A_73 : i32 to index
      %get3A_75 = arith.constant 16 : index
      %get3A_76 = tpu.vector_load %arg4[%get3A, %get3A_75] {strides = array<i32>} : memref<79x128xi32, #tpu.memory_space<vmem>>, vector<16xi32>,
      tpu.vector_store_idx %arg5[%get3A_76], %broadcast_in_dim3A_11 {add = true} : memref<10240xf32, #tpu.memory_space<vmem>>[vector<16xi32>], vector<16xf32>,
      %scan3A_77 = arith.constant 0 : i32
      %scan3A_78 = arith.constant 1 : i32
      %scan3A_79 = arith.addi %scan3A_73, %scan3A_78 : i32
      %get3A_80 = arith.index_cast %scan3A_79 : i32 to index
      %get3A_81 = arith.constant 16 : index
      %get3A_82 = tpu.vector_load %arg4[%get3A_80, %get3A_81] {strides = array<i32>} : memref<79x128xi32, #tpu.memory_space<vmem>>, vector<16xi32>,
      tpu.vector_store_idx %arg5[%get3A_82], %broadcast_in_dim3A_11 {add = true} : memref<10240xf32, #tpu.memory_space<vmem>>[vector<16xi32>], vector<16xf32>,
      %scan3A_83 = arith.constant 0 : i32
      %scan3A_84 = arith.constant 2 : i32
      %scan3A_85 = arith.addi %scan3A_73, %scan3A_84 : i32
      %get3A_86 = arith.index_cast %scan3A_85 : i32 to index
      %get3A_87 = arith.constant 16 : index
      %get3A_88 = tpu.vector_load %arg4[%get3A_86, %get3A_87] {strides = array<i32>} : memref<79x128xi32, #tpu.memory_space<vmem>>, vector<16xi32>,
      tpu.vector_store_idx %arg5[%get3A_88], %broadcast_in_dim3A_11 {add = true} : memref<10240xf32, #tpu.memory_space<vmem>>[vector<16xi32>], vector<16xf32>,
      %scan3A_89 = arith.constant 0 : i32
      %scan3A_90 = arith.constant 3 : i32
      %scan3A_91 = arith.addi %scan3A_73, %scan3A_90 : i32
      %get3A_92 = arith.index_cast %scan3A_91 : i32 to index
      %get3A_93 = arith.constant 16 : index
      %get3A_94 = tpu.vector_load %arg4[%get3A_92, %get3A_93] {strides = array<i32>} : memref<79x128xi32, #tpu.memory_space<vmem>>, vector<16xi32>,
      tpu.vector_store_idx %arg5[%get3A_94], %broadcast_in_dim3A_11 {add = true} : memref<10240xf32, #tpu.memory_space<vmem>>[vector<16xi32>], vector<16xf32>,
      %scan3A_95 = arith.constant 0 : i32
      %scan3A_96 = arith.constant 4 : i32
      %scan3A_97 = arith.addi %scan3A_73, %scan3A_96 : i32
      %get3A_98 = arith.index_cast %scan3A_97 : i32 to index
      %get3A_99 = arith.constant 16 : index
      %get3A_100 = tpu.vector_load %arg4[%get3A_98, %get3A_99] {strides = array<i32>} : memref<79x128xi32, #tpu.memory_space<vmem>>, vector<16xi32>,
      tpu.vector_store_idx %arg5[%get3A_100], %broadcast_in_dim3A_11 {add = true} : memref<10240xf32, #tpu.memory_space<vmem>>[vector<16xi32>], vector<16xf32>,
      %scan3A_101 = arith.constant 0 : i32
      %scan3A_102 = arith.constant 5 : i32
      %scan3A_103 = arith.addi %scan3A_73, %scan3A_102 : i32
      %get3A_104 = arith.index_cast %scan3A_103 : i32 to index
      %get3A_105 = arith.constant 16 : index
      %get3A_106 = tpu.vector_load %arg4[%get3A_104, %get3A_105] {strides = array<i32>} : memref<79x128xi32, #tpu.memory_space<vmem>>, vector<16xi32>,
      tpu.vector_store_idx %arg5[%get3A_106], %broadcast_in_dim3A_11 {add = true} : memref<10240xf32, #tpu.memory_space<vmem>>[vector<16xi32>], vector<16xf32>,
      %scan3A_107 = arith.constant 0 : i32
      scf.yield %scan3A_107 : i32
    }
    %scan3A_25 = arith.constant 78 : i32
    %scan3A_26 = arith.constant 0 : i32
    %scan3A_27 = arith.constant 0 : i32
    %scan3A_28 = arith.constant 78 : i32
    %scan3A_29 = arith.addi %scan3A_27, %scan3A_28 : i32
    %scan3A_30 = arith.constant 6 : i32
    %scan3A_31 = scf.for %scan3A_73 = %scan3A_27 to %scan3A_29 step %scan3A_30 iter_args(%scan3A_74 = %scan3A_26) -> (i32)  : i32 {
      %get3A = arith.index_cast %scan3A_73 : i32 to index
      %get3A_75 = arith.constant 32 : index
      %get3A_76 = tpu.vector_load %arg4[%get3A, %get3A_75] {strides = array<i32>} : memref<79x128xi32, #tpu.memory_space<vmem>>, vector<16xi32>,
      tpu.vector_store_idx %arg5[%get3A_76], %broadcast_in_dim3A_11 {add = true} : memref<10240xf32, #tpu.memory_space<vmem>>[vector<16xi32>], vector<16xf32>,
      %scan3A_77 = arith.constant 0 : i32
      %scan3A_78 = arith.constant 1 : i32
      %scan3A_79 = arith.addi %scan3A_73, %scan3A_78 : i32
      %get3A_80 = arith.index_cast %scan3A_79 : i32 to index
      %get3A_81 = arith.constant 32 : index
      %get3A_82 = tpu.vector_load %arg4[%get3A_80, %get3A_81] {strides = array<i32>} : memref<79x128xi32, #tpu.memory_space<vmem>>, vector<16xi32>,
      tpu.vector_store_idx %arg5[%get3A_82], %broadcast_in_dim3A_11 {add = true} : memref<10240xf32, #tpu.memory_space<vmem>>[vector<16xi32>], vector<16xf32>,
      %scan3A_83 = arith.constant 0 : i32
      %scan3A_84 = arith.constant 2 : i32
      %scan3A_85 = arith.addi %scan3A_73, %scan3A_84 : i32
      %get3A_86 = arith.index_cast %scan3A_85 : i32 to index
      %get3A_87 = arith.constant 32 : index
      %get3A_88 = tpu.vector_load %arg4[%get3A_86, %get3A_87] {strides = array<i32>} : memref<79x128xi32, #tpu.memory_space<vmem>>, vector<16xi32>,
      tpu.vector_store_idx %arg5[%get3A_88], %broadcast_in_dim3A_11 {add = true} : memref<10240xf32, #tpu.memory_space<vmem>>[vector<16xi32>], vector<16xf32>,
      %scan3A_89 = arith.constant 0 : i32
      %scan3A_90 = arith.constant 3 : i32
      %scan3A_91 = arith.addi %scan3A_73, %scan3A_90 : i32
      %get3A_92 = arith.index_cast %scan3A_91 : i32 to index
      %get3A_93 = arith.constant 32 : index
      %get3A_94 = tpu.vector_load %arg4[%get3A_92, %get3A_93] {strides = array<i32>} : memref<79x128xi32, #tpu.memory_space<vmem>>, vector<16xi32>,
      tpu.vector_store_idx %arg5[%get3A_94], %broadcast_in_dim3A_11 {add = true} : memref<10240xf32, #tpu.memory_space<vmem>>[vector<16xi32>], vector<16xf32>,
      %scan3A_95 = arith.constant 0 : i32
      %scan3A_96 = arith.constant 4 : i32
      %scan3A_97 = arith.addi %scan3A_73, %scan3A_96 : i32
      %get3A_98 = arith.index_cast %scan3A_97 : i32 to index
      %get3A_99 = arith.constant 32 : index
      %get3A_100 = tpu.vector_load %arg4[%get3A_98, %get3A_99] {strides = array<i32>} : memref<79x128xi32, #tpu.memory_space<vmem>>, vector<16xi32>,
      tpu.vector_store_idx %arg5[%get3A_100], %broadcast_in_dim3A_11 {add = true} : memref<10240xf32, #tpu.memory_space<vmem>>[vector<16xi32>], vector<16xf32>,
      %scan3A_101 = arith.constant 0 : i32
      %scan3A_102 = arith.constant 5 : i32
      %scan3A_103 = arith.addi %scan3A_73, %scan3A_102 : i32
      %get3A_104 = arith.index_cast %scan3A_103 : i32 to index
      %get3A_105 = arith.constant 32 : index
      %get3A_106 = tpu.vector_load %arg4[%get3A_104, %get3A_105] {strides = array<i32>} : memref<79x128xi32, #tpu.memory_space<vmem>>, vector<16xi32>,
      tpu.vector_store_idx %arg5[%get3A_106], %broadcast_in_dim3A_11 {add = true} : memref<10240xf32, #tpu.memory_space<vmem>>[vector<16xi32>], vector<16xf32>,
      %scan3A_107 = arith.constant 0 : i32
      scf.yield %scan3A_107 : i32
    }
    %scan3A_32 = arith.constant 78 : i32
    %scan3A_33 = arith.constant 0 : i32
    %scan3A_34 = arith.constant 0 : i32
    %scan3A_35 = arith.constant 78 : i32
    %scan3A_36 = arith.addi %scan3A_34, %scan3A_35 : i32
    %scan3A_37 = arith.constant 6 : i32
    %scan3A_38 = scf.for %scan3A_73 = %scan3A_34 to %scan3A_36 step %scan3A_37 iter_args(%scan3A_74 = %scan3A_33) -> (i32)  : i32 {
      %get3A = arith.index_cast %scan3A_73 : i32 to index
      %get3A_75 = arith.constant 48 : index
      %get3A_76 = tpu.vector_load %arg4[%get3A, %get3A_75] {strides = array<i32>} : memref<79x128xi32, #tpu.memory_space<vmem>>, vector<16xi32>,
      tpu.vector_store_idx %arg5[%get3A_76], %broadcast_in_dim3A_11 {add = true} : memref<10240xf32, #tpu.memory_space<vmem>>[vector<16xi32>], vector<16xf32>,
      %scan3A_77 = arith.constant 0 : i32
      %scan3A_78 = arith.constant 1 : i32
      %scan3A_79 = arith.addi %scan3A_73, %scan3A_78 : i32
      %get3A_80 = arith.index_cast %scan3A_79 : i32 to index
      %get3A_81 = arith.constant 48 : index
      %get3A_82 = tpu.vector_load %arg4[%get3A_80, %get3A_81] {strides = array<i32>} : memref<79x128xi32, #tpu.memory_space<vmem>>, vector<16xi32>,
      tpu.vector_store_idx %arg5[%get3A_82], %broadcast_in_dim3A_11 {add = true} : memref<10240xf32, #tpu.memory_space<vmem>>[vector<16xi32>], vector<16xf32>,
      %scan3A_83 = arith.constant 0 : i32
      %scan3A_84 = arith.constant 2 : i32
      %scan3A_85 = arith.addi %scan3A_73, %scan3A_84 : i32
      %get3A_86 = arith.index_cast %scan3A_85 : i32 to index
      %get3A_87 = arith.constant 48 : index
      %get3A_88 = tpu.vector_load %arg4[%get3A_86, %get3A_87] {strides = array<i32>} : memref<79x128xi32, #tpu.memory_space<vmem>>, vector<16xi32>,
      tpu.vector_store_idx %arg5[%get3A_88], %broadcast_in_dim3A_11 {add = true} : memref<10240xf32, #tpu.memory_space<vmem>>[vector<16xi32>], vector<16xf32>,
      %scan3A_89 = arith.constant 0 : i32
      %scan3A_90 = arith.constant 3 : i32
      %scan3A_91 = arith.addi %scan3A_73, %scan3A_90 : i32
      %get3A_92 = arith.index_cast %scan3A_91 : i32 to index
      %get3A_93 = arith.constant 48 : index
      %get3A_94 = tpu.vector_load %arg4[%get3A_92, %get3A_93] {strides = array<i32>} : memref<79x128xi32, #tpu.memory_space<vmem>>, vector<16xi32>,
      tpu.vector_store_idx %arg5[%get3A_94], %broadcast_in_dim3A_11 {add = true} : memref<10240xf32, #tpu.memory_space<vmem>>[vector<16xi32>], vector<16xf32>,
      %scan3A_95 = arith.constant 0 : i32
      %scan3A_96 = arith.constant 4 : i32
      %scan3A_97 = arith.addi %scan3A_73, %scan3A_96 : i32
      %get3A_98 = arith.index_cast %scan3A_97 : i32 to index
      %get3A_99 = arith.constant 48 : index
      %get3A_100 = tpu.vector_load %arg4[%get3A_98, %get3A_99] {strides = array<i32>} : memref<79x128xi32, #tpu.memory_space<vmem>>, vector<16xi32>,
      tpu.vector_store_idx %arg5[%get3A_100], %broadcast_in_dim3A_11 {add = true} : memref<10240xf32, #tpu.memory_space<vmem>>[vector<16xi32>], vector<16xf32>,
      %scan3A_101 = arith.constant 0 : i32
      %scan3A_102 = arith.constant 5 : i32
      %scan3A_103 = arith.addi %scan3A_73, %scan3A_102 : i32
      %get3A_104 = arith.index_cast %scan3A_103 : i32 to index
      %get3A_105 = arith.constant 48 : index
      %get3A_106 = tpu.vector_load %arg4[%get3A_104, %get3A_105] {strides = array<i32>} : memref<79x128xi32, #tpu.memory_space<vmem>>, vector<16xi32>,
      tpu.vector_store_idx %arg5[%get3A_106], %broadcast_in_dim3A_11 {add = true} : memref<10240xf32, #tpu.memory_space<vmem>>[vector<16xi32>], vector<16xf32>,
      %scan3A_107 = arith.constant 0 : i32
      scf.yield %scan3A_107 : i32
    }
    %scan3A_39 = arith.constant 78 : i32
    %scan3A_40 = arith.constant 0 : i32
    %scan3A_41 = arith.constant 0 : i32
    %scan3A_42 = arith.constant 78 : i32
    %scan3A_43 = arith.addi %scan3A_41, %scan3A_42 : i32
    %scan3A_44 = arith.constant 6 : i32
    %scan3A_45 = scf.for %scan3A_73 = %scan3A_41 to %scan3A_43 step %scan3A_44 iter_args(%scan3A_74 = %scan3A_40) -> (i32)  : i32 {
      %get3A = arith.index_cast %scan3A_73 : i32 to index
      %get3A_75 = arith.constant 64 : index
      %get3A_76 = tpu.vector_load %arg4[%get3A, %get3A_75] {strides = array<i32>} : memref<79x128xi32, #tpu.memory_space<vmem>>, vector<16xi32>,
      tpu.vector_store_idx %arg5[%get3A_76], %broadcast_in_dim3A_11 {add = true} : memref<10240xf32, #tpu.memory_space<vmem>>[vector<16xi32>], vector<16xf32>,
      %scan3A_77 = arith.constant 0 : i32
      %scan3A_78 = arith.constant 1 : i32
      %scan3A_79 = arith.addi %scan3A_73, %scan3A_78 : i32
      %get3A_80 = arith.index_cast %scan3A_79 : i32 to index
      %get3A_81 = arith.constant 64 : index
      %get3A_82 = tpu.vector_load %arg4[%get3A_80, %get3A_81] {strides = array<i32>} : memref<79x128xi32, #tpu.memory_space<vmem>>, vector<16xi32>,
      tpu.vector_store_idx %arg5[%get3A_82], %broadcast_in_dim3A_11 {add = true} : memref<10240xf32, #tpu.memory_space<vmem>>[vector<16xi32>], vector<16xf32>,
      %scan3A_83 = arith.constant 0 : i32
      %scan3A_84 = arith.constant 2 : i32
      %scan3A_85 = arith.addi %scan3A_73, %scan3A_84 : i32
      %get3A_86 = arith.index_cast %scan3A_85 : i32 to index
      %get3A_87 = arith.constant 64 : index
      %get3A_88 = tpu.vector_load %arg4[%get3A_86, %get3A_87] {strides = array<i32>} : memref<79x128xi32, #tpu.memory_space<vmem>>, vector<16xi32>,
      tpu.vector_store_idx %arg5[%get3A_88], %broadcast_in_dim3A_11 {add = true} : memref<10240xf32, #tpu.memory_space<vmem>>[vector<16xi32>], vector<16xf32>,
      %scan3A_89 = arith.constant 0 : i32
      %scan3A_90 = arith.constant 3 : i32
      %scan3A_91 = arith.addi %scan3A_73, %scan3A_90 : i32
      %get3A_92 = arith.index_cast %scan3A_91 : i32 to index
      %get3A_93 = arith.constant 64 : index
      %get3A_94 = tpu.vector_load %arg4[%get3A_92, %get3A_93] {strides = array<i32>} : memref<79x128xi32, #tpu.memory_space<vmem>>, vector<16xi32>,
      tpu.vector_store_idx %arg5[%get3A_94], %broadcast_in_dim3A_11 {add = true} : memref<10240xf32, #tpu.memory_space<vmem>>[vector<16xi32>], vector<16xf32>,
      %scan3A_95 = arith.constant 0 : i32
      %scan3A_96 = arith.constant 4 : i32
      %scan3A_97 = arith.addi %scan3A_73, %scan3A_96 : i32
      %get3A_98 = arith.index_cast %scan3A_97 : i32 to index
      %get3A_99 = arith.constant 64 : index
      %get3A_100 = tpu.vector_load %arg4[%get3A_98, %get3A_99] {strides = array<i32>} : memref<79x128xi32, #tpu.memory_space<vmem>>, vector<16xi32>,
      tpu.vector_store_idx %arg5[%get3A_100], %broadcast_in_dim3A_11 {add = true} : memref<10240xf32, #tpu.memory_space<vmem>>[vector<16xi32>], vector<16xf32>,
      %scan3A_101 = arith.constant 0 : i32
      %scan3A_102 = arith.constant 5 : i32
      %scan3A_103 = arith.addi %scan3A_73, %scan3A_102 : i32
      %get3A_104 = arith.index_cast %scan3A_103 : i32 to index
      %get3A_105 = arith.constant 64 : index
      %get3A_106 = tpu.vector_load %arg4[%get3A_104, %get3A_105] {strides = array<i32>} : memref<79x128xi32, #tpu.memory_space<vmem>>, vector<16xi32>,
      tpu.vector_store_idx %arg5[%get3A_106], %broadcast_in_dim3A_11 {add = true} : memref<10240xf32, #tpu.memory_space<vmem>>[vector<16xi32>], vector<16xf32>,
      %scan3A_107 = arith.constant 0 : i32
      scf.yield %scan3A_107 : i32
    }
    %scan3A_46 = arith.constant 78 : i32
    %scan3A_47 = arith.constant 0 : i32
    %scan3A_48 = arith.constant 0 : i32
    %scan3A_49 = arith.constant 78 : i32
    %scan3A_50 = arith.addi %scan3A_48, %scan3A_49 : i32
    %scan3A_51 = arith.constant 6 : i32
    %scan3A_52 = scf.for %scan3A_73 = %scan3A_48 to %scan3A_50 step %scan3A_51 iter_args(%scan3A_74 = %scan3A_47) -> (i32)  : i32 {
      %get3A = arith.index_cast %scan3A_73 : i32 to index
      %get3A_75 = arith.constant 80 : index
      %get3A_76 = tpu.vector_load %arg4[%get3A, %get3A_75] {strides = array<i32>} : memref<79x128xi32, #tpu.memory_space<vmem>>, vector<16xi32>,
      tpu.vector_store_idx %arg5[%get3A_76], %broadcast_in_dim3A_11 {add = true} : memref<10240xf32, #tpu.memory_space<vmem>>[vector<16xi32>], vector<16xf32>,
      %scan3A_77 = arith.constant 0 : i32
      %scan3A_78 = arith.constant 1 : i32
      %scan3A_79 = arith.addi %scan3A_73, %scan3A_78 : i32
      %get3A_80 = arith.index_cast %scan3A_79 : i32 to index
      %get3A_81 = arith.constant 80 : index
      %get3A_82 = tpu.vector_load %arg4[%get3A_80, %get3A_81] {strides = array<i32>} : memref<79x128xi32, #tpu.memory_space<vmem>>, vector<16xi32>,
      tpu.vector_store_idx %arg5[%get3A_82], %broadcast_in_dim3A_11 {add = true} : memref<10240xf32, #tpu.memory_space<vmem>>[vector<16xi32>], vector<16xf32>,
      %scan3A_83 = arith.constant 0 : i32
      %scan3A_84 = arith.constant 2 : i32
      %scan3A_85 = arith.addi %scan3A_73, %scan3A_84 : i32
      %get3A_86 = arith.index_cast %scan3A_85 : i32 to index
      %get3A_87 = arith.constant 80 : index
      %get3A_88 = tpu.vector_load %arg4[%get3A_86, %get3A_87] {strides = array<i32>} : memref<79x128xi32, #tpu.memory_space<vmem>>, vector<16xi32>,
      tpu.vector_store_idx %arg5[%get3A_88], %broadcast_in_dim3A_11 {add = true} : memref<10240xf32, #tpu.memory_space<vmem>>[vector<16xi32>], vector<16xf32>,
      %scan3A_89 = arith.constant 0 : i32
      %scan3A_90 = arith.constant 3 : i32
      %scan3A_91 = arith.addi %scan3A_73, %scan3A_90 : i32
      %get3A_92 = arith.index_cast %scan3A_91 : i32 to index
      %get3A_93 = arith.constant 80 : index
      %get3A_94 = tpu.vector_load %arg4[%get3A_92, %get3A_93] {strides = array<i32>} : memref<79x128xi32, #tpu.memory_space<vmem>>, vector<16xi32>,
      tpu.vector_store_idx %arg5[%get3A_94], %broadcast_in_dim3A_11 {add = true} : memref<10240xf32, #tpu.memory_space<vmem>>[vector<16xi32>], vector<16xf32>,
      %scan3A_95 = arith.constant 0 : i32
      %scan3A_96 = arith.constant 4 : i32
      %scan3A_97 = arith.addi %scan3A_73, %scan3A_96 : i32
      %get3A_98 = arith.index_cast %scan3A_97 : i32 to index
      %get3A_99 = arith.constant 80 : index
      %get3A_100 = tpu.vector_load %arg4[%get3A_98, %get3A_99] {strides = array<i32>} : memref<79x128xi32, #tpu.memory_space<vmem>>, vector<16xi32>,
      tpu.vector_store_idx %arg5[%get3A_100], %broadcast_in_dim3A_11 {add = true} : memref<10240xf32, #tpu.memory_space<vmem>>[vector<16xi32>], vector<16xf32>,
      %scan3A_101 = arith.constant 0 : i32
      %scan3A_102 = arith.constant 5 : i32
      %scan3A_103 = arith.addi %scan3A_73, %scan3A_102 : i32
      %get3A_104 = arith.index_cast %scan3A_103 : i32 to index
      %get3A_105 = arith.constant 80 : index
      %get3A_106 = tpu.vector_load %arg4[%get3A_104, %get3A_105] {strides = array<i32>} : memref<79x128xi32, #tpu.memory_space<vmem>>, vector<16xi32>,
      tpu.vector_store_idx %arg5[%get3A_106], %broadcast_in_dim3A_11 {add = true} : memref<10240xf32, #tpu.memory_space<vmem>>[vector<16xi32>], vector<16xf32>,
      %scan3A_107 = arith.constant 0 : i32
      scf.yield %scan3A_107 : i32
    }
    %scan3A_53 = arith.constant 78 : i32
    %scan3A_54 = arith.constant 0 : i32
    %scan3A_55 = arith.constant 0 : i32
    %scan3A_56 = arith.constant 78 : i32
    %scan3A_57 = arith.addi %scan3A_55, %scan3A_56 : i32
    %scan3A_58 = arith.constant 6 : i32
    %scan3A_59 = scf.for %scan3A_73 = %scan3A_55 to %scan3A_57 step %scan3A_58 iter_args(%scan3A_74 = %scan3A_54) -> (i32)  : i32 {
      %get3A = arith.index_cast %scan3A_73 : i32 to index
      %get3A_75 = arith.constant 96 : index
      %get3A_76 = tpu.vector_load %arg4[%get3A, %get3A_75] {strides = array<i32>} : memref<79x128xi32, #tpu.memory_space<vmem>>, vector<16xi32>,
      tpu.vector_store_idx %arg5[%get3A_76], %broadcast_in_dim3A_11 {add = true} : memref<10240xf32, #tpu.memory_space<vmem>>[vector<16xi32>], vector<16xf32>,
      %scan3A_77 = arith.constant 0 : i32
      %scan3A_78 = arith.constant 1 : i32
      %scan3A_79 = arith.addi %scan3A_73, %scan3A_78 : i32
      %get3A_80 = arith.index_cast %scan3A_79 : i32 to index
      %get3A_81 = arith.constant 96 : index
      %get3A_82 = tpu.vector_load %arg4[%get3A_80, %get3A_81] {strides = array<i32>} : memref<79x128xi32, #tpu.memory_space<vmem>>, vector<16xi32>,
      tpu.vector_store_idx %arg5[%get3A_82], %broadcast_in_dim3A_11 {add = true} : memref<10240xf32, #tpu.memory_space<vmem>>[vector<16xi32>], vector<16xf32>,
      %scan3A_83 = arith.constant 0 : i32
      %scan3A_84 = arith.constant 2 : i32
      %scan3A_85 = arith.addi %scan3A_73, %scan3A_84 : i32
      %get3A_86 = arith.index_cast %scan3A_85 : i32 to index
      %get3A_87 = arith.constant 96 : index
      %get3A_88 = tpu.vector_load %arg4[%get3A_86, %get3A_87] {strides = array<i32>} : memref<79x128xi32, #tpu.memory_space<vmem>>, vector<16xi32>,
      tpu.vector_store_idx %arg5[%get3A_88], %broadcast_in_dim3A_11 {add = true} : memref<10240xf32, #tpu.memory_space<vmem>>[vector<16xi32>], vector<16xf32>,
      %scan3A_89 = arith.constant 0 : i32
      %scan3A_90 = arith.constant 3 : i32
      %scan3A_91 = arith.addi %scan3A_73, %scan3A_90 : i32
      %get3A_92 = arith.index_cast %scan3A_91 : i32 to index
      %get3A_93 = arith.constant 96 : index
      %get3A_94 = tpu.vector_load %arg4[%get3A_92, %get3A_93] {strides = array<i32>} : memref<79x128xi32, #tpu.memory_space<vmem>>, vector<16xi32>,
      tpu.vector_store_idx %arg5[%get3A_94], %broadcast_in_dim3A_11 {add = true} : memref<10240xf32, #tpu.memory_space<vmem>>[vector<16xi32>], vector<16xf32>,
      %scan3A_95 = arith.constant 0 : i32
      %scan3A_96 = arith.constant 4 : i32
      %scan3A_97 = arith.addi %scan3A_73, %scan3A_96 : i32
      %get3A_98 = arith.index_cast %scan3A_97 : i32 to index
      %get3A_99 = arith.constant 96 : index
      %get3A_100 = tpu.vector_load %arg4[%get3A_98, %get3A_99] {strides = array<i32>} : memref<79x128xi32, #tpu.memory_space<vmem>>, vector<16xi32>,
      tpu.vector_store_idx %arg5[%get3A_100], %broadcast_in_dim3A_11 {add = true} : memref<10240xf32, #tpu.memory_space<vmem>>[vector<16xi32>], vector<16xf32>,
      %scan3A_101 = arith.constant 0 : i32
      %scan3A_102 = arith.constant 5 : i32
      %scan3A_103 = arith.addi %scan3A_73, %scan3A_102 : i32
      %get3A_104 = arith.index_cast %scan3A_103 : i32 to index
      %get3A_105 = arith.constant 96 : index
      %get3A_106 = tpu.vector_load %arg4[%get3A_104, %get3A_105] {strides = array<i32>} : memref<79x128xi32, #tpu.memory_space<vmem>>, vector<16xi32>,
      tpu.vector_store_idx %arg5[%get3A_106], %broadcast_in_dim3A_11 {add = true} : memref<10240xf32, #tpu.memory_space<vmem>>[vector<16xi32>], vector<16xf32>,
      %scan3A_107 = arith.constant 0 : i32
      scf.yield %scan3A_107 : i32
    }
    %scan3A_60 = arith.constant 78 : i32
    %scan3A_61 = arith.constant 0 : i32
    %scan3A_62 = arith.constant 0 : i32
    %scan3A_63 = arith.constant 78 : i32
    %scan3A_64 = arith.addi %scan3A_62, %scan3A_63 : i32
    %scan3A_65 = arith.constant 6 : i32
    %scan3A_66 = scf.for %scan3A_73 = %scan3A_62 to %scan3A_64 step %scan3A_65 iter_args(%scan3A_74 = %scan3A_61) -> (i32)  : i32 {
      %get3A = arith.index_cast %scan3A_73 : i32 to index
      %get3A_75 = arith.constant 112 : index
      %get3A_76 = tpu.vector_load %arg4[%get3A, %get3A_75] {strides = array<i32>} : memref<79x128xi32, #tpu.memory_space<vmem>>, vector<16xi32>,
      tpu.vector_store_idx %arg5[%get3A_76], %broadcast_in_dim3A_11 {add = true} : memref<10240xf32, #tpu.memory_space<vmem>>[vector<16xi32>], vector<16xf32>,
      %scan3A_77 = arith.constant 0 : i32
      %scan3A_78 = arith.constant 1 : i32
      %scan3A_79 = arith.addi %scan3A_73, %scan3A_78 : i32
      %get3A_80 = arith.index_cast %scan3A_79 : i32 to index
      %get3A_81 = arith.constant 112 : index
      %get3A_82 = tpu.vector_load %arg4[%get3A_80, %get3A_81] {strides = array<i32>} : memref<79x128xi32, #tpu.memory_space<vmem>>, vector<16xi32>,
      tpu.vector_store_idx %arg5[%get3A_82], %broadcast_in_dim3A_11 {add = true} : memref<10240xf32, #tpu.memory_space<vmem>>[vector<16xi32>], vector<16xf32>,
      %scan3A_83 = arith.constant 0 : i32
      %scan3A_84 = arith.constant 2 : i32
      %scan3A_85 = arith.addi %scan3A_73, %scan3A_84 : i32
      %get3A_86 = arith.index_cast %scan3A_85 : i32 to index
      %get3A_87 = arith.constant 112 : index
      %get3A_88 = tpu.vector_load %arg4[%get3A_86, %get3A_87] {strides = array<i32>} : memref<79x128xi32, #tpu.memory_space<vmem>>, vector<16xi32>,
      tpu.vector_store_idx %arg5[%get3A_88], %broadcast_in_dim3A_11 {add = true} : memref<10240xf32, #tpu.memory_space<vmem>>[vector<16xi32>], vector<16xf32>,
      %scan3A_89 = arith.constant 0 : i32
      %scan3A_90 = arith.constant 3 : i32
      %scan3A_91 = arith.addi %scan3A_73, %scan3A_90 : i32
      %get3A_92 = arith.index_cast %scan3A_91 : i32 to index
      %get3A_93 = arith.constant 112 : index
      %get3A_94 = tpu.vector_load %arg4[%get3A_92, %get3A_93] {strides = array<i32>} : memref<79x128xi32, #tpu.memory_space<vmem>>, vector<16xi32>,
      tpu.vector_store_idx %arg5[%get3A_94], %broadcast_in_dim3A_11 {add = true} : memref<10240xf32, #tpu.memory_space<vmem>>[vector<16xi32>], vector<16xf32>,
      %scan3A_95 = arith.constant 0 : i32
      %scan3A_96 = arith.constant 4 : i32
      %scan3A_97 = arith.addi %scan3A_73, %scan3A_96 : i32
      %get3A_98 = arith.index_cast %scan3A_97 : i32 to index
      %get3A_99 = arith.constant 112 : index
      %get3A_100 = tpu.vector_load %arg4[%get3A_98, %get3A_99] {strides = array<i32>} : memref<79x128xi32, #tpu.memory_space<vmem>>, vector<16xi32>,
      tpu.vector_store_idx %arg5[%get3A_100], %broadcast_in_dim3A_11 {add = true} : memref<10240xf32, #tpu.memory_space<vmem>>[vector<16xi32>], vector<16xf32>,
      %scan3A_101 = arith.constant 0 : i32
      %scan3A_102 = arith.constant 5 : i32
      %scan3A_103 = arith.addi %scan3A_73, %scan3A_102 : i32
      %get3A_104 = arith.index_cast %scan3A_103 : i32 to index
      %get3A_105 = arith.constant 112 : index
      %get3A_106 = tpu.vector_load %arg4[%get3A_104, %get3A_105] {strides = array<i32>} : memref<79x128xi32, #tpu.memory_space<vmem>>, vector<16xi32>,
      tpu.vector_store_idx %arg5[%get3A_106], %broadcast_in_dim3A_11 {add = true} : memref<10240xf32, #tpu.memory_space<vmem>>[vector<16xi32>], vector<16xf32>,
      %scan3A_107 = arith.constant 0 : i32
      scf.yield %scan3A_107 : i32
    }
    %scan3A_67 = arith.constant 78 : i32
    %lt3A_68 = arith.constant 4 : i32
    %lt3A_69 = arith.cmpi slt, %add3A, %lt3A_68 : i32
    %convert_element_type3A_70 = arith.extui %lt3A_69 : i1 to i32
    %cond3A_71 = arith.constant 0 : i32
    %cond3A_72 = arith.cmpi ne, %convert_element_type3A_70, %cond3A_71 : i32
    scf.if %cond3A_72 {
      %get3A = arith.constant 78 : i32
      %get3A_73 = arith.index_cast %get3A : i32 to index
      %get3A_74 = arith.constant 0 : index
      %get3A_75 = tpu.vector_load %arg4[%get3A_73, %get3A_74] {strides = array<i32>} : memref<79x128xi32, #tpu.memory_space<vmem>>, vector<16xi32>,
      tpu.vector_store_idx %arg5[%get3A_75], %broadcast_in_dim3A_11 {add = true} : memref<10240xf32, #tpu.memory_space<vmem>>[vector<16xi32>], vector<16xf32>,
      %get3A_76 = arith.constant 78 : i32
      %get3A_77 = arith.index_cast %get3A_76 : i32 to index
      %get3A_78 = arith.constant 16 : index
      %get3A_79 = tpu.vector_load %arg4[%get3A_77, %get3A_78] {strides = array<i32>} : memref<79x128xi32, #tpu.memory_space<vmem>>, vector<16xi32>,
      tpu.vector_store_idx %arg5[%get3A_79], %broadcast_in_dim3A_11 {add = true} : memref<10240xf32, #tpu.memory_space<vmem>>[vector<16xi32>], vector<16xf32>,
      %get3A_80 = arith.constant 78 : i32
      %get3A_81 = arith.index_cast %get3A_80 : i32 to index
      %get3A_82 = arith.constant 32 : index
      %get3A_83 = tpu.vector_load %arg4[%get3A_81, %get3A_82] {strides = array<i32>} : memref<79x128xi32, #tpu.memory_space<vmem>>, vector<16xi32>,
      tpu.vector_store_idx %arg5[%get3A_83], %broadcast_in_dim3A_11 {add = true} : memref<10240xf32, #tpu.memory_space<vmem>>[vector<16xi32>], vector<16xf32>,
      %get3A_84 = arith.constant 78 : i32
      %get3A_85 = arith.index_cast %get3A_84 : i32 to index
      %get3A_86 = arith.constant 48 : index
      %get3A_87 = tpu.vector_load %arg4[%get3A_85, %get3A_86] {strides = array<i32>} : memref<79x128xi32, #tpu.memory_space<vmem>>, vector<16xi32>,
      tpu.vector_store_idx %arg5[%get3A_87], %broadcast_in_dim3A_11 {add = true} : memref<10240xf32, #tpu.memory_space<vmem>>[vector<16xi32>], vector<16xf32>,
      %get3A_88 = arith.constant 78 : i32
      %get3A_89 = arith.index_cast %get3A_88 : i32 to index
      %get3A_90 = arith.constant 64 : index
      %get3A_91 = tpu.vector_load %arg4[%get3A_89, %get3A_90] {strides = array<i32>} : memref<79x128xi32, #tpu.memory_space<vmem>>, vector<16xi32>,
      tpu.vector_store_idx %arg5[%get3A_91], %broadcast_in_dim3A_11 {add = true} : memref<10240xf32, #tpu.memory_space<vmem>>[vector<16xi32>], vector<16xf32>,
      %get3A_92 = arith.constant 78 : i32
      %get3A_93 = arith.index_cast %get3A_92 : i32 to index
      %get3A_94 = arith.constant 80 : index
      %get3A_95 = tpu.vector_load %arg4[%get3A_93, %get3A_94] {strides = array<i32>} : memref<79x128xi32, #tpu.memory_space<vmem>>, vector<16xi32>,
      tpu.vector_store_idx %arg5[%get3A_95], %broadcast_in_dim3A_11 {add = true} : memref<10240xf32, #tpu.memory_space<vmem>>[vector<16xi32>], vector<16xf32>,
      %get3A_96 = arith.constant 78 : i32
      %get3A_97 = arith.index_cast %get3A_96 : i32 to index
      %get3A_98 = arith.constant 96 : index
      %get3A_99 = tpu.vector_load %arg4[%get3A_97, %get3A_98] {strides = array<i32>} : memref<79x128xi32, #tpu.memory_space<vmem>>, vector<16xi32>,
      tpu.vector_store_idx %arg5[%get3A_99], %broadcast_in_dim3A_11 {add = true} : memref<10240xf32, #tpu.memory_space<vmem>>[vector<16xi32>], vector<16xf32>,
      %get3A_100 = arith.constant 78 : i32
      %get3A_101 = arith.index_cast %get3A_100 : i32 to index
      %get3A_102 = arith.constant 112 : index
      %get3A_103 = tpu.vector_load %arg4[%get3A_101, %get3A_102] {strides = array<i32>} : memref<79x128xi32, #tpu.memory_space<vmem>>, vector<16xi32>,
      tpu.vector_store_idx %arg5[%get3A_103], %broadcast_in_dim3A_11 {add = true} : memref<10240xf32, #tpu.memory_space<vmem>>[vector<16xi32>], vector<16xf32>,
    } else {
    }
    "tpu.region"() ({
      %run_scoped3A_73 = tpu.sem_alloc : memref<!tpu.dma_semaphore, #tpu.memory_space<semaphore_mem>>
      %dma_start3A = arith.constant 0 : i32
      %dma_start3A_74 = tpu.memref_slice %arg3[%add3A, %dma_start3A] : memref<32x10240xf32, #tpu.memory_space<hbm>> -> memref<1x10240xf32, #tpu.memory_space<hbm>>
      %dma_start3A_75 = tpu.memref_squeeze %dma_start3A_74 : memref<1x10240xf32, #tpu.memory_space<hbm>> -> memref<10240xf32, #tpu.memory_space<hbm>>
      %dma_start3A_76 = arith.constant 0 : i32
      %dma_start3A_77 = tpu.memref_slice %arg3[%add3A, %dma_start3A_76] : memref<32x10240xf32, #tpu.memory_space<hbm>> -> memref<1x10240xf32, #tpu.memory_space<hbm>>
      %dma_start3A_78 = tpu.memref_squeeze %dma_start3A_77 : memref<1x10240xf32, #tpu.memory_space<hbm>> -> memref<10240xf32, #tpu.memory_space<hbm>>
      tpu.enqueue_dma source(%arg5 : memref<10240xf32, #tpu.memory_space<vmem>>) target(%dma_start3A_78 : memref<10240xf32, #tpu.memory_space<hbm>>) target_semaphore(%run_scoped3A_73 : memref<!tpu.dma_semaphore, #tpu.memory_space<semaphore_mem>>)
      %dma_wait3A = arith.constant 0 : i32
      %dma_wait3A_79 = tpu.memref_slice %arg3[%add3A, %dma_wait3A] : memref<32x10240xf32, #tpu.memory_space<hbm>> -> memref<1x10240xf32, #tpu.memory_space<hbm>>
      %dma_wait3A_80 = tpu.memref_squeeze %dma_wait3A_79 : memref<1x10240xf32, #tpu.memory_space<hbm>> -> memref<10240xf32, #tpu.memory_space<hbm>>
      %dma_wait3A_81 = arith.constant 0 : i32
      %dma_wait3A_82 = tpu.memref_slice %arg3[%add3A, %dma_wait3A_81] : memref<32x10240xf32, #tpu.memory_space<hbm>> -> memref<1x10240xf32, #tpu.memory_space<hbm>>
      %dma_wait3A_83 = tpu.memref_squeeze %dma_wait3A_82 : memref<1x10240xf32, #tpu.memory_space<hbm>> -> memref<10240xf32, #tpu.memory_space<hbm>>
      tpu.wait_dma2 semaphore(%run_scoped3A_73 : memref<!tpu.dma_semaphore, #tpu.memory_space<semaphore_mem>>) src(%arg5 : memref<10240xf32, #tpu.memory_space<vmem>>) dst(%dma_wait3A_83 : memref<10240xf32, #tpu.memory_space<hbm>>)
      tpu.yield
    }) : () -> ()
    return
  }
}

module attributes {stable_mosaic.version = 14 : i64} {
  func.func @_mm1_body(%arg0: i32, %arg1: memref<2048x128xf32, #tpu.memory_space<vmem>>, %arg2: memref<128x16xf32, #tpu.memory_space<vmem>>, %arg3: memref<32x2048xf32, #tpu.memory_space<vmem>>, %arg4: memref<2048x16xf32, #tpu.memory_space<vmem>>, %arg5: memref<2048x16xf32, #tpu.memory_space<vmem>>) attributes {dimension_semantics = [#tpu.dimension_semantics<arbitrary>], iteration_bounds = array<i64: 5>, scalar_prefetch = 0 : i64, scratch_operands = 0 : i64, tpu.core_type = #tpu.core_type<tc>, window_params = [{transform_indices = @transform_0, window_bounds = array<i64: 2048, 128>}, {pipeline_mode = #tpu.pipeline_mode<synchronous>, transform_indices = @transform_1, window_bounds = array<i64: 128, 16>}, {transform_indices = @transform_2, window_bounds = array<i64: 32, 2048>}, {transform_indices = @transform_3, window_bounds = array<i64: 2048, 16>}, {transform_indices = @transform_4, window_bounds = array<i64: 2048, 16>}]} {
    %get3A = arith.constant 0 : index
    %get3A_0 = arith.constant 0 : index
    %get3A_1 = vector.load %arg3[%get3A, %get3A_0] : memref<32x2048xf32, #tpu.memory_space<vmem>>, vector<32x2048xf32>
    %reduce_sum3A = arith.constant dense<0.000000e+00> : vector<2048xf32>
    %reduce_sum3A_2 = vector.multi_reduction <add>, %get3A_1, %reduce_sum3A [0] : vector<32x2048xf32> to vector<2048xf32>
    %add3A = arith.constant 1.000000e+00 : f32
    %add3A_3 = vector.broadcast %add3A : f32 to vector<2048xf32>
    %add3A_4 = arith.addf %reduce_sum3A_2, %add3A_3 : vector<2048xf32>
    %rsqrt3A = math.rsqrt %add3A_4 : vector<2048xf32>
    %broadcast_in_dim3A = vector.shape_cast %rsqrt3A : vector<2048xf32> to vector<2048x1xf32>
    %get3A_5 = arith.constant 0 : index
    %get3A_6 = arith.constant 0 : index
    %get3A_7 = vector.load %arg1[%get3A_5, %get3A_6] : memref<2048x128xf32, #tpu.memory_space<vmem>>, vector<2048x128xf32>
    %get3A_8 = arith.constant 0 : index
    %get3A_9 = arith.constant 0 : index
    %get3A_10 = vector.load %arg2[%get3A_8, %get3A_9] : memref<128x16xf32, #tpu.memory_space<vmem>>, vector<128x16xf32>
    %dot_general3A = arith.constant dense<0.000000e+00> : vector<2048x16xf32>
    %dot_general3A_11 = tpu.matmul %get3A_7, %get3A_10, %dot_general3A {dimension_numbers = #tpu.dot_dimension_numbers<[1], [0], [0], [1], [0, 0, 1, 1], [], []>, transpose_lhs_hint = false} : vector<2048x128xf32>, vector<128x16xf32>, vector<2048x16xf32> -> vector<2048x16xf32>
    %mul3A = vector.broadcast %broadcast_in_dim3A : vector<2048x1xf32> to vector<2048x16xf32>
    %mul3A_12 = arith.mulf %dot_general3A_11, %mul3A : vector<2048x16xf32>
    %swap3A = arith.constant 0 : index
    %swap3A_13 = arith.constant 0 : index
    %swap3A_14 = vector.load %arg4[%swap3A, %swap3A_13] : memref<2048x16xf32, #tpu.memory_space<vmem>>, vector<2048x16xf32>
    tpu.vector_store %arg4[%swap3A, %swap3A_13], %mul3A_12 {strides = array<i32>} : memref<2048x16xf32, #tpu.memory_space<vmem>>, vector<2048x16xf32>,
    %broadcast_in_dim3A_15 = vector.shape_cast %broadcast_in_dim3A : vector<2048x1xf32> to vector<2048x1xf32>
    %broadcast_in_dim3A_16 = vector.broadcast %broadcast_in_dim3A_15 : vector<2048x1xf32> to vector<2048x16xf32>
    %swap3A_17 = arith.constant 0 : index
    %swap3A_18 = arith.constant 0 : index
    %swap3A_19 = vector.load %arg5[%swap3A_17, %swap3A_18] : memref<2048x16xf32, #tpu.memory_space<vmem>>, vector<2048x16xf32>
    tpu.vector_store %arg5[%swap3A_17, %swap3A_18], %broadcast_in_dim3A_16 {strides = array<i32>} : memref<2048x16xf32, #tpu.memory_space<vmem>>, vector<2048x16xf32>,
    return
  }
  func.func @transform_0(%arg0: i32) -> (i32, i32) {
    %c0_i32 = arith.constant 0 : i32
    %c0_i32_0 = arith.constant 0 : i32
    return %arg0, %c0_i32 : i32, i32
  }
  func.func @transform_1(%arg0: i32) -> (i32, i32) {
    %c0_i32 = arith.constant 0 : i32
    %c0_i32_0 = arith.constant 0 : i32
    %c0_i32_1 = arith.constant 0 : i32
    return %c0_i32, %c0_i32_0 : i32, i32
  }
  func.func @transform_2(%arg0: i32) -> (i32, i32) {
    %c0_i32 = arith.constant 0 : i32
    %c0_i32_0 = arith.constant 0 : i32
    return %c0_i32, %arg0 : i32, i32
  }
  func.func @transform_3(%arg0: i32) -> (i32, i32) {
    %c0_i32 = arith.constant 0 : i32
    %c0_i32_0 = arith.constant 0 : i32
    return %arg0, %c0_i32 : i32, i32
  }
  func.func @transform_4(%arg0: i32) -> (i32, i32) {
    %c0_i32 = arith.constant 0 : i32
    %c0_i32_0 = arith.constant 0 : i32
    return %arg0, %c0_i32 : i32, i32
  }
}

module attributes {stable_mosaic.version = 14 : i64} {
  func.func @_relu_body(%arg0: i32, %arg1: memref<2x2048x16xf32, #tpu.memory_space<vmem>>, %arg2: memref<2048x16xf32, #tpu.memory_space<vmem>>, %arg3: memref<2048x16xf32, #tpu.memory_space<vmem>>, %arg4: memref<1x16xf32, #tpu.memory_space<vmem>>, %arg5: memref<2048x16xf32, #tpu.memory_space<vmem>>) attributes {dimension_semantics = [#tpu.dimension_semantics<arbitrary>], iteration_bounds = array<i64: 5>, scalar_prefetch = 0 : i64, scratch_operands = 0 : i64, tpu.core_type = #tpu.core_type<tc>, window_params = [{transform_indices = @transform_0, window_bounds = array<i64: 2, 2048, 16>}, {transform_indices = @transform_1, window_bounds = array<i64: 2048, 16>}, {transform_indices = @transform_2, window_bounds = array<i64: 2048, 16>}, {pipeline_mode = #tpu.pipeline_mode<synchronous>, transform_indices = @transform_3, window_bounds = array<i64: 1, 16>}, {transform_indices = @transform_4, window_bounds = array<i64: 2048, 16>}]} {
    %get3A = arith.constant 0 : index
    %get3A_0 = arith.constant 0 : index
    %get3A_1 = arith.constant 0 : index
    %get3A_2 = vector.load %arg1[%get3A, %get3A_0, %get3A_1] : memref<2x2048x16xf32, #tpu.memory_space<vmem>>, vector<1x2048x16xf32>
    %get3A_3 = vector.shape_cast %get3A_2 : vector<1x2048x16xf32> to vector<2048x16xf32>
    %get3A_4 = arith.constant 1 : index
    %get3A_5 = arith.constant 0 : index
    %get3A_6 = arith.constant 0 : index
    %get3A_7 = vector.load %arg1[%get3A_4, %get3A_5, %get3A_6] : memref<2x2048x16xf32, #tpu.memory_space<vmem>>, vector<1x2048x16xf32>
    %get3A_8 = vector.shape_cast %get3A_7 : vector<1x2048x16xf32> to vector<2048x16xf32>
    %add3A = arith.addf %get3A_3, %get3A_8 : vector<2048x16xf32>
    %get3A_9 = arith.constant 0 : index
    %get3A_10 = arith.constant 0 : index
    %get3A_11 = vector.load %arg2[%get3A_9, %get3A_10] : memref<2048x16xf32, #tpu.memory_space<vmem>>, vector<2048x16xf32>
    %add3A_12 = arith.addf %add3A, %get3A_11 : vector<2048x16xf32>
    %get3A_13 = arith.constant 0 : index
    %get3A_14 = arith.constant 0 : index
    %get3A_15 = vector.load %arg3[%get3A_13, %get3A_14] : memref<2048x16xf32, #tpu.memory_space<vmem>>, vector<2048x16xf32>
    %mul3A = arith.mulf %get3A_15, %add3A_12 : vector<2048x16xf32>
    %get3A_16 = arith.constant 0 : index
    %get3A_17 = arith.constant 0 : index
    %get3A_18 = vector.load %arg4[%get3A_16, %get3A_17] : memref<1x16xf32, #tpu.memory_space<vmem>>, vector<1x16xf32>
    %add3A_19 = vector.broadcast %get3A_18 : vector<1x16xf32> to vector<2048x16xf32>
    %add3A_20 = arith.addf %mul3A, %add3A_19 : vector<2048x16xf32>
    %max3A = arith.constant 0.000000e+00 : f32
    %max3A_21 = vector.broadcast %max3A : f32 to vector<2048x16xf32>
    %max3A_22 = arith.maximumf %add3A_20, %max3A_21 : vector<2048x16xf32>
    %get3A_23 = arith.constant 0 : index
    %get3A_24 = arith.constant 0 : index
    %get3A_25 = vector.load %arg3[%get3A_23, %get3A_24] : memref<2048x16xf32, #tpu.memory_space<vmem>>, vector<2048x16xf32>
    %mul3A_26 = arith.mulf %get3A_25, %max3A_22 : vector<2048x16xf32>
    %swap3A = arith.constant 0 : index
    %swap3A_27 = arith.constant 0 : index
    %swap3A_28 = vector.load %arg5[%swap3A, %swap3A_27] : memref<2048x16xf32, #tpu.memory_space<vmem>>, vector<2048x16xf32>
    tpu.vector_store %arg5[%swap3A, %swap3A_27], %mul3A_26 {strides = array<i32>} : memref<2048x16xf32, #tpu.memory_space<vmem>>, vector<2048x16xf32>,
    return
  }
  func.func @transform_0(%arg0: i32) -> (i32, i32, i32) {
    %c0_i32 = arith.constant 0 : i32
    %c0_i32_0 = arith.constant 0 : i32
    %c0_i32_1 = arith.constant 0 : i32
    return %c0_i32, %arg0, %c0_i32_0 : i32, i32, i32
  }
  func.func @transform_1(%arg0: i32) -> (i32, i32) {
    %c0_i32 = arith.constant 0 : i32
    %c0_i32_0 = arith.constant 0 : i32
    return %arg0, %c0_i32 : i32, i32
  }
  func.func @transform_2(%arg0: i32) -> (i32, i32) {
    %c0_i32 = arith.constant 0 : i32
    %c0_i32_0 = arith.constant 0 : i32
    return %arg0, %c0_i32 : i32, i32
  }
  func.func @transform_3(%arg0: i32) -> (i32, i32) {
    %c0_i32 = arith.constant 0 : i32
    %c0_i32_0 = arith.constant 0 : i32
    %c0_i32_1 = arith.constant 0 : i32
    return %c0_i32, %c0_i32_0 : i32, i32
  }
  func.func @transform_4(%arg0: i32) -> (i32, i32) {
    %c0_i32 = arith.constant 0 : i32
    %c0_i32_0 = arith.constant 0 : i32
    return %arg0, %c0_i32 : i32, i32
  }
}

module attributes {stable_mosaic.version = 14 : i64} {
  func.func @_out_body(%arg0: i32, %arg1: memref<2x2048x16xf32, #tpu.memory_space<vmem>>, %arg2: memref<2048x16xf32, #tpu.memory_space<vmem>>, %arg3: memref<2048x16xf32, #tpu.memory_space<vmem>>, %arg4: memref<16x40xf32, #tpu.memory_space<vmem>>, %arg5: memref<1x40xf32, #tpu.memory_space<vmem>>, %arg6: memref<2048x40xf32, #tpu.memory_space<vmem>>) attributes {dimension_semantics = [#tpu.dimension_semantics<arbitrary>], iteration_bounds = array<i64: 5>, scalar_prefetch = 0 : i64, scratch_operands = 0 : i64, tpu.core_type = #tpu.core_type<tc>, window_params = [{transform_indices = @transform_0, window_bounds = array<i64: 2, 2048, 16>}, {transform_indices = @transform_1, window_bounds = array<i64: 2048, 16>}, {transform_indices = @transform_2, window_bounds = array<i64: 2048, 16>}, {pipeline_mode = #tpu.pipeline_mode<synchronous>, transform_indices = @transform_3, window_bounds = array<i64: 16, 40>}, {pipeline_mode = #tpu.pipeline_mode<synchronous>, transform_indices = @transform_4, window_bounds = array<i64: 1, 40>}, {transform_indices = @transform_5, window_bounds = array<i64: 2048, 40>}]} {
    %get3A = arith.constant 0 : index
    %get3A_0 = arith.constant 0 : index
    %get3A_1 = vector.load %arg3[%get3A, %get3A_0] : memref<2048x16xf32, #tpu.memory_space<vmem>>, vector<2048x16xf32>
    %get3A_2 = arith.constant 0 : index
    %get3A_3 = arith.constant 0 : index
    %get3A_4 = arith.constant 0 : index
    %get3A_5 = vector.load %arg1[%get3A_2, %get3A_3, %get3A_4] : memref<2x2048x16xf32, #tpu.memory_space<vmem>>, vector<1x2048x16xf32>
    %get3A_6 = vector.shape_cast %get3A_5 : vector<1x2048x16xf32> to vector<2048x16xf32>
    %get3A_7 = arith.constant 1 : index
    %get3A_8 = arith.constant 0 : index
    %get3A_9 = arith.constant 0 : index
    %get3A_10 = vector.load %arg1[%get3A_7, %get3A_8, %get3A_9] : memref<2x2048x16xf32, #tpu.memory_space<vmem>>, vector<1x2048x16xf32>
    %get3A_11 = vector.shape_cast %get3A_10 : vector<1x2048x16xf32> to vector<2048x16xf32>
    %add3A = arith.addf %get3A_6, %get3A_11 : vector<2048x16xf32>
    %get3A_12 = arith.constant 0 : index
    %get3A_13 = arith.constant 0 : index
    %get3A_14 = vector.load %arg2[%get3A_12, %get3A_13] : memref<2048x16xf32, #tpu.memory_space<vmem>>, vector<2048x16xf32>
    %add3A_15 = arith.addf %add3A, %get3A_14 : vector<2048x16xf32>
    %mul3A = arith.mulf %get3A_1, %add3A_15 : vector<2048x16xf32>
    %get3A_16 = arith.constant 0 : index
    %get3A_17 = arith.constant 0 : index
    %get3A_18 = vector.load %arg4[%get3A_16, %get3A_17] : memref<16x40xf32, #tpu.memory_space<vmem>>, vector<16x40xf32>
    %dot_general3A = arith.constant dense<0.000000e+00> : vector<2048x40xf32>
    %dot_general3A_19 = tpu.matmul %mul3A, %get3A_18, %dot_general3A {dimension_numbers = #tpu.dot_dimension_numbers<[1], [0], [0], [1], [0, 0, 1, 1], [], []>, transpose_lhs_hint = false} : vector<2048x16xf32>, vector<16x40xf32>, vector<2048x40xf32> -> vector<2048x40xf32>
    %get3A_20 = arith.constant 0 : index
    %get3A_21 = arith.constant 0 : index
    %get3A_22 = vector.load %arg5[%get3A_20, %get3A_21] : memref<1x40xf32, #tpu.memory_space<vmem>>, vector<1x40xf32>
    %add3A_23 = vector.broadcast %get3A_22 : vector<1x40xf32> to vector<2048x40xf32>
    %add3A_24 = arith.addf %dot_general3A_19, %add3A_23 : vector<2048x40xf32>
    %reduce_max3A = arith.constant dense<0xFF800000> : vector<2048xf32>
    %reduce_max3A_25 = vector.multi_reduction <maximumf>, %add3A_24, %reduce_max3A [1] : vector<2048x40xf32> to vector<2048xf32>
    %broadcast_in_dim3A = vector.shape_cast %reduce_max3A_25 : vector<2048xf32> to vector<2048x1xf32>
    %sub3A = vector.broadcast %broadcast_in_dim3A : vector<2048x1xf32> to vector<2048x40xf32>
    %sub3A_26 = arith.subf %add3A_24, %sub3A : vector<2048x40xf32>
    %exp3A = math.exp %sub3A_26 : vector<2048x40xf32>
    %sub3A_27 = vector.broadcast %broadcast_in_dim3A : vector<2048x1xf32> to vector<2048x40xf32>
    %sub3A_28 = arith.subf %add3A_24, %sub3A_27 : vector<2048x40xf32>
    %reduce_sum3A = arith.constant dense<0.000000e+00> : vector<2048xf32>
    %reduce_sum3A_29 = vector.multi_reduction <add>, %exp3A, %reduce_sum3A [1] : vector<2048x40xf32> to vector<2048xf32>
    %broadcast_in_dim3A_30 = vector.shape_cast %reduce_sum3A_29 : vector<2048xf32> to vector<2048x1xf32>
    %log3A = math.log %broadcast_in_dim3A_30 : vector<2048x1xf32>
    %sub3A_31 = vector.broadcast %log3A : vector<2048x1xf32> to vector<2048x40xf32>
    %sub3A_32 = arith.subf %sub3A_28, %sub3A_31 : vector<2048x40xf32>
    %swap3A = arith.constant 0 : index
    %swap3A_33 = arith.constant 0 : index
    %swap3A_34 = vector.load %arg6[%swap3A, %swap3A_33] : memref<2048x40xf32, #tpu.memory_space<vmem>>, vector<2048x40xf32>
    tpu.vector_store %arg6[%swap3A, %swap3A_33], %sub3A_32 {strides = array<i32>} : memref<2048x40xf32, #tpu.memory_space<vmem>>, vector<2048x40xf32>,
    return
  }
  func.func @transform_0(%arg0: i32) -> (i32, i32, i32) {
    %c0_i32 = arith.constant 0 : i32
    %c0_i32_0 = arith.constant 0 : i32
    %c0_i32_1 = arith.constant 0 : i32
    return %c0_i32, %arg0, %c0_i32_0 : i32, i32, i32
  }
  func.func @transform_1(%arg0: i32) -> (i32, i32) {
    %c0_i32 = arith.constant 0 : i32
    %c0_i32_0 = arith.constant 0 : i32
    return %arg0, %c0_i32 : i32, i32
  }
  func.func @transform_2(%arg0: i32) -> (i32, i32) {
    %c0_i32 = arith.constant 0 : i32
    %c0_i32_0 = arith.constant 0 : i32
    return %arg0, %c0_i32 : i32, i32
  }
  func.func @transform_3(%arg0: i32) -> (i32, i32) {
    %c0_i32 = arith.constant 0 : i32
    %c0_i32_0 = arith.constant 0 : i32
    %c0_i32_1 = arith.constant 0 : i32
    return %c0_i32, %c0_i32_0 : i32, i32
  }
  func.func @transform_4(%arg0: i32) -> (i32, i32) {
    %c0_i32 = arith.constant 0 : i32
    %c0_i32_0 = arith.constant 0 : i32
    %c0_i32_1 = arith.constant 0 : i32
    return %c0_i32, %c0_i32_0 : i32, i32
  }
  func.func @transform_5(%arg0: i32) -> (i32, i32) {
    %c0_i32 = arith.constant 0 : i32
    %c0_i32_0 = arith.constant 0 : i32
    return %arg0, %c0_i32 : i32, i32
  }
}

</mosaic_0001>

<sc_bundles>
// kernel: kernel.11.cloned.1.call-start
scs
__scs_entry_jumppad:
0x0: {  	(pc) =	sbr.rel $0x88, $3  }
0x1: {  	(tag) =	ssettag $0x0;
	lr =	simm.s32 $0x1  }
0x2: {  	[smem:$0x3F9B] =	sst lr;
	_ =	strace $0xD0000000  }
0x3: {  	_ = 	snop  }
0x4: {  	_ = 	snop  }
0x5: {  	_ = 	snop  }
0x6: {  	_ = 	snop  }
0x7: {  	_ = 	snop  }
__scs_overlays_trampoline_lowered:
0x8: {  	[smem:$0x3FAA] =	sst s0  }
0x9: {  	[smem:$0x3FAB] =	sst s1  }
0xa: {  	[smem:$0x3FAC] =	sst s2  }
0xb: {  	[smem:$0x3FAD] =	sst s3  }
0xc: {  	[smem:$0x3FAE] =	sst s4  }
0xd: {  	[smem:$0x3FAF] =	sst s5  }
0xe: {  	[smem:$0x3FB0] =	sst s6  }
0xf: {  	[smem:$0x3FB1] =	sst s7  }
0x10: {  	[smem:$0x3FB2] =	sst s8  }
0x11: {  	[smem:$0x3FB3] =	sst s9;
	s0 =	simm.s32 @!p0 $0x0  }
0x12: {  	s1 =	sld [smem:$0x3F99];
	s0 =	simm.s32 @p0 $0x1  }
0x13: {  	[smem:$0x3FB4] =	sst s0;
	s0 =	simm.s32 @!p1 $0x0  }
0x14: {  	s2 =	sld [smem:$0x3F98];
	s0 =	simm.s32 @p1 $0x1  }
0x15: {  	[smem:$0x3FB5] =	sst s0;
	s0 =	simm.s32 @!p2 $0x0  }
0x16: {  	s3 =	sld [smem:$0x3FDB];
	s0 =	simm.s32 @p2 $0x1  }
0x17: {  	s4 =	simm.s32 $0x1BF5;
	[smem:$0x3FB7] =	sst s0  }
0x18: {  	s0 =	sld [smem:$0x3F9A];
	_ =	swait.ge [sflag:s4], $0x0  }
0x19: {  	s7 =	sld [smem:$0x3F9B]  }
0x1a: {  	s8 =	sadd.s32 $0xFFFFE003, lr  }
0x1b: {  	s9 =	sadd.s32 $0xFFFFFEF7, lr;
	s5 =	simm.s32 $0xFFFFFFFF;
	p2 =	slt.u32 s8, $0xFFFFF086  }
0x1c: {  	p1 =	slt.u32 s9, $0xF7A;
	s5 =	simm.s32 @!p2 $0x0  }
0x1d: {  	s5 =	simm.s32 @p1 $0x1;
	p0 =	seq.s32 s7, s2  }
0x1e: {  	s7 =	smul.u32 @!p0 $0xF7A, s2;
	p2 =	seq.s32 @!p0 s5, $0x0  }
0x1f: {  	s9 =	smul.u32 $0xF7A, s1;
	s8 =	simm.s32 @!p0 $0x1BF5;
	p2 =	por !p2, p0  }
0x20: {  	[sflag:s8] =	ssyncset.s32 @!p0 $0xFFFFF086;
	s6 =	sadd.s32 @!p0 s3, s7;
	s7 =	simm.s32 @!p0 $0x108  }
0x21: {  	s3 =	sadd.s32 s3, s9;
	s6 =	sadd.s32 @!p0 $0x88, s6;
	s7 =	simm.s32 @p2 $0x1082  }
0x22: {  	[simem:s7], [sflag:s8] =	dma.local @!p0 [hbm:s6], $0xF7A  }
0x23: {  	s9 =	sor.u32 $0xD0000000, s2;
	s6 =	simm.s32 $0x108;
	_ =	swait.ge @!p0 [sflag:s8], $0x0  }
0x24: {  	s3 =	sadd.s32 $0x88, s3;
	s6 =	simm.s32 @!p1 $0x1082;
	[sflag:s4] =	ssyncset.s32 $0xFFFFF086  }
0x25: {  	[simem:s6], [sflag:s4] =	dma.local [hbm:s3], $0xF7A  }
0x26: {  	[smem:$0x3F9B] =	sst s1;
	(tag) =	ssettag s2;
	_ =	strace s9  }
0x27: {  	s1 =	sld [smem:$0x3FAB]  }
0x28: {  	s2 =	sld [smem:$0x3FAC]  }
0x29: {  	s4 =	sld [smem:$0x3FAE]  }
0x2a: {  	p0 =	seq.s32 s5, $0x0;
	s5 =	sld [smem:$0x3FAF]  }
0x2b: {  	s6 =	sld [smem:$0x3FB0]  }
0x2c: {  	s7 =	sld [smem:$0x3FB1]  }
0x2d: {  	s3 =	simm.s32 $0x108;
	s8 =	sld [smem:$0x3FB2]  }
0x2e: {  	s3 =	simm.s32 @!p0 $0x1082;
	s9 =	sld [smem:$0x3FB3]  }
0x2f: {  	lr =	sadd.s32 s0, s3;
	s0 =	sld [smem:$0x3FAA]  }
0x30: {  	s3 =	sld [smem:$0x3FAD]  }
0x31: {  	[smem:$0x3FB6] =	sst s10  }
0x32: {  	s10 =	sld [smem:$0x3FB4];
	_ =	sdelay $0x3  }
0x33: {  	p0 =	seq.s32 s10, $0x1;
	s10 =	sld [smem:$0x3FB6];
	_ =	sdelay $0x3  }
0x34: {  	[smem:$0x3FB6] =	sst s10  }
0x35: {  	s10 =	sld [smem:$0x3FB5];
	_ =	sdelay $0x3  }
0x36: {  	p1 =	seq.s32 s10, $0x1;
	s10 =	sld [smem:$0x3FB6];
	_ =	sdelay $0x3  }
0x37: {  	[smem:$0x3FB6] =	sst s10  }
0x38: {  	s10 =	sld [smem:$0x3FB7]  }
0x39: {  	_ = 	snop;
	(pc) =	sbr.ind lr, $3  }
0x3a: {  	_ = 	snop  }
0x3b: {  	_ = 	snop  }
0x3c: {  	p2 =	seq.s32 s10, $0x1;
	s10 =	sld [smem:$0x3FB6]  }
0x3d: {  	_ =	shalt  }
0x3e: {  	_ =	shalt  }
0x3f: {  	_ =	shalt  }
0x40: {  	_ =	shalt  }
0x41: {  	_ =	shalt  }
0x42: {  	_ =	shalt  }
0x43: {  	_ =	shalt  }
0x44: {  	_ =	shalt  }
0x45: {  	_ =	shalt  }
0x46: {  	_ =	shalt  }
0x47: {  	_ =	shalt  }
0x48: {  	_ =	shalt  }
0x49: {  	_ =	shalt  }
0x4a: {  	_ =	shalt  }
0x4b: {  	_ =	shalt  }
0x4c: {  	_ =	shalt  }
0x4d: {  	_ =	shalt  }
0x4e: {  	_ =	shalt  }
0x4f: {  	_ =	shalt  }
0x50: {  	_ =	shalt  }
0x51: {  	_ =	shalt  }
0x52: {  	_ =	shalt  }
0x53: {  	_ =	shalt  }
0x54: {  	_ =	shalt  }
0x55: {  	_ =	shalt  }
0x56: {  	_ =	shalt  }
0x57: {  	_ =	shalt  }
0x58: {  	_ =	shalt  }
0x59: {  	_ =	shalt  }
0x5a: {  	_ =	shalt  }
0x5b: {  	_ =	shalt  }
0x5c: {  	_ =	shalt  }
0x5d: {  	_ =	shalt  }
0x5e: {  	_ =	shalt  }
0x5f: {  	_ =	shalt  }
0x60: {  	_ =	shalt  }
0x61: {  	_ =	shalt  }
0x62: {  	_ =	shalt  }
0x63: {  	_ =	shalt  }
0x64: {  	_ =	shalt  }
0x65: {  	_ =	shalt  }
0x66: {  	_ =	shalt  }
0x67: {  	_ =	shalt  }
0x68: {  	_ =	shalt  }
0x69: {  	_ =	shalt  }
0x6a: {  	_ =	shalt  }
0x6b: {  	_ =	shalt  }
0x6c: {  	_ =	shalt  }
0x6d: {  	_ =	shalt  }
0x6e: {  	_ =	shalt  }
0x6f: {  	_ =	shalt  }
0x70: {  	_ =	shalt  }
0x71: {  	_ =	shalt  }
0x72: {  	_ =	shalt  }
0x73: {  	_ =	shalt  }
0x74: {  	_ =	shalt  }
0x75: {  	_ =	shalt  }
0x76: {  	_ =	shalt  }
0x77: {  	_ =	shalt  }
0x78: {  	_ =	shalt  }
0x79: {  	_ =	shalt  }
0x7a: {  	_ =	shalt  }
0x7b: {  	_ =	shalt  }
0x7c: {  	_ =	shalt  }
0x7d: {  	_ =	shalt  }
0x7e: {  	_ =	shalt  }
0x7f: {  	_ =	shalt  }
0x80: {  	_ =	shalt  }
0x81: {  	_ =	shalt  }
0x82: {  	_ =	shalt  }
0x83: {  	_ =	shalt  }
0x84: {  	_ =	shalt  }
0x85: {  	_ =	shalt  }
0x86: {  	_ =	shalt  }
0x87: {  	_ =	shalt  }
.Lfunc_end0:
.L_simem_size_0:
called_computation.1_lowered:
.L_overlay_start_0:
0x88: {  	s2 =	sld [smem:$0x3FD9]  }
0x89: {  	s3 =	sld [smem:$0x3FFE];
	_ =	sdelay $0x1  }
0x8a: {  	s1 =	srdreg.scid  }
0x8b: {  	s0 =	sand.u32 $0x1, s1  }
0x8c: {  	s17 =	sshll.u32 s0, $0xA;
	s2 =	sadd.s32 s3, s2  }
0x8d: {  	s2 =	sadd.s32 s2, s17  }
0x8e: {  	[smem:$0x3FC2] =	sst s2  }
0x8f: {  	_ = 	snop  }
0x90: {  	s2 =	sld [smem:$0x3FD0];
	(tm) =	ssettm $0x1  }
0x91: {  	s18 =	sld [smem:$0x3FFB];
	_ =	sdelay $0x3  }
0x92: {  	_ =	strace s18  }
0x93: {  	s3 =	sld [smem:$0x3FFC];
	_ =	sdelay $0x3  }
0x94: {  	_ =	strace s3  }
0x95: {  	s3 =	sld [smem:$0x3FFD];
	_ =	sdelay $0x3  }
0x96: {  	_ =	strace s3  }
0x97: {  	_ =	strace $0x8FFFFFFF  }
0x98: {  	s19 =	sld [smem:$0x3FDB];
	_ =	sdelay $0x1  }
0x99: {  	s4 =	simm.s32 $_scs_section_size  }
0x9a: {  	s5 =	simm.s32 $_size__tile_overlayer_lowered;
	s6 =	simm.s32 $_tile_overlayer_lowered  }
0x9b: {  	s22 =	simm.s32 $0x1BFF;
	s21 =	sshll.u32 s6, $0x1;
	s3 =	sadd.s32 s4, s19  }
0x9c: {  	s7 =	simm.s32 $0x0;
	s20 =	sshll.u32 s5, $0x1;
	s5 =	sadd.s32 s21, s3  }
0x9d: {  	[timem:s7], [sflag:s22] =	dma.local [hbm:s5], s20  }
0x9e: {  	_ =	swait.ge [sflag:s22], s20  }
0x9f: {  	s4 =	ssub.s32 $0x0, s20;
	[sflag:s22] =	ssyncset.done $0x0  }
0xa0: {  	[sflag:s22] =	ssyncadd.s32 s4;
	_ =	sdelay $0x1  }
0xa1: {  	s23 =	simm.s32 $0x1B8B  }
0xa2: {  	_ =	swait.ge [sflag:s23], $0x1  }
0xa3: {  	[sflag:s23] =	ssyncset.done $0x0  }
0xa4: {  	s25 =	simm.s32 $0x1B8E;
	s24 =	sld [smem:$0x3FFE];
	[sflag:s23] =	ssyncadd.s32 $0xFFFFFFFF  }
0xa5: {  	s26 =	simm.s32 $execute0_lowered;
	[smem:$0x3FD2] =	sst s25  }
0xa6: {  	s5 =	sshll.u32 s26, $0x1;
	_ =	strace $0x80000049;
	[dreg:$0x1] =	wrdreg $0xFFFFFFFF  }
0xa7: {  	s28 =	simm.s32 $_size_execute0_lowered;
	s3 =	sadd.s32 s3, s5;
	[dreg:$0x0] =	wrdreg $0x0  }
0xa8: {  	s5 =	sshll.u32 s28, $0x1;
	[dreg:$0x2] =	wrdreg s3  }
0xa9: {  	[dreg:$0x3] =	wrdreg s5  }
0xaa: {  	[dreg:$0x4] =	wrdreg $0xC0  }
0xab: {  	_ =	task [dreg:s7], $0x5FFFF  }
0xac: {  	[dreg:$0x1] =	wrdreg $0xFFFFFFFF  }
0xad: {  	[dreg:$0x0] =	wrdreg $0x60  }
0xae: {  	[dreg:$0x2] =	wrdreg s24  }
0xaf: {  	[dreg:$0x3] =	wrdreg s2  }
0xb0: {  	[dreg:$0x4] =	wrdreg $0xA7000  }
0xb1: {  	[dreg:$0x5] =	wrdreg $0xCF000  }
0xb2: {  	[dreg:$0x6] =	wrdreg $0x9  }
0xb3: {  	_ =	task.clear_ibuf [dreg:s7], $0x7FFFF;
	_ =	strace $0x90000049  }
0xb4: {  	s29 =	simm.s32 $0x9;
	_ =	strace $0x8000004B  }
0xb5: {  	_ =	swait.ge [sflag:s29], $0x1  }
0xb6: {  	[sflag:s29] =	ssyncadd.s32 $0xFFFFFFFF  }
0xb7: {  	_ =	strace $0x9000004B  }
0xb8: {  	_ =	sfence  }
0xb9: {  	s30 =	sld [smem:$0x0];
	_ =	sdelay $0x2  }
0xba: {  	s31 =	sshll.u32 s1, $0xD;
	s1 =	sshrl.u32 s1, $0x2  }
0xbb: {  	s3 =	sand.u32 $0x4000, s31;
	s1 =	sadd.s32 s1, s30  }
0xbc: {  	s0 =	sor.u32 s3, s0;
	s1 =	sshll.u32 s1, $0x11  }
0xbd: {  	s0 =	sor.u32 s1, s0  }
0xbe: {  	s0 =	sadd.s32 $0x8F2B, s0  }
0xbf: {  	[sflag:s0] =	ssyncadd.remote.s32 $0x1  }
0xc0: {  	_ =	sfence.sel $0xFFFF  }
0xc1: {  	[dreg:$0x0] =	wrdreg $0xFFFFFFFF;
	(pc) =	sbr.abs _section_cstart, $3  }
0xc2: {  	[dreg:$0x1] =	wrdreg $0xFFFFFFFF  }
0xc3: {  	_ =	task.clear_ibuf [dreg:s7], $0x2FFFF;
	_ =	strace $0x9FFFFFFF  }
0xc4: {  	(tm) =	ssettm $0x7FFFFFFF  }
0xc5: {  	_ =	shalt  }
tec
execute0_lowered:
.L_overlay_start_1:
0x0: {  	(tag) =	ssettag $0x1  }
0x1: {  	s0 =	rddreg [dreg:$0x0]  }
0x2: {  	s2 =	rddreg [dreg:$0x1]  }
0x3: {  	s1 =	rddreg [dreg:$0x2]  }
0x4: {  	s3 =	rddreg [dreg:$0x3];
	s4 =	simm.s32 $0x0;
	s11 =	stileid.u32  }
0x5: {  	s5 =	srdreg.scid;
	s14 =	simm.s32 $0xD;
	s18 =	simm.s32 $0x80  }
0x6: {  	s19 =	simm.s32 $0x4F00;
	s29 =	simm.s32 $0x7700;
	s30 =	simm.s32 $0x1  }
0x7: {  	s31 =	simm.s32 $0x2;
	s17 =	simm.s32 $0x6;
	s28 =	simm.s32 $0xA  }
0x8: {  	[smem:$0x7FF] =	sst s4;
	s20 =	smul.u32 $0x2800, s11;
	s6 =	sand.u32 $0x1, s5  }
0x9: {  	s21 =	sshll.u32 s11, $0x1;
	p0 =	sgt.u32 s11, $0x1;
	s26 =	sshll.u32 s11, $0x6  }
0xa: {  	_ =	strace $0x8000004A;
	s8 =	ssub.s32 $0x2, s6;
	s9 =	sor.u32 s6, s21  }
0xb: {  	s6 =	smul.u32 $0x28000, s6;
	s15 =	sor.u32 $0x1C0D, s26;
	s26 =	simm.s32 $0x6F00  }
0xc: {  	s21 =	simm.s32 $0x7;
	s7 =	sshrl.u32 s20, $0x3;
	s22 =	sshrl.u32 s8, $0x1  }
0xd: {  	s10 =	smul.u32 $0x2700, s9;
	s5 =	sadd.s32 s20, s1;
	s13 =	sadd.s32 s20, s3  }
0xe: {  	s9 =	sshll.u32 s9, $0x4;
	s7 =	sadd.s32 s7, s0;
	s0 =	sadd.s32 $0x1E00, s0  }
0xf: {  	s8 =	ssub.s32 s8, s22;
	s4 =	sadd.s32 s20, s6;
	s16 =	sshrl.u32 s13, $0x3  }
0x10: {  	s20 =	simm.s32 $0x5700;
	s22 =	simm.s32 $0x5F00;
	s13 =	simm.s32 $0x5  }
0x11: {  	s6 =	simm.s32 $0xC;
	s10 =	sshrl.u32 s10, $0x3;
	s7 =	sadd.s32 $0x15800, s7  }
0x12: {  	s25 =	smax.u32 s8, $0x1;
	[dreg:$0x5] =	wrdreg s7;
	s7 =	sadd.s32 s0, s10  }
0x13: {  	s0 =	sadd.s32 s9, s0;
	[dreg:$0xa] =	wrdreg s25;
	s10 =	sadd.s32 $0x9C40, s7  }
0x14: {  	s24 =	sshrl.u32 s4, $0x3;
	s23 =	sadd.s32 $0x13840, s0;
	[dreg:$0x6] =	wrdreg s10  }
0x15: {  	s4 =	simm.s32 $0xB;
	s0 =	sadd.s32 $0x9C00, s0;
	[dreg:$0x7] =	wrdreg s23  }
0x16: {  	s8 =	simm.s32 $0x0;
	s25 =	simm.s32 $0x9;
	[dreg:$0x8] =	wrdreg s0  }
0x17: {  	s0 =	sadd.s32 s2, s24;
	s24 =	simm.s32 $0x6700;
	s2 =	simm.s32 $0x4  }
0x18: {  	v0 =	vimm.f32 $0.0e+00;
	s23 =	simm.s32 $0x8;
	[dreg:$0x9] =	wrdreg s0;
	s0 =	simm.s32 $0x3  }
.LBB2_1:
0x19: {  	s9 =	simm.s32 $0x7F20  }
0x1a: {  	[tilespmem:s9+$0xFFFFFFE0] =	vst v0  }
0x1b: {  	[tilespmem:s9+$0x10] =	vst v0  }
0x1c: {  	s10 =	simm.s32 $0x0;
	[tilespmem:s9+$0x0] =	vst v0  }
.LBB2_2:
0x1d: {  	s10 =	sadd.s32 $0x4, s10  }
0x1e: {  	[tilespmem:s9+$0xFFFFFFF0] =	vst v0;
	s9 =	sadd.s32 $0x40, s9;
	p1 =	slt.u32 s10, $0x27C  }
.Ltmp0:
0x1f: {  	[tilespmem:s9+$0xFFFFFFE0] =	vst v0;
	(pc) =	sbr.rel @p1 .LBB2_2-.Ltmp0, $3  }
0x20: {  	_ =	sdelay $0x1  }
0x21: {  	[tilespmem:s9+$0x10] =	vst v0  }
0x22: {  	[tilespmem:s9+$0x0] =	vst v0  }
0x23: {  	[tilespmem:s9+$0xFFFFFFF0] =	vst v0;
	s10 =	simm.s32 $0x7F00  }
0x24: {  	[spmem:s5] =	stream.linear.scatter [tilespmem:s10], [sflag:$0xD], $0x2800, $0x38;
	[tilespmem:$0xF700] =	vst v63  }
0x25: {  	_ =	swait.ge [sflag:s14], $0x2800  }
0x26: {  	[sflag:s14] =	ssyncset.done $0x0  }
0x27: {  	s11 =	rddreg [dreg:$0x5];
	[sflag:s14] =	ssyncadd.s32 $0xFFFFD800  }
0x28: {  	[spmem:s16], [sflag:s15] =	dma.local [hbm:s11], $0x500  }
0x29: {  	_ =	swait.ge [sflag:s14], $0x500  }
0x2a: {  	[sflag:s14] =	ssyncset.done $0x0  }
0x2b: {  	s12 =	simm.s32 $0x0;
	s10 =	rddreg [dreg:$0x6];
	[sflag:s14] =	ssyncadd.s32 $0xFFFFFB00  }
0x2c: {  	[tilespmem:s12], [sflag:$0xD] =	stream.linear.gather [hbm4b:s10+s12], $0x2700, $0x38;
	[tilespmem:$0xF700] =	vst v63  }
0x2d: {  	_ =	swait.ge [sflag:s14], $0x2700  }
0x2e: {  	[sflag:s14] =	ssyncset.done $0x0  }
0x2f: {  	s11 =	simm.s32 $0x2780;
	[sflag:s14] =	ssyncadd.s32 $0xFFFFD900  }
0x30: {  	[tilespmem:s11], [sflag:$0xD] =	stream.linear.gather [hbm4b:s7+s12], $0x2700, $0x38;
	[tilespmem:$0xF700] =	vst v63  }
0x31: {  	_ =	swait.ge [sflag:s14], $0x2700  }
0x32: {  	s9 =	simm.s32 @!p0 $0x0;
	[sflag:s14] =	ssyncset.done $0x0  }
0x33: {  	s10 =	simm.s32 @!p0 $0x2700;
	s11 =	rddreg [dreg:$0x7];
	[sflag:s14] =	ssyncadd.s32 $0xFFFFD900  }
0x34: {  	[tilespmem:s10], [sflag:$0xD] =	stream.linear.gather @!p0 [hbm4b:s11+s9], $0x80, $0x38;
	[tilespmem:$0xF700] =	vst v63  }
0x35: {  	s10 =	simm.s32 @!p0 $0xD  }
0x36: {  	_ =	swait.ge @!p0 [sflag:s10], $0x80  }
0x37: {  	[sflag:s10] =	ssyncset.done @!p0 $0x0  }
0x38: {  	s11 =	simm.s32 @!p0 $0x4E80;
	s12 =	rddreg [dreg:$0x8];
	[sflag:s10] =	ssyncadd.s32 @!p0 $0xFFFFFF80  }
0x39: {  	[tilespmem:s11], [sflag:$0xD] =	stream.linear.gather @!p0 [hbm4b:s12+s9], $0x80, $0x38;
	[tilespmem:$0xF700] =	vst v63  }
0x3a: {  	_ =	swait.ge @!p0 [sflag:s10], $0x80  }
0x3b: {  	[sflag:s10] =	ssyncset.done @!p0 $0x0  }
0x3c: {  	[sflag:s10] =	ssyncadd.s32 @!p0 $0xFFFFFF80  }
0x3d: {  	s12 =	simm.s32 $0x0;
	[bflag:$0x0] =	sbarrier.arrive $0xFFFF  }
0x3e: {  	[tilespmem:s19], [sflag:$0x1] =	stream.indirect.gather [spmem:s3], $0x10, s12, s18, $0xb8;
	[tilespmem:$0xF700] =	vst v63  }
0x3f: {  	_ = 	snop  }
0x40: {  	[tilespmem:s20], [sflag:$0x2] =	stream.indirect.gather [spmem:s3], $0x10, s18, s18, $0xb8;
	[tilespmem:$0xF700] =	vst v63  }
0x41: {  	s10 =	simm.s32 $0x100  }
0x42: {  	[tilespmem:s22], [sflag:$0x3] =	stream.indirect.gather [spmem:s3], $0x10, s10, s18, $0xb8;
	[tilespmem:$0xF700] =	vst v63  }
0x43: {  	s11 =	simm.s32 $0x180  }
0x44: {  	[tilespmem:s24], [sflag:$0x4] =	stream.indirect.gather [spmem:s3], $0x10, s11, s18, $0xb8;
	[tilespmem:$0xF700] =	vst v63  }
0x45: {  	s12 =	simm.s32 $0x200  }
0x46: {  	[tilespmem:s26], [sflag:$0x5] =	stream.indirect.gather [spmem:s3], $0x10, s12, s18, $0xb8;
	[tilespmem:$0xF700] =	vst v63  }
0x47: {  	s10 =	simm.s32 $0x280  }
0x48: {  	[tilespmem:s29], [sflag:$0x6] =	stream.indirect.gather [spmem:s3], $0x10, s10, s18, $0xb8;
	[tilespmem:$0xF700] =	vst v63  }
0x49: {  	_ =	swait.ge [sflag:s30], $0x800  }
0x4a: {  	[sflag:s30] =	ssyncset.done $0x0  }
0x4b: {  	s11 =	simm.s32 $0x2780;
	[sflag:s30] =	ssyncadd.s32 $0xFFFFF800  }
0x4c: {  	[spmem:s1] =	stream.indirect.scatter.add.f32 [tilespmem:s19], [sflag:$0x7], $0x10, s11, s18, $0xb8;
	[tilespmem:$0xF700] =	vst v63  }
0x4d: {  	_ =	swait.ge [sflag:s31], $0x800  }
0x4e: {  	[sflag:s31] =	ssyncset.done $0x0  }
0x4f: {  	s12 =	simm.s32 $0x2800;
	[sflag:s31] =	ssyncadd.s32 $0xFFFFF800  }
0x50: {  	[spmem:s1] =	stream.indirect.scatter.add.f32 [tilespmem:s20], [sflag:$0x8], $0x10, s12, s18, $0xb8;
	[tilespmem:$0xF700] =	vst v63  }
0x51: {  	_ =	swait.ge [sflag:s0], $0x800  }
0x52: {  	[sflag:s0] =	ssyncset.done $0x0  }
0x53: {  	s10 =	simm.s32 $0x2880;
	[sflag:s0] =	ssyncadd.s32 $0xFFFFF800  }
0x54: {  	[spmem:s1] =	stream.indirect.scatter.add.f32 [tilespmem:s22], [sflag:$0x9], $0x10, s10, s18, $0xb8;
	[tilespmem:$0xF700] =	vst v63  }
0x55: {  	_ =	swait.ge [sflag:s2], $0x800  }
0x56: {  	[sflag:s2] =	ssyncset.done $0x0  }
0x57: {  	s11 =	simm.s32 $0x2900;
	[sflag:s2] =	ssyncadd.s32 $0xFFFFF800  }
0x58: {  	[spmem:s1] =	stream.indirect.scatter.add.f32 [tilespmem:s24], [sflag:$0xA], $0x10, s11, s18, $0xb8;
	[tilespmem:$0xF700] =	vst v63  }
0x59: {  	_ =	swait.ge [sflag:s13], $0x800  }
0x5a: {  	[sflag:s13] =	ssyncset.done $0x0  }
0x5b: {  	s12 =	simm.s32 $0x2980;
	[sflag:s13] =	ssyncadd.s32 $0xFFFFF800  }
0x5c: {  	[spmem:s1] =	stream.indirect.scatter.add.f32 [tilespmem:s26], [sflag:$0xB], $0x10, s12, s18, $0xb8;
	[tilespmem:$0xF700] =	vst v63  }
0x5d: {  	_ =	swait.ge [sflag:s17], $0x800  }
0x5e: {  	[sflag:s17] =	ssyncset.done $0x0  }
0x5f: {  	s10 =	simm.s32 $0x2A00;
	[sflag:s17] =	ssyncadd.s32 $0xFFFFF800  }
0x60: {  	[spmem:s1] =	stream.indirect.scatter.add.f32 [tilespmem:s29], [sflag:$0xC], $0x10, s10, s18, $0xb8;
	[tilespmem:$0xF700] =	vst v63  }
0x61: {  	_ =	swait.ge [sflag:s21], $0x800  }
0x62: {  	[sflag:s21] =	ssyncset.done $0x0  }
0x63: {  	s11 =	simm.s32 $0x300;
	[sflag:s21] =	ssyncadd.s32 $0xFFFFF800  }
0x64: {  	[tilespmem:s19], [sflag:$0x1] =	stream.indirect.gather [spmem:s3], $0x10, s11, s18, $0xb8;
	[tilespmem:$0xF700] =	vst v63  }
0x65: {  	_ =	swait.ge [sflag:s23], $0x800  }
0x66: {  	[sflag:s23] =	ssyncset.done $0x0  }
0x67: {  	s12 =	simm.s32 $0x380;
	[sflag:s23] =	ssyncadd.s32 $0xFFFFF800  }
0x68: {  	[tilespmem:s20], [sflag:$0x2] =	stream.indirect.gather [spmem:s3], $0x10, s12, s18, $0xb8;
	[tilespmem:$0xF700] =	vst v63  }
0x69: {  	_ =	swait.ge [sflag:s25], $0x800  }
0x6a: {  	[sflag:s25] =	ssyncset.done $0x0  }
0x6b: {  	s10 =	simm.s32 $0x400;
	[sflag:s25] =	ssyncadd.s32 $0xFFFFF800  }
0x6c: {  	[tilespmem:s22], [sflag:$0x3] =	stream.indirect.gather [spmem:s3], $0x10, s10, s18, $0xb8;
	[tilespmem:$0xF700] =	vst v63  }
0x6d: {  	_ =	swait.ge [sflag:s28], $0x800  }
0x6e: {  	[sflag:s28] =	ssyncset.done $0x0  }
0x6f: {  	s11 =	simm.s32 $0x480;
	[sflag:s28] =	ssyncadd.s32 $0xFFFFF800  }
0x70: {  	[tilespmem:s24], [sflag:$0x4] =	stream.indirect.gather [spmem:s3], $0x10, s11, s18, $0xb8;
	[tilespmem:$0xF700] =	vst v63  }
0x71: {  	_ =	swait.ge [sflag:s4], $0x800  }
0x72: {  	[sflag:s4] =	ssyncset.done $0x0  }
0x73: {  	s12 =	simm.s32 $0x500;
	[sflag:s4] =	ssyncadd.s32 $0xFFFFF800  }
0x74: {  	[tilespmem:s26], [sflag:$0x5] =	stream.indirect.gather [spmem:s3], $0x10, s12, s18, $0xb8;
	[tilespmem:$0xF700] =	vst v63  }
0x75: {  	_ =	swait.ge [sflag:s6], $0x800  }
0x76: {  	[sflag:s6] =	ssyncset.done $0x0  }
0x77: {  	s9 =	simm.s32 $0xC00;
	s10 =	simm.s32 $0x580;
	[sflag:s6] =	ssyncadd.s32 $0xFFFFF800  }
.LBB2_4:
0x78: {  	[tilespmem:s29], [sflag:$0x6] =	stream.indirect.gather [spmem:s3], $0x10, s10, s18, $0xb8;
	[tilespmem:$0xF700] =	vst v63  }
0x79: {  	s10 =	smov.u32 s9  }
0x7a: {  	p1 =	sne.s32 s9, $0x8400;
	s9 =	sadd.s32 $0xC00, s9;
	_ =	swait.ge [sflag:s30], $0x800  }
0x7b: {  	s10 =	sshra.s32 s10, $0x2;
	[sflag:s30] =	ssyncset.done $0x0  }
0x7c: {  	s11 =	sadd.s32 $0x2780, s10;
	[sflag:s30] =	ssyncadd.s32 $0xFFFFF800  }
0x7d: {  	[spmem:s1] =	stream.indirect.scatter.add.f32 [tilespmem:s19], [sflag:$0x7], $0x10, s11, s18, $0xb8;
	[tilespmem:$0xF700] =	vst v63  }
0x7e: {  	_ =	swait.ge [sflag:s31], $0x800  }
0x7f: {  	[sflag:s31] =	ssyncset.done $0x0  }
0x80: {  	s11 =	sadd.s32 $0x2800, s10;
	[sflag:s31] =	ssyncadd.s32 $0xFFFFF800  }
0x81: {  	[spmem:s1] =	stream.indirect.scatter.add.f32 [tilespmem:s20], [sflag:$0x8], $0x10, s11, s18, $0xb8;
	[tilespmem:$0xF700] =	vst v63  }
0x82: {  	_ =	swait.ge [sflag:s0], $0x800  }
0x83: {  	[sflag:s0] =	ssyncset.done $0x0  }
0x84: {  	s11 =	sadd.s32 $0x2880, s10;
	[sflag:s0] =	ssyncadd.s32 $0xFFFFF800  }
0x85: {  	[spmem:s1] =	stream.indirect.scatter.add.f32 [tilespmem:s22], [sflag:$0x9], $0x10, s11, s18, $0xb8;
	[tilespmem:$0xF700] =	vst v63  }
0x86: {  	_ =	swait.ge [sflag:s2], $0x800  }
0x87: {  	[sflag:s2] =	ssyncset.done $0x0  }
0x88: {  	s11 =	sadd.s32 $0x2900, s10;
	[sflag:s2] =	ssyncadd.s32 $0xFFFFF800  }
0x89: {  	[spmem:s1] =	stream.indirect.scatter.add.f32 [tilespmem:s24], [sflag:$0xA], $0x10, s11, s18, $0xb8;
	[tilespmem:$0xF700] =	vst v63  }
0x8a: {  	_ =	swait.ge [sflag:s13], $0x800  }
0x8b: {  	[sflag:s13] =	ssyncset.done $0x0  }
0x8c: {  	s11 =	sadd.s32 $0x2980, s10;
	[sflag:s13] =	ssyncadd.s32 $0xFFFFF800  }
0x8d: {  	[spmem:s1] =	stream.indirect.scatter.add.f32 [tilespmem:s26], [sflag:$0xB], $0x10, s11, s18, $0xb8;
	[tilespmem:$0xF700] =	vst v63  }
0x8e: {  	_ =	swait.ge [sflag:s17], $0x800  }
0x8f: {  	[sflag:s17] =	ssyncset.done $0x0  }
0x90: {  	s11 =	sadd.s32 $0x2A00, s10;
	[sflag:s17] =	ssyncadd.s32 $0xFFFFF800  }
0x91: {  	[spmem:s1] =	stream.indirect.scatter.add.f32 [tilespmem:s29], [sflag:$0xC], $0x10, s11, s18, $0xb8;
	[tilespmem:$0xF700] =	vst v63  }
0x92: {  	_ =	swait.ge [sflag:s21], $0x800  }
0x93: {  	[sflag:s21] =	ssyncset.done $0x0  }
0x94: {  	s11 =	sadd.s32 $0x300, s10;
	[sflag:s21] =	ssyncadd.s32 $0xFFFFF800  }
0x95: {  	[tilespmem:s19], [sflag:$0x1] =	stream.indirect.gather [spmem:s3], $0x10, s11, s18, $0xb8;
	[tilespmem:$0xF700] =	vst v63  }
0x96: {  	_ =	swait.ge [sflag:s23], $0x800  }
0x97: {  	[sflag:s23] =	ssyncset.done $0x0  }
0x98: {  	s11 =	sadd.s32 $0x380, s10;
	[sflag:s23] =	ssyncadd.s32 $0xFFFFF800  }
0x99: {  	[tilespmem:s20], [sflag:$0x2] =	stream.indirect.gather [spmem:s3], $0x10, s11, s18, $0xb8;
	[tilespmem:$0xF700] =	vst v63  }
0x9a: {  	_ =	swait.ge [sflag:s25], $0x800  }
0x9b: {  	[sflag:s25] =	ssyncset.done $0x0  }
0x9c: {  	s11 =	sadd.s32 $0x400, s10;
	[sflag:s25] =	ssyncadd.s32 $0xFFFFF800  }
0x9d: {  	[tilespmem:s22], [sflag:$0x3] =	stream.indirect.gather [spmem:s3], $0x10, s11, s18, $0xb8;
	[tilespmem:$0xF700] =	vst v63  }
0x9e: {  	_ =	swait.ge [sflag:s28], $0x800  }
0x9f: {  	[sflag:s28] =	ssyncset.done $0x0  }
0xa0: {  	s11 =	sadd.s32 $0x480, s10;
	[sflag:s28] =	ssyncadd.s32 $0xFFFFF800  }
0xa1: {  	[tilespmem:s24], [sflag:$0x4] =	stream.indirect.gather [spmem:s3], $0x10, s11, s18, $0xb8;
	[tilespmem:$0xF700] =	vst v63  }
0xa2: {  	_ =	swait.ge [sflag:s4], $0x800  }
0xa3: {  	[sflag:s4] =	ssyncset.done $0x0  }
.Ltmp1:
0xa4: {  	s11 =	sadd.s32 $0x500, s10;
	[sflag:s4] =	ssyncadd.s32 $0xFFFFF800;
	(pc) =	sbr.rel @p1 .LBB2_4-.Ltmp1, $4  }
0xa5: {  	[tilespmem:s26], [sflag:$0x5] =	stream.indirect.gather [spmem:s3], $0x10, s11, s18, $0xb8;
	[tilespmem:$0xF700] =	vst v63  }
0xa6: {  	_ =	swait.ge [sflag:s6], $0x800  }
0xa7: {  	[sflag:s6] =	ssyncset.done $0x0  }
0xa8: {  	s10 =	sadd.s32 $0x580, s10;
	[sflag:s6] =	ssyncadd.s32 $0xFFFFF800  }
0xa9: {  	[tilespmem:s29], [sflag:$0x6] =	stream.indirect.gather [spmem:s3], $0x10, s10, s18, $0xb8;
	[tilespmem:$0xF700] =	vst v63  }
0xaa: {  	_ =	swait.ge [sflag:s30], $0x800  }
0xab: {  	[sflag:s30] =	ssyncset.done $0x0  }
0xac: {  	s9 =	simm.s32 $0x4B80;
	[sflag:s30] =	ssyncadd.s32 $0xFFFFF800  }
0xad: {  	[spmem:s1] =	stream.indirect.scatter.add.f32 [tilespmem:s19], [sflag:$0x7], $0x10, s9, s18, $0xb8;
	[tilespmem:$0xF700] =	vst v63  }
0xae: {  	_ =	swait.ge [sflag:s31], $0x800  }
0xaf: {  	[sflag:s31] =	ssyncset.done $0x0  }
0xb0: {  	s11 =	simm.s32 $0x4C00;
	[sflag:s31] =	ssyncadd.s32 $0xFFFFF800  }
0xb1: {  	[spmem:s1] =	stream.indirect.scatter.add.f32 [tilespmem:s20], [sflag:$0x8], $0x10, s11, s18, $0xb8;
	[tilespmem:$0xF700] =	vst v63  }
0xb2: {  	_ =	swait.ge [sflag:s0], $0x800  }
0xb3: {  	[sflag:s0] =	ssyncset.done $0x0  }
0xb4: {  	s12 =	simm.s32 $0x4C80;
	[sflag:s0] =	ssyncadd.s32 $0xFFFFF800  }
0xb5: {  	[spmem:s1] =	stream.indirect.scatter.add.f32 [tilespmem:s22], [sflag:$0x9], $0x10, s12, s18, $0xb8;
	[tilespmem:$0xF700] =	vst v63  }
0xb6: {  	_ =	swait.ge [sflag:s2], $0x800  }
0xb7: {  	[sflag:s2] =	ssyncset.done $0x0  }
0xb8: {  	s10 =	simm.s32 $0x4D00;
	[sflag:s2] =	ssyncadd.s32 $0xFFFFF800  }
0xb9: {  	[spmem:s1] =	stream.indirect.scatter.add.f32 [tilespmem:s24], [sflag:$0xA], $0x10, s10, s18, $0xb8;
	[tilespmem:$0xF700] =	vst v63  }
0xba: {  	_ =	swait.ge [sflag:s13], $0x800  }
0xbb: {  	[sflag:s13] =	ssyncset.done $0x0  }
0xbc: {  	s11 =	simm.s32 $0x4D80;
	[sflag:s13] =	ssyncadd.s32 $0xFFFFF800  }
0xbd: {  	[spmem:s1] =	stream.indirect.scatter.add.f32 [tilespmem:s26], [sflag:$0xB], $0x10, s11, s18, $0xb8;
	[tilespmem:$0xF700] =	vst v63  }
0xbe: {  	_ =	swait.ge [sflag:s17], $0x800  }
0xbf: {  	[sflag:s17] =	ssyncset.done $0x0  }
0xc0: {  	s12 =	simm.s32 $0x4E00;
	[sflag:s17] =	ssyncadd.s32 $0xFFFFF800  }
0xc1: {  	[spmem:s1] =	stream.indirect.scatter.add.f32 [tilespmem:s29], [sflag:$0xC], $0x10, s12, s18, $0xb8;
	[tilespmem:$0xF700] =	vst v63  }
0xc2: {  	_ =	swait.ge [sflag:s21], $0x800  }
0xc3: {  	[sflag:s21] =	ssyncset.done $0x0  }
0xc4: {  	[sflag:s21] =	ssyncadd.s32 $0xFFFFF800  }
0xc5: {  	_ =	swait.ge [sflag:s23], $0x800  }
0xc6: {  	[sflag:s23] =	ssyncset.done $0x0  }
0xc7: {  	[sflag:s23] =	ssyncadd.s32 $0xFFFFF800  }
0xc8: {  	_ =	swait.ge [sflag:s25], $0x800  }
0xc9: {  	[sflag:s25] =	ssyncset.done $0x0  }
0xca: {  	[sflag:s25] =	ssyncadd.s32 $0xFFFFF800  }
0xcb: {  	_ =	swait.ge [sflag:s28], $0x800  }
0xcc: {  	[sflag:s28] =	ssyncset.done $0x0  }
0xcd: {  	[sflag:s28] =	ssyncadd.s32 $0xFFFFF800  }
0xce: {  	_ =	swait.ge [sflag:s4], $0x800  }
0xcf: {  	[sflag:s4] =	ssyncset.done $0x0  }
0xd0: {  	[sflag:s4] =	ssyncadd.s32 $0xFFFFF800  }
0xd1: {  	_ =	swait.ge [sflag:s6], $0x800  }
0xd2: {  	s9 =	simm.s32 @!p0 $0x80;
	[sflag:s6] =	ssyncset.done $0x0  }
0xd3: {  	s10 =	simm.s32 @!p0 $0x2700;
	s11 =	simm.s32 @!p0 $0x4F00;
	[sflag:s6] =	ssyncadd.s32 $0xFFFFF800  }
0xd4: {  	[tilespmem:s11], [sflag:$0xD] =	stream.indirect.gather @!p0 [spmem:s3], $0x10, s10, s9, $0xb8;
	[tilespmem:$0xF700] =	vst v63  }
0xd5: {  	s10 =	simm.s32 @!p0 $0xD  }
0xd6: {  	_ =	swait.ge @!p0 [sflag:s10], $0x800  }
0xd7: {  	[sflag:s10] =	ssyncset.done @!p0 $0x0  }
0xd8: {  	s12 =	simm.s32 @!p0 $0x4E80;
	[sflag:s10] =	ssyncadd.s32 @!p0 $0xFFFFF800  }
0xd9: {  	[spmem:s1] =	stream.indirect.scatter.add.f32 @!p0 [tilespmem:s11], [sflag:$0xD], $0x10, s12, s9, $0xb8;
	[tilespmem:$0xF700] =	vst v63  }
0xda: {  	_ =	swait.ge @!p0 [sflag:s10], $0x800  }
0xdb: {  	[sflag:s10] =	ssyncset.done @!p0 $0x0  }
0xdc: {  	[sflag:s10] =	ssyncadd.s32 @!p0 $0xFFFFF800  }
0xdd: {  	[bflag:$0x0] =	sbarrier.arrive $0xFFFF  }
0xde: {  	s10 =	sshrl.u32 s5, $0x3;
	s11 =	rddreg [dreg:$0x9]  }
0xdf: {  	[hbm:s11], [sflag:s15] =	dma.local [spmem:s10], $0x500  }
0xe0: {  	_ =	swait.ge [sflag:s14], $0x500  }
0xe1: {  	s8 =	sadd.s32 $0x1, s8;
	s12 =	rddreg [dreg:$0xa]  }
0xe2: {  	p1 =	sne.s32 s8, s12  }
.Ltmp2:
0xe3: {  	_ = 	snop;
	(pc) =	sbr.rel @p1 .LBB2_1-.Ltmp2, $3  }
0xe4: {  	_ =	sdelay $0x1  }
0xe5: {  	[sflag:s14] =	ssyncset.done $0x0  }
0xe6: {  	[sflag:s14] =	ssyncadd.s32 $0xFFFFFB00  }
0xe7: {  	_ =	sfence.sel $0x180000  }
0xe8: {  	[bflag:$0x0] =	sbarrier.arrive $0xFFFF  }
0xe9: {  	_ =	strace $0x9000004A  }
0xea: {  	s0 =	stileid.u32;
	[bflag:$0x2] =	sbarrier.arrive $0xFFFF  }
0xeb: {  	p0 =	sne.s32 s0, $0x0;
	s0 =	rddreg [dreg:$0x4]  }
0xec: {  	s0 =	sadd.s32 @!p0 $0x100000, s0  }
0xed: {  	[sflag:s0] =	ssyncadd.tile.s32 @!p0 $0x1;
	_ =	shalt  }
.Lfunc_end2:
_tile_overlayer_lowered:
.L_overlay_start_2:
0xee: {  	(tag) =	ssettag $0x2  }
0xef: {  	s0 =	rddreg [dreg:$0x0];
	s2 =	stileid.u32  }
0xf0: {  	s1 =	rddreg [dreg:$0x1];
	p0 =	sne.s32 s2, $0x0  }
0xf1: {  	s3 =	rddreg [dreg:$0x2];
	[bflag:$0x3] =	sbarrier.arrive $0xFFFF;
	s2 =	simm.s32 @!p0 $0x1C0D  }
0xf2: {  	[timem:s3], [sflag:s2] =	dma.local @!p0 [hbm:s0], s1  }
0xf3: {  	s0 =	simm.s32 @!p0 $0xD  }
0xf4: {  	_ =	swait.ge @!p0 [sflag:s0], s1  }
0xf5: {  	s1 =	ssub.s32 @!p0 $0x0, s1;
	[sflag:s0] =	ssyncset.done @!p0 $0x0  }
0xf6: {  	[sflag:s0] =	ssyncadd.s32 @!p0 s1  }
0xf7: {  	[bflag:$0x3] =	sbarrier.arrive $0xFFFF  }
0xf8: {  	_ =	shalt  }

// kernel: kernel.14.cloned.1.call-start
scs
__scs_entry_jumppad:
0x0: {  	(pc) =	sbr.rel $0x88, $3  }
0x1: {  	(tag) =	ssettag $0x0;
	lr =	simm.s32 $0x1  }
0x2: {  	[smem:$0x3F9B] =	sst lr;
	_ =	strace $0xD0000000  }
0x3: {  	_ = 	snop  }
0x4: {  	_ = 	snop  }
0x5: {  	_ = 	snop  }
0x6: {  	_ = 	snop  }
0x7: {  	_ = 	snop  }
__scs_overlays_trampoline_lowered:
0x8: {  	[smem:$0x3FAA] =	sst s0  }
0x9: {  	[smem:$0x3FAB] =	sst s1  }
0xa: {  	[smem:$0x3FAC] =	sst s2  }
0xb: {  	[smem:$0x3FAD] =	sst s3  }
0xc: {  	[smem:$0x3FAE] =	sst s4  }
0xd: {  	[smem:$0x3FAF] =	sst s5  }
0xe: {  	[smem:$0x3FB0] =	sst s6  }
0xf: {  	[smem:$0x3FB1] =	sst s7  }
0x10: {  	[smem:$0x3FB2] =	sst s8  }
0x11: {  	[smem:$0x3FB3] =	sst s9;
	s0 =	simm.s32 @!p0 $0x0  }
0x12: {  	s1 =	sld [smem:$0x3F99];
	s0 =	simm.s32 @p0 $0x1  }
0x13: {  	[smem:$0x3FB4] =	sst s0;
	s0 =	simm.s32 @!p1 $0x0  }
0x14: {  	s2 =	sld [smem:$0x3F98];
	s0 =	simm.s32 @p1 $0x1  }
0x15: {  	[smem:$0x3FB5] =	sst s0;
	s0 =	simm.s32 @!p2 $0x0  }
0x16: {  	s3 =	sld [smem:$0x3FDB];
	s0 =	simm.s32 @p2 $0x1  }
0x17: {  	s4 =	simm.s32 $0x1BF5;
	[smem:$0x3FB7] =	sst s0  }
0x18: {  	s0 =	sld [smem:$0x3F9A];
	_ =	swait.ge [sflag:s4], $0x0  }
0x19: {  	s7 =	sld [smem:$0x3F9B]  }
0x1a: {  	s8 =	sadd.s32 $0xFFFFE003, lr  }
0x1b: {  	s9 =	sadd.s32 $0xFFFFFEF7, lr;
	s5 =	simm.s32 $0xFFFFFFFF;
	p2 =	slt.u32 s8, $0xFFFFF086  }
0x1c: {  	p1 =	slt.u32 s9, $0xF7A;
	s5 =	simm.s32 @!p2 $0x0  }
0x1d: {  	s5 =	simm.s32 @p1 $0x1;
	p0 =	seq.s32 s7, s2  }
0x1e: {  	s7 =	smul.u32 @!p0 $0xF7A, s2;
	p2 =	seq.s32 @!p0 s5, $0x0  }
0x1f: {  	s9 =	smul.u32 $0xF7A, s1;
	s8 =	simm.s32 @!p0 $0x1BF5;
	p2 =	por !p2, p0  }
0x20: {  	[sflag:s8] =	ssyncset.s32 @!p0 $0xFFFFF086;
	s6 =	sadd.s32 @!p0 s3, s7;
	s7 =	simm.s32 @!p0 $0x108  }
0x21: {  	s3 =	sadd.s32 s3, s9;
	s6 =	sadd.s32 @!p0 $0x88, s6;
	s7 =	simm.s32 @p2 $0x1082  }
0x22: {  	[simem:s7], [sflag:s8] =	dma.local @!p0 [hbm:s6], $0xF7A  }
0x23: {  	s9 =	sor.u32 $0xD0000000, s2;
	s6 =	simm.s32 $0x108;
	_ =	swait.ge @!p0 [sflag:s8], $0x0  }
0x24: {  	s3 =	sadd.s32 $0x88, s3;
	s6 =	simm.s32 @!p1 $0x1082;
	[sflag:s4] =	ssyncset.s32 $0xFFFFF086  }
0x25: {  	[simem:s6], [sflag:s4] =	dma.local [hbm:s3], $0xF7A  }
0x26: {  	[smem:$0x3F9B] =	sst s1;
	(tag) =	ssettag s2;
	_ =	strace s9  }
0x27: {  	s1 =	sld [smem:$0x3FAB]  }
0x28: {  	s2 =	sld [smem:$0x3FAC]  }
0x29: {  	s4 =	sld [smem:$0x3FAE]  }
0x2a: {  	p0 =	seq.s32 s5, $0x0;
	s5 =	sld [smem:$0x3FAF]  }
0x2b: {  	s6 =	sld [smem:$0x3FB0]  }
0x2c: {  	s7 =	sld [smem:$0x3FB1]  }
0x2d: {  	s3 =	simm.s32 $0x108;
	s8 =	sld [smem:$0x3FB2]  }
0x2e: {  	s3 =	simm.s32 @!p0 $0x1082;
	s9 =	sld [smem:$0x3FB3]  }
0x2f: {  	lr =	sadd.s32 s0, s3;
	s0 =	sld [smem:$0x3FAA]  }
0x30: {  	s3 =	sld [smem:$0x3FAD]  }
0x31: {  	[smem:$0x3FB6] =	sst s10  }
0x32: {  	s10 =	sld [smem:$0x3FB4];
	_ =	sdelay $0x3  }
0x33: {  	p0 =	seq.s32 s10, $0x1;
	s10 =	sld [smem:$0x3FB6];
	_ =	sdelay $0x3  }
0x34: {  	[smem:$0x3FB6] =	sst s10  }
0x35: {  	s10 =	sld [smem:$0x3FB5];
	_ =	sdelay $0x3  }
0x36: {  	p1 =	seq.s32 s10, $0x1;
	s10 =	sld [smem:$0x3FB6];
	_ =	sdelay $0x3  }
0x37: {  	[smem:$0x3FB6] =	sst s10  }
0x38: {  	s10 =	sld [smem:$0x3FB7]  }
0x39: {  	_ = 	snop;
	(pc) =	sbr.ind lr, $3  }
0x3a: {  	_ = 	snop  }
0x3b: {  	_ = 	snop  }
0x3c: {  	p2 =	seq.s32 s10, $0x1;
	s10 =	sld [smem:$0x3FB6]  }
0x3d: {  	_ =	shalt  }
0x3e: {  	_ =	shalt  }
0x3f: {  	_ =	shalt  }
0x40: {  	_ =	shalt  }
0x41: {  	_ =	shalt  }
0x42: {  	_ =	shalt  }
0x43: {  	_ =	shalt  }
0x44: {  	_ =	shalt  }
0x45: {  	_ =	shalt  }
0x46: {  	_ =	shalt  }
0x47: {  	_ =	shalt  }
0x48: {  	_ =	shalt  }
0x49: {  	_ =	shalt  }
0x4a: {  	_ =	shalt  }
0x4b: {  	_ =	shalt  }
0x4c: {  	_ =	shalt  }
0x4d: {  	_ =	shalt  }
0x4e: {  	_ =	shalt  }
0x4f: {  	_ =	shalt  }
0x50: {  	_ =	shalt  }
0x51: {  	_ =	shalt  }
0x52: {  	_ =	shalt  }
0x53: {  	_ =	shalt  }
0x54: {  	_ =	shalt  }
0x55: {  	_ =	shalt  }
0x56: {  	_ =	shalt  }
0x57: {  	_ =	shalt  }
0x58: {  	_ =	shalt  }
0x59: {  	_ =	shalt  }
0x5a: {  	_ =	shalt  }
0x5b: {  	_ =	shalt  }
0x5c: {  	_ =	shalt  }
0x5d: {  	_ =	shalt  }
0x5e: {  	_ =	shalt  }
0x5f: {  	_ =	shalt  }
0x60: {  	_ =	shalt  }
0x61: {  	_ =	shalt  }
0x62: {  	_ =	shalt  }
0x63: {  	_ =	shalt  }
0x64: {  	_ =	shalt  }
0x65: {  	_ =	shalt  }
0x66: {  	_ =	shalt  }
0x67: {  	_ =	shalt  }
0x68: {  	_ =	shalt  }
0x69: {  	_ =	shalt  }
0x6a: {  	_ =	shalt  }
0x6b: {  	_ =	shalt  }
0x6c: {  	_ =	shalt  }
0x6d: {  	_ =	shalt  }
0x6e: {  	_ =	shalt  }
0x6f: {  	_ =	shalt  }
0x70: {  	_ =	shalt  }
0x71: {  	_ =	shalt  }
0x72: {  	_ =	shalt  }
0x73: {  	_ =	shalt  }
0x74: {  	_ =	shalt  }
0x75: {  	_ =	shalt  }
0x76: {  	_ =	shalt  }
0x77: {  	_ =	shalt  }
0x78: {  	_ =	shalt  }
0x79: {  	_ =	shalt  }
0x7a: {  	_ =	shalt  }
0x7b: {  	_ =	shalt  }
0x7c: {  	_ =	shalt  }
0x7d: {  	_ =	shalt  }
0x7e: {  	_ =	shalt  }
0x7f: {  	_ =	shalt  }
0x80: {  	_ =	shalt  }
0x81: {  	_ =	shalt  }
0x82: {  	_ =	shalt  }
0x83: {  	_ =	shalt  }
0x84: {  	_ =	shalt  }
0x85: {  	_ =	shalt  }
0x86: {  	_ =	shalt  }
0x87: {  	_ =	shalt  }
.Lfunc_end0:
.L_simem_size_0:
called_computation.2_lowered:
.L_overlay_start_0:
0x88: {  	s2 =	sld [smem:$0x3FD9]  }
0x89: {  	s3 =	sld [smem:$0x3FFE];
	_ =	sdelay $0x1  }
0x8a: {  	s1 =	srdreg.scid  }
0x8b: {  	s0 =	sand.u32 $0x1, s1  }
0x8c: {  	s17 =	sshll.u32 s0, $0xA;
	s2 =	sadd.s32 s3, s2  }
0x8d: {  	s2 =	sadd.s32 s2, s17  }
0x8e: {  	[smem:$0x3FC2] =	sst s2  }
0x8f: {  	_ = 	snop  }
0x90: {  	s2 =	sld [smem:$0x3FD0];
	(tm) =	ssettm $0x1  }
0x91: {  	s18 =	sld [smem:$0x3FFB];
	_ =	sdelay $0x3  }
0x92: {  	_ =	strace s18  }
0x93: {  	s3 =	sld [smem:$0x3FFC];
	_ =	sdelay $0x3  }
0x94: {  	_ =	strace s3  }
0x95: {  	s3 =	sld [smem:$0x3FFD];
	_ =	sdelay $0x3  }
0x96: {  	_ =	strace s3  }
0x97: {  	_ =	strace $0x8FFFFFFF  }
0x98: {  	s19 =	sld [smem:$0x3FDB];
	_ =	sdelay $0x1  }
0x99: {  	s4 =	simm.s32 $_scs_section_size  }
0x9a: {  	s5 =	simm.s32 $_size__tile_overlayer_lowered;
	s6 =	simm.s32 $_tile_overlayer_lowered  }
0x9b: {  	s22 =	simm.s32 $0x1BFF;
	s21 =	sshll.u32 s6, $0x1;
	s3 =	sadd.s32 s4, s19  }
0x9c: {  	s7 =	simm.s32 $0x0;
	s20 =	sshll.u32 s5, $0x1;
	s5 =	sadd.s32 s21, s3  }
0x9d: {  	[timem:s7], [sflag:s22] =	dma.local [hbm:s5], s20  }
0x9e: {  	_ =	swait.ge [sflag:s22], s20  }
0x9f: {  	s4 =	ssub.s32 $0x0, s20;
	[sflag:s22] =	ssyncset.done $0x0  }
0xa0: {  	[sflag:s22] =	ssyncadd.s32 s4;
	_ =	sdelay $0x1  }
0xa1: {  	s23 =	simm.s32 $0x1B8B  }
0xa2: {  	_ =	swait.ge [sflag:s23], $0x1  }
0xa3: {  	[sflag:s23] =	ssyncset.done $0x0  }
0xa4: {  	s25 =	simm.s32 $0x1B8E;
	s24 =	sld [smem:$0x3FFE];
	[sflag:s23] =	ssyncadd.s32 $0xFFFFFFFF  }
0xa5: {  	s26 =	simm.s32 $execute0_lowered;
	[smem:$0x3FD2] =	sst s25  }
0xa6: {  	s5 =	sshll.u32 s26, $0x1;
	_ =	strace $0x8000004C;
	[dreg:$0x1] =	wrdreg $0xFFFFFFFF  }
0xa7: {  	s28 =	simm.s32 $_size_execute0_lowered;
	s3 =	sadd.s32 s3, s5;
	[dreg:$0x0] =	wrdreg $0x0  }
0xa8: {  	s5 =	sshll.u32 s28, $0x1;
	[dreg:$0x2] =	wrdreg s3  }
0xa9: {  	[dreg:$0x3] =	wrdreg s5  }
0xaa: {  	[dreg:$0x4] =	wrdreg $0xC0  }
0xab: {  	_ =	task [dreg:s7], $0x5FFFF  }
0xac: {  	[dreg:$0x1] =	wrdreg $0xFFFFFFFF  }
0xad: {  	[dreg:$0x0] =	wrdreg $0x60  }
0xae: {  	[dreg:$0x2] =	wrdreg s24  }
0xaf: {  	[dreg:$0x3] =	wrdreg s2  }
0xb0: {  	[dreg:$0x4] =	wrdreg $0xA7000  }
0xb1: {  	[dreg:$0x5] =	wrdreg $0xCF000  }
0xb2: {  	[dreg:$0x6] =	wrdreg $0x9  }
0xb3: {  	_ =	task.clear_ibuf [dreg:s7], $0x7FFFF;
	_ =	strace $0x9000004C  }
0xb4: {  	s29 =	simm.s32 $0x9;
	_ =	strace $0x8000004E  }
0xb5: {  	_ =	swait.ge [sflag:s29], $0x1  }
0xb6: {  	[sflag:s29] =	ssyncadd.s32 $0xFFFFFFFF  }
0xb7: {  	_ =	strace $0x9000004E  }
0xb8: {  	_ =	sfence  }
0xb9: {  	s30 =	sld [smem:$0x0];
	_ =	sdelay $0x2  }
0xba: {  	s31 =	sshll.u32 s1, $0xD;
	s1 =	sshrl.u32 s1, $0x2  }
0xbb: {  	s3 =	sand.u32 $0x4000, s31;
	s1 =	sadd.s32 s1, s30  }
0xbc: {  	s0 =	sor.u32 s3, s0;
	s1 =	sshll.u32 s1, $0x11  }
0xbd: {  	s0 =	sor.u32 s1, s0  }
0xbe: {  	s0 =	sadd.s32 $0x8F2B, s0  }
0xbf: {  	[sflag:s0] =	ssyncadd.remote.s32 $0x1  }
0xc0: {  	_ =	sfence.sel $0xFFFF  }
0xc1: {  	[dreg:$0x0] =	wrdreg $0xFFFFFFFF;
	(pc) =	sbr.abs _section_cstart, $3  }
0xc2: {  	[dreg:$0x1] =	wrdreg $0xFFFFFFFF  }
0xc3: {  	_ =	task.clear_ibuf [dreg:s7], $0x2FFFF;
	_ =	strace $0x9FFFFFFF  }
0xc4: {  	(tm) =	ssettm $0x7FFFFFFF  }
0xc5: {  	_ =	shalt  }
tec
execute0_lowered:
.L_overlay_start_1:
0x0: {  	(tag) =	ssettag $0x1  }
0x1: {  	s0 =	rddreg [dreg:$0x0]  }
0x2: {  	s2 =	rddreg [dreg:$0x1]  }
0x3: {  	s1 =	rddreg [dreg:$0x2]  }
0x4: {  	s3 =	rddreg [dreg:$0x3];
	s4 =	simm.s32 $0x0;
	s11 =	stileid.u32  }
0x5: {  	s5 =	srdreg.scid;
	s14 =	simm.s32 $0xD;
	s18 =	simm.s32 $0x80  }
0x6: {  	s19 =	simm.s32 $0x4F00;
	s29 =	simm.s32 $0x7700;
	s30 =	simm.s32 $0x1  }
0x7: {  	s31 =	simm.s32 $0x2;
	s17 =	simm.s32 $0x6;
	s28 =	simm.s32 $0xA  }
0x8: {  	[smem:$0x7FF] =	sst s4;
	s20 =	smul.u32 $0x2800, s11;
	s6 =	sand.u32 $0x1, s5  }
0x9: {  	s21 =	sshll.u32 s11, $0x1;
	p0 =	sgt.u32 s11, $0x1;
	s26 =	sshll.u32 s11, $0x6  }
0xa: {  	_ =	strace $0x8000004D;
	s8 =	ssub.s32 $0x2, s6;
	s9 =	sor.u32 s6, s21  }
0xb: {  	s6 =	smul.u32 $0x28000, s6;
	s15 =	sor.u32 $0x1C0D, s26;
	s26 =	simm.s32 $0x6F00  }
0xc: {  	s21 =	simm.s32 $0x7;
	s7 =	sshrl.u32 s20, $0x3;
	s22 =	sshrl.u32 s8, $0x1  }
0xd: {  	s10 =	smul.u32 $0x2700, s9;
	s5 =	sadd.s32 s20, s1;
	s13 =	sadd.s32 s20, s3  }
0xe: {  	s9 =	sshll.u32 s9, $0x4;
	s7 =	sadd.s32 s7, s0;
	s0 =	sadd.s32 $0x1E00, s0  }
0xf: {  	s8 =	ssub.s32 s8, s22;
	s4 =	sadd.s32 s20, s6;
	s16 =	sshrl.u32 s13, $0x3  }
0x10: {  	s20 =	simm.s32 $0x5700;
	s22 =	simm.s32 $0x5F00;
	s13 =	simm.s32 $0x5  }
0x11: {  	s6 =	simm.s32 $0xC;
	s10 =	sshrl.u32 s10, $0x3;
	s7 =	sadd.s32 $0x15800, s7  }
0x12: {  	s25 =	smax.u32 s8, $0x1;
	[dreg:$0x5] =	wrdreg s7;
	s7 =	sadd.s32 s0, s10  }
0x13: {  	s0 =	sadd.s32 s9, s0;
	[dreg:$0xa] =	wrdreg s25;
	s10 =	sadd.s32 $0x9C40, s7  }
0x14: {  	s24 =	sshrl.u32 s4, $0x3;
	s23 =	sadd.s32 $0x13840, s0;
	[dreg:$0x6] =	wrdreg s10  }
0x15: {  	s4 =	simm.s32 $0xB;
	s0 =	sadd.s32 $0x9C00, s0;
	[dreg:$0x7] =	wrdreg s23  }
0x16: {  	s8 =	simm.s32 $0x0;
	s25 =	simm.s32 $0x9;
	[dreg:$0x8] =	wrdreg s0  }
0x17: {  	s0 =	sadd.s32 s2, s24;
	s24 =	simm.s32 $0x6700;
	s2 =	simm.s32 $0x4  }
0x18: {  	v0 =	vimm.f32 $0.0e+00;
	s23 =	simm.s32 $0x8;
	[dreg:$0x9] =	wrdreg s0;
	s0 =	simm.s32 $0x3  }
.LBB2_1:
0x19: {  	s9 =	simm.s32 $0x7F20  }
0x1a: {  	[tilespmem:s9+$0xFFFFFFE0] =	vst v0  }
0x1b: {  	[tilespmem:s9+$0x10] =	vst v0  }
0x1c: {  	s10 =	simm.s32 $0x0;
	[tilespmem:s9+$0x0] =	vst v0  }
.LBB2_2:
0x1d: {  	s10 =	sadd.s32 $0x4, s10  }
0x1e: {  	[tilespmem:s9+$0xFFFFFFF0] =	vst v0;
	s9 =	sadd.s32 $0x40, s9;
	p1 =	slt.u32 s10, $0x27C  }
.Ltmp0:
0x1f: {  	[tilespmem:s9+$0xFFFFFFE0] =	vst v0;
	(pc) =	sbr.rel @p1 .LBB2_2-.Ltmp0, $3  }
0x20: {  	_ =	sdelay $0x1  }
0x21: {  	[tilespmem:s9+$0x10] =	vst v0  }
0x22: {  	[tilespmem:s9+$0x0] =	vst v0  }
0x23: {  	[tilespmem:s9+$0xFFFFFFF0] =	vst v0;
	s10 =	simm.s32 $0x7F00  }
0x24: {  	[spmem:s5] =	stream.linear.scatter [tilespmem:s10], [sflag:$0xD], $0x2800, $0x38;
	[tilespmem:$0xF700] =	vst v63  }
0x25: {  	_ =	swait.ge [sflag:s14], $0x2800  }
0x26: {  	[sflag:s14] =	ssyncset.done $0x0  }
0x27: {  	s11 =	rddreg [dreg:$0x5];
	[sflag:s14] =	ssyncadd.s32 $0xFFFFD800  }
0x28: {  	[spmem:s16], [sflag:s15] =	dma.local [hbm:s11], $0x500  }
0x29: {  	_ =	swait.ge [sflag:s14], $0x500  }
0x2a: {  	[sflag:s14] =	ssyncset.done $0x0  }
0x2b: {  	s12 =	simm.s32 $0x0;
	s10 =	rddreg [dreg:$0x6];
	[sflag:s14] =	ssyncadd.s32 $0xFFFFFB00  }
0x2c: {  	[tilespmem:s12], [sflag:$0xD] =	stream.linear.gather [hbm4b:s10+s12], $0x2700, $0x38;
	[tilespmem:$0xF700] =	vst v63  }
0x2d: {  	_ =	swait.ge [sflag:s14], $0x2700  }
0x2e: {  	[sflag:s14] =	ssyncset.done $0x0  }
0x2f: {  	s11 =	simm.s32 $0x2780;
	[sflag:s14] =	ssyncadd.s32 $0xFFFFD900  }
0x30: {  	[tilespmem:s11], [sflag:$0xD] =	stream.linear.gather [hbm4b:s7+s12], $0x2700, $0x38;
	[tilespmem:$0xF700] =	vst v63  }
0x31: {  	_ =	swait.ge [sflag:s14], $0x2700  }
0x32: {  	s9 =	simm.s32 @!p0 $0x0;
	[sflag:s14] =	ssyncset.done $0x0  }
0x33: {  	s10 =	simm.s32 @!p0 $0x2700;
	s11 =	rddreg [dreg:$0x7];
	[sflag:s14] =	ssyncadd.s32 $0xFFFFD900  }
0x34: {  	[tilespmem:s10], [sflag:$0xD] =	stream.linear.gather @!p0 [hbm4b:s11+s9], $0x80, $0x38;
	[tilespmem:$0xF700] =	vst v63  }
0x35: {  	s10 =	simm.s32 @!p0 $0xD  }
0x36: {  	_ =	swait.ge @!p0 [sflag:s10], $0x80  }
0x37: {  	[sflag:s10] =	ssyncset.done @!p0 $0x0  }
0x38: {  	s11 =	simm.s32 @!p0 $0x4E80;
	s12 =	rddreg [dreg:$0x8];
	[sflag:s10] =	ssyncadd.s32 @!p0 $0xFFFFFF80  }
0x39: {  	[tilespmem:s11], [sflag:$0xD] =	stream.linear.gather @!p0 [hbm4b:s12+s9], $0x80, $0x38;
	[tilespmem:$0xF700] =	vst v63  }
0x3a: {  	_ =	swait.ge @!p0 [sflag:s10], $0x80  }
0x3b: {  	[sflag:s10] =	ssyncset.done @!p0 $0x0  }
0x3c: {  	[sflag:s10] =	ssyncadd.s32 @!p0 $0xFFFFFF80  }
0x3d: {  	s12 =	simm.s32 $0x0;
	[bflag:$0x0] =	sbarrier.arrive $0xFFFF  }
0x3e: {  	[tilespmem:s19], [sflag:$0x1] =	stream.indirect.gather [spmem:s3], $0x10, s12, s18, $0xb8;
	[tilespmem:$0xF700] =	vst v63  }
0x3f: {  	_ = 	snop  }
0x40: {  	[tilespmem:s20], [sflag:$0x2] =	stream.indirect.gather [spmem:s3], $0x10, s18, s18, $0xb8;
	[tilespmem:$0xF700] =	vst v63  }
0x41: {  	s10 =	simm.s32 $0x100  }
0x42: {  	[tilespmem:s22], [sflag:$0x3] =	stream.indirect.gather [spmem:s3], $0x10, s10, s18, $0xb8;
	[tilespmem:$0xF700] =	vst v63  }
0x43: {  	s11 =	simm.s32 $0x180  }
0x44: {  	[tilespmem:s24], [sflag:$0x4] =	stream.indirect.gather [spmem:s3], $0x10, s11, s18, $0xb8;
	[tilespmem:$0xF700] =	vst v63  }
0x45: {  	s12 =	simm.s32 $0x200  }
0x46: {  	[tilespmem:s26], [sflag:$0x5] =	stream.indirect.gather [spmem:s3], $0x10, s12, s18, $0xb8;
	[tilespmem:$0xF700] =	vst v63  }
0x47: {  	s10 =	simm.s32 $0x280  }
0x48: {  	[tilespmem:s29], [sflag:$0x6] =	stream.indirect.gather [spmem:s3], $0x10, s10, s18, $0xb8;
	[tilespmem:$0xF700] =	vst v63  }
0x49: {  	_ =	swait.ge [sflag:s30], $0x800  }
0x4a: {  	[sflag:s30] =	ssyncset.done $0x0  }
0x4b: {  	s11 =	simm.s32 $0x2780;
	[sflag:s30] =	ssyncadd.s32 $0xFFFFF800  }
0x4c: {  	[spmem:s1] =	stream.indirect.scatter.add.f32 [tilespmem:s19], [sflag:$0x7], $0x10, s11, s18, $0xb8;
	[tilespmem:$0xF700] =	vst v63  }
0x4d: {  	_ =	swait.ge [sflag:s31], $0x800  }
0x4e: {  	[sflag:s31] =	ssyncset.done $0x0  }
0x4f: {  	s12 =	simm.s32 $0x2800;
	[sflag:s31] =	ssyncadd.s32 $0xFFFFF800  }
0x50: {  	[spmem:s1] =	stream.indirect.scatter.add.f32 [tilespmem:s20], [sflag:$0x8], $0x10, s12, s18, $0xb8;
	[tilespmem:$0xF700] =	vst v63  }
0x51: {  	_ =	swait.ge [sflag:s0], $0x800  }
0x52: {  	[sflag:s0] =	ssyncset.done $0x0  }
0x53: {  	s10 =	simm.s32 $0x2880;
	[sflag:s0] =	ssyncadd.s32 $0xFFFFF800  }
0x54: {  	[spmem:s1] =	stream.indirect.scatter.add.f32 [tilespmem:s22], [sflag:$0x9], $0x10, s10, s18, $0xb8;
	[tilespmem:$0xF700] =	vst v63  }
0x55: {  	_ =	swait.ge [sflag:s2], $0x800  }
0x56: {  	[sflag:s2] =	ssyncset.done $0x0  }
0x57: {  	s11 =	simm.s32 $0x2900;
	[sflag:s2] =	ssyncadd.s32 $0xFFFFF800  }
0x58: {  	[spmem:s1] =	stream.indirect.scatter.add.f32 [tilespmem:s24], [sflag:$0xA], $0x10, s11, s18, $0xb8;
	[tilespmem:$0xF700] =	vst v63  }
0x59: {  	_ =	swait.ge [sflag:s13], $0x800  }
0x5a: {  	[sflag:s13] =	ssyncset.done $0x0  }
0x5b: {  	s12 =	simm.s32 $0x2980;
	[sflag:s13] =	ssyncadd.s32 $0xFFFFF800  }
0x5c: {  	[spmem:s1] =	stream.indirect.scatter.add.f32 [tilespmem:s26], [sflag:$0xB], $0x10, s12, s18, $0xb8;
	[tilespmem:$0xF700] =	vst v63  }
0x5d: {  	_ =	swait.ge [sflag:s17], $0x800  }
0x5e: {  	[sflag:s17] =	ssyncset.done $0x0  }
0x5f: {  	s10 =	simm.s32 $0x2A00;
	[sflag:s17] =	ssyncadd.s32 $0xFFFFF800  }
0x60: {  	[spmem:s1] =	stream.indirect.scatter.add.f32 [tilespmem:s29], [sflag:$0xC], $0x10, s10, s18, $0xb8;
	[tilespmem:$0xF700] =	vst v63  }
0x61: {  	_ =	swait.ge [sflag:s21], $0x800  }
0x62: {  	[sflag:s21] =	ssyncset.done $0x0  }
0x63: {  	s11 =	simm.s32 $0x300;
	[sflag:s21] =	ssyncadd.s32 $0xFFFFF800  }
0x64: {  	[tilespmem:s19], [sflag:$0x1] =	stream.indirect.gather [spmem:s3], $0x10, s11, s18, $0xb8;
	[tilespmem:$0xF700] =	vst v63  }
0x65: {  	_ =	swait.ge [sflag:s23], $0x800  }
0x66: {  	[sflag:s23] =	ssyncset.done $0x0  }
0x67: {  	s12 =	simm.s32 $0x380;
	[sflag:s23] =	ssyncadd.s32 $0xFFFFF800  }
0x68: {  	[tilespmem:s20], [sflag:$0x2] =	stream.indirect.gather [spmem:s3], $0x10, s12, s18, $0xb8;
	[tilespmem:$0xF700] =	vst v63  }
0x69: {  	_ =	swait.ge [sflag:s25], $0x800  }
0x6a: {  	[sflag:s25] =	ssyncset.done $0x0  }
0x6b: {  	s10 =	simm.s32 $0x400;
	[sflag:s25] =	ssyncadd.s32 $0xFFFFF800  }
0x6c: {  	[tilespmem:s22], [sflag:$0x3] =	stream.indirect.gather [spmem:s3], $0x10, s10, s18, $0xb8;
	[tilespmem:$0xF700] =	vst v63  }
0x6d: {  	_ =	swait.ge [sflag:s28], $0x800  }
0x6e: {  	[sflag:s28] =	ssyncset.done $0x0  }
0x6f: {  	s11 =	simm.s32 $0x480;
	[sflag:s28] =	ssyncadd.s32 $0xFFFFF800  }
0x70: {  	[tilespmem:s24], [sflag:$0x4] =	stream.indirect.gather [spmem:s3], $0x10, s11, s18, $0xb8;
	[tilespmem:$0xF700] =	vst v63  }
0x71: {  	_ =	swait.ge [sflag:s4], $0x800  }
0x72: {  	[sflag:s4] =	ssyncset.done $0x0  }
0x73: {  	s12 =	simm.s32 $0x500;
	[sflag:s4] =	ssyncadd.s32 $0xFFFFF800  }
0x74: {  	[tilespmem:s26], [sflag:$0x5] =	stream.indirect.gather [spmem:s3], $0x10, s12, s18, $0xb8;
	[tilespmem:$0xF700] =	vst v63  }
0x75: {  	_ =	swait.ge [sflag:s6], $0x800  }
0x76: {  	[sflag:s6] =	ssyncset.done $0x0  }
0x77: {  	s9 =	simm.s32 $0xC00;
	s10 =	simm.s32 $0x580;
	[sflag:s6] =	ssyncadd.s32 $0xFFFFF800  }
.LBB2_4:
0x78: {  	[tilespmem:s29], [sflag:$0x6] =	stream.indirect.gather [spmem:s3], $0x10, s10, s18, $0xb8;
	[tilespmem:$0xF700] =	vst v63  }
0x79: {  	s10 =	smov.u32 s9  }
0x7a: {  	p1 =	sne.s32 s9, $0x8400;
	s9 =	sadd.s32 $0xC00, s9;
	_ =	swait.ge [sflag:s30], $0x800  }
0x7b: {  	s10 =	sshra.s32 s10, $0x2;
	[sflag:s30] =	ssyncset.done $0x0  }
0x7c: {  	s11 =	sadd.s32 $0x2780, s10;
	[sflag:s30] =	ssyncadd.s32 $0xFFFFF800  }
0x7d: {  	[spmem:s1] =	stream.indirect.scatter.add.f32 [tilespmem:s19], [sflag:$0x7], $0x10, s11, s18, $0xb8;
	[tilespmem:$0xF700] =	vst v63  }
0x7e: {  	_ =	swait.ge [sflag:s31], $0x800  }
0x7f: {  	[sflag:s31] =	ssyncset.done $0x0  }
0x80: {  	s11 =	sadd.s32 $0x2800, s10;
	[sflag:s31] =	ssyncadd.s32 $0xFFFFF800  }
0x81: {  	[spmem:s1] =	stream.indirect.scatter.add.f32 [tilespmem:s20], [sflag:$0x8], $0x10, s11, s18, $0xb8;
	[tilespmem:$0xF700] =	vst v63  }
0x82: {  	_ =	swait.ge [sflag:s0], $0x800  }
0x83: {  	[sflag:s0] =	ssyncset.done $0x0  }
0x84: {  	s11 =	sadd.s32 $0x2880, s10;
	[sflag:s0] =	ssyncadd.s32 $0xFFFFF800  }
0x85: {  	[spmem:s1] =	stream.indirect.scatter.add.f32 [tilespmem:s22], [sflag:$0x9], $0x10, s11, s18, $0xb8;
	[tilespmem:$0xF700] =	vst v63  }
0x86: {  	_ =	swait.ge [sflag:s2], $0x800  }
0x87: {  	[sflag:s2] =	ssyncset.done $0x0  }
0x88: {  	s11 =	sadd.s32 $0x2900, s10;
	[sflag:s2] =	ssyncadd.s32 $0xFFFFF800  }
0x89: {  	[spmem:s1] =	stream.indirect.scatter.add.f32 [tilespmem:s24], [sflag:$0xA], $0x10, s11, s18, $0xb8;
	[tilespmem:$0xF700] =	vst v63  }
0x8a: {  	_ =	swait.ge [sflag:s13], $0x800  }
0x8b: {  	[sflag:s13] =	ssyncset.done $0x0  }
0x8c: {  	s11 =	sadd.s32 $0x2980, s10;
	[sflag:s13] =	ssyncadd.s32 $0xFFFFF800  }
0x8d: {  	[spmem:s1] =	stream.indirect.scatter.add.f32 [tilespmem:s26], [sflag:$0xB], $0x10, s11, s18, $0xb8;
	[tilespmem:$0xF700] =	vst v63  }
0x8e: {  	_ =	swait.ge [sflag:s17], $0x800  }
0x8f: {  	[sflag:s17] =	ssyncset.done $0x0  }
0x90: {  	s11 =	sadd.s32 $0x2A00, s10;
	[sflag:s17] =	ssyncadd.s32 $0xFFFFF800  }
0x91: {  	[spmem:s1] =	stream.indirect.scatter.add.f32 [tilespmem:s29], [sflag:$0xC], $0x10, s11, s18, $0xb8;
	[tilespmem:$0xF700] =	vst v63  }
0x92: {  	_ =	swait.ge [sflag:s21], $0x800  }
0x93: {  	[sflag:s21] =	ssyncset.done $0x0  }
0x94: {  	s11 =	sadd.s32 $0x300, s10;
	[sflag:s21] =	ssyncadd.s32 $0xFFFFF800  }
0x95: {  	[tilespmem:s19], [sflag:$0x1] =	stream.indirect.gather [spmem:s3], $0x10, s11, s18, $0xb8;
	[tilespmem:$0xF700] =	vst v63  }
0x96: {  	_ =	swait.ge [sflag:s23], $0x800  }
0x97: {  	[sflag:s23] =	ssyncset.done $0x0  }
0x98: {  	s11 =	sadd.s32 $0x380, s10;
	[sflag:s23] =	ssyncadd.s32 $0xFFFFF800  }
0x99: {  	[tilespmem:s20], [sflag:$0x2] =	stream.indirect.gather [spmem:s3], $0x10, s11, s18, $0xb8;
	[tilespmem:$0xF700] =	vst v63  }
0x9a: {  	_ =	swait.ge [sflag:s25], $0x800  }
0x9b: {  	[sflag:s25] =	ssyncset.done $0x0  }
0x9c: {  	s11 =	sadd.s32 $0x400, s10;
	[sflag:s25] =	ssyncadd.s32 $0xFFFFF800  }
0x9d: {  	[tilespmem:s22], [sflag:$0x3] =	stream.indirect.gather [spmem:s3], $0x10, s11, s18, $0xb8;
	[tilespmem:$0xF700] =	vst v63  }
0x9e: {  	_ =	swait.ge [sflag:s28], $0x800  }
0x9f: {  	[sflag:s28] =	ssyncset.done $0x0  }
0xa0: {  	s11 =	sadd.s32 $0x480, s10;
	[sflag:s28] =	ssyncadd.s32 $0xFFFFF800  }
0xa1: {  	[tilespmem:s24], [sflag:$0x4] =	stream.indirect.gather [spmem:s3], $0x10, s11, s18, $0xb8;
	[tilespmem:$0xF700] =	vst v63  }
0xa2: {  	_ =	swait.ge [sflag:s4], $0x800  }
0xa3: {  	[sflag:s4] =	ssyncset.done $0x0  }
.Ltmp1:
0xa4: {  	s11 =	sadd.s32 $0x500, s10;
	[sflag:s4] =	ssyncadd.s32 $0xFFFFF800;
	(pc) =	sbr.rel @p1 .LBB2_4-.Ltmp1, $4  }
0xa5: {  	[tilespmem:s26], [sflag:$0x5] =	stream.indirect.gather [spmem:s3], $0x10, s11, s18, $0xb8;
	[tilespmem:$0xF700] =	vst v63  }
0xa6: {  	_ =	swait.ge [sflag:s6], $0x800  }
0xa7: {  	[sflag:s6] =	ssyncset.done $0x0  }
0xa8: {  	s10 =	sadd.s32 $0x580, s10;
	[sflag:s6] =	ssyncadd.s32 $0xFFFFF800  }
0xa9: {  	[tilespmem:s29], [sflag:$0x6] =	stream.indirect.gather [spmem:s3], $0x10, s10, s18, $0xb8;
	[tilespmem:$0xF700] =	vst v63  }
0xaa: {  	_ =	swait.ge [sflag:s30], $0x800  }
0xab: {  	[sflag:s30] =	ssyncset.done $0x0  }
0xac: {  	s9 =	simm.s32 $0x4B80;
	[sflag:s30] =	ssyncadd.s32 $0xFFFFF800  }
0xad: {  	[spmem:s1] =	stream.indirect.scatter.add.f32 [tilespmem:s19], [sflag:$0x7], $0x10, s9, s18, $0xb8;
	[tilespmem:$0xF700] =	vst v63  }
0xae: {  	_ =	swait.ge [sflag:s31], $0x800  }
0xaf: {  	[sflag:s31] =	ssyncset.done $0x0  }
0xb0: {  	s11 =	simm.s32 $0x4C00;
	[sflag:s31] =	ssyncadd.s32 $0xFFFFF800  }
0xb1: {  	[spmem:s1] =	stream.indirect.scatter.add.f32 [tilespmem:s20], [sflag:$0x8], $0x10, s11, s18, $0xb8;
	[tilespmem:$0xF700] =	vst v63  }
0xb2: {  	_ =	swait.ge [sflag:s0], $0x800  }
0xb3: {  	[sflag:s0] =	ssyncset.done $0x0  }
0xb4: {  	s12 =	simm.s32 $0x4C80;
	[sflag:s0] =	ssyncadd.s32 $0xFFFFF800  }
0xb5: {  	[spmem:s1] =	stream.indirect.scatter.add.f32 [tilespmem:s22], [sflag:$0x9], $0x10, s12, s18, $0xb8;
	[tilespmem:$0xF700] =	vst v63  }
0xb6: {  	_ =	swait.ge [sflag:s2], $0x800  }
0xb7: {  	[sflag:s2] =	ssyncset.done $0x0  }
0xb8: {  	s10 =	simm.s32 $0x4D00;
	[sflag:s2] =	ssyncadd.s32 $0xFFFFF800  }
0xb9: {  	[spmem:s1] =	stream.indirect.scatter.add.f32 [tilespmem:s24], [sflag:$0xA], $0x10, s10, s18, $0xb8;
	[tilespmem:$0xF700] =	vst v63  }
0xba: {  	_ =	swait.ge [sflag:s13], $0x800  }
0xbb: {  	[sflag:s13] =	ssyncset.done $0x0  }
0xbc: {  	s11 =	simm.s32 $0x4D80;
	[sflag:s13] =	ssyncadd.s32 $0xFFFFF800  }
0xbd: {  	[spmem:s1] =	stream.indirect.scatter.add.f32 [tilespmem:s26], [sflag:$0xB], $0x10, s11, s18, $0xb8;
	[tilespmem:$0xF700] =	vst v63  }
0xbe: {  	_ =	swait.ge [sflag:s17], $0x800  }
0xbf: {  	[sflag:s17] =	ssyncset.done $0x0  }
0xc0: {  	s12 =	simm.s32 $0x4E00;
	[sflag:s17] =	ssyncadd.s32 $0xFFFFF800  }
0xc1: {  	[spmem:s1] =	stream.indirect.scatter.add.f32 [tilespmem:s29], [sflag:$0xC], $0x10, s12, s18, $0xb8;
	[tilespmem:$0xF700] =	vst v63  }
0xc2: {  	_ =	swait.ge [sflag:s21], $0x800  }
0xc3: {  	[sflag:s21] =	ssyncset.done $0x0  }
0xc4: {  	[sflag:s21] =	ssyncadd.s32 $0xFFFFF800  }
0xc5: {  	_ =	swait.ge [sflag:s23], $0x800  }
0xc6: {  	[sflag:s23] =	ssyncset.done $0x0  }
0xc7: {  	[sflag:s23] =	ssyncadd.s32 $0xFFFFF800  }
0xc8: {  	_ =	swait.ge [sflag:s25], $0x800  }
0xc9: {  	[sflag:s25] =	ssyncset.done $0x0  }
0xca: {  	[sflag:s25] =	ssyncadd.s32 $0xFFFFF800  }
0xcb: {  	_ =	swait.ge [sflag:s28], $0x800  }
0xcc: {  	[sflag:s28] =	ssyncset.done $0x0  }
0xcd: {  	[sflag:s28] =	ssyncadd.s32 $0xFFFFF800  }
0xce: {  	_ =	swait.ge [sflag:s4], $0x800  }
0xcf: {  	[sflag:s4] =	ssyncset.done $0x0  }
0xd0: {  	[sflag:s4] =	ssyncadd.s32 $0xFFFFF800  }
0xd1: {  	_ =	swait.ge [sflag:s6], $0x800  }
0xd2: {  	s9 =	simm.s32 @!p0 $0x80;
	[sflag:s6] =	ssyncset.done $0x0  }
0xd3: {  	s10 =	simm.s32 @!p0 $0x2700;
	s11 =	simm.s32 @!p0 $0x4F00;
	[sflag:s6] =	ssyncadd.s32 $0xFFFFF800  }
0xd4: {  	[tilespmem:s11], [sflag:$0xD] =	stream.indirect.gather @!p0 [spmem:s3], $0x10, s10, s9, $0xb8;
	[tilespmem:$0xF700] =	vst v63  }
0xd5: {  	s10 =	simm.s32 @!p0 $0xD  }
0xd6: {  	_ =	swait.ge @!p0 [sflag:s10], $0x800  }
0xd7: {  	[sflag:s10] =	ssyncset.done @!p0 $0x0  }
0xd8: {  	s12 =	simm.s32 @!p0 $0x4E80;
	[sflag:s10] =	ssyncadd.s32 @!p0 $0xFFFFF800  }
0xd9: {  	[spmem:s1] =	stream.indirect.scatter.add.f32 @!p0 [tilespmem:s11], [sflag:$0xD], $0x10, s12, s9, $0xb8;
	[tilespmem:$0xF700] =	vst v63  }
0xda: {  	_ =	swait.ge @!p0 [sflag:s10], $0x800  }
0xdb: {  	[sflag:s10] =	ssyncset.done @!p0 $0x0  }
0xdc: {  	[sflag:s10] =	ssyncadd.s32 @!p0 $0xFFFFF800  }
0xdd: {  	[bflag:$0x0] =	sbarrier.arrive $0xFFFF  }
0xde: {  	s10 =	sshrl.u32 s5, $0x3;
	s11 =	rddreg [dreg:$0x9]  }
0xdf: {  	[hbm:s11], [sflag:s15] =	dma.local [spmem:s10], $0x500  }
0xe0: {  	_ =	swait.ge [sflag:s14], $0x500  }
0xe1: {  	s8 =	sadd.s32 $0x1, s8;
	s12 =	rddreg [dreg:$0xa]  }
0xe2: {  	p1 =	sne.s32 s8, s12  }
.Ltmp2:
0xe3: {  	_ = 	snop;
	(pc) =	sbr.rel @p1 .LBB2_1-.Ltmp2, $3  }
0xe4: {  	_ =	sdelay $0x1  }
0xe5: {  	[sflag:s14] =	ssyncset.done $0x0  }
0xe6: {  	[sflag:s14] =	ssyncadd.s32 $0xFFFFFB00  }
0xe7: {  	_ =	sfence.sel $0x180000  }
0xe8: {  	[bflag:$0x0] =	sbarrier.arrive $0xFFFF  }
0xe9: {  	_ =	strace $0x9000004D  }
0xea: {  	s0 =	stileid.u32;
	[bflag:$0x2] =	sbarrier.arrive $0xFFFF  }
0xeb: {  	p0 =	sne.s32 s0, $0x0;
	s0 =	rddreg [dreg:$0x4]  }
0xec: {  	s0 =	sadd.s32 @!p0 $0x100000, s0  }
0xed: {  	[sflag:s0] =	ssyncadd.tile.s32 @!p0 $0x1;
	_ =	shalt  }
.Lfunc_end2:
_tile_overlayer_lowered:
.L_overlay_start_2:
0xee: {  	(tag) =	ssettag $0x2  }
0xef: {  	s0 =	rddreg [dreg:$0x0];
	s2 =	stileid.u32  }
0xf0: {  	s1 =	rddreg [dreg:$0x1];
	p0 =	sne.s32 s2, $0x0  }
0xf1: {  	s3 =	rddreg [dreg:$0x2];
	[bflag:$0x3] =	sbarrier.arrive $0xFFFF;
	s2 =	simm.s32 @!p0 $0x1C0D  }
0xf2: {  	[timem:s3], [sflag:s2] =	dma.local @!p0 [hbm:s0], s1  }
0xf3: {  	s0 =	simm.s32 @!p0 $0xD  }
0xf4: {  	_ =	swait.ge @!p0 [sflag:s0], s1  }
0xf5: {  	s1 =	ssub.s32 @!p0 $0x0, s1;
	[sflag:s0] =	ssyncset.done @!p0 $0x0  }
0xf6: {  	[sflag:s0] =	ssyncadd.s32 @!p0 s1  }
0xf7: {  	[bflag:$0x3] =	sbarrier.arrive $0xFFFF  }
0xf8: {  	_ =	shalt  }

// kernel: kernel.8.cloned.1.call-start
scs
__scs_entry_jumppad:
0x0: {  	(pc) =	sbr.rel $0x88, $3  }
0x1: {  	(tag) =	ssettag $0x0;
	lr =	simm.s32 $0x1  }
0x2: {  	[smem:$0x3F9B] =	sst lr;
	_ =	strace $0xD0000000  }
0x3: {  	_ = 	snop  }
0x4: {  	_ = 	snop  }
0x5: {  	_ = 	snop  }
0x6: {  	_ = 	snop  }
0x7: {  	_ = 	snop  }
__scs_overlays_trampoline_lowered:
0x8: {  	[smem:$0x3FAA] =	sst s0  }
0x9: {  	[smem:$0x3FAB] =	sst s1  }
0xa: {  	[smem:$0x3FAC] =	sst s2  }
0xb: {  	[smem:$0x3FAD] =	sst s3  }
0xc: {  	[smem:$0x3FAE] =	sst s4  }
0xd: {  	[smem:$0x3FAF] =	sst s5  }
0xe: {  	[smem:$0x3FB0] =	sst s6  }
0xf: {  	[smem:$0x3FB1] =	sst s7  }
0x10: {  	[smem:$0x3FB2] =	sst s8  }
0x11: {  	[smem:$0x3FB3] =	sst s9;
	s0 =	simm.s32 @!p0 $0x0  }
0x12: {  	s1 =	sld [smem:$0x3F99];
	s0 =	simm.s32 @p0 $0x1  }
0x13: {  	[smem:$0x3FB4] =	sst s0;
	s0 =	simm.s32 @!p1 $0x0  }
0x14: {  	s2 =	sld [smem:$0x3F98];
	s0 =	simm.s32 @p1 $0x1  }
0x15: {  	[smem:$0x3FB5] =	sst s0;
	s0 =	simm.s32 @!p2 $0x0  }
0x16: {  	s3 =	sld [smem:$0x3FDB];
	s0 =	simm.s32 @p2 $0x1  }
0x17: {  	s4 =	simm.s32 $0x1BF5;
	[smem:$0x3FB7] =	sst s0  }
0x18: {  	s0 =	sld [smem:$0x3F9A];
	_ =	swait.ge [sflag:s4], $0x0  }
0x19: {  	s7 =	sld [smem:$0x3F9B]  }
0x1a: {  	s8 =	sadd.s32 $0xFFFFE003, lr  }
0x1b: {  	s9 =	sadd.s32 $0xFFFFFEF7, lr;
	s5 =	simm.s32 $0xFFFFFFFF;
	p2 =	slt.u32 s8, $0xFFFFF086  }
0x1c: {  	p1 =	slt.u32 s9, $0xF7A;
	s5 =	simm.s32 @!p2 $0x0  }
0x1d: {  	s5 =	simm.s32 @p1 $0x1;
	p0 =	seq.s32 s7, s2  }
0x1e: {  	s7 =	smul.u32 @!p0 $0xF7A, s2;
	p2 =	seq.s32 @!p0 s5, $0x0  }
0x1f: {  	s9 =	smul.u32 $0xF7A, s1;
	s8 =	simm.s32 @!p0 $0x1BF5;
	p2 =	por !p2, p0  }
0x20: {  	[sflag:s8] =	ssyncset.s32 @!p0 $0xFFFFF086;
	s6 =	sadd.s32 @!p0 s3, s7;
	s7 =	simm.s32 @!p0 $0x108  }
0x21: {  	s3 =	sadd.s32 s3, s9;
	s6 =	sadd.s32 @!p0 $0x88, s6;
	s7 =	simm.s32 @p2 $0x1082  }
0x22: {  	[simem:s7], [sflag:s8] =	dma.local @!p0 [hbm:s6], $0xF7A  }
0x23: {  	s9 =	sor.u32 $0xD0000000, s2;
	s6 =	simm.s32 $0x108;
	_ =	swait.ge @!p0 [sflag:s8], $0x0  }
0x24: {  	s3 =	sadd.s32 $0x88, s3;
	s6 =	simm.s32 @!p1 $0x1082;
	[sflag:s4] =	ssyncset.s32 $0xFFFFF086  }
0x25: {  	[simem:s6], [sflag:s4] =	dma.local [hbm:s3], $0xF7A  }
0x26: {  	[smem:$0x3F9B] =	sst s1;
	(tag) =	ssettag s2;
	_ =	strace s9  }
0x27: {  	s1 =	sld [smem:$0x3FAB]  }
0x28: {  	s2 =	sld [smem:$0x3FAC]  }
0x29: {  	s4 =	sld [smem:$0x3FAE]  }
0x2a: {  	p0 =	seq.s32 s5, $0x0;
	s5 =	sld [smem:$0x3FAF]  }
0x2b: {  	s6 =	sld [smem:$0x3FB0]  }
0x2c: {  	s7 =	sld [smem:$0x3FB1]  }
0x2d: {  	s3 =	simm.s32 $0x108;
	s8 =	sld [smem:$0x3FB2]  }
0x2e: {  	s3 =	simm.s32 @!p0 $0x1082;
	s9 =	sld [smem:$0x3FB3]  }
0x2f: {  	lr =	sadd.s32 s0, s3;
	s0 =	sld [smem:$0x3FAA]  }
0x30: {  	s3 =	sld [smem:$0x3FAD]  }
0x31: {  	[smem:$0x3FB6] =	sst s10  }
0x32: {  	s10 =	sld [smem:$0x3FB4];
	_ =	sdelay $0x3  }
0x33: {  	p0 =	seq.s32 s10, $0x1;
	s10 =	sld [smem:$0x3FB6];
	_ =	sdelay $0x3  }
0x34: {  	[smem:$0x3FB6] =	sst s10  }
0x35: {  	s10 =	sld [smem:$0x3FB5];
	_ =	sdelay $0x3  }
0x36: {  	p1 =	seq.s32 s10, $0x1;
	s10 =	sld [smem:$0x3FB6];
	_ =	sdelay $0x3  }
0x37: {  	[smem:$0x3FB6] =	sst s10  }
0x38: {  	s10 =	sld [smem:$0x3FB7]  }
0x39: {  	_ = 	snop;
	(pc) =	sbr.ind lr, $3  }
0x3a: {  	_ = 	snop  }
0x3b: {  	_ = 	snop  }
0x3c: {  	p2 =	seq.s32 s10, $0x1;
	s10 =	sld [smem:$0x3FB6]  }
0x3d: {  	_ =	shalt  }
0x3e: {  	_ =	shalt  }
0x3f: {  	_ =	shalt  }
0x40: {  	_ =	shalt  }
0x41: {  	_ =	shalt  }
0x42: {  	_ =	shalt  }
0x43: {  	_ =	shalt  }
0x44: {  	_ =	shalt  }
0x45: {  	_ =	shalt  }
0x46: {  	_ =	shalt  }
0x47: {  	_ =	shalt  }
0x48: {  	_ =	shalt  }
0x49: {  	_ =	shalt  }
0x4a: {  	_ =	shalt  }
0x4b: {  	_ =	shalt  }
0x4c: {  	_ =	shalt  }
0x4d: {  	_ =	shalt  }
0x4e: {  	_ =	shalt  }
0x4f: {  	_ =	shalt  }
0x50: {  	_ =	shalt  }
0x51: {  	_ =	shalt  }
0x52: {  	_ =	shalt  }
0x53: {  	_ =	shalt  }
0x54: {  	_ =	shalt  }
0x55: {  	_ =	shalt  }
0x56: {  	_ =	shalt  }
0x57: {  	_ =	shalt  }
0x58: {  	_ =	shalt  }
0x59: {  	_ =	shalt  }
0x5a: {  	_ =	shalt  }
0x5b: {  	_ =	shalt  }
0x5c: {  	_ =	shalt  }
0x5d: {  	_ =	shalt  }
0x5e: {  	_ =	shalt  }
0x5f: {  	_ =	shalt  }
0x60: {  	_ =	shalt  }
0x61: {  	_ =	shalt  }
0x62: {  	_ =	shalt  }
0x63: {  	_ =	shalt  }
0x64: {  	_ =	shalt  }
0x65: {  	_ =	shalt  }
0x66: {  	_ =	shalt  }
0x67: {  	_ =	shalt  }
0x68: {  	_ =	shalt  }
0x69: {  	_ =	shalt  }
0x6a: {  	_ =	shalt  }
0x6b: {  	_ =	shalt  }
0x6c: {  	_ =	shalt  }
0x6d: {  	_ =	shalt  }
0x6e: {  	_ =	shalt  }
0x6f: {  	_ =	shalt  }
0x70: {  	_ =	shalt  }
0x71: {  	_ =	shalt  }
0x72: {  	_ =	shalt  }
0x73: {  	_ =	shalt  }
0x74: {  	_ =	shalt  }
0x75: {  	_ =	shalt  }
0x76: {  	_ =	shalt  }
0x77: {  	_ =	shalt  }
0x78: {  	_ =	shalt  }
0x79: {  	_ =	shalt  }
0x7a: {  	_ =	shalt  }
0x7b: {  	_ =	shalt  }
0x7c: {  	_ =	shalt  }
0x7d: {  	_ =	shalt  }
0x7e: {  	_ =	shalt  }
0x7f: {  	_ =	shalt  }
0x80: {  	_ =	shalt  }
0x81: {  	_ =	shalt  }
0x82: {  	_ =	shalt  }
0x83: {  	_ =	shalt  }
0x84: {  	_ =	shalt  }
0x85: {  	_ =	shalt  }
0x86: {  	_ =	shalt  }
0x87: {  	_ =	shalt  }
.Lfunc_end0:
.L_simem_size_0:
called_computation_lowered:
.L_overlay_start_0:
0x88: {  	s2 =	sld [smem:$0x3FD9]  }
0x89: {  	s3 =	sld [smem:$0x3FFE];
	_ =	sdelay $0x1  }
0x8a: {  	s1 =	srdreg.scid  }
0x8b: {  	s0 =	sand.u32 $0x1, s1  }
0x8c: {  	s17 =	sshll.u32 s0, $0xA;
	s2 =	sadd.s32 s3, s2  }
0x8d: {  	s2 =	sadd.s32 s2, s17  }
0x8e: {  	[smem:$0x3FC2] =	sst s2  }
0x8f: {  	_ = 	snop  }
0x90: {  	s2 =	sld [smem:$0x3FD0];
	(tm) =	ssettm $0x1  }
0x91: {  	s18 =	sld [smem:$0x3FFB];
	_ =	sdelay $0x3  }
0x92: {  	_ =	strace s18  }
0x93: {  	s3 =	sld [smem:$0x3FFC];
	_ =	sdelay $0x3  }
0x94: {  	_ =	strace s3  }
0x95: {  	s3 =	sld [smem:$0x3FFD];
	_ =	sdelay $0x3  }
0x96: {  	_ =	strace s3  }
0x97: {  	_ =	strace $0x8FFFFFFF  }
0x98: {  	s19 =	sld [smem:$0x3FDB];
	_ =	sdelay $0x1  }
0x99: {  	s4 =	simm.s32 $_scs_section_size  }
0x9a: {  	s5 =	simm.s32 $_size__tile_overlayer_lowered;
	s6 =	simm.s32 $_tile_overlayer_lowered  }
0x9b: {  	s22 =	simm.s32 $0x1BFF;
	s21 =	sshll.u32 s6, $0x1;
	s3 =	sadd.s32 s4, s19  }
0x9c: {  	s7 =	simm.s32 $0x0;
	s20 =	sshll.u32 s5, $0x1;
	s5 =	sadd.s32 s21, s3  }
0x9d: {  	[timem:s7], [sflag:s22] =	dma.local [hbm:s5], s20  }
0x9e: {  	_ =	swait.ge [sflag:s22], s20  }
0x9f: {  	s4 =	ssub.s32 $0x0, s20;
	[sflag:s22] =	ssyncset.done $0x0  }
0xa0: {  	[sflag:s22] =	ssyncadd.s32 s4;
	_ =	sdelay $0x1  }
0xa1: {  	s23 =	simm.s32 $0x1B8B  }
0xa2: {  	_ =	swait.ge [sflag:s23], $0x1  }
0xa3: {  	[sflag:s23] =	ssyncset.done $0x0  }
0xa4: {  	s25 =	simm.s32 $0x1B8E;
	s24 =	sld [smem:$0x3FFE];
	[sflag:s23] =	ssyncadd.s32 $0xFFFFFFFF  }
0xa5: {  	s26 =	simm.s32 $execute0_lowered;
	[smem:$0x3FD2] =	sst s25  }
0xa6: {  	s5 =	sshll.u32 s26, $0x1;
	_ =	strace $0x80000046;
	[dreg:$0x1] =	wrdreg $0xFFFFFFFF  }
0xa7: {  	s28 =	simm.s32 $_size_execute0_lowered;
	s3 =	sadd.s32 s3, s5;
	[dreg:$0x0] =	wrdreg $0x0  }
0xa8: {  	s5 =	sshll.u32 s28, $0x1;
	[dreg:$0x2] =	wrdreg s3  }
0xa9: {  	[dreg:$0x3] =	wrdreg s5  }
0xaa: {  	[dreg:$0x4] =	wrdreg $0xC0  }
0xab: {  	_ =	task [dreg:s7], $0x5FFFF  }
0xac: {  	[dreg:$0x1] =	wrdreg $0xFFFFFFFF  }
0xad: {  	[dreg:$0x0] =	wrdreg $0x60  }
0xae: {  	[dreg:$0x2] =	wrdreg s24  }
0xaf: {  	[dreg:$0x3] =	wrdreg s2  }
0xb0: {  	[dreg:$0x4] =	wrdreg $0x9  }
0xb1: {  	_ =	task.clear_ibuf [dreg:s7], $0x5FFFF;
	_ =	strace $0x90000046  }
0xb2: {  	s29 =	simm.s32 $0x9;
	_ =	strace $0x80000048  }
0xb3: {  	_ =	swait.ge [sflag:s29], $0x1  }
0xb4: {  	[sflag:s29] =	ssyncadd.s32 $0xFFFFFFFF  }
0xb5: {  	_ =	strace $0x90000048  }
0xb6: {  	_ =	sfence  }
0xb7: {  	s30 =	sld [smem:$0x0];
	_ =	sdelay $0x2  }
0xb8: {  	s31 =	sshll.u32 s1, $0xD;
	s1 =	sshrl.u32 s1, $0x2  }
0xb9: {  	s3 =	sand.u32 $0x4000, s31;
	s1 =	sadd.s32 s1, s30  }
0xba: {  	s0 =	sor.u32 s3, s0;
	s1 =	sshll.u32 s1, $0x11  }
0xbb: {  	s0 =	sor.u32 s1, s0  }
0xbc: {  	s0 =	sadd.s32 $0x8F2B, s0  }
0xbd: {  	[sflag:s0] =	ssyncadd.remote.s32 $0x1  }
0xbe: {  	_ =	sfence.sel $0xFFFF  }
0xbf: {  	[dreg:$0x0] =	wrdreg $0xFFFFFFFF;
	(pc) =	sbr.abs _section_cstart, $3  }
0xc0: {  	[dreg:$0x1] =	wrdreg $0xFFFFFFFF  }
0xc1: {  	_ =	task.clear_ibuf [dreg:s7], $0x2FFFF;
	_ =	strace $0x9FFFFFFF  }
0xc2: {  	(tm) =	ssettm $0x7FFFFFFF  }
0xc3: {  	_ =	shalt  }
tec
execute0_lowered:
.L_overlay_start_1:
0x0: {  	(tag) =	ssettag $0x1  }
0x1: {  	s3 =	rddreg [dreg:$0x0];
	s1 =	srdreg.scid  }
0x2: {  	s0 =	stileid.u32;
	s5 =	rddreg [dreg:$0x1];
	s2 =	simm.s32 $0x0  }
0x3: {  	s4 =	sand.u32 $0x1, s1;
	s6 =	sshll.u32 s0, $0x1;
	s1 =	rddreg [dreg:$0x2]  }
0x4: {  	[smem:$0x7FF] =	sst s2;
	s3 =	sadd.s32 $0x1E00, s3;
	s6 =	sor.u32 s4, s6  }
0x5: {  	p0 =	sgt.u32 s0, $0x1;
	s4 =	ssub.s32 $0x2, s4;
	s7 =	smul.u32 $0x2700, s6  }
0x6: {  	s8 =	sshrl.u32 s4, $0x1;
	s9 =	sshll.u32 s6, $0x4;
	s6 =	smul.u32 $0x500, s6  }
0x7: {  	_ =	strace $0x80000047;
	s9 =	sadd.s32 s9, s3;
	s8 =	ssub.s32 s4, s8  }
0x8: {  	s7 =	sshrl.u32 s7, $0x3;
	s4 =	sadd.s32 $0x13840, s9;
	s5 =	sadd.s32 s5, s6  }
0x9: {  	s6 =	smax.u32 s8, $0x1;
	s8 =	simm.s32 $0x2780;
	s7 =	sadd.s32 s3, s7  }
0xa: {  	v0 =	vimm.f32 $0.0e+00;
	v1 =	vimm.f32 $1.000000000e+00;
	s9 =	simm.s32 $0x0;
	s3 =	sadd.s32 $0x9C40, s7;
	s7 =	simm.s32 $0x1  }
.LBB2_1:
0xb: {  	[tilespmem:s2], [sflag:$0x1] =	stream.linear.gather [hbm4b:s3+s2], $0x2700, $0x38;
	[tilespmem:$0x4F80] =	vst v63  }
0xc: {  	_ =	swait.ge [sflag:s7], $0x2700  }
0xd: {  	[sflag:s7] =	ssyncset.done $0x0  }
0xe: {  	s10 =	simm.s32 @!p0 $0x0;
	s11 =	simm.s32 @!p0 $0x2700;
	[sflag:s7] =	ssyncadd.s32 $0xFFFFD900  }
0xf: {  	[tilespmem:s11], [sflag:$0x1] =	stream.linear.gather @!p0 [hbm4b:s4+s10], $0x80, $0x38;
	[tilespmem:$0x4F80] =	vst v63  }
0x10: {  	s10 =	simm.s32 @!p0 $0x1  }
0x11: {  	_ =	swait.ge @!p0 [sflag:s10], $0x80  }
0x12: {  	[sflag:s10] =	ssyncset.done @!p0 $0x0  }
0x13: {  	s12 =	simm.s32 $0x27A0;
	[sflag:s10] =	ssyncadd.s32 @!p0 $0xFFFFFF80  }
0x14: {  	[tilespmem:s12+$0xFFFFFFE0] =	vst v0  }
0x15: {  	[tilespmem:s12+$0x10] =	vst v0  }
0x16: {  	s13 =	simm.s32 $0x0;
	s11 =	simm.s32 $0x180;
	[tilespmem:s12+$0x0] =	vst v0  }
.LBB2_2:
0x17: {  	s13 =	sadd.s32 $0x4, s13  }
0x18: {  	[tilespmem:s12+$0xFFFFFFF0] =	vst v0;
	s12 =	sadd.s32 $0x40, s12;
	s10 =	simm.s32 $0xFFFFFFFA;
	p1 =	slt.u32 s13, $0x27C  }
.Ltmp0:
0x19: {  	[tilespmem:s12+$0xFFFFFFE0] =	vst v0;
	(pc) =	sbr.rel @p1 .LBB2_2-.Ltmp0, $3  }
0x1a: {  	_ =	sdelay $0x1  }
0x1b: {  	[tilespmem:s12+$0x10] =	vst v0  }
0x1c: {  	[tilespmem:s12+$0x0] =	vst v0  }
0x1d: {  	[tilespmem:s12+$0xFFFFFFF0] =	vst v0;
	s13 =	simm.s32 $0xFFFFFFFA  }
.LBB2_4:
0x1e: {  	v2 =	vld [tilespmem:s11+$0xFFFFFE80];
	_ =	sdelay $0x7  }
0x1f: {  	[tilespmem:v2+s8+$0x0] =	vst.idx.add.f32.msk $0xffff, v1  }
0x20: {  	v2 =	vld [tilespmem:s11+$0xFFFFFF00];
	_ =	sdelay $0x7  }
0x21: {  	[tilespmem:v2+s8+$0x0] =	vst.idx.add.f32.msk $0xffff, v1  }
0x22: {  	v2 =	vld [tilespmem:s11+$0xFFFFFF80];
	_ =	sdelay $0x7  }
0x23: {  	[tilespmem:v2+s8+$0x0] =	vst.idx.add.f32.msk $0xffff, v1  }
0x24: {  	v2 =	vld [tilespmem:s11+$0x0];
	_ =	sdelay $0x7  }
0x25: {  	[tilespmem:v2+s8+$0x0] =	vst.idx.add.f32.msk $0xffff, v1  }
0x26: {  	v2 =	vld [tilespmem:s11+$0x80];
	_ =	sdelay $0x7  }
0x27: {  	[tilespmem:v2+s8+$0x0] =	vst.idx.add.f32.msk $0xffff, v1  }
0x28: {  	v2 =	vld [tilespmem:s11+$0x100];
	_ =	sdelay $0x1  }
0x29: {  	s13 =	sadd.s32 $0x6, s13  }
0x2a: {  	p1 =	slt.u32 s13, $0x48  }
.Ltmp1:
0x2b: {  	_ = 	snop;
	(pc) =	sbr.rel @p1 .LBB2_4-.Ltmp1, $2  }
0x2c: {  	_ =	sdelay $0x2  }
0x2d: {  	s12 =	simm.s32 $0x190;
	s11 =	sadd.s32 $0x300, s11;
	[tilespmem:v2+s8+$0x0] =	vst.idx.add.f32.msk $0xffff, v1  }
.LBB2_5:
0x2e: {  	v2 =	vld [tilespmem:s12+$0xFFFFFE80];
	_ =	sdelay $0x7  }
0x2f: {  	[tilespmem:v2+s8+$0x0] =	vst.idx.add.f32.msk $0xffff, v1  }
0x30: {  	v2 =	vld [tilespmem:s12+$0xFFFFFF00];
	_ =	sdelay $0x7  }
0x31: {  	[tilespmem:v2+s8+$0x0] =	vst.idx.add.f32.msk $0xffff, v1  }
0x32: {  	v2 =	vld [tilespmem:s12+$0xFFFFFF80];
	_ =	sdelay $0x7  }
0x33: {  	[tilespmem:v2+s8+$0x0] =	vst.idx.add.f32.msk $0xffff, v1  }
0x34: {  	v2 =	vld [tilespmem:s12+$0x0];
	_ =	sdelay $0x7  }
0x35: {  	[tilespmem:v2+s8+$0x0] =	vst.idx.add.f32.msk $0xffff, v1  }
0x36: {  	v2 =	vld [tilespmem:s12+$0x80];
	_ =	sdelay $0x7  }
0x37: {  	[tilespmem:v2+s8+$0x0] =	vst.idx.add.f32.msk $0xffff, v1  }
0x38: {  	v2 =	vld [tilespmem:s12+$0x100];
	_ =	sdelay $0x1  }
0x39: {  	s10 =	sadd.s32 $0x6, s10  }
0x3a: {  	p1 =	slt.u32 s10, $0x48  }
.Ltmp2:
0x3b: {  	_ = 	snop;
	(pc) =	sbr.rel @p1 .LBB2_5-.Ltmp2, $2  }
0x3c: {  	_ =	sdelay $0x2  }
0x3d: {  	s11 =	simm.s32 $0xFFFFFFFA;
	s13 =	simm.s32 $0x1A0;
	s12 =	sadd.s32 $0x300, s12;
	[tilespmem:v2+s8+$0x0] =	vst.idx.add.f32.msk $0xffff, v1  }
0x3e: {  	s10 =	simm.s32 $0xFFFFFFFA  }
.LBB2_7:
0x3f: {  	v2 =	vld [tilespmem:s13+$0xFFFFFE80];
	_ =	sdelay $0x7  }
0x40: {  	[tilespmem:v2+s8+$0x0] =	vst.idx.add.f32.msk $0xffff, v1  }
0x41: {  	v2 =	vld [tilespmem:s13+$0xFFFFFF00];
	_ =	sdelay $0x7  }
0x42: {  	[tilespmem:v2+s8+$0x0] =	vst.idx.add.f32.msk $0xffff, v1  }
0x43: {  	v2 =	vld [tilespmem:s13+$0xFFFFFF80];
	_ =	sdelay $0x7  }
0x44: {  	[tilespmem:v2+s8+$0x0] =	vst.idx.add.f32.msk $0xffff, v1  }
0x45: {  	v2 =	vld [tilespmem:s13+$0x0];
	_ =	sdelay $0x7  }
0x46: {  	[tilespmem:v2+s8+$0x0] =	vst.idx.add.f32.msk $0xffff, v1  }
0x47: {  	v2 =	vld [tilespmem:s13+$0x80];
	_ =	sdelay $0x7  }
0x48: {  	[tilespmem:v2+s8+$0x0] =	vst.idx.add.f32.msk $0xffff, v1  }
0x49: {  	v2 =	vld [tilespmem:s13+$0x100];
	_ =	sdelay $0x1  }
0x4a: {  	s10 =	sadd.s32 $0x6, s10  }
0x4b: {  	p1 =	slt.u32 s10, $0x48  }
.Ltmp3:
0x4c: {  	_ = 	snop;
	(pc) =	sbr.rel @p1 .LBB2_7-.Ltmp3, $2  }
0x4d: {  	_ =	sdelay $0x2  }
0x4e: {  	s12 =	simm.s32 $0x1B0;
	s13 =	sadd.s32 $0x300, s13;
	[tilespmem:v2+s8+$0x0] =	vst.idx.add.f32.msk $0xffff, v1  }
.LBB2_8:
0x4f: {  	v2 =	vld [tilespmem:s12+$0xFFFFFE80];
	_ =	sdelay $0x7  }
0x50: {  	[tilespmem:v2+s8+$0x0] =	vst.idx.add.f32.msk $0xffff, v1  }
0x51: {  	v2 =	vld [tilespmem:s12+$0xFFFFFF00];
	_ =	sdelay $0x7  }
0x52: {  	[tilespmem:v2+s8+$0x0] =	vst.idx.add.f32.msk $0xffff, v1  }
0x53: {  	v2 =	vld [tilespmem:s12+$0xFFFFFF80];
	_ =	sdelay $0x7  }
0x54: {  	[tilespmem:v2+s8+$0x0] =	vst.idx.add.f32.msk $0xffff, v1  }
0x55: {  	v2 =	vld [tilespmem:s12+$0x0];
	_ =	sdelay $0x7  }
0x56: {  	[tilespmem:v2+s8+$0x0] =	vst.idx.add.f32.msk $0xffff, v1  }
0x57: {  	v2 =	vld [tilespmem:s12+$0x80];
	_ =	sdelay $0x7  }
0x58: {  	[tilespmem:v2+s8+$0x0] =	vst.idx.add.f32.msk $0xffff, v1  }
0x59: {  	v2 =	vld [tilespmem:s12+$0x100];
	_ =	sdelay $0x1  }
0x5a: {  	s11 =	sadd.s32 $0x6, s11  }
0x5b: {  	p1 =	slt.u32 s11, $0x48  }
.Ltmp4:
0x5c: {  	_ = 	snop;
	(pc) =	sbr.rel @p1 .LBB2_8-.Ltmp4, $2  }
0x5d: {  	_ =	sdelay $0x2  }
0x5e: {  	s10 =	simm.s32 $0xFFFFFFFA;
	s13 =	simm.s32 $0x1C0;
	s12 =	sadd.s32 $0x300, s12;
	[tilespmem:v2+s8+$0x0] =	vst.idx.add.f32.msk $0xffff, v1  }
0x5f: {  	s11 =	simm.s32 $0xFFFFFFFA  }
.LBB2_10:
0x60: {  	v2 =	vld [tilespmem:s13+$0xFFFFFE80];
	_ =	sdelay $0x7  }
0x61: {  	[tilespmem:v2+s8+$0x0] =	vst.idx.add.f32.msk $0xffff, v1  }
0x62: {  	v2 =	vld [tilespmem:s13+$0xFFFFFF00];
	_ =	sdelay $0x7  }
0x63: {  	[tilespmem:v2+s8+$0x0] =	vst.idx.add.f32.msk $0xffff, v1  }
0x64: {  	v2 =	vld [tilespmem:s13+$0xFFFFFF80];
	_ =	sdelay $0x7  }
0x65: {  	[tilespmem:v2+s8+$0x0] =	vst.idx.add.f32.msk $0xffff, v1  }
0x66: {  	v2 =	vld [tilespmem:s13+$0x0];
	_ =	sdelay $0x7  }
0x67: {  	[tilespmem:v2+s8+$0x0] =	vst.idx.add.f32.msk $0xffff, v1  }
0x68: {  	v2 =	vld [tilespmem:s13+$0x80];
	_ =	sdelay $0x7  }
0x69: {  	[tilespmem:v2+s8+$0x0] =	vst.idx.add.f32.msk $0xffff, v1  }
0x6a: {  	v2 =	vld [tilespmem:s13+$0x100];
	_ =	sdelay $0x1  }
0x6b: {  	s11 =	sadd.s32 $0x6, s11  }
0x6c: {  	p1 =	slt.u32 s11, $0x48  }
.Ltmp5:
0x6d: {  	_ = 	snop;
	(pc) =	sbr.rel @p1 .LBB2_10-.Ltmp5, $2  }
0x6e: {  	_ =	sdelay $0x2  }
0x6f: {  	s12 =	simm.s32 $0x1D0;
	s13 =	sadd.s32 $0x300, s13;
	[tilespmem:v2+s8+$0x0] =	vst.idx.add.f32.msk $0xffff, v1  }
.LBB2_11:
0x70: {  	v2 =	vld [tilespmem:s12+$0xFFFFFE80];
	_ =	sdelay $0x7  }
0x71: {  	[tilespmem:v2+s8+$0x0] =	vst.idx.add.f32.msk $0xffff, v1  }
0x72: {  	v2 =	vld [tilespmem:s12+$0xFFFFFF00];
	_ =	sdelay $0x7  }
0x73: {  	[tilespmem:v2+s8+$0x0] =	vst.idx.add.f32.msk $0xffff, v1  }
0x74: {  	v2 =	vld [tilespmem:s12+$0xFFFFFF80];
	_ =	sdelay $0x7  }
0x75: {  	[tilespmem:v2+s8+$0x0] =	vst.idx.add.f32.msk $0xffff, v1  }
0x76: {  	v2 =	vld [tilespmem:s12+$0x0];
	_ =	sdelay $0x7  }
0x77: {  	[tilespmem:v2+s8+$0x0] =	vst.idx.add.f32.msk $0xffff, v1  }
0x78: {  	v2 =	vld [tilespmem:s12+$0x80];
	_ =	sdelay $0x7  }
0x79: {  	[tilespmem:v2+s8+$0x0] =	vst.idx.add.f32.msk $0xffff, v1  }
0x7a: {  	v2 =	vld [tilespmem:s12+$0x100];
	_ =	sdelay $0x1  }
0x7b: {  	s10 =	sadd.s32 $0x6, s10  }
0x7c: {  	p1 =	slt.u32 s10, $0x48  }
.Ltmp6:
0x7d: {  	_ = 	snop;
	(pc) =	sbr.rel @p1 .LBB2_11-.Ltmp6, $2  }
0x7e: {  	_ =	sdelay $0x2  }
0x7f: {  	s11 =	simm.s32 $0xFFFFFFFA;
	s13 =	simm.s32 $0x1E0;
	s12 =	sadd.s32 $0x300, s12;
	[tilespmem:v2+s8+$0x0] =	vst.idx.add.f32.msk $0xffff, v1  }
0x80: {  	s12 =	simm.s32 $0xFFFFFFFA  }
.LBB2_13:
0x81: {  	v2 =	vld [tilespmem:s13+$0xFFFFFE80];
	_ =	sdelay $0x7  }
0x82: {  	[tilespmem:v2+s8+$0x0] =	vst.idx.add.f32.msk $0xffff, v1  }
0x83: {  	v2 =	vld [tilespmem:s13+$0xFFFFFF00];
	_ =	sdelay $0x7  }
0x84: {  	[tilespmem:v2+s8+$0x0] =	vst.idx.add.f32.msk $0xffff, v1  }
0x85: {  	v2 =	vld [tilespmem:s13+$0xFFFFFF80];
	_ =	sdelay $0x7  }
0x86: {  	[tilespmem:v2+s8+$0x0] =	vst.idx.add.f32.msk $0xffff, v1  }
0x87: {  	v2 =	vld [tilespmem:s13+$0x0];
	_ =	sdelay $0x7  }
0x88: {  	[tilespmem:v2+s8+$0x0] =	vst.idx.add.f32.msk $0xffff, v1  }
0x89: {  	v2 =	vld [tilespmem:s13+$0x80];
	_ =	sdelay $0x7  }
0x8a: {  	[tilespmem:v2+s8+$0x0] =	vst.idx.add.f32.msk $0xffff, v1  }
0x8b: {  	v2 =	vld [tilespmem:s13+$0x100];
	_ =	sdelay $0x1  }
0x8c: {  	s12 =	sadd.s32 $0x6, s12  }
0x8d: {  	p1 =	slt.u32 s12, $0x48  }
.Ltmp7:
0x8e: {  	_ = 	snop;
	(pc) =	sbr.rel @p1 .LBB2_13-.Ltmp7, $2  }
0x8f: {  	_ =	sdelay $0x2  }
0x90: {  	s10 =	simm.s32 $0x1F0;
	s13 =	sadd.s32 $0x300, s13;
	[tilespmem:v2+s8+$0x0] =	vst.idx.add.f32.msk $0xffff, v1  }
.LBB2_14:
0x91: {  	v2 =	vld [tilespmem:s10+$0xFFFFFE80];
	_ =	sdelay $0x7  }
0x92: {  	[tilespmem:v2+s8+$0x0] =	vst.idx.add.f32.msk $0xffff, v1  }
0x93: {  	v2 =	vld [tilespmem:s10+$0xFFFFFF00];
	_ =	sdelay $0x7  }
0x94: {  	[tilespmem:v2+s8+$0x0] =	vst.idx.add.f32.msk $0xffff, v1  }
0x95: {  	v2 =	vld [tilespmem:s10+$0xFFFFFF80];
	_ =	sdelay $0x7  }
0x96: {  	[tilespmem:v2+s8+$0x0] =	vst.idx.add.f32.msk $0xffff, v1  }
0x97: {  	v2 =	vld [tilespmem:s10+$0x0];
	_ =	sdelay $0x7  }
0x98: {  	[tilespmem:v2+s8+$0x0] =	vst.idx.add.f32.msk $0xffff, v1  }
0x99: {  	v2 =	vld [tilespmem:s10+$0x80];
	_ =	sdelay $0x7  }
0x9a: {  	[tilespmem:v2+s8+$0x0] =	vst.idx.add.f32.msk $0xffff, v1  }
0x9b: {  	v2 =	vld [tilespmem:s10+$0x100];
	_ =	sdelay $0x1  }
0x9c: {  	s11 =	sadd.s32 $0x6, s11  }
0x9d: {  	p1 =	slt.u32 s11, $0x48  }
.Ltmp8:
0x9e: {  	_ = 	snop;
	(pc) =	sbr.rel @p1 .LBB2_14-.Ltmp8, $2  }
0x9f: {  	_ =	sdelay $0x2  }
0xa0: {  	s10 =	sadd.s32 $0x300, s10;
	[tilespmem:v2+s8+$0x0] =	vst.idx.add.f32.msk $0xffff, v1  }
0xa1: {  	v2 =	vld @!p0 [tilespmem:$0x2700];
	_ =	sdelay $0x6  }
0xa2: {  	v3 =	vimm.f32 @!p0 $1.000000000e+00;
	s10 =	simm.s32 @!p0 $0x2780  }
0xa3: {  	[tilespmem:v2+s10+$0x0] =	vst.idx.add.f32.msk @!p0 $0xffff, v3  }
0xa4: {  	v2 =	vld @!p0 [tilespmem:$0x2710];
	_ =	sdelay $0x7  }
0xa5: {  	[tilespmem:v2+s10+$0x0] =	vst.idx.add.f32.msk @!p0 $0xffff, v3  }
0xa6: {  	v2 =	vld @!p0 [tilespmem:$0x2720];
	_ =	sdelay $0x7  }
0xa7: {  	[tilespmem:v2+s10+$0x0] =	vst.idx.add.f32.msk @!p0 $0xffff, v3  }
0xa8: {  	v2 =	vld @!p0 [tilespmem:$0x2730];
	_ =	sdelay $0x7  }
0xa9: {  	[tilespmem:v2+s10+$0x0] =	vst.idx.add.f32.msk @!p0 $0xffff, v3  }
0xaa: {  	v2 =	vld @!p0 [tilespmem:$0x2740];
	_ =	sdelay $0x7  }
0xab: {  	[tilespmem:v2+s10+$0x0] =	vst.idx.add.f32.msk @!p0 $0xffff, v3  }
0xac: {  	v2 =	vld @!p0 [tilespmem:$0x2750];
	_ =	sdelay $0x7  }
0xad: {  	[tilespmem:v2+s10+$0x0] =	vst.idx.add.f32.msk @!p0 $0xffff, v3  }
0xae: {  	v2 =	vld @!p0 [tilespmem:$0x2760];
	_ =	sdelay $0x7  }
0xaf: {  	[tilespmem:v2+s10+$0x0] =	vst.idx.add.f32.msk @!p0 $0xffff, v3  }
0xb0: {  	v2 =	vld @!p0 [tilespmem:$0x2770];
	_ =	sdelay $0x5  }
0xb1: {  	s9 =	sadd.s32 $0x1, s9  }
0xb2: {  	p1 =	sne.s32 s9, s6  }
.Ltmp9:
0xb3: {  	[tilespmem:v2+s10+$0x0] =	vst.idx.add.f32.msk @!p0 $0xffff, v3;
	(pc) =	sbr.rel @p1 .LBB2_1-.Ltmp9, $4  }
0xb4: {  	[hbm4b:s5+s2] =	stream.linear.scatter [tilespmem:s8], [sflag:$0x1], $0x2800, $0x38;
	[tilespmem:$0x4F80] =	vst v63  }
0xb5: {  	_ =	swait.ge [sflag:s7], $0x2800  }
0xb6: {  	[sflag:s7] =	ssyncset.done $0x0  }
0xb7: {  	[sflag:s7] =	ssyncadd.s32 $0xFFFFD800  }
0xb8: {  	_ =	sfence.sel $0x180000  }
0xb9: {  	[bflag:$0x0] =	sbarrier.arrive $0xFFFF  }
0xba: {  	p0 =	sne.s32 s0, $0x0;
	_ =	strace $0x90000047  }
0xbb: {  	s0 =	sadd.s32 @!p0 $0x100000, s1;
	[bflag:$0x2] =	sbarrier.arrive $0xFFFF  }
0xbc: {  	[sflag:s0] =	ssyncadd.tile.s32 @!p0 $0x1;
	_ =	shalt  }
.Lfunc_end2:
_tile_overlayer_lowered:
.L_overlay_start_2:
0xbd: {  	(tag) =	ssettag $0x2  }
0xbe: {  	s0 =	rddreg [dreg:$0x0];
	s2 =	stileid.u32  }
0xbf: {  	s1 =	rddreg [dreg:$0x1];
	p0 =	sne.s32 s2, $0x0  }
0xc0: {  	s3 =	rddreg [dreg:$0x2];
	[bflag:$0x3] =	sbarrier.arrive $0xFFFF;
	s2 =	simm.s32 @!p0 $0x1C01  }
0xc1: {  	[timem:s3], [sflag:s2] =	dma.local @!p0 [hbm:s0], s1  }
0xc2: {  	s0 =	simm.s32 @!p0 $0x1  }
0xc3: {  	_ =	swait.ge @!p0 [sflag:s0], s1  }
0xc4: {  	s1 =	ssub.s32 @!p0 $0x0, s1;
	[sflag:s0] =	ssyncset.done @!p0 $0x0  }
0xc5: {  	[sflag:s0] =	ssyncadd.s32 @!p0 s1  }
0xc6: {  	[bflag:$0x3] =	sbarrier.arrive $0xFFFF  }
0xc7: {  	_ =	shalt  }

</sc_bundles>
